<compile_context>
chip_gen: v7x
topology: tpu7x:2x2x1
jax: 0.10.2.dev20260603
libtpu: 0.0.44.dev20260713+nightly
codegen_flags: <defaults>
</compile_context>

<pallas_src>
import functools

import jax
import jax.numpy as jnp
from jax import lax
from jax.experimental import pallas as pl
from jax.experimental.pallas import tpu as pltpu
from jax.experimental.pallas import tpu_sc as plsc

_N_CLASSES = 100000
_B = 2048
_SMOOTHING = 0.1
_BASE = _SMOOTHING / (_N_CLASSES - 1)
_CONF = 1.0 - _SMOOTHING

_SC_ROWS = 30720
_SPLIT = _N_CLASSES - _SC_ROWS
_BR = 3464
_NBLK = _SPLIT // _BR

_NW = 32
_RPW = _SC_ROWS // _NW
_NSLAB = _RPW // 16
_CPW = _B // _NW


def _tc_body(t_ref, x_ref, sum_ref, gsum_ref):
    j = pl.program_id(0)

    @pl.when(j == 0)
    def _init():
        sum_ref[...] = jnp.zeros((1, 1), jnp.float32)
        gsum_ref[...] = jnp.zeros((1, 1), jnp.float32)

    x = x_ref[...]
    rows = j * _BR + lax.broadcasted_iota(jnp.int32, (_BR, 1), 0)
    hit = rows == t_ref[...]
    sum_ref[...] += jnp.sum(x).reshape(1, 1)
    gsum_ref[...] += jnp.sum(jnp.where(hit, x, 0.0)).reshape(1, 1)


def _tc_part(t2d, xT):
    return pl.pallas_call(
        _tc_body,
        grid=(_NBLK,),
        in_specs=[
            pl.BlockSpec((1, _B), lambda j: (0, 0)),
            pl.BlockSpec((_BR, _B), lambda j: (j, 0)),
        ],
        out_specs=[
            pl.BlockSpec((1, 1), lambda j: (0, 0)),
            pl.BlockSpec((1, 1), lambda j: (0, 0)),
        ],
        out_shape=[
            jax.ShapeDtypeStruct((1, 1), jnp.float32),
            jax.ShapeDtypeStruct((1, 1), jnp.float32),
        ],
        compiler_params=pltpu.CompilerParams(
            vmem_limit_bytes=64 * 1024 * 1024),
    )(t2d, xT)


@functools.partial(
    pl.kernel,
    mesh=plsc.VectorSubcoreMesh(core_axis_name="c", subcore_axis_name="s"),
    out_type=[
        jax.ShapeDtypeStruct((_NW, 16), jnp.float32),
        jax.ShapeDtypeStruct((_NW, 16), jnp.float32),
    ],
    scratch_types=[
        pltpu.VMEM((_CPW,), jnp.int32),
        pltpu.VMEM((16,), jnp.float32),
        pltpu.VMEM((16, _B), jnp.float32),
        pltpu.VMEM((16, _B), jnp.float32),
        pltpu.VMEM((16,), jnp.float32),
        pltpu.VMEM((16,), jnp.float32),
        pltpu.SemaphoreType.DMA,
        pltpu.SemaphoreType.DMA,
    ],
    compiler_params=pltpu.CompilerParams(use_tc_tiling_on_sc=True),
)
def _sc_part(tgt_hbm, xt_hbm, dsum_out, gsum_out,
             tgt_v, row_v, buf0, buf1, dacc_v, gacc_v, sem0, sem1):
    wid = lax.axis_index("s") * 2 + lax.axis_index("c")

    col0 = wid * _CPW
    pltpu.sync_copy(tgt_hbm.at[pl.ds(col0, _CPW)], tgt_v)
    iota = lax.iota(jnp.int32, 16)
    gacc = jnp.zeros((16,), jnp.float32)
    for j in range(_CPW // 16):
        t_vec = tgt_v[pl.ds(j * 16, 16)]
        for i in range(16):
            t = t_vec[i]
            in_sc = t >= _SPLIT
            trow = jnp.where(in_sc, t, _SPLIT)
            b = col0 + j * 16 + i
            start = (b // 16) * 16
            pltpu.sync_copy(xt_hbm.at[trow, pl.ds(start, 16)], row_v)
            sel = jnp.where(in_sc, b - start, -1)
            gacc = gacc + jnp.where(iota == sel, row_v[...], 0.0)
    gacc_v[...] = gacc
    pltpu.sync_copy(gacc_v, gsum_out.at[wid])

    row0 = _SPLIT + wid * _RPW
    bufs = (buf0, buf1)
    sems = (sem0, sem1)

    def _slab_slice(q):
        return xt_hbm.at[pl.ds(row0 + q * 16, 16), pl.ds(0, _B)]

    pltpu.async_copy(_slab_slice(0), buf0, sem0)
    pltpu.async_copy(_slab_slice(1), buf1, sem1)

    def _reduce_slab(buf, acc):
        def inner(i, a):
            for r in range(16):
                a = a + buf[r, pl.ds(i * 16, 16)]
            return a
        return lax.fori_loop(0, _B // 16, inner, acc)

    def pair_body(k, dacc):
        for par in range(2):
            q = 2 * k + par
            pltpu.make_async_copy(_slab_slice(q), bufs[par], sems[par]).wait()
            dacc = _reduce_slab(bufs[par], dacc)

            @pl.when(q + 2 < _NSLAB)
            def _issue():
                pltpu.async_copy(_slab_slice(q + 2), bufs[par], sems[par])
        return dacc

    dacc = lax.fori_loop(0, _NSLAB // 2, pair_body,
                         jnp.zeros((16,), jnp.float32))
    dacc_v[...] = dacc
    pltpu.sync_copy(dacc_v, dsum_out.at[wid])


def kernel(lsm, target):
    tgt = target.astype(jnp.int32)
    t2d = tgt.reshape(1, _B)
    xT = lsm.T
    tc_total, tc_gsum = _tc_part(t2d, xT)
    sc_dsum, sc_gsum = _sc_part(tgt, xT)
    total = tc_total[0, 0] + jnp.sum(sc_dsum)
    gsum = tc_gsum[0, 0] + jnp.sum(sc_gsum)
    scale = jnp.float32(_CONF - _BASE)
    return -(jnp.float32(_BASE) * total + scale * gsum) / jnp.float32(_B)

# --- scband reference (transcript-rebuilt; emitter-appended) ---
"""Pipeline reference for scband-label-smoothing-loss-2267742732906 (READ-ONLY COPY).

The authoritative reference and input builder live on the scoring server;
editing this copy changes nothing except your own understanding.
"""

import jax, jax.numpy as jnp
import numpy as np

N_CLASSES = 100000
SMOOTHING = 0.1
CONFIDENCE = 1.0 - SMOOTHING
B = 2048


def setup_inputs(seed: int = 0) -> dict:
    key = jax.random.key(seed)
    k1, k2 = jax.random.split(key)
    # lsm: log-probabilities input (module expects log-softmax output)
    raw = jax.random.normal(k1, (B, N_CLASSES), dtype=jnp.float32)
    lsm = jax.nn.log_softmax(raw, axis=-1)
    target = jax.random.randint(k2, (B,), 0, N_CLASSES, dtype=jnp.int64)
    return {"lsm": lsm, "target": target}


def reference(lsm, target):
    b, c = lsm.shape
    # true_dist filled with smoothing/(n_class-1), then scatter confidence at target
    true_dist = jnp.full_like(lsm, SMOOTHING / (N_CLASSES - 1))
    true_dist = true_dist.at[jnp.arange(b), target].set(CONFIDENCE)
    return jnp.mean(jnp.sum(-true_dist * lsm, axis=-1))

if __name__ == "__main__":
    import jax
    _d = setup_inputs()
    print(jax.jit(kernel)(*tuple(_d.values())))

</pallas_src>

<mosaic_0001>
#map = affine_map<(d0, d1) -> (0)>
#map1 = affine_map<(d0, d1) -> (0, 0)>
module attributes {stable_mosaic.version = 14 : i64} {
  func.func @_sc_part(%arg0: i32, %arg1: i32, %arg2: memref<2048xi32, #tpu.memory_space<hbm>>, %arg3: memref<100000x2048xf32, #tpu.memory_space<hbm>>, %arg4: memref<32x16xf32, #tpu.memory_space<hbm>>, %arg5: memref<32x16xf32, #tpu.memory_space<hbm>>, %arg6: memref<64xi32, #tpu.memory_space<vmem>>, %arg7: memref<16xf32, #tpu.memory_space<vmem>>, %arg8: memref<16x2048xf32, #tpu.memory_space<vmem>>, %arg9: memref<16x2048xf32, #tpu.memory_space<vmem>>, %arg10: memref<16xf32, #tpu.memory_space<vmem>>, %arg11: memref<16xf32, #tpu.memory_space<vmem>>, %arg12: memref<!tpu.dma_semaphore, #tpu.memory_space<semaphore_mem>>, %arg13: memref<!tpu.dma_semaphore, #tpu.memory_space<semaphore_mem>>) attributes {dimension_semantics = [#tpu.dimension_semantics<core_parallel>, #tpu.dimension_semantics<subcore_parallel>], iteration_bounds = array<i64: 2, 16>, scalar_prefetch = 0 : i64, scratch_operands = 8 : i64, tpu.core_type = #tpu.core_type<sc_vector_subcore>, window_params = [{transform_indices = #map}, {transform_indices = #map1}, {transform_indices = #map1}, {transform_indices = #map1}]} {
    %mul3A = arith.constant 2 : i32
    %mul3A_0 = arith.muli %arg1, %mul3A : i32
    %add3A = arith.addi %mul3A_0, %arg0 : i32
    %mul3A_1 = arith.constant 64 : i32
    %mul3A_2 = arith.muli %add3A, %mul3A_1 : i32
    "tpu.region"() ({
      %run_scoped3A = tpu.sem_alloc : memref<!tpu.dma_semaphore, #tpu.memory_space<semaphore_mem>>
      %dma_start3A_3104 = tpu.memref_slice %arg2[%mul3A_2] : memref<2048xi32, #tpu.memory_space<hbm>> -> memref<64xi32, #tpu.memory_space<hbm>>
      %dma_start3A_3105 = tpu.memref_slice %arg2[%mul3A_2] : memref<2048xi32, #tpu.memory_space<hbm>> -> memref<64xi32, #tpu.memory_space<hbm>>
      tpu.enqueue_dma source(%dma_start3A_3105 : memref<64xi32, #tpu.memory_space<hbm>>) target(%arg6 : memref<64xi32, #tpu.memory_space<vmem>>) target_semaphore(%run_scoped3A : memref<!tpu.dma_semaphore, #tpu.memory_space<semaphore_mem>>)
      %dma_wait3A = tpu.memref_slice %arg2[%mul3A_2] : memref<2048xi32, #tpu.memory_space<hbm>> -> memref<64xi32, #tpu.memory_space<hbm>>
      %dma_wait3A_3106 = tpu.memref_slice %arg2[%mul3A_2] : memref<2048xi32, #tpu.memory_space<hbm>> -> memref<64xi32, #tpu.memory_space<hbm>>
      tpu.wait_dma2 semaphore(%run_scoped3A : memref<!tpu.dma_semaphore, #tpu.memory_space<semaphore_mem>>) src(%dma_wait3A_3106 : memref<64xi32, #tpu.memory_space<hbm>>) dst(%arg6 : memref<64xi32, #tpu.memory_space<vmem>>)
      tpu.yield
    }) : () -> ()
    %iota3A = tpu.iota {dimensions = array<i32: 0>} : vector<16xi32>
    %broadcast_in_dim3A = arith.constant 0.000000e+00 : f32
    %broadcast_in_dim3A_3 = vector.broadcast %broadcast_in_dim3A : f32 to vector<16xf32>
    %get3A = arith.constant 0 : index
    %get3A_4 = tpu.vector_load %arg6[%get3A] {strides = array<i32>} : memref<64xi32, #tpu.memory_space<vmem>>, vector<16xi32>,
    %get3A_5 = vector.shape_cast %get3A_4 : vector<16xi32> to vector<16xi32>
    %slice3A = vector.extract_strided_slice %get3A_5 {offsets = [0], sizes = [1], strides = [1]} : vector<16xi32> to vector<1xi32>
    %squeeze3A = vector.extract %slice3A[0] : i32 from vector<1xi32>
    %ge3A = arith.constant 69280 : i32
    %ge3A_6 = arith.cmpi sge, %squeeze3A, %ge3A : i32
    %jit3A = arith.constant 69280 : i32
    %select_n3A = arith.select %ge3A_6, %squeeze3A, %jit3A : i32
    %add3A_7 = arith.constant 0 : i32
    %add3A_8 = arith.addi %mul3A_2, %add3A_7 : i32
    %add3A_9 = arith.constant 0 : i32
    %add3A_10 = arith.addi %add3A_8, %add3A_9 : i32
    %jit3A_11 = arith.constant 16 : i32
    %div3A = arith.divsi %add3A_10, %jit3A_11 : i32
    %sign3A = arith.constant 0 : i32
    %sign3A_12 = arith.cmpi sgt, %add3A_10, %sign3A : i32
    %sign3A_13 = arith.extui %sign3A_12 : i1 to i32
    %sign3A_14 = arith.constant 0 : i32
    %sign3A_15 = arith.cmpi slt, %add3A_10, %sign3A_14 : i32
    %sign3A_16 = arith.extui %sign3A_15 : i1 to i32
    %sign3A_17 = arith.subi %sign3A_13, %sign3A_16 : i32
    %sign3A_18 = arith.constant 0 : i32
    %sign3A_19 = arith.cmpi sgt, %jit3A_11, %sign3A_18 : i32
    %sign3A_20 = arith.extui %sign3A_19 : i1 to i32
    %sign3A_21 = arith.constant 0 : i32
    %sign3A_22 = arith.cmpi slt, %jit3A_11, %sign3A_21 : i32
    %sign3A_23 = arith.extui %sign3A_22 : i1 to i32
    %sign3A_24 = arith.subi %sign3A_20, %sign3A_23 : i32
    %ne3A = arith.cmpi ne, %sign3A_17, %sign3A_24 : i32
    %rem3A = arith.remsi %add3A_10, %jit3A_11 : i32
    %ne3A_25 = arith.constant 0 : i32
    %ne3A_26 = arith.cmpi ne, %rem3A, %ne3A_25 : i32
    %and3A = arith.andi %ne3A, %ne3A_26 : i1
    %sub3A = arith.constant 1 : i32
    %sub3A_27 = arith.subi %div3A, %sub3A : i32
    %select_n3A_28 = arith.select %and3A, %sub3A_27, %div3A : i32
    %mul3A_29 = arith.constant 16 : i32
    %mul3A_30 = arith.muli %select_n3A_28, %mul3A_29 : i32
    "tpu.region"() ({
      %run_scoped3A = tpu.sem_alloc : memref<!tpu.dma_semaphore, #tpu.memory_space<semaphore_mem>>
      %dma_start3A_3104 = tpu.memref_slice %arg3[%select_n3A, %mul3A_30] : memref<100000x2048xf32, #tpu.memory_space<hbm>> -> memref<1x16xf32, #tpu.memory_space<hbm>>
      %dma_start3A_3105 = tpu.memref_squeeze %dma_start3A_3104 : memref<1x16xf32, #tpu.memory_space<hbm>> -> memref<16xf32, #tpu.memory_space<hbm>>
      %dma_start3A_3106 = tpu.memref_slice %arg3[%select_n3A, %mul3A_30] : memref<100000x2048xf32, #tpu.memory_space<hbm>> -> memref<1x16xf32, #tpu.memory_space<hbm>>
      %dma_start3A_3107 = tpu.memref_squeeze %dma_start3A_3106 : memref<1x16xf32, #tpu.memory_space<hbm>> -> memref<16xf32, #tpu.memory_space<hbm>>
      tpu.enqueue_dma source(%dma_start3A_3107 : memref<16xf32, #tpu.memory_space<hbm>>) target(%arg7 : memref<16xf32, #tpu.memory_space<vmem>>) target_semaphore(%run_scoped3A : memref<!tpu.dma_semaphore, #tpu.memory_space<semaphore_mem>>)
      %dma_wait3A = tpu.memref_slice %arg3[%select_n3A, %mul3A_30] : memref<100000x2048xf32, #tpu.memory_space<hbm>> -> memref<1x16xf32, #tpu.memory_space<hbm>>
      %dma_wait3A_3108 = tpu.memref_squeeze %dma_wait3A : memref<1x16xf32, #tpu.memory_space<hbm>> -> memref<16xf32, #tpu.memory_space<hbm>>
      %dma_wait3A_3109 = tpu.memref_slice %arg3[%select_n3A, %mul3A_30] : memref<100000x2048xf32, #tpu.memory_space<hbm>> -> memref<1x16xf32, #tpu.memory_space<hbm>>
      %dma_wait3A_3110 = tpu.memref_squeeze %dma_wait3A_3109 : memref<1x16xf32, #tpu.memory_space<hbm>> -> memref<16xf32, #tpu.memory_space<hbm>>
      tpu.wait_dma2 semaphore(%run_scoped3A : memref<!tpu.dma_semaphore, #tpu.memory_space<semaphore_mem>>) src(%dma_wait3A_3110 : memref<16xf32, #tpu.memory_space<hbm>>) dst(%arg7 : memref<16xf32, #tpu.memory_space<vmem>>)
      tpu.yield
    }) : () -> ()
    %sub3A_31 = arith.subi %add3A_10, %mul3A_30 : i32
    %jit3A_32 = arith.constant -1 : i32
    %select_n3A_33 = arith.select %ge3A_6, %sub3A_31, %jit3A_32 : i32
    %eq3A = vector.broadcast %select_n3A_33 : i32 to vector<16xi32>
    %eq3A_34 = arith.cmpi eq, %iota3A, %eq3A : vector<16xi32>
    %get3A_35 = arith.constant 0 : index
    %get3A_36 = tpu.vector_load %arg7[%get3A_35] {strides = array<i32>} : memref<16xf32, #tpu.memory_space<vmem>>, vector<16xf32>,
    %get3A_37 = vector.shape_cast %get3A_36 : vector<16xf32> to vector<16xf32>
    %jit3A_38 = arith.constant 0.000000e+00 : f32
    %broadcast_in_dim3A_39 = vector.broadcast %jit3A_38 : f32 to vector<16xf32>
    %select_n3A_40 = arith.select %eq3A_34, %get3A_37, %broadcast_in_dim3A_39 : vector<16xi1>, vector<16xf32>
    %add3A_41 = arith.addf %broadcast_in_dim3A_3, %select_n3A_40 : vector<16xf32>
    %slice3A_42 = vector.extract_strided_slice %get3A_5 {offsets = [1], sizes = [1], strides = [1]} : vector<16xi32> to vector<1xi32>
    %squeeze3A_43 = vector.extract %slice3A_42[0] : i32 from vector<1xi32>
    %ge3A_44 = arith.constant 69280 : i32
    %ge3A_45 = arith.cmpi sge, %squeeze3A_43, %ge3A_44 : i32
    %jit3A_46 = arith.constant 69280 : i32
    %select_n3A_47 = arith.select %ge3A_45, %squeeze3A_43, %jit3A_46 : i32
    %add3A_48 = arith.constant 0 : i32
    %add3A_49 = arith.addi %mul3A_2, %add3A_48 : i32
    %add3A_50 = arith.constant 1 : i32
    %add3A_51 = arith.addi %add3A_49, %add3A_50 : i32
    %jit3A_52 = arith.constant 16 : i32
    %div3A_53 = arith.divsi %add3A_51, %jit3A_52 : i32
    %sign3A_54 = arith.constant 0 : i32
    %sign3A_55 = arith.cmpi sgt, %add3A_51, %sign3A_54 : i32
    %sign3A_56 = arith.extui %sign3A_55 : i1 to i32
    %sign3A_57 = arith.constant 0 : i32
    %sign3A_58 = arith.cmpi slt, %add3A_51, %sign3A_57 : i32
    %sign3A_59 = arith.extui %sign3A_58 : i1 to i32
    %sign3A_60 = arith.subi %sign3A_56, %sign3A_59 : i32
    %sign3A_61 = arith.constant 0 : i32
    %sign3A_62 = arith.cmpi sgt, %jit3A_52, %sign3A_61 : i32
    %sign3A_63 = arith.extui %sign3A_62 : i1 to i32
    %sign3A_64 = arith.constant 0 : i32
    %sign3A_65 = arith.cmpi slt, %jit3A_52, %sign3A_64 : i32
    %sign3A_66 = arith.extui %sign3A_65 : i1 to i32
    %sign3A_67 = arith.subi %sign3A_63, %sign3A_66 : i32
    %ne3A_68 = arith.cmpi ne, %sign3A_60, %sign3A_67 : i32
    %rem3A_69 = arith.remsi %add3A_51, %jit3A_52 : i32
    %ne3A_70 = arith.constant 0 : i32
    %ne3A_71 = arith.cmpi ne, %rem3A_69, %ne3A_70 : i32
    %and3A_72 = arith.andi %ne3A_68, %ne3A_71 : i1
    %sub3A_73 = arith.constant 1 : i32
    %sub3A_74 = arith.subi %div3A_53, %sub3A_73 : i32
    %select_n3A_75 = arith.select %and3A_72, %sub3A_74, %div3A_53 : i32
    %mul3A_76 = arith.constant 16 : i32
    %mul3A_77 = arith.muli %select_n3A_75, %mul3A_76 : i32
    "tpu.region"() ({
      %run_scoped3A = tpu.sem_alloc : memref<!tpu.dma_semaphore, #tpu.memory_space<semaphore_mem>>
      %dma_start3A_3104 = tpu.memref_slice %arg3[%select_n3A_47, %mul3A_77] : memref<100000x2048xf32, #tpu.memory_space<hbm>> -> memref<1x16xf32, #tpu.memory_space<hbm>>
      %dma_start3A_3105 = tpu.memref_squeeze %dma_start3A_3104 : memref<1x16xf32, #tpu.memory_space<hbm>> -> memref<16xf32, #tpu.memory_space<hbm>>
      %dma_start3A_3106 = tpu.memref_slice %arg3[%select_n3A_47, %mul3A_77] : memref<100000x2048xf32, #tpu.memory_space<hbm>> -> memref<1x16xf32, #tpu.memory_space<hbm>>
      %dma_start3A_3107 = tpu.memref_squeeze %dma_start3A_3106 : memref<1x16xf32, #tpu.memory_space<hbm>> -> memref<16xf32, #tpu.memory_space<hbm>>
      tpu.enqueue_dma source(%dma_start3A_3107 : memref<16xf32, #tpu.memory_space<hbm>>) target(%arg7 : memref<16xf32, #tpu.memory_space<vmem>>) target_semaphore(%run_scoped3A : memref<!tpu.dma_semaphore, #tpu.memory_space<semaphore_mem>>)
      %dma_wait3A = tpu.memref_slice %arg3[%select_n3A_47, %mul3A_77] : memref<100000x2048xf32, #tpu.memory_space<hbm>> -> memref<1x16xf32, #tpu.memory_space<hbm>>
      %dma_wait3A_3108 = tpu.memref_squeeze %dma_wait3A : memref<1x16xf32, #tpu.memory_space<hbm>> -> memref<16xf32, #tpu.memory_space<hbm>>
      %dma_wait3A_3109 = tpu.memref_slice %arg3[%select_n3A_47, %mul3A_77] : memref<100000x2048xf32, #tpu.memory_space<hbm>> -> memref<1x16xf32, #tpu.memory_space<hbm>>
      %dma_wait3A_3110 = tpu.memref_squeeze %dma_wait3A_3109 : memref<1x16xf32, #tpu.memory_space<hbm>> -> memref<16xf32, #tpu.memory_space<hbm>>
      tpu.wait_dma2 semaphore(%run_scoped3A : memref<!tpu.dma_semaphore, #tpu.memory_space<semaphore_mem>>) src(%dma_wait3A_3110 : memref<16xf32, #tpu.memory_space<hbm>>) dst(%arg7 : memref<16xf32, #tpu.memory_space<vmem>>)
      tpu.yield
    }) : () -> ()
    %sub3A_78 = arith.subi %add3A_51, %mul3A_77 : i32
    %jit3A_79 = arith.constant -1 : i32
    %select_n3A_80 = arith.select %ge3A_45, %sub3A_78, %jit3A_79 : i32
    %eq3A_81 = vector.broadcast %select_n3A_80 : i32 to vector<16xi32>
    %eq3A_82 = arith.cmpi eq, %iota3A, %eq3A_81 : vector<16xi32>
    %get3A_83 = arith.constant 0 : index
    %get3A_84 = tpu.vector_load %arg7[%get3A_83] {strides = array<i32>} : memref<16xf32, #tpu.memory_space<vmem>>, vector<16xf32>,
    %get3A_85 = vector.shape_cast %get3A_84 : vector<16xf32> to vector<16xf32>
    %jit3A_86 = arith.constant 0.000000e+00 : f32
    %broadcast_in_dim3A_87 = vector.broadcast %jit3A_86 : f32 to vector<16xf32>
    %select_n3A_88 = arith.select %eq3A_82, %get3A_85, %broadcast_in_dim3A_87 : vector<16xi1>, vector<16xf32>
    %add3A_89 = arith.addf %add3A_41, %select_n3A_88 : vector<16xf32>
    %slice3A_90 = vector.extract_strided_slice %get3A_5 {offsets = [2], sizes = [1], strides = [1]} : vector<16xi32> to vector<1xi32>
    %squeeze3A_91 = vector.extract %slice3A_90[0] : i32 from vector<1xi32>
    %ge3A_92 = arith.constant 69280 : i32
    %ge3A_93 = arith.cmpi sge, %squeeze3A_91, %ge3A_92 : i32
    %jit3A_94 = arith.constant 69280 : i32
    %select_n3A_95 = arith.select %ge3A_93, %squeeze3A_91, %jit3A_94 : i32
    %add3A_96 = arith.constant 0 : i32
    %add3A_97 = arith.addi %mul3A_2, %add3A_96 : i32
    %add3A_98 = arith.constant 2 : i32
    %add3A_99 = arith.addi %add3A_97, %add3A_98 : i32
    %jit3A_100 = arith.constant 16 : i32
    %div3A_101 = arith.divsi %add3A_99, %jit3A_100 : i32
    %sign3A_102 = arith.constant 0 : i32
    %sign3A_103 = arith.cmpi sgt, %add3A_99, %sign3A_102 : i32
    %sign3A_104 = arith.extui %sign3A_103 : i1 to i32
    %sign3A_105 = arith.constant 0 : i32
    %sign3A_106 = arith.cmpi slt, %add3A_99, %sign3A_105 : i32
    %sign3A_107 = arith.extui %sign3A_106 : i1 to i32
    %sign3A_108 = arith.subi %sign3A_104, %sign3A_107 : i32
    %sign3A_109 = arith.constant 0 : i32
    %sign3A_110 = arith.cmpi sgt, %jit3A_100, %sign3A_109 : i32
    %sign3A_111 = arith.extui %sign3A_110 : i1 to i32
    %sign3A_112 = arith.constant 0 : i32
    %sign3A_113 = arith.cmpi slt, %jit3A_100, %sign3A_112 : i32
    %sign3A_114 = arith.extui %sign3A_113 : i1 to i32
    %sign3A_115 = arith.subi %sign3A_111, %sign3A_114 : i32
    %ne3A_116 = arith.cmpi ne, %sign3A_108, %sign3A_115 : i32
    %rem3A_117 = arith.remsi %add3A_99, %jit3A_100 : i32
    %ne3A_118 = arith.constant 0 : i32
    %ne3A_119 = arith.cmpi ne, %rem3A_117, %ne3A_118 : i32
    %and3A_120 = arith.andi %ne3A_116, %ne3A_119 : i1
    %sub3A_121 = arith.constant 1 : i32
    %sub3A_122 = arith.subi %div3A_101, %sub3A_121 : i32
    %select_n3A_123 = arith.select %and3A_120, %sub3A_122, %div3A_101 : i32
    %mul3A_124 = arith.constant 16 : i32
    %mul3A_125 = arith.muli %select_n3A_123, %mul3A_124 : i32
    "tpu.region"() ({
      %run_scoped3A = tpu.sem_alloc : memref<!tpu.dma_semaphore, #tpu.memory_space<semaphore_mem>>
      %dma_start3A_3104 = tpu.memref_slice %arg3[%select_n3A_95, %mul3A_125] : memref<100000x2048xf32, #tpu.memory_space<hbm>> -> memref<1x16xf32, #tpu.memory_space<hbm>>
      %dma_start3A_3105 = tpu.memref_squeeze %dma_start3A_3104 : memref<1x16xf32, #tpu.memory_space<hbm>> -> memref<16xf32, #tpu.memory_space<hbm>>
      %dma_start3A_3106 = tpu.memref_slice %arg3[%select_n3A_95, %mul3A_125] : memref<100000x2048xf32, #tpu.memory_space<hbm>> -> memref<1x16xf32, #tpu.memory_space<hbm>>
      %dma_start3A_3107 = tpu.memref_squeeze %dma_start3A_3106 : memref<1x16xf32, #tpu.memory_space<hbm>> -> memref<16xf32, #tpu.memory_space<hbm>>
      tpu.enqueue_dma source(%dma_start3A_3107 : memref<16xf32, #tpu.memory_space<hbm>>) target(%arg7 : memref<16xf32, #tpu.memory_space<vmem>>) target_semaphore(%run_scoped3A : memref<!tpu.dma_semaphore, #tpu.memory_space<semaphore_mem>>)
      %dma_wait3A = tpu.memref_slice %arg3[%select_n3A_95, %mul3A_125] : memref<100000x2048xf32, #tpu.memory_space<hbm>> -> memref<1x16xf32, #tpu.memory_space<hbm>>
      %dma_wait3A_3108 = tpu.memref_squeeze %dma_wait3A : memref<1x16xf32, #tpu.memory_space<hbm>> -> memref<16xf32, #tpu.memory_space<hbm>>
      %dma_wait3A_3109 = tpu.memref_slice %arg3[%select_n3A_95, %mul3A_125] : memref<100000x2048xf32, #tpu.memory_space<hbm>> -> memref<1x16xf32, #tpu.memory_space<hbm>>
      %dma_wait3A_3110 = tpu.memref_squeeze %dma_wait3A_3109 : memref<1x16xf32, #tpu.memory_space<hbm>> -> memref<16xf32, #tpu.memory_space<hbm>>
      tpu.wait_dma2 semaphore(%run_scoped3A : memref<!tpu.dma_semaphore, #tpu.memory_space<semaphore_mem>>) src(%dma_wait3A_3110 : memref<16xf32, #tpu.memory_space<hbm>>) dst(%arg7 : memref<16xf32, #tpu.memory_space<vmem>>)
      tpu.yield
    }) : () -> ()
    %sub3A_126 = arith.subi %add3A_99, %mul3A_125 : i32
    %jit3A_127 = arith.constant -1 : i32
    %select_n3A_128 = arith.select %ge3A_93, %sub3A_126, %jit3A_127 : i32
    %eq3A_129 = vector.broadcast %select_n3A_128 : i32 to vector<16xi32>
    %eq3A_130 = arith.cmpi eq, %iota3A, %eq3A_129 : vector<16xi32>
    %get3A_131 = arith.constant 0 : index
    %get3A_132 = tpu.vector_load %arg7[%get3A_131] {strides = array<i32>} : memref<16xf32, #tpu.memory_space<vmem>>, vector<16xf32>,
    %get3A_133 = vector.shape_cast %get3A_132 : vector<16xf32> to vector<16xf32>
    %jit3A_134 = arith.constant 0.000000e+00 : f32
    %broadcast_in_dim3A_135 = vector.broadcast %jit3A_134 : f32 to vector<16xf32>
    %select_n3A_136 = arith.select %eq3A_130, %get3A_133, %broadcast_in_dim3A_135 : vector<16xi1>, vector<16xf32>
    %add3A_137 = arith.addf %add3A_89, %select_n3A_136 : vector<16xf32>
    %slice3A_138 = vector.extract_strided_slice %get3A_5 {offsets = [3], sizes = [1], strides = [1]} : vector<16xi32> to vector<1xi32>
    %squeeze3A_139 = vector.extract %slice3A_138[0] : i32 from vector<1xi32>
    %ge3A_140 = arith.constant 69280 : i32
    %ge3A_141 = arith.cmpi sge, %squeeze3A_139, %ge3A_140 : i32
    %jit3A_142 = arith.constant 69280 : i32
    %select_n3A_143 = arith.select %ge3A_141, %squeeze3A_139, %jit3A_142 : i32
    %add3A_144 = arith.constant 0 : i32
    %add3A_145 = arith.addi %mul3A_2, %add3A_144 : i32
    %add3A_146 = arith.constant 3 : i32
    %add3A_147 = arith.addi %add3A_145, %add3A_146 : i32
    %jit3A_148 = arith.constant 16 : i32
    %div3A_149 = arith.divsi %add3A_147, %jit3A_148 : i32
    %sign3A_150 = arith.constant 0 : i32
    %sign3A_151 = arith.cmpi sgt, %add3A_147, %sign3A_150 : i32
    %sign3A_152 = arith.extui %sign3A_151 : i1 to i32
    %sign3A_153 = arith.constant 0 : i32
    %sign3A_154 = arith.cmpi slt, %add3A_147, %sign3A_153 : i32
    %sign3A_155 = arith.extui %sign3A_154 : i1 to i32
    %sign3A_156 = arith.subi %sign3A_152, %sign3A_155 : i32
    %sign3A_157 = arith.constant 0 : i32
    %sign3A_158 = arith.cmpi sgt, %jit3A_148, %sign3A_157 : i32
    %sign3A_159 = arith.extui %sign3A_158 : i1 to i32
    %sign3A_160 = arith.constant 0 : i32
    %sign3A_161 = arith.cmpi slt, %jit3A_148, %sign3A_160 : i32
    %sign3A_162 = arith.extui %sign3A_161 : i1 to i32
    %sign3A_163 = arith.subi %sign3A_159, %sign3A_162 : i32
    %ne3A_164 = arith.cmpi ne, %sign3A_156, %sign3A_163 : i32
    %rem3A_165 = arith.remsi %add3A_147, %jit3A_148 : i32
    %ne3A_166 = arith.constant 0 : i32
    %ne3A_167 = arith.cmpi ne, %rem3A_165, %ne3A_166 : i32
    %and3A_168 = arith.andi %ne3A_164, %ne3A_167 : i1
    %sub3A_169 = arith.constant 1 : i32
    %sub3A_170 = arith.subi %div3A_149, %sub3A_169 : i32
    %select_n3A_171 = arith.select %and3A_168, %sub3A_170, %div3A_149 : i32
    %mul3A_172 = arith.constant 16 : i32
    %mul3A_173 = arith.muli %select_n3A_171, %mul3A_172 : i32
    "tpu.region"() ({
      %run_scoped3A = tpu.sem_alloc : memref<!tpu.dma_semaphore, #tpu.memory_space<semaphore_mem>>
      %dma_start3A_3104 = tpu.memref_slice %arg3[%select_n3A_143, %mul3A_173] : memref<100000x2048xf32, #tpu.memory_space<hbm>> -> memref<1x16xf32, #tpu.memory_space<hbm>>
      %dma_start3A_3105 = tpu.memref_squeeze %dma_start3A_3104 : memref<1x16xf32, #tpu.memory_space<hbm>> -> memref<16xf32, #tpu.memory_space<hbm>>
      %dma_start3A_3106 = tpu.memref_slice %arg3[%select_n3A_143, %mul3A_173] : memref<100000x2048xf32, #tpu.memory_space<hbm>> -> memref<1x16xf32, #tpu.memory_space<hbm>>
      %dma_start3A_3107 = tpu.memref_squeeze %dma_start3A_3106 : memref<1x16xf32, #tpu.memory_space<hbm>> -> memref<16xf32, #tpu.memory_space<hbm>>
      tpu.enqueue_dma source(%dma_start3A_3107 : memref<16xf32, #tpu.memory_space<hbm>>) target(%arg7 : memref<16xf32, #tpu.memory_space<vmem>>) target_semaphore(%run_scoped3A : memref<!tpu.dma_semaphore, #tpu.memory_space<semaphore_mem>>)
      %dma_wait3A = tpu.memref_slice %arg3[%select_n3A_143, %mul3A_173] : memref<100000x2048xf32, #tpu.memory_space<hbm>> -> memref<1x16xf32, #tpu.memory_space<hbm>>
      %dma_wait3A_3108 = tpu.memref_squeeze %dma_wait3A : memref<1x16xf32, #tpu.memory_space<hbm>> -> memref<16xf32, #tpu.memory_space<hbm>>
      %dma_wait3A_3109 = tpu.memref_slice %arg3[%select_n3A_143, %mul3A_173] : memref<100000x2048xf32, #tpu.memory_space<hbm>> -> memref<1x16xf32, #tpu.memory_space<hbm>>
      %dma_wait3A_3110 = tpu.memref_squeeze %dma_wait3A_3109 : memref<1x16xf32, #tpu.memory_space<hbm>> -> memref<16xf32, #tpu.memory_space<hbm>>
      tpu.wait_dma2 semaphore(%run_scoped3A : memref<!tpu.dma_semaphore, #tpu.memory_space<semaphore_mem>>) src(%dma_wait3A_3110 : memref<16xf32, #tpu.memory_space<hbm>>) dst(%arg7 : memref<16xf32, #tpu.memory_space<vmem>>)
      tpu.yield
    }) : () -> ()
    %sub3A_174 = arith.subi %add3A_147, %mul3A_173 : i32
    %jit3A_175 = arith.constant -1 : i32
    %select_n3A_176 = arith.select %ge3A_141, %sub3A_174, %jit3A_175 : i32
    %eq3A_177 = vector.broadcast %select_n3A_176 : i32 to vector<16xi32>
    %eq3A_178 = arith.cmpi eq, %iota3A, %eq3A_177 : vector<16xi32>
    %get3A_179 = arith.constant 0 : index
    %get3A_180 = tpu.vector_load %arg7[%get3A_179] {strides = array<i32>} : memref<16xf32, #tpu.memory_space<vmem>>, vector<16xf32>,
    %get3A_181 = vector.shape_cast %get3A_180 : vector<16xf32> to vector<16xf32>
    %jit3A_182 = arith.constant 0.000000e+00 : f32
    %broadcast_in_dim3A_183 = vector.broadcast %jit3A_182 : f32 to vector<16xf32>
    %select_n3A_184 = arith.select %eq3A_178, %get3A_181, %broadcast_in_dim3A_183 : vector<16xi1>, vector<16xf32>
    %add3A_185 = arith.addf %add3A_137, %select_n3A_184 : vector<16xf32>
    %slice3A_186 = vector.extract_strided_slice %get3A_5 {offsets = [4], sizes = [1], strides = [1]} : vector<16xi32> to vector<1xi32>
    %squeeze3A_187 = vector.extract %slice3A_186[0] : i32 from vector<1xi32>
    %ge3A_188 = arith.constant 69280 : i32
    %ge3A_189 = arith.cmpi sge, %squeeze3A_187, %ge3A_188 : i32
    %jit3A_190 = arith.constant 69280 : i32
    %select_n3A_191 = arith.select %ge3A_189, %squeeze3A_187, %jit3A_190 : i32
    %add3A_192 = arith.constant 0 : i32
    %add3A_193 = arith.addi %mul3A_2, %add3A_192 : i32
    %add3A_194 = arith.constant 4 : i32
    %add3A_195 = arith.addi %add3A_193, %add3A_194 : i32
    %jit3A_196 = arith.constant 16 : i32
    %div3A_197 = arith.divsi %add3A_195, %jit3A_196 : i32
    %sign3A_198 = arith.constant 0 : i32
    %sign3A_199 = arith.cmpi sgt, %add3A_195, %sign3A_198 : i32
    %sign3A_200 = arith.extui %sign3A_199 : i1 to i32
    %sign3A_201 = arith.constant 0 : i32
    %sign3A_202 = arith.cmpi slt, %add3A_195, %sign3A_201 : i32
    %sign3A_203 = arith.extui %sign3A_202 : i1 to i32
    %sign3A_204 = arith.subi %sign3A_200, %sign3A_203 : i32
    %sign3A_205 = arith.constant 0 : i32
    %sign3A_206 = arith.cmpi sgt, %jit3A_196, %sign3A_205 : i32
    %sign3A_207 = arith.extui %sign3A_206 : i1 to i32
    %sign3A_208 = arith.constant 0 : i32
    %sign3A_209 = arith.cmpi slt, %jit3A_196, %sign3A_208 : i32
    %sign3A_210 = arith.extui %sign3A_209 : i1 to i32
    %sign3A_211 = arith.subi %sign3A_207, %sign3A_210 : i32
    %ne3A_212 = arith.cmpi ne, %sign3A_204, %sign3A_211 : i32
    %rem3A_213 = arith.remsi %add3A_195, %jit3A_196 : i32
    %ne3A_214 = arith.constant 0 : i32
    %ne3A_215 = arith.cmpi ne, %rem3A_213, %ne3A_214 : i32
    %and3A_216 = arith.andi %ne3A_212, %ne3A_215 : i1
    %sub3A_217 = arith.constant 1 : i32
    %sub3A_218 = arith.subi %div3A_197, %sub3A_217 : i32
    %select_n3A_219 = arith.select %and3A_216, %sub3A_218, %div3A_197 : i32
    %mul3A_220 = arith.constant 16 : i32
    %mul3A_221 = arith.muli %select_n3A_219, %mul3A_220 : i32
    "tpu.region"() ({
      %run_scoped3A = tpu.sem_alloc : memref<!tpu.dma_semaphore, #tpu.memory_space<semaphore_mem>>
      %dma_start3A_3104 = tpu.memref_slice %arg3[%select_n3A_191, %mul3A_221] : memref<100000x2048xf32, #tpu.memory_space<hbm>> -> memref<1x16xf32, #tpu.memory_space<hbm>>
      %dma_start3A_3105 = tpu.memref_squeeze %dma_start3A_3104 : memref<1x16xf32, #tpu.memory_space<hbm>> -> memref<16xf32, #tpu.memory_space<hbm>>
      %dma_start3A_3106 = tpu.memref_slice %arg3[%select_n3A_191, %mul3A_221] : memref<100000x2048xf32, #tpu.memory_space<hbm>> -> memref<1x16xf32, #tpu.memory_space<hbm>>
      %dma_start3A_3107 = tpu.memref_squeeze %dma_start3A_3106 : memref<1x16xf32, #tpu.memory_space<hbm>> -> memref<16xf32, #tpu.memory_space<hbm>>
      tpu.enqueue_dma source(%dma_start3A_3107 : memref<16xf32, #tpu.memory_space<hbm>>) target(%arg7 : memref<16xf32, #tpu.memory_space<vmem>>) target_semaphore(%run_scoped3A : memref<!tpu.dma_semaphore, #tpu.memory_space<semaphore_mem>>)
      %dma_wait3A = tpu.memref_slice %arg3[%select_n3A_191, %mul3A_221] : memref<100000x2048xf32, #tpu.memory_space<hbm>> -> memref<1x16xf32, #tpu.memory_space<hbm>>
      %dma_wait3A_3108 = tpu.memref_squeeze %dma_wait3A : memref<1x16xf32, #tpu.memory_space<hbm>> -> memref<16xf32, #tpu.memory_space<hbm>>
      %dma_wait3A_3109 = tpu.memref_slice %arg3[%select_n3A_191, %mul3A_221] : memref<100000x2048xf32, #tpu.memory_space<hbm>> -> memref<1x16xf32, #tpu.memory_space<hbm>>
      %dma_wait3A_3110 = tpu.memref_squeeze %dma_wait3A_3109 : memref<1x16xf32, #tpu.memory_space<hbm>> -> memref<16xf32, #tpu.memory_space<hbm>>
      tpu.wait_dma2 semaphore(%run_scoped3A : memref<!tpu.dma_semaphore, #tpu.memory_space<semaphore_mem>>) src(%dma_wait3A_3110 : memref<16xf32, #tpu.memory_space<hbm>>) dst(%arg7 : memref<16xf32, #tpu.memory_space<vmem>>)
      tpu.yield
    }) : () -> ()
    %sub3A_222 = arith.subi %add3A_195, %mul3A_221 : i32
    %jit3A_223 = arith.constant -1 : i32
    %select_n3A_224 = arith.select %ge3A_189, %sub3A_222, %jit3A_223 : i32
    %eq3A_225 = vector.broadcast %select_n3A_224 : i32 to vector<16xi32>
    %eq3A_226 = arith.cmpi eq, %iota3A, %eq3A_225 : vector<16xi32>
    %get3A_227 = arith.constant 0 : index
    %get3A_228 = tpu.vector_load %arg7[%get3A_227] {strides = array<i32>} : memref<16xf32, #tpu.memory_space<vmem>>, vector<16xf32>,
    %get3A_229 = vector.shape_cast %get3A_228 : vector<16xf32> to vector<16xf32>
    %jit3A_230 = arith.constant 0.000000e+00 : f32
    %broadcast_in_dim3A_231 = vector.broadcast %jit3A_230 : f32 to vector<16xf32>
    %select_n3A_232 = arith.select %eq3A_226, %get3A_229, %broadcast_in_dim3A_231 : vector<16xi1>, vector<16xf32>
    %add3A_233 = arith.addf %add3A_185, %select_n3A_232 : vector<16xf32>
    %slice3A_234 = vector.extract_strided_slice %get3A_5 {offsets = [5], sizes = [1], strides = [1]} : vector<16xi32> to vector<1xi32>
    %squeeze3A_235 = vector.extract %slice3A_234[0] : i32 from vector<1xi32>
    %ge3A_236 = arith.constant 69280 : i32
    %ge3A_237 = arith.cmpi sge, %squeeze3A_235, %ge3A_236 : i32
    %jit3A_238 = arith.constant 69280 : i32
    %select_n3A_239 = arith.select %ge3A_237, %squeeze3A_235, %jit3A_238 : i32
    %add3A_240 = arith.constant 0 : i32
    %add3A_241 = arith.addi %mul3A_2, %add3A_240 : i32
    %add3A_242 = arith.constant 5 : i32
    %add3A_243 = arith.addi %add3A_241, %add3A_242 : i32
    %jit3A_244 = arith.constant 16 : i32
    %div3A_245 = arith.divsi %add3A_243, %jit3A_244 : i32
    %sign3A_246 = arith.constant 0 : i32
    %sign3A_247 = arith.cmpi sgt, %add3A_243, %sign3A_246 : i32
    %sign3A_248 = arith.extui %sign3A_247 : i1 to i32
    %sign3A_249 = arith.constant 0 : i32
    %sign3A_250 = arith.cmpi slt, %add3A_243, %sign3A_249 : i32
    %sign3A_251 = arith.extui %sign3A_250 : i1 to i32
    %sign3A_252 = arith.subi %sign3A_248, %sign3A_251 : i32
    %sign3A_253 = arith.constant 0 : i32
    %sign3A_254 = arith.cmpi sgt, %jit3A_244, %sign3A_253 : i32
    %sign3A_255 = arith.extui %sign3A_254 : i1 to i32
    %sign3A_256 = arith.constant 0 : i32
    %sign3A_257 = arith.cmpi slt, %jit3A_244, %sign3A_256 : i32
    %sign3A_258 = arith.extui %sign3A_257 : i1 to i32
    %sign3A_259 = arith.subi %sign3A_255, %sign3A_258 : i32
    %ne3A_260 = arith.cmpi ne, %sign3A_252, %sign3A_259 : i32
    %rem3A_261 = arith.remsi %add3A_243, %jit3A_244 : i32
    %ne3A_262 = arith.constant 0 : i32
    %ne3A_263 = arith.cmpi ne, %rem3A_261, %ne3A_262 : i32
    %and3A_264 = arith.andi %ne3A_260, %ne3A_263 : i1
    %sub3A_265 = arith.constant 1 : i32
    %sub3A_266 = arith.subi %div3A_245, %sub3A_265 : i32
    %select_n3A_267 = arith.select %and3A_264, %sub3A_266, %div3A_245 : i32
    %mul3A_268 = arith.constant 16 : i32
    %mul3A_269 = arith.muli %select_n3A_267, %mul3A_268 : i32
    "tpu.region"() ({
      %run_scoped3A = tpu.sem_alloc : memref<!tpu.dma_semaphore, #tpu.memory_space<semaphore_mem>>
      %dma_start3A_3104 = tpu.memref_slice %arg3[%select_n3A_239, %mul3A_269] : memref<100000x2048xf32, #tpu.memory_space<hbm>> -> memref<1x16xf32, #tpu.memory_space<hbm>>
      %dma_start3A_3105 = tpu.memref_squeeze %dma_start3A_3104 : memref<1x16xf32, #tpu.memory_space<hbm>> -> memref<16xf32, #tpu.memory_space<hbm>>
      %dma_start3A_3106 = tpu.memref_slice %arg3[%select_n3A_239, %mul3A_269] : memref<100000x2048xf32, #tpu.memory_space<hbm>> -> memref<1x16xf32, #tpu.memory_space<hbm>>
      %dma_start3A_3107 = tpu.memref_squeeze %dma_start3A_3106 : memref<1x16xf32, #tpu.memory_space<hbm>> -> memref<16xf32, #tpu.memory_space<hbm>>
      tpu.enqueue_dma source(%dma_start3A_3107 : memref<16xf32, #tpu.memory_space<hbm>>) target(%arg7 : memref<16xf32, #tpu.memory_space<vmem>>) target_semaphore(%run_scoped3A : memref<!tpu.dma_semaphore, #tpu.memory_space<semaphore_mem>>)
      %dma_wait3A = tpu.memref_slice %arg3[%select_n3A_239, %mul3A_269] : memref<100000x2048xf32, #tpu.memory_space<hbm>> -> memref<1x16xf32, #tpu.memory_space<hbm>>
      %dma_wait3A_3108 = tpu.memref_squeeze %dma_wait3A : memref<1x16xf32, #tpu.memory_space<hbm>> -> memref<16xf32, #tpu.memory_space<hbm>>
      %dma_wait3A_3109 = tpu.memref_slice %arg3[%select_n3A_239, %mul3A_269] : memref<100000x2048xf32, #tpu.memory_space<hbm>> -> memref<1x16xf32, #tpu.memory_space<hbm>>
      %dma_wait3A_3110 = tpu.memref_squeeze %dma_wait3A_3109 : memref<1x16xf32, #tpu.memory_space<hbm>> -> memref<16xf32, #tpu.memory_space<hbm>>
      tpu.wait_dma2 semaphore(%run_scoped3A : memref<!tpu.dma_semaphore, #tpu.memory_space<semaphore_mem>>) src(%dma_wait3A_3110 : memref<16xf32, #tpu.memory_space<hbm>>) dst(%arg7 : memref<16xf32, #tpu.memory_space<vmem>>)
      tpu.yield
    }) : () -> ()
    %sub3A_270 = arith.subi %add3A_243, %mul3A_269 : i32
    %jit3A_271 = arith.constant -1 : i32
    %select_n3A_272 = arith.select %ge3A_237, %sub3A_270, %jit3A_271 : i32
    %eq3A_273 = vector.broadcast %select_n3A_272 : i32 to vector<16xi32>
    %eq3A_274 = arith.cmpi eq, %iota3A, %eq3A_273 : vector<16xi32>
    %get3A_275 = arith.constant 0 : index
    %get3A_276 = tpu.vector_load %arg7[%get3A_275] {strides = array<i32>} : memref<16xf32, #tpu.memory_space<vmem>>, vector<16xf32>,
    %get3A_277 = vector.shape_cast %get3A_276 : vector<16xf32> to vector<16xf32>
    %jit3A_278 = arith.constant 0.000000e+00 : f32
    %broadcast_in_dim3A_279 = vector.broadcast %jit3A_278 : f32 to vector<16xf32>
    %select_n3A_280 = arith.select %eq3A_274, %get3A_277, %broadcast_in_dim3A_279 : vector<16xi1>, vector<16xf32>
    %add3A_281 = arith.addf %add3A_233, %select_n3A_280 : vector<16xf32>
    %slice3A_282 = vector.extract_strided_slice %get3A_5 {offsets = [6], sizes = [1], strides = [1]} : vector<16xi32> to vector<1xi32>
    %squeeze3A_283 = vector.extract %slice3A_282[0] : i32 from vector<1xi32>
    %ge3A_284 = arith.constant 69280 : i32
    %ge3A_285 = arith.cmpi sge, %squeeze3A_283, %ge3A_284 : i32
    %jit3A_286 = arith.constant 69280 : i32
    %select_n3A_287 = arith.select %ge3A_285, %squeeze3A_283, %jit3A_286 : i32
    %add3A_288 = arith.constant 0 : i32
    %add3A_289 = arith.addi %mul3A_2, %add3A_288 : i32
    %add3A_290 = arith.constant 6 : i32
    %add3A_291 = arith.addi %add3A_289, %add3A_290 : i32
    %jit3A_292 = arith.constant 16 : i32
    %div3A_293 = arith.divsi %add3A_291, %jit3A_292 : i32
    %sign3A_294 = arith.constant 0 : i32
    %sign3A_295 = arith.cmpi sgt, %add3A_291, %sign3A_294 : i32
    %sign3A_296 = arith.extui %sign3A_295 : i1 to i32
    %sign3A_297 = arith.constant 0 : i32
    %sign3A_298 = arith.cmpi slt, %add3A_291, %sign3A_297 : i32
    %sign3A_299 = arith.extui %sign3A_298 : i1 to i32
    %sign3A_300 = arith.subi %sign3A_296, %sign3A_299 : i32
    %sign3A_301 = arith.constant 0 : i32
    %sign3A_302 = arith.cmpi sgt, %jit3A_292, %sign3A_301 : i32
    %sign3A_303 = arith.extui %sign3A_302 : i1 to i32
    %sign3A_304 = arith.constant 0 : i32
    %sign3A_305 = arith.cmpi slt, %jit3A_292, %sign3A_304 : i32
    %sign3A_306 = arith.extui %sign3A_305 : i1 to i32
    %sign3A_307 = arith.subi %sign3A_303, %sign3A_306 : i32
    %ne3A_308 = arith.cmpi ne, %sign3A_300, %sign3A_307 : i32
    %rem3A_309 = arith.remsi %add3A_291, %jit3A_292 : i32
    %ne3A_310 = arith.constant 0 : i32
    %ne3A_311 = arith.cmpi ne, %rem3A_309, %ne3A_310 : i32
    %and3A_312 = arith.andi %ne3A_308, %ne3A_311 : i1
    %sub3A_313 = arith.constant 1 : i32
    %sub3A_314 = arith.subi %div3A_293, %sub3A_313 : i32
    %select_n3A_315 = arith.select %and3A_312, %sub3A_314, %div3A_293 : i32
    %mul3A_316 = arith.constant 16 : i32
    %mul3A_317 = arith.muli %select_n3A_315, %mul3A_316 : i32
    "tpu.region"() ({
      %run_scoped3A = tpu.sem_alloc : memref<!tpu.dma_semaphore, #tpu.memory_space<semaphore_mem>>
      %dma_start3A_3104 = tpu.memref_slice %arg3[%select_n3A_287, %mul3A_317] : memref<100000x2048xf32, #tpu.memory_space<hbm>> -> memref<1x16xf32, #tpu.memory_space<hbm>>
      %dma_start3A_3105 = tpu.memref_squeeze %dma_start3A_3104 : memref<1x16xf32, #tpu.memory_space<hbm>> -> memref<16xf32, #tpu.memory_space<hbm>>
      %dma_start3A_3106 = tpu.memref_slice %arg3[%select_n3A_287, %mul3A_317] : memref<100000x2048xf32, #tpu.memory_space<hbm>> -> memref<1x16xf32, #tpu.memory_space<hbm>>
      %dma_start3A_3107 = tpu.memref_squeeze %dma_start3A_3106 : memref<1x16xf32, #tpu.memory_space<hbm>> -> memref<16xf32, #tpu.memory_space<hbm>>
      tpu.enqueue_dma source(%dma_start3A_3107 : memref<16xf32, #tpu.memory_space<hbm>>) target(%arg7 : memref<16xf32, #tpu.memory_space<vmem>>) target_semaphore(%run_scoped3A : memref<!tpu.dma_semaphore, #tpu.memory_space<semaphore_mem>>)
      %dma_wait3A = tpu.memref_slice %arg3[%select_n3A_287, %mul3A_317] : memref<100000x2048xf32, #tpu.memory_space<hbm>> -> memref<1x16xf32, #tpu.memory_space<hbm>>
      %dma_wait3A_3108 = tpu.memref_squeeze %dma_wait3A : memref<1x16xf32, #tpu.memory_space<hbm>> -> memref<16xf32, #tpu.memory_space<hbm>>
      %dma_wait3A_3109 = tpu.memref_slice %arg3[%select_n3A_287, %mul3A_317] : memref<100000x2048xf32, #tpu.memory_space<hbm>> -> memref<1x16xf32, #tpu.memory_space<hbm>>
      %dma_wait3A_3110 = tpu.memref_squeeze %dma_wait3A_3109 : memref<1x16xf32, #tpu.memory_space<hbm>> -> memref<16xf32, #tpu.memory_space<hbm>>
      tpu.wait_dma2 semaphore(%run_scoped3A : memref<!tpu.dma_semaphore, #tpu.memory_space<semaphore_mem>>) src(%dma_wait3A_3110 : memref<16xf32, #tpu.memory_space<hbm>>) dst(%arg7 : memref<16xf32, #tpu.memory_space<vmem>>)
      tpu.yield
    }) : () -> ()
    %sub3A_318 = arith.subi %add3A_291, %mul3A_317 : i32
    %jit3A_319 = arith.constant -1 : i32
    %select_n3A_320 = arith.select %ge3A_285, %sub3A_318, %jit3A_319 : i32
    %eq3A_321 = vector.broadcast %select_n3A_320 : i32 to vector<16xi32>
    %eq3A_322 = arith.cmpi eq, %iota3A, %eq3A_321 : vector<16xi32>
    %get3A_323 = arith.constant 0 : index
    %get3A_324 = tpu.vector_load %arg7[%get3A_323] {strides = array<i32>} : memref<16xf32, #tpu.memory_space<vmem>>, vector<16xf32>,
    %get3A_325 = vector.shape_cast %get3A_324 : vector<16xf32> to vector<16xf32>
    %jit3A_326 = arith.constant 0.000000e+00 : f32
    %broadcast_in_dim3A_327 = vector.broadcast %jit3A_326 : f32 to vector<16xf32>
    %select_n3A_328 = arith.select %eq3A_322, %get3A_325, %broadcast_in_dim3A_327 : vector<16xi1>, vector<16xf32>
    %add3A_329 = arith.addf %add3A_281, %select_n3A_328 : vector<16xf32>
    %slice3A_330 = vector.extract_strided_slice %get3A_5 {offsets = [7], sizes = [1], strides = [1]} : vector<16xi32> to vector<1xi32>
    %squeeze3A_331 = vector.extract %slice3A_330[0] : i32 from vector<1xi32>
    %ge3A_332 = arith.constant 69280 : i32
    %ge3A_333 = arith.cmpi sge, %squeeze3A_331, %ge3A_332 : i32
    %jit3A_334 = arith.constant 69280 : i32
    %select_n3A_335 = arith.select %ge3A_333, %squeeze3A_331, %jit3A_334 : i32
    %add3A_336 = arith.constant 0 : i32
    %add3A_337 = arith.addi %mul3A_2, %add3A_336 : i32
    %add3A_338 = arith.constant 7 : i32
    %add3A_339 = arith.addi %add3A_337, %add3A_338 : i32
    %jit3A_340 = arith.constant 16 : i32
    %div3A_341 = arith.divsi %add3A_339, %jit3A_340 : i32
    %sign3A_342 = arith.constant 0 : i32
    %sign3A_343 = arith.cmpi sgt, %add3A_339, %sign3A_342 : i32
    %sign3A_344 = arith.extui %sign3A_343 : i1 to i32
    %sign3A_345 = arith.constant 0 : i32
    %sign3A_346 = arith.cmpi slt, %add3A_339, %sign3A_345 : i32
    %sign3A_347 = arith.extui %sign3A_346 : i1 to i32
    %sign3A_348 = arith.subi %sign3A_344, %sign3A_347 : i32
    %sign3A_349 = arith.constant 0 : i32
    %sign3A_350 = arith.cmpi sgt, %jit3A_340, %sign3A_349 : i32
    %sign3A_351 = arith.extui %sign3A_350 : i1 to i32
    %sign3A_352 = arith.constant 0 : i32
    %sign3A_353 = arith.cmpi slt, %jit3A_340, %sign3A_352 : i32
    %sign3A_354 = arith.extui %sign3A_353 : i1 to i32
    %sign3A_355 = arith.subi %sign3A_351, %sign3A_354 : i32
    %ne3A_356 = arith.cmpi ne, %sign3A_348, %sign3A_355 : i32
    %rem3A_357 = arith.remsi %add3A_339, %jit3A_340 : i32
    %ne3A_358 = arith.constant 0 : i32
    %ne3A_359 = arith.cmpi ne, %rem3A_357, %ne3A_358 : i32
    %and3A_360 = arith.andi %ne3A_356, %ne3A_359 : i1
    %sub3A_361 = arith.constant 1 : i32
    %sub3A_362 = arith.subi %div3A_341, %sub3A_361 : i32
    %select_n3A_363 = arith.select %and3A_360, %sub3A_362, %div3A_341 : i32
    %mul3A_364 = arith.constant 16 : i32
    %mul3A_365 = arith.muli %select_n3A_363, %mul3A_364 : i32
    "tpu.region"() ({
      %run_scoped3A = tpu.sem_alloc : memref<!tpu.dma_semaphore, #tpu.memory_space<semaphore_mem>>
      %dma_start3A_3104 = tpu.memref_slice %arg3[%select_n3A_335, %mul3A_365] : memref<100000x2048xf32, #tpu.memory_space<hbm>> -> memref<1x16xf32, #tpu.memory_space<hbm>>
      %dma_start3A_3105 = tpu.memref_squeeze %dma_start3A_3104 : memref<1x16xf32, #tpu.memory_space<hbm>> -> memref<16xf32, #tpu.memory_space<hbm>>
      %dma_start3A_3106 = tpu.memref_slice %arg3[%select_n3A_335, %mul3A_365] : memref<100000x2048xf32, #tpu.memory_space<hbm>> -> memref<1x16xf32, #tpu.memory_space<hbm>>
      %dma_start3A_3107 = tpu.memref_squeeze %dma_start3A_3106 : memref<1x16xf32, #tpu.memory_space<hbm>> -> memref<16xf32, #tpu.memory_space<hbm>>
      tpu.enqueue_dma source(%dma_start3A_3107 : memref<16xf32, #tpu.memory_space<hbm>>) target(%arg7 : memref<16xf32, #tpu.memory_space<vmem>>) target_semaphore(%run_scoped3A : memref<!tpu.dma_semaphore, #tpu.memory_space<semaphore_mem>>)
      %dma_wait3A = tpu.memref_slice %arg3[%select_n3A_335, %mul3A_365] : memref<100000x2048xf32, #tpu.memory_space<hbm>> -> memref<1x16xf32, #tpu.memory_space<hbm>>
      %dma_wait3A_3108 = tpu.memref_squeeze %dma_wait3A : memref<1x16xf32, #tpu.memory_space<hbm>> -> memref<16xf32, #tpu.memory_space<hbm>>
      %dma_wait3A_3109 = tpu.memref_slice %arg3[%select_n3A_335, %mul3A_365] : memref<100000x2048xf32, #tpu.memory_space<hbm>> -> memref<1x16xf32, #tpu.memory_space<hbm>>
      %dma_wait3A_3110 = tpu.memref_squeeze %dma_wait3A_3109 : memref<1x16xf32, #tpu.memory_space<hbm>> -> memref<16xf32, #tpu.memory_space<hbm>>
      tpu.wait_dma2 semaphore(%run_scoped3A : memref<!tpu.dma_semaphore, #tpu.memory_space<semaphore_mem>>) src(%dma_wait3A_3110 : memref<16xf32, #tpu.memory_space<hbm>>) dst(%arg7 : memref<16xf32, #tpu.memory_space<vmem>>)
      tpu.yield
    }) : () -> ()
    %sub3A_366 = arith.subi %add3A_339, %mul3A_365 : i32
    %jit3A_367 = arith.constant -1 : i32
    %select_n3A_368 = arith.select %ge3A_333, %sub3A_366, %jit3A_367 : i32
    %eq3A_369 = vector.broadcast %select_n3A_368 : i32 to vector<16xi32>
    %eq3A_370 = arith.cmpi eq, %iota3A, %eq3A_369 : vector<16xi32>
    %get3A_371 = arith.constant 0 : index
    %get3A_372 = tpu.vector_load %arg7[%get3A_371] {strides = array<i32>} : memref<16xf32, #tpu.memory_space<vmem>>, vector<16xf32>,
    %get3A_373 = vector.shape_cast %get3A_372 : vector<16xf32> to vector<16xf32>
    %jit3A_374 = arith.constant 0.000000e+00 : f32
    %broadcast_in_dim3A_375 = vector.broadcast %jit3A_374 : f32 to vector<16xf32>
    %select_n3A_376 = arith.select %eq3A_370, %get3A_373, %broadcast_in_dim3A_375 : vector<16xi1>, vector<16xf32>
    %add3A_377 = arith.addf %add3A_329, %select_n3A_376 : vector<16xf32>
    %slice3A_378 = vector.extract_strided_slice %get3A_5 {offsets = [8], sizes = [1], strides = [1]} : vector<16xi32> to vector<1xi32>
    %squeeze3A_379 = vector.extract %slice3A_378[0] : i32 from vector<1xi32>
    %ge3A_380 = arith.constant 69280 : i32
    %ge3A_381 = arith.cmpi sge, %squeeze3A_379, %ge3A_380 : i32
    %jit3A_382 = arith.constant 69280 : i32
    %select_n3A_383 = arith.select %ge3A_381, %squeeze3A_379, %jit3A_382 : i32
    %add3A_384 = arith.constant 0 : i32
    %add3A_385 = arith.addi %mul3A_2, %add3A_384 : i32
    %add3A_386 = arith.constant 8 : i32
    %add3A_387 = arith.addi %add3A_385, %add3A_386 : i32
    %jit3A_388 = arith.constant 16 : i32
    %div3A_389 = arith.divsi %add3A_387, %jit3A_388 : i32
    %sign3A_390 = arith.constant 0 : i32
    %sign3A_391 = arith.cmpi sgt, %add3A_387, %sign3A_390 : i32
    %sign3A_392 = arith.extui %sign3A_391 : i1 to i32
    %sign3A_393 = arith.constant 0 : i32
    %sign3A_394 = arith.cmpi slt, %add3A_387, %sign3A_393 : i32
    %sign3A_395 = arith.extui %sign3A_394 : i1 to i32
    %sign3A_396 = arith.subi %sign3A_392, %sign3A_395 : i32
    %sign3A_397 = arith.constant 0 : i32
    %sign3A_398 = arith.cmpi sgt, %jit3A_388, %sign3A_397 : i32
    %sign3A_399 = arith.extui %sign3A_398 : i1 to i32
    %sign3A_400 = arith.constant 0 : i32
    %sign3A_401 = arith.cmpi slt, %jit3A_388, %sign3A_400 : i32
    %sign3A_402 = arith.extui %sign3A_401 : i1 to i32
    %sign3A_403 = arith.subi %sign3A_399, %sign3A_402 : i32
    %ne3A_404 = arith.cmpi ne, %sign3A_396, %sign3A_403 : i32
    %rem3A_405 = arith.remsi %add3A_387, %jit3A_388 : i32
    %ne3A_406 = arith.constant 0 : i32
    %ne3A_407 = arith.cmpi ne, %rem3A_405, %ne3A_406 : i32
    %and3A_408 = arith.andi %ne3A_404, %ne3A_407 : i1
    %sub3A_409 = arith.constant 1 : i32
    %sub3A_410 = arith.subi %div3A_389, %sub3A_409 : i32
    %select_n3A_411 = arith.select %and3A_408, %sub3A_410, %div3A_389 : i32
    %mul3A_412 = arith.constant 16 : i32
    %mul3A_413 = arith.muli %select_n3A_411, %mul3A_412 : i32
    "tpu.region"() ({
      %run_scoped3A = tpu.sem_alloc : memref<!tpu.dma_semaphore, #tpu.memory_space<semaphore_mem>>
      %dma_start3A_3104 = tpu.memref_slice %arg3[%select_n3A_383, %mul3A_413] : memref<100000x2048xf32, #tpu.memory_space<hbm>> -> memref<1x16xf32, #tpu.memory_space<hbm>>
      %dma_start3A_3105 = tpu.memref_squeeze %dma_start3A_3104 : memref<1x16xf32, #tpu.memory_space<hbm>> -> memref<16xf32, #tpu.memory_space<hbm>>
      %dma_start3A_3106 = tpu.memref_slice %arg3[%select_n3A_383, %mul3A_413] : memref<100000x2048xf32, #tpu.memory_space<hbm>> -> memref<1x16xf32, #tpu.memory_space<hbm>>
      %dma_start3A_3107 = tpu.memref_squeeze %dma_start3A_3106 : memref<1x16xf32, #tpu.memory_space<hbm>> -> memref<16xf32, #tpu.memory_space<hbm>>
      tpu.enqueue_dma source(%dma_start3A_3107 : memref<16xf32, #tpu.memory_space<hbm>>) target(%arg7 : memref<16xf32, #tpu.memory_space<vmem>>) target_semaphore(%run_scoped3A : memref<!tpu.dma_semaphore, #tpu.memory_space<semaphore_mem>>)
      %dma_wait3A = tpu.memref_slice %arg3[%select_n3A_383, %mul3A_413] : memref<100000x2048xf32, #tpu.memory_space<hbm>> -> memref<1x16xf32, #tpu.memory_space<hbm>>
      %dma_wait3A_3108 = tpu.memref_squeeze %dma_wait3A : memref<1x16xf32, #tpu.memory_space<hbm>> -> memref<16xf32, #tpu.memory_space<hbm>>
      %dma_wait3A_3109 = tpu.memref_slice %arg3[%select_n3A_383, %mul3A_413] : memref<100000x2048xf32, #tpu.memory_space<hbm>> -> memref<1x16xf32, #tpu.memory_space<hbm>>
      %dma_wait3A_3110 = tpu.memref_squeeze %dma_wait3A_3109 : memref<1x16xf32, #tpu.memory_space<hbm>> -> memref<16xf32, #tpu.memory_space<hbm>>
      tpu.wait_dma2 semaphore(%run_scoped3A : memref<!tpu.dma_semaphore, #tpu.memory_space<semaphore_mem>>) src(%dma_wait3A_3110 : memref<16xf32, #tpu.memory_space<hbm>>) dst(%arg7 : memref<16xf32, #tpu.memory_space<vmem>>)
      tpu.yield
    }) : () -> ()
    %sub3A_414 = arith.subi %add3A_387, %mul3A_413 : i32
    %jit3A_415 = arith.constant -1 : i32
    %select_n3A_416 = arith.select %ge3A_381, %sub3A_414, %jit3A_415 : i32
    %eq3A_417 = vector.broadcast %select_n3A_416 : i32 to vector<16xi32>
    %eq3A_418 = arith.cmpi eq, %iota3A, %eq3A_417 : vector<16xi32>
    %get3A_419 = arith.constant 0 : index
    %get3A_420 = tpu.vector_load %arg7[%get3A_419] {strides = array<i32>} : memref<16xf32, #tpu.memory_space<vmem>>, vector<16xf32>,
    %get3A_421 = vector.shape_cast %get3A_420 : vector<16xf32> to vector<16xf32>
    %jit3A_422 = arith.constant 0.000000e+00 : f32
    %broadcast_in_dim3A_423 = vector.broadcast %jit3A_422 : f32 to vector<16xf32>
    %select_n3A_424 = arith.select %eq3A_418, %get3A_421, %broadcast_in_dim3A_423 : vector<16xi1>, vector<16xf32>
    %add3A_425 = arith.addf %add3A_377, %select_n3A_424 : vector<16xf32>
    %slice3A_426 = vector.extract_strided_slice %get3A_5 {offsets = [9], sizes = [1], strides = [1]} : vector<16xi32> to vector<1xi32>
    %squeeze3A_427 = vector.extract %slice3A_426[0] : i32 from vector<1xi32>
    %ge3A_428 = arith.constant 69280 : i32
    %ge3A_429 = arith.cmpi sge, %squeeze3A_427, %ge3A_428 : i32
    %jit3A_430 = arith.constant 69280 : i32
    %select_n3A_431 = arith.select %ge3A_429, %squeeze3A_427, %jit3A_430 : i32
    %add3A_432 = arith.constant 0 : i32
    %add3A_433 = arith.addi %mul3A_2, %add3A_432 : i32
    %add3A_434 = arith.constant 9 : i32
    %add3A_435 = arith.addi %add3A_433, %add3A_434 : i32
    %jit3A_436 = arith.constant 16 : i32
    %div3A_437 = arith.divsi %add3A_435, %jit3A_436 : i32
    %sign3A_438 = arith.constant 0 : i32
    %sign3A_439 = arith.cmpi sgt, %add3A_435, %sign3A_438 : i32
    %sign3A_440 = arith.extui %sign3A_439 : i1 to i32
    %sign3A_441 = arith.constant 0 : i32
    %sign3A_442 = arith.cmpi slt, %add3A_435, %sign3A_441 : i32
    %sign3A_443 = arith.extui %sign3A_442 : i1 to i32
    %sign3A_444 = arith.subi %sign3A_440, %sign3A_443 : i32
    %sign3A_445 = arith.constant 0 : i32
    %sign3A_446 = arith.cmpi sgt, %jit3A_436, %sign3A_445 : i32
    %sign3A_447 = arith.extui %sign3A_446 : i1 to i32
    %sign3A_448 = arith.constant 0 : i32
    %sign3A_449 = arith.cmpi slt, %jit3A_436, %sign3A_448 : i32
    %sign3A_450 = arith.extui %sign3A_449 : i1 to i32
    %sign3A_451 = arith.subi %sign3A_447, %sign3A_450 : i32
    %ne3A_452 = arith.cmpi ne, %sign3A_444, %sign3A_451 : i32
    %rem3A_453 = arith.remsi %add3A_435, %jit3A_436 : i32
    %ne3A_454 = arith.constant 0 : i32
    %ne3A_455 = arith.cmpi ne, %rem3A_453, %ne3A_454 : i32
    %and3A_456 = arith.andi %ne3A_452, %ne3A_455 : i1
    %sub3A_457 = arith.constant 1 : i32
    %sub3A_458 = arith.subi %div3A_437, %sub3A_457 : i32
    %select_n3A_459 = arith.select %and3A_456, %sub3A_458, %div3A_437 : i32
    %mul3A_460 = arith.constant 16 : i32
    %mul3A_461 = arith.muli %select_n3A_459, %mul3A_460 : i32
    "tpu.region"() ({
      %run_scoped3A = tpu.sem_alloc : memref<!tpu.dma_semaphore, #tpu.memory_space<semaphore_mem>>
      %dma_start3A_3104 = tpu.memref_slice %arg3[%select_n3A_431, %mul3A_461] : memref<100000x2048xf32, #tpu.memory_space<hbm>> -> memref<1x16xf32, #tpu.memory_space<hbm>>
      %dma_start3A_3105 = tpu.memref_squeeze %dma_start3A_3104 : memref<1x16xf32, #tpu.memory_space<hbm>> -> memref<16xf32, #tpu.memory_space<hbm>>
      %dma_start3A_3106 = tpu.memref_slice %arg3[%select_n3A_431, %mul3A_461] : memref<100000x2048xf32, #tpu.memory_space<hbm>> -> memref<1x16xf32, #tpu.memory_space<hbm>>
      %dma_start3A_3107 = tpu.memref_squeeze %dma_start3A_3106 : memref<1x16xf32, #tpu.memory_space<hbm>> -> memref<16xf32, #tpu.memory_space<hbm>>
      tpu.enqueue_dma source(%dma_start3A_3107 : memref<16xf32, #tpu.memory_space<hbm>>) target(%arg7 : memref<16xf32, #tpu.memory_space<vmem>>) target_semaphore(%run_scoped3A : memref<!tpu.dma_semaphore, #tpu.memory_space<semaphore_mem>>)
      %dma_wait3A = tpu.memref_slice %arg3[%select_n3A_431, %mul3A_461] : memref<100000x2048xf32, #tpu.memory_space<hbm>> -> memref<1x16xf32, #tpu.memory_space<hbm>>
      %dma_wait3A_3108 = tpu.memref_squeeze %dma_wait3A : memref<1x16xf32, #tpu.memory_space<hbm>> -> memref<16xf32, #tpu.memory_space<hbm>>
      %dma_wait3A_3109 = tpu.memref_slice %arg3[%select_n3A_431, %mul3A_461] : memref<100000x2048xf32, #tpu.memory_space<hbm>> -> memref<1x16xf32, #tpu.memory_space<hbm>>
      %dma_wait3A_3110 = tpu.memref_squeeze %dma_wait3A_3109 : memref<1x16xf32, #tpu.memory_space<hbm>> -> memref<16xf32, #tpu.memory_space<hbm>>
      tpu.wait_dma2 semaphore(%run_scoped3A : memref<!tpu.dma_semaphore, #tpu.memory_space<semaphore_mem>>) src(%dma_wait3A_3110 : memref<16xf32, #tpu.memory_space<hbm>>) dst(%arg7 : memref<16xf32, #tpu.memory_space<vmem>>)
      tpu.yield
    }) : () -> ()
    %sub3A_462 = arith.subi %add3A_435, %mul3A_461 : i32
    %jit3A_463 = arith.constant -1 : i32
    %select_n3A_464 = arith.select %ge3A_429, %sub3A_462, %jit3A_463 : i32
    %eq3A_465 = vector.broadcast %select_n3A_464 : i32 to vector<16xi32>
    %eq3A_466 = arith.cmpi eq, %iota3A, %eq3A_465 : vector<16xi32>
    %get3A_467 = arith.constant 0 : index
    %get3A_468 = tpu.vector_load %arg7[%get3A_467] {strides = array<i32>} : memref<16xf32, #tpu.memory_space<vmem>>, vector<16xf32>,
    %get3A_469 = vector.shape_cast %get3A_468 : vector<16xf32> to vector<16xf32>
    %jit3A_470 = arith.constant 0.000000e+00 : f32
    %broadcast_in_dim3A_471 = vector.broadcast %jit3A_470 : f32 to vector<16xf32>
    %select_n3A_472 = arith.select %eq3A_466, %get3A_469, %broadcast_in_dim3A_471 : vector<16xi1>, vector<16xf32>
    %add3A_473 = arith.addf %add3A_425, %select_n3A_472 : vector<16xf32>
    %slice3A_474 = vector.extract_strided_slice %get3A_5 {offsets = [10], sizes = [1], strides = [1]} : vector<16xi32> to vector<1xi32>
    %squeeze3A_475 = vector.extract %slice3A_474[0] : i32 from vector<1xi32>
    %ge3A_476 = arith.constant 69280 : i32
    %ge3A_477 = arith.cmpi sge, %squeeze3A_475, %ge3A_476 : i32
    %jit3A_478 = arith.constant 69280 : i32
    %select_n3A_479 = arith.select %ge3A_477, %squeeze3A_475, %jit3A_478 : i32
    %add3A_480 = arith.constant 0 : i32
    %add3A_481 = arith.addi %mul3A_2, %add3A_480 : i32
    %add3A_482 = arith.constant 10 : i32
    %add3A_483 = arith.addi %add3A_481, %add3A_482 : i32
    %jit3A_484 = arith.constant 16 : i32
    %div3A_485 = arith.divsi %add3A_483, %jit3A_484 : i32
    %sign3A_486 = arith.constant 0 : i32
    %sign3A_487 = arith.cmpi sgt, %add3A_483, %sign3A_486 : i32
    %sign3A_488 = arith.extui %sign3A_487 : i1 to i32
    %sign3A_489 = arith.constant 0 : i32
    %sign3A_490 = arith.cmpi slt, %add3A_483, %sign3A_489 : i32
    %sign3A_491 = arith.extui %sign3A_490 : i1 to i32
    %sign3A_492 = arith.subi %sign3A_488, %sign3A_491 : i32
    %sign3A_493 = arith.constant 0 : i32
    %sign3A_494 = arith.cmpi sgt, %jit3A_484, %sign3A_493 : i32
    %sign3A_495 = arith.extui %sign3A_494 : i1 to i32
    %sign3A_496 = arith.constant 0 : i32
    %sign3A_497 = arith.cmpi slt, %jit3A_484, %sign3A_496 : i32
    %sign3A_498 = arith.extui %sign3A_497 : i1 to i32
    %sign3A_499 = arith.subi %sign3A_495, %sign3A_498 : i32
    %ne3A_500 = arith.cmpi ne, %sign3A_492, %sign3A_499 : i32
    %rem3A_501 = arith.remsi %add3A_483, %jit3A_484 : i32
    %ne3A_502 = arith.constant 0 : i32
    %ne3A_503 = arith.cmpi ne, %rem3A_501, %ne3A_502 : i32
    %and3A_504 = arith.andi %ne3A_500, %ne3A_503 : i1
    %sub3A_505 = arith.constant 1 : i32
    %sub3A_506 = arith.subi %div3A_485, %sub3A_505 : i32
    %select_n3A_507 = arith.select %and3A_504, %sub3A_506, %div3A_485 : i32
    %mul3A_508 = arith.constant 16 : i32
    %mul3A_509 = arith.muli %select_n3A_507, %mul3A_508 : i32
    "tpu.region"() ({
      %run_scoped3A = tpu.sem_alloc : memref<!tpu.dma_semaphore, #tpu.memory_space<semaphore_mem>>
      %dma_start3A_3104 = tpu.memref_slice %arg3[%select_n3A_479, %mul3A_509] : memref<100000x2048xf32, #tpu.memory_space<hbm>> -> memref<1x16xf32, #tpu.memory_space<hbm>>
      %dma_start3A_3105 = tpu.memref_squeeze %dma_start3A_3104 : memref<1x16xf32, #tpu.memory_space<hbm>> -> memref<16xf32, #tpu.memory_space<hbm>>
      %dma_start3A_3106 = tpu.memref_slice %arg3[%select_n3A_479, %mul3A_509] : memref<100000x2048xf32, #tpu.memory_space<hbm>> -> memref<1x16xf32, #tpu.memory_space<hbm>>
      %dma_start3A_3107 = tpu.memref_squeeze %dma_start3A_3106 : memref<1x16xf32, #tpu.memory_space<hbm>> -> memref<16xf32, #tpu.memory_space<hbm>>
      tpu.enqueue_dma source(%dma_start3A_3107 : memref<16xf32, #tpu.memory_space<hbm>>) target(%arg7 : memref<16xf32, #tpu.memory_space<vmem>>) target_semaphore(%run_scoped3A : memref<!tpu.dma_semaphore, #tpu.memory_space<semaphore_mem>>)
      %dma_wait3A = tpu.memref_slice %arg3[%select_n3A_479, %mul3A_509] : memref<100000x2048xf32, #tpu.memory_space<hbm>> -> memref<1x16xf32, #tpu.memory_space<hbm>>
      %dma_wait3A_3108 = tpu.memref_squeeze %dma_wait3A : memref<1x16xf32, #tpu.memory_space<hbm>> -> memref<16xf32, #tpu.memory_space<hbm>>
      %dma_wait3A_3109 = tpu.memref_slice %arg3[%select_n3A_479, %mul3A_509] : memref<100000x2048xf32, #tpu.memory_space<hbm>> -> memref<1x16xf32, #tpu.memory_space<hbm>>
      %dma_wait3A_3110 = tpu.memref_squeeze %dma_wait3A_3109 : memref<1x16xf32, #tpu.memory_space<hbm>> -> memref<16xf32, #tpu.memory_space<hbm>>
      tpu.wait_dma2 semaphore(%run_scoped3A : memref<!tpu.dma_semaphore, #tpu.memory_space<semaphore_mem>>) src(%dma_wait3A_3110 : memref<16xf32, #tpu.memory_space<hbm>>) dst(%arg7 : memref<16xf32, #tpu.memory_space<vmem>>)
      tpu.yield
    }) : () -> ()
    %sub3A_510 = arith.subi %add3A_483, %mul3A_509 : i32
    %jit3A_511 = arith.constant -1 : i32
    %select_n3A_512 = arith.select %ge3A_477, %sub3A_510, %jit3A_511 : i32
    %eq3A_513 = vector.broadcast %select_n3A_512 : i32 to vector<16xi32>
    %eq3A_514 = arith.cmpi eq, %iota3A, %eq3A_513 : vector<16xi32>
    %get3A_515 = arith.constant 0 : index
    %get3A_516 = tpu.vector_load %arg7[%get3A_515] {strides = array<i32>} : memref<16xf32, #tpu.memory_space<vmem>>, vector<16xf32>,
    %get3A_517 = vector.shape_cast %get3A_516 : vector<16xf32> to vector<16xf32>
    %jit3A_518 = arith.constant 0.000000e+00 : f32
    %broadcast_in_dim3A_519 = vector.broadcast %jit3A_518 : f32 to vector<16xf32>
    %select_n3A_520 = arith.select %eq3A_514, %get3A_517, %broadcast_in_dim3A_519 : vector<16xi1>, vector<16xf32>
    %add3A_521 = arith.addf %add3A_473, %select_n3A_520 : vector<16xf32>
    %slice3A_522 = vector.extract_strided_slice %get3A_5 {offsets = [11], sizes = [1], strides = [1]} : vector<16xi32> to vector<1xi32>
    %squeeze3A_523 = vector.extract %slice3A_522[0] : i32 from vector<1xi32>
    %ge3A_524 = arith.constant 69280 : i32
    %ge3A_525 = arith.cmpi sge, %squeeze3A_523, %ge3A_524 : i32
    %jit3A_526 = arith.constant 69280 : i32
    %select_n3A_527 = arith.select %ge3A_525, %squeeze3A_523, %jit3A_526 : i32
    %add3A_528 = arith.constant 0 : i32
    %add3A_529 = arith.addi %mul3A_2, %add3A_528 : i32
    %add3A_530 = arith.constant 11 : i32
    %add3A_531 = arith.addi %add3A_529, %add3A_530 : i32
    %jit3A_532 = arith.constant 16 : i32
    %div3A_533 = arith.divsi %add3A_531, %jit3A_532 : i32
    %sign3A_534 = arith.constant 0 : i32
    %sign3A_535 = arith.cmpi sgt, %add3A_531, %sign3A_534 : i32
    %sign3A_536 = arith.extui %sign3A_535 : i1 to i32
    %sign3A_537 = arith.constant 0 : i32
    %sign3A_538 = arith.cmpi slt, %add3A_531, %sign3A_537 : i32
    %sign3A_539 = arith.extui %sign3A_538 : i1 to i32
    %sign3A_540 = arith.subi %sign3A_536, %sign3A_539 : i32
    %sign3A_541 = arith.constant 0 : i32
    %sign3A_542 = arith.cmpi sgt, %jit3A_532, %sign3A_541 : i32
    %sign3A_543 = arith.extui %sign3A_542 : i1 to i32
    %sign3A_544 = arith.constant 0 : i32
    %sign3A_545 = arith.cmpi slt, %jit3A_532, %sign3A_544 : i32
    %sign3A_546 = arith.extui %sign3A_545 : i1 to i32
    %sign3A_547 = arith.subi %sign3A_543, %sign3A_546 : i32
    %ne3A_548 = arith.cmpi ne, %sign3A_540, %sign3A_547 : i32
    %rem3A_549 = arith.remsi %add3A_531, %jit3A_532 : i32
    %ne3A_550 = arith.constant 0 : i32
    %ne3A_551 = arith.cmpi ne, %rem3A_549, %ne3A_550 : i32
    %and3A_552 = arith.andi %ne3A_548, %ne3A_551 : i1
    %sub3A_553 = arith.constant 1 : i32
    %sub3A_554 = arith.subi %div3A_533, %sub3A_553 : i32
    %select_n3A_555 = arith.select %and3A_552, %sub3A_554, %div3A_533 : i32
    %mul3A_556 = arith.constant 16 : i32
    %mul3A_557 = arith.muli %select_n3A_555, %mul3A_556 : i32
    "tpu.region"() ({
      %run_scoped3A = tpu.sem_alloc : memref<!tpu.dma_semaphore, #tpu.memory_space<semaphore_mem>>
      %dma_start3A_3104 = tpu.memref_slice %arg3[%select_n3A_527, %mul3A_557] : memref<100000x2048xf32, #tpu.memory_space<hbm>> -> memref<1x16xf32, #tpu.memory_space<hbm>>
      %dma_start3A_3105 = tpu.memref_squeeze %dma_start3A_3104 : memref<1x16xf32, #tpu.memory_space<hbm>> -> memref<16xf32, #tpu.memory_space<hbm>>
      %dma_start3A_3106 = tpu.memref_slice %arg3[%select_n3A_527, %mul3A_557] : memref<100000x2048xf32, #tpu.memory_space<hbm>> -> memref<1x16xf32, #tpu.memory_space<hbm>>
      %dma_start3A_3107 = tpu.memref_squeeze %dma_start3A_3106 : memref<1x16xf32, #tpu.memory_space<hbm>> -> memref<16xf32, #tpu.memory_space<hbm>>
      tpu.enqueue_dma source(%dma_start3A_3107 : memref<16xf32, #tpu.memory_space<hbm>>) target(%arg7 : memref<16xf32, #tpu.memory_space<vmem>>) target_semaphore(%run_scoped3A : memref<!tpu.dma_semaphore, #tpu.memory_space<semaphore_mem>>)
      %dma_wait3A = tpu.memref_slice %arg3[%select_n3A_527, %mul3A_557] : memref<100000x2048xf32, #tpu.memory_space<hbm>> -> memref<1x16xf32, #tpu.memory_space<hbm>>
      %dma_wait3A_3108 = tpu.memref_squeeze %dma_wait3A : memref<1x16xf32, #tpu.memory_space<hbm>> -> memref<16xf32, #tpu.memory_space<hbm>>
      %dma_wait3A_3109 = tpu.memref_slice %arg3[%select_n3A_527, %mul3A_557] : memref<100000x2048xf32, #tpu.memory_space<hbm>> -> memref<1x16xf32, #tpu.memory_space<hbm>>
      %dma_wait3A_3110 = tpu.memref_squeeze %dma_wait3A_3109 : memref<1x16xf32, #tpu.memory_space<hbm>> -> memref<16xf32, #tpu.memory_space<hbm>>
      tpu.wait_dma2 semaphore(%run_scoped3A : memref<!tpu.dma_semaphore, #tpu.memory_space<semaphore_mem>>) src(%dma_wait3A_3110 : memref<16xf32, #tpu.memory_space<hbm>>) dst(%arg7 : memref<16xf32, #tpu.memory_space<vmem>>)
      tpu.yield
    }) : () -> ()
    %sub3A_558 = arith.subi %add3A_531, %mul3A_557 : i32
    %jit3A_559 = arith.constant -1 : i32
    %select_n3A_560 = arith.select %ge3A_525, %sub3A_558, %jit3A_559 : i32
    %eq3A_561 = vector.broadcast %select_n3A_560 : i32 to vector<16xi32>
    %eq3A_562 = arith.cmpi eq, %iota3A, %eq3A_561 : vector<16xi32>
    %get3A_563 = arith.constant 0 : index
    %get3A_564 = tpu.vector_load %arg7[%get3A_563] {strides = array<i32>} : memref<16xf32, #tpu.memory_space<vmem>>, vector<16xf32>,
    %get3A_565 = vector.shape_cast %get3A_564 : vector<16xf32> to vector<16xf32>
    %jit3A_566 = arith.constant 0.000000e+00 : f32
    %broadcast_in_dim3A_567 = vector.broadcast %jit3A_566 : f32 to vector<16xf32>
    %select_n3A_568 = arith.select %eq3A_562, %get3A_565, %broadcast_in_dim3A_567 : vector<16xi1>, vector<16xf32>
    %add3A_569 = arith.addf %add3A_521, %select_n3A_568 : vector<16xf32>
    %slice3A_570 = vector.extract_strided_slice %get3A_5 {offsets = [12], sizes = [1], strides = [1]} : vector<16xi32> to vector<1xi32>
    %squeeze3A_571 = vector.extract %slice3A_570[0] : i32 from vector<1xi32>
    %ge3A_572 = arith.constant 69280 : i32
    %ge3A_573 = arith.cmpi sge, %squeeze3A_571, %ge3A_572 : i32
    %jit3A_574 = arith.constant 69280 : i32
    %select_n3A_575 = arith.select %ge3A_573, %squeeze3A_571, %jit3A_574 : i32
    %add3A_576 = arith.constant 0 : i32
    %add3A_577 = arith.addi %mul3A_2, %add3A_576 : i32
    %add3A_578 = arith.constant 12 : i32
    %add3A_579 = arith.addi %add3A_577, %add3A_578 : i32
    %jit3A_580 = arith.constant 16 : i32
    %div3A_581 = arith.divsi %add3A_579, %jit3A_580 : i32
    %sign3A_582 = arith.constant 0 : i32
    %sign3A_583 = arith.cmpi sgt, %add3A_579, %sign3A_582 : i32
    %sign3A_584 = arith.extui %sign3A_583 : i1 to i32
    %sign3A_585 = arith.constant 0 : i32
    %sign3A_586 = arith.cmpi slt, %add3A_579, %sign3A_585 : i32
    %sign3A_587 = arith.extui %sign3A_586 : i1 to i32
    %sign3A_588 = arith.subi %sign3A_584, %sign3A_587 : i32
    %sign3A_589 = arith.constant 0 : i32
    %sign3A_590 = arith.cmpi sgt, %jit3A_580, %sign3A_589 : i32
    %sign3A_591 = arith.extui %sign3A_590 : i1 to i32
    %sign3A_592 = arith.constant 0 : i32
    %sign3A_593 = arith.cmpi slt, %jit3A_580, %sign3A_592 : i32
    %sign3A_594 = arith.extui %sign3A_593 : i1 to i32
    %sign3A_595 = arith.subi %sign3A_591, %sign3A_594 : i32
    %ne3A_596 = arith.cmpi ne, %sign3A_588, %sign3A_595 : i32
    %rem3A_597 = arith.remsi %add3A_579, %jit3A_580 : i32
    %ne3A_598 = arith.constant 0 : i32
    %ne3A_599 = arith.cmpi ne, %rem3A_597, %ne3A_598 : i32
    %and3A_600 = arith.andi %ne3A_596, %ne3A_599 : i1
    %sub3A_601 = arith.constant 1 : i32
    %sub3A_602 = arith.subi %div3A_581, %sub3A_601 : i32
    %select_n3A_603 = arith.select %and3A_600, %sub3A_602, %div3A_581 : i32
    %mul3A_604 = arith.constant 16 : i32
    %mul3A_605 = arith.muli %select_n3A_603, %mul3A_604 : i32
    "tpu.region"() ({
      %run_scoped3A = tpu.sem_alloc : memref<!tpu.dma_semaphore, #tpu.memory_space<semaphore_mem>>
      %dma_start3A_3104 = tpu.memref_slice %arg3[%select_n3A_575, %mul3A_605] : memref<100000x2048xf32, #tpu.memory_space<hbm>> -> memref<1x16xf32, #tpu.memory_space<hbm>>
      %dma_start3A_3105 = tpu.memref_squeeze %dma_start3A_3104 : memref<1x16xf32, #tpu.memory_space<hbm>> -> memref<16xf32, #tpu.memory_space<hbm>>
      %dma_start3A_3106 = tpu.memref_slice %arg3[%select_n3A_575, %mul3A_605] : memref<100000x2048xf32, #tpu.memory_space<hbm>> -> memref<1x16xf32, #tpu.memory_space<hbm>>
      %dma_start3A_3107 = tpu.memref_squeeze %dma_start3A_3106 : memref<1x16xf32, #tpu.memory_space<hbm>> -> memref<16xf32, #tpu.memory_space<hbm>>
      tpu.enqueue_dma source(%dma_start3A_3107 : memref<16xf32, #tpu.memory_space<hbm>>) target(%arg7 : memref<16xf32, #tpu.memory_space<vmem>>) target_semaphore(%run_scoped3A : memref<!tpu.dma_semaphore, #tpu.memory_space<semaphore_mem>>)
      %dma_wait3A = tpu.memref_slice %arg3[%select_n3A_575, %mul3A_605] : memref<100000x2048xf32, #tpu.memory_space<hbm>> -> memref<1x16xf32, #tpu.memory_space<hbm>>
      %dma_wait3A_3108 = tpu.memref_squeeze %dma_wait3A : memref<1x16xf32, #tpu.memory_space<hbm>> -> memref<16xf32, #tpu.memory_space<hbm>>
      %dma_wait3A_3109 = tpu.memref_slice %arg3[%select_n3A_575, %mul3A_605] : memref<100000x2048xf32, #tpu.memory_space<hbm>> -> memref<1x16xf32, #tpu.memory_space<hbm>>
      %dma_wait3A_3110 = tpu.memref_squeeze %dma_wait3A_3109 : memref<1x16xf32, #tpu.memory_space<hbm>> -> memref<16xf32, #tpu.memory_space<hbm>>
      tpu.wait_dma2 semaphore(%run_scoped3A : memref<!tpu.dma_semaphore, #tpu.memory_space<semaphore_mem>>) src(%dma_wait3A_3110 : memref<16xf32, #tpu.memory_space<hbm>>) dst(%arg7 : memref<16xf32, #tpu.memory_space<vmem>>)
      tpu.yield
    }) : () -> ()
    %sub3A_606 = arith.subi %add3A_579, %mul3A_605 : i32
    %jit3A_607 = arith.constant -1 : i32
    %select_n3A_608 = arith.select %ge3A_573, %sub3A_606, %jit3A_607 : i32
    %eq3A_609 = vector.broadcast %select_n3A_608 : i32 to vector<16xi32>
    %eq3A_610 = arith.cmpi eq, %iota3A, %eq3A_609 : vector<16xi32>
    %get3A_611 = arith.constant 0 : index
    %get3A_612 = tpu.vector_load %arg7[%get3A_611] {strides = array<i32>} : memref<16xf32, #tpu.memory_space<vmem>>, vector<16xf32>,
    %get3A_613 = vector.shape_cast %get3A_612 : vector<16xf32> to vector<16xf32>
    %jit3A_614 = arith.constant 0.000000e+00 : f32
    %broadcast_in_dim3A_615 = vector.broadcast %jit3A_614 : f32 to vector<16xf32>
    %select_n3A_616 = arith.select %eq3A_610, %get3A_613, %broadcast_in_dim3A_615 : vector<16xi1>, vector<16xf32>
    %add3A_617 = arith.addf %add3A_569, %select_n3A_616 : vector<16xf32>
    %slice3A_618 = vector.extract_strided_slice %get3A_5 {offsets = [13], sizes = [1], strides = [1]} : vector<16xi32> to vector<1xi32>
    %squeeze3A_619 = vector.extract %slice3A_618[0] : i32 from vector<1xi32>
    %ge3A_620 = arith.constant 69280 : i32
    %ge3A_621 = arith.cmpi sge, %squeeze3A_619, %ge3A_620 : i32
    %jit3A_622 = arith.constant 69280 : i32
    %select_n3A_623 = arith.select %ge3A_621, %squeeze3A_619, %jit3A_622 : i32
    %add3A_624 = arith.constant 0 : i32
    %add3A_625 = arith.addi %mul3A_2, %add3A_624 : i32
    %add3A_626 = arith.constant 13 : i32
    %add3A_627 = arith.addi %add3A_625, %add3A_626 : i32
    %jit3A_628 = arith.constant 16 : i32
    %div3A_629 = arith.divsi %add3A_627, %jit3A_628 : i32
    %sign3A_630 = arith.constant 0 : i32
    %sign3A_631 = arith.cmpi sgt, %add3A_627, %sign3A_630 : i32
    %sign3A_632 = arith.extui %sign3A_631 : i1 to i32
    %sign3A_633 = arith.constant 0 : i32
    %sign3A_634 = arith.cmpi slt, %add3A_627, %sign3A_633 : i32
    %sign3A_635 = arith.extui %sign3A_634 : i1 to i32
    %sign3A_636 = arith.subi %sign3A_632, %sign3A_635 : i32
    %sign3A_637 = arith.constant 0 : i32
    %sign3A_638 = arith.cmpi sgt, %jit3A_628, %sign3A_637 : i32
    %sign3A_639 = arith.extui %sign3A_638 : i1 to i32
    %sign3A_640 = arith.constant 0 : i32
    %sign3A_641 = arith.cmpi slt, %jit3A_628, %sign3A_640 : i32
    %sign3A_642 = arith.extui %sign3A_641 : i1 to i32
    %sign3A_643 = arith.subi %sign3A_639, %sign3A_642 : i32
    %ne3A_644 = arith.cmpi ne, %sign3A_636, %sign3A_643 : i32
    %rem3A_645 = arith.remsi %add3A_627, %jit3A_628 : i32
    %ne3A_646 = arith.constant 0 : i32
    %ne3A_647 = arith.cmpi ne, %rem3A_645, %ne3A_646 : i32
    %and3A_648 = arith.andi %ne3A_644, %ne3A_647 : i1
    %sub3A_649 = arith.constant 1 : i32
    %sub3A_650 = arith.subi %div3A_629, %sub3A_649 : i32
    %select_n3A_651 = arith.select %and3A_648, %sub3A_650, %div3A_629 : i32
    %mul3A_652 = arith.constant 16 : i32
    %mul3A_653 = arith.muli %select_n3A_651, %mul3A_652 : i32
    "tpu.region"() ({
      %run_scoped3A = tpu.sem_alloc : memref<!tpu.dma_semaphore, #tpu.memory_space<semaphore_mem>>
      %dma_start3A_3104 = tpu.memref_slice %arg3[%select_n3A_623, %mul3A_653] : memref<100000x2048xf32, #tpu.memory_space<hbm>> -> memref<1x16xf32, #tpu.memory_space<hbm>>
      %dma_start3A_3105 = tpu.memref_squeeze %dma_start3A_3104 : memref<1x16xf32, #tpu.memory_space<hbm>> -> memref<16xf32, #tpu.memory_space<hbm>>
      %dma_start3A_3106 = tpu.memref_slice %arg3[%select_n3A_623, %mul3A_653] : memref<100000x2048xf32, #tpu.memory_space<hbm>> -> memref<1x16xf32, #tpu.memory_space<hbm>>
      %dma_start3A_3107 = tpu.memref_squeeze %dma_start3A_3106 : memref<1x16xf32, #tpu.memory_space<hbm>> -> memref<16xf32, #tpu.memory_space<hbm>>
      tpu.enqueue_dma source(%dma_start3A_3107 : memref<16xf32, #tpu.memory_space<hbm>>) target(%arg7 : memref<16xf32, #tpu.memory_space<vmem>>) target_semaphore(%run_scoped3A : memref<!tpu.dma_semaphore, #tpu.memory_space<semaphore_mem>>)
      %dma_wait3A = tpu.memref_slice %arg3[%select_n3A_623, %mul3A_653] : memref<100000x2048xf32, #tpu.memory_space<hbm>> -> memref<1x16xf32, #tpu.memory_space<hbm>>
      %dma_wait3A_3108 = tpu.memref_squeeze %dma_wait3A : memref<1x16xf32, #tpu.memory_space<hbm>> -> memref<16xf32, #tpu.memory_space<hbm>>
      %dma_wait3A_3109 = tpu.memref_slice %arg3[%select_n3A_623, %mul3A_653] : memref<100000x2048xf32, #tpu.memory_space<hbm>> -> memref<1x16xf32, #tpu.memory_space<hbm>>
      %dma_wait3A_3110 = tpu.memref_squeeze %dma_wait3A_3109 : memref<1x16xf32, #tpu.memory_space<hbm>> -> memref<16xf32, #tpu.memory_space<hbm>>
      tpu.wait_dma2 semaphore(%run_scoped3A : memref<!tpu.dma_semaphore, #tpu.memory_space<semaphore_mem>>) src(%dma_wait3A_3110 : memref<16xf32, #tpu.memory_space<hbm>>) dst(%arg7 : memref<16xf32, #tpu.memory_space<vmem>>)
      tpu.yield
    }) : () -> ()
    %sub3A_654 = arith.subi %add3A_627, %mul3A_653 : i32
    %jit3A_655 = arith.constant -1 : i32
    %select_n3A_656 = arith.select %ge3A_621, %sub3A_654, %jit3A_655 : i32
    %eq3A_657 = vector.broadcast %select_n3A_656 : i32 to vector<16xi32>
    %eq3A_658 = arith.cmpi eq, %iota3A, %eq3A_657 : vector<16xi32>
    %get3A_659 = arith.constant 0 : index
    %get3A_660 = tpu.vector_load %arg7[%get3A_659] {strides = array<i32>} : memref<16xf32, #tpu.memory_space<vmem>>, vector<16xf32>,
    %get3A_661 = vector.shape_cast %get3A_660 : vector<16xf32> to vector<16xf32>
    %jit3A_662 = arith.constant 0.000000e+00 : f32
    %broadcast_in_dim3A_663 = vector.broadcast %jit3A_662 : f32 to vector<16xf32>
    %select_n3A_664 = arith.select %eq3A_658, %get3A_661, %broadcast_in_dim3A_663 : vector<16xi1>, vector<16xf32>
    %add3A_665 = arith.addf %add3A_617, %select_n3A_664 : vector<16xf32>
    %slice3A_666 = vector.extract_strided_slice %get3A_5 {offsets = [14], sizes = [1], strides = [1]} : vector<16xi32> to vector<1xi32>
    %squeeze3A_667 = vector.extract %slice3A_666[0] : i32 from vector<1xi32>
    %ge3A_668 = arith.constant 69280 : i32
    %ge3A_669 = arith.cmpi sge, %squeeze3A_667, %ge3A_668 : i32
    %jit3A_670 = arith.constant 69280 : i32
    %select_n3A_671 = arith.select %ge3A_669, %squeeze3A_667, %jit3A_670 : i32
    %add3A_672 = arith.constant 0 : i32
    %add3A_673 = arith.addi %mul3A_2, %add3A_672 : i32
    %add3A_674 = arith.constant 14 : i32
    %add3A_675 = arith.addi %add3A_673, %add3A_674 : i32
    %jit3A_676 = arith.constant 16 : i32
    %div3A_677 = arith.divsi %add3A_675, %jit3A_676 : i32
    %sign3A_678 = arith.constant 0 : i32
    %sign3A_679 = arith.cmpi sgt, %add3A_675, %sign3A_678 : i32
    %sign3A_680 = arith.extui %sign3A_679 : i1 to i32
    %sign3A_681 = arith.constant 0 : i32
    %sign3A_682 = arith.cmpi slt, %add3A_675, %sign3A_681 : i32
    %sign3A_683 = arith.extui %sign3A_682 : i1 to i32
    %sign3A_684 = arith.subi %sign3A_680, %sign3A_683 : i32
    %sign3A_685 = arith.constant 0 : i32
    %sign3A_686 = arith.cmpi sgt, %jit3A_676, %sign3A_685 : i32
    %sign3A_687 = arith.extui %sign3A_686 : i1 to i32
    %sign3A_688 = arith.constant 0 : i32
    %sign3A_689 = arith.cmpi slt, %jit3A_676, %sign3A_688 : i32
    %sign3A_690 = arith.extui %sign3A_689 : i1 to i32
    %sign3A_691 = arith.subi %sign3A_687, %sign3A_690 : i32
    %ne3A_692 = arith.cmpi ne, %sign3A_684, %sign3A_691 : i32
    %rem3A_693 = arith.remsi %add3A_675, %jit3A_676 : i32
    %ne3A_694 = arith.constant 0 : i32
    %ne3A_695 = arith.cmpi ne, %rem3A_693, %ne3A_694 : i32
    %and3A_696 = arith.andi %ne3A_692, %ne3A_695 : i1
    %sub3A_697 = arith.constant 1 : i32
    %sub3A_698 = arith.subi %div3A_677, %sub3A_697 : i32
    %select_n3A_699 = arith.select %and3A_696, %sub3A_698, %div3A_677 : i32
    %mul3A_700 = arith.constant 16 : i32
    %mul3A_701 = arith.muli %select_n3A_699, %mul3A_700 : i32
    "tpu.region"() ({
      %run_scoped3A = tpu.sem_alloc : memref<!tpu.dma_semaphore, #tpu.memory_space<semaphore_mem>>
      %dma_start3A_3104 = tpu.memref_slice %arg3[%select_n3A_671, %mul3A_701] : memref<100000x2048xf32, #tpu.memory_space<hbm>> -> memref<1x16xf32, #tpu.memory_space<hbm>>
      %dma_start3A_3105 = tpu.memref_squeeze %dma_start3A_3104 : memref<1x16xf32, #tpu.memory_space<hbm>> -> memref<16xf32, #tpu.memory_space<hbm>>
      %dma_start3A_3106 = tpu.memref_slice %arg3[%select_n3A_671, %mul3A_701] : memref<100000x2048xf32, #tpu.memory_space<hbm>> -> memref<1x16xf32, #tpu.memory_space<hbm>>
      %dma_start3A_3107 = tpu.memref_squeeze %dma_start3A_3106 : memref<1x16xf32, #tpu.memory_space<hbm>> -> memref<16xf32, #tpu.memory_space<hbm>>
      tpu.enqueue_dma source(%dma_start3A_3107 : memref<16xf32, #tpu.memory_space<hbm>>) target(%arg7 : memref<16xf32, #tpu.memory_space<vmem>>) target_semaphore(%run_scoped3A : memref<!tpu.dma_semaphore, #tpu.memory_space<semaphore_mem>>)
      %dma_wait3A = tpu.memref_slice %arg3[%select_n3A_671, %mul3A_701] : memref<100000x2048xf32, #tpu.memory_space<hbm>> -> memref<1x16xf32, #tpu.memory_space<hbm>>
      %dma_wait3A_3108 = tpu.memref_squeeze %dma_wait3A : memref<1x16xf32, #tpu.memory_space<hbm>> -> memref<16xf32, #tpu.memory_space<hbm>>
      %dma_wait3A_3109 = tpu.memref_slice %arg3[%select_n3A_671, %mul3A_701] : memref<100000x2048xf32, #tpu.memory_space<hbm>> -> memref<1x16xf32, #tpu.memory_space<hbm>>
      %dma_wait3A_3110 = tpu.memref_squeeze %dma_wait3A_3109 : memref<1x16xf32, #tpu.memory_space<hbm>> -> memref<16xf32, #tpu.memory_space<hbm>>
      tpu.wait_dma2 semaphore(%run_scoped3A : memref<!tpu.dma_semaphore, #tpu.memory_space<semaphore_mem>>) src(%dma_wait3A_3110 : memref<16xf32, #tpu.memory_space<hbm>>) dst(%arg7 : memref<16xf32, #tpu.memory_space<vmem>>)
      tpu.yield
    }) : () -> ()
    %sub3A_702 = arith.subi %add3A_675, %mul3A_701 : i32
    %jit3A_703 = arith.constant -1 : i32
    %select_n3A_704 = arith.select %ge3A_669, %sub3A_702, %jit3A_703 : i32
    %eq3A_705 = vector.broadcast %select_n3A_704 : i32 to vector<16xi32>
    %eq3A_706 = arith.cmpi eq, %iota3A, %eq3A_705 : vector<16xi32>
    %get3A_707 = arith.constant 0 : index
    %get3A_708 = tpu.vector_load %arg7[%get3A_707] {strides = array<i32>} : memref<16xf32, #tpu.memory_space<vmem>>, vector<16xf32>,
    %get3A_709 = vector.shape_cast %get3A_708 : vector<16xf32> to vector<16xf32>
    %jit3A_710 = arith.constant 0.000000e+00 : f32
    %broadcast_in_dim3A_711 = vector.broadcast %jit3A_710 : f32 to vector<16xf32>
    %select_n3A_712 = arith.select %eq3A_706, %get3A_709, %broadcast_in_dim3A_711 : vector<16xi1>, vector<16xf32>
    %add3A_713 = arith.addf %add3A_665, %select_n3A_712 : vector<16xf32>
    %slice3A_714 = vector.extract_strided_slice %get3A_5 {offsets = [15], sizes = [1], strides = [1]} : vector<16xi32> to vector<1xi32>
    %squeeze3A_715 = vector.extract %slice3A_714[0] : i32 from vector<1xi32>
    %ge3A_716 = arith.constant 69280 : i32
    %ge3A_717 = arith.cmpi sge, %squeeze3A_715, %ge3A_716 : i32
    %jit3A_718 = arith.constant 69280 : i32
    %select_n3A_719 = arith.select %ge3A_717, %squeeze3A_715, %jit3A_718 : i32
    %add3A_720 = arith.constant 0 : i32
    %add3A_721 = arith.addi %mul3A_2, %add3A_720 : i32
    %add3A_722 = arith.constant 15 : i32
    %add3A_723 = arith.addi %add3A_721, %add3A_722 : i32
    %jit3A_724 = arith.constant 16 : i32
    %div3A_725 = arith.divsi %add3A_723, %jit3A_724 : i32
    %sign3A_726 = arith.constant 0 : i32
    %sign3A_727 = arith.cmpi sgt, %add3A_723, %sign3A_726 : i32
    %sign3A_728 = arith.extui %sign3A_727 : i1 to i32
    %sign3A_729 = arith.constant 0 : i32
    %sign3A_730 = arith.cmpi slt, %add3A_723, %sign3A_729 : i32
    %sign3A_731 = arith.extui %sign3A_730 : i1 to i32
    %sign3A_732 = arith.subi %sign3A_728, %sign3A_731 : i32
    %sign3A_733 = arith.constant 0 : i32
    %sign3A_734 = arith.cmpi sgt, %jit3A_724, %sign3A_733 : i32
    %sign3A_735 = arith.extui %sign3A_734 : i1 to i32
    %sign3A_736 = arith.constant 0 : i32
    %sign3A_737 = arith.cmpi slt, %jit3A_724, %sign3A_736 : i32
    %sign3A_738 = arith.extui %sign3A_737 : i1 to i32
    %sign3A_739 = arith.subi %sign3A_735, %sign3A_738 : i32
    %ne3A_740 = arith.cmpi ne, %sign3A_732, %sign3A_739 : i32
    %rem3A_741 = arith.remsi %add3A_723, %jit3A_724 : i32
    %ne3A_742 = arith.constant 0 : i32
    %ne3A_743 = arith.cmpi ne, %rem3A_741, %ne3A_742 : i32
    %and3A_744 = arith.andi %ne3A_740, %ne3A_743 : i1
    %sub3A_745 = arith.constant 1 : i32
    %sub3A_746 = arith.subi %div3A_725, %sub3A_745 : i32
    %select_n3A_747 = arith.select %and3A_744, %sub3A_746, %div3A_725 : i32
    %mul3A_748 = arith.constant 16 : i32
    %mul3A_749 = arith.muli %select_n3A_747, %mul3A_748 : i32
    "tpu.region"() ({
      %run_scoped3A = tpu.sem_alloc : memref<!tpu.dma_semaphore, #tpu.memory_space<semaphore_mem>>
      %dma_start3A_3104 = tpu.memref_slice %arg3[%select_n3A_719, %mul3A_749] : memref<100000x2048xf32, #tpu.memory_space<hbm>> -> memref<1x16xf32, #tpu.memory_space<hbm>>
      %dma_start3A_3105 = tpu.memref_squeeze %dma_start3A_3104 : memref<1x16xf32, #tpu.memory_space<hbm>> -> memref<16xf32, #tpu.memory_space<hbm>>
      %dma_start3A_3106 = tpu.memref_slice %arg3[%select_n3A_719, %mul3A_749] : memref<100000x2048xf32, #tpu.memory_space<hbm>> -> memref<1x16xf32, #tpu.memory_space<hbm>>
      %dma_start3A_3107 = tpu.memref_squeeze %dma_start3A_3106 : memref<1x16xf32, #tpu.memory_space<hbm>> -> memref<16xf32, #tpu.memory_space<hbm>>
      tpu.enqueue_dma source(%dma_start3A_3107 : memref<16xf32, #tpu.memory_space<hbm>>) target(%arg7 : memref<16xf32, #tpu.memory_space<vmem>>) target_semaphore(%run_scoped3A : memref<!tpu.dma_semaphore, #tpu.memory_space<semaphore_mem>>)
      %dma_wait3A = tpu.memref_slice %arg3[%select_n3A_719, %mul3A_749] : memref<100000x2048xf32, #tpu.memory_space<hbm>> -> memref<1x16xf32, #tpu.memory_space<hbm>>
      %dma_wait3A_3108 = tpu.memref_squeeze %dma_wait3A : memref<1x16xf32, #tpu.memory_space<hbm>> -> memref<16xf32, #tpu.memory_space<hbm>>
      %dma_wait3A_3109 = tpu.memref_slice %arg3[%select_n3A_719, %mul3A_749] : memref<100000x2048xf32, #tpu.memory_space<hbm>> -> memref<1x16xf32, #tpu.memory_space<hbm>>
      %dma_wait3A_3110 = tpu.memref_squeeze %dma_wait3A_3109 : memref<1x16xf32, #tpu.memory_space<hbm>> -> memref<16xf32, #tpu.memory_space<hbm>>
      tpu.wait_dma2 semaphore(%run_scoped3A : memref<!tpu.dma_semaphore, #tpu.memory_space<semaphore_mem>>) src(%dma_wait3A_3110 : memref<16xf32, #tpu.memory_space<hbm>>) dst(%arg7 : memref<16xf32, #tpu.memory_space<vmem>>)
      tpu.yield
    }) : () -> ()
    %sub3A_750 = arith.subi %add3A_723, %mul3A_749 : i32
    %jit3A_751 = arith.constant -1 : i32
    %select_n3A_752 = arith.select %ge3A_717, %sub3A_750, %jit3A_751 : i32
    %eq3A_753 = vector.broadcast %select_n3A_752 : i32 to vector<16xi32>
    %eq3A_754 = arith.cmpi eq, %iota3A, %eq3A_753 : vector<16xi32>
    %get3A_755 = arith.constant 0 : index
    %get3A_756 = tpu.vector_load %arg7[%get3A_755] {strides = array<i32>} : memref<16xf32, #tpu.memory_space<vmem>>, vector<16xf32>,
    %get3A_757 = vector.shape_cast %get3A_756 : vector<16xf32> to vector<16xf32>
    %jit3A_758 = arith.constant 0.000000e+00 : f32
    %broadcast_in_dim3A_759 = vector.broadcast %jit3A_758 : f32 to vector<16xf32>
    %select_n3A_760 = arith.select %eq3A_754, %get3A_757, %broadcast_in_dim3A_759 : vector<16xi1>, vector<16xf32>
    %add3A_761 = arith.addf %add3A_713, %select_n3A_760 : vector<16xf32>
    %get3A_762 = arith.constant 16 : index
    %get3A_763 = tpu.vector_load %arg6[%get3A_762] {strides = array<i32>} : memref<64xi32, #tpu.memory_space<vmem>>, vector<16xi32>,
    %get3A_764 = vector.shape_cast %get3A_763 : vector<16xi32> to vector<16xi32>
    %slice3A_765 = vector.extract_strided_slice %get3A_764 {offsets = [0], sizes = [1], strides = [1]} : vector<16xi32> to vector<1xi32>
    %squeeze3A_766 = vector.extract %slice3A_765[0] : i32 from vector<1xi32>
    %ge3A_767 = arith.constant 69280 : i32
    %ge3A_768 = arith.cmpi sge, %squeeze3A_766, %ge3A_767 : i32
    %jit3A_769 = arith.constant 69280 : i32
    %select_n3A_770 = arith.select %ge3A_768, %squeeze3A_766, %jit3A_769 : i32
    %add3A_771 = arith.constant 16 : i32
    %add3A_772 = arith.addi %mul3A_2, %add3A_771 : i32
    %add3A_773 = arith.constant 0 : i32
    %add3A_774 = arith.addi %add3A_772, %add3A_773 : i32
    %jit3A_775 = arith.constant 16 : i32
    %div3A_776 = arith.divsi %add3A_774, %jit3A_775 : i32
    %sign3A_777 = arith.constant 0 : i32
    %sign3A_778 = arith.cmpi sgt, %add3A_774, %sign3A_777 : i32
    %sign3A_779 = arith.extui %sign3A_778 : i1 to i32
    %sign3A_780 = arith.constant 0 : i32
    %sign3A_781 = arith.cmpi slt, %add3A_774, %sign3A_780 : i32
    %sign3A_782 = arith.extui %sign3A_781 : i1 to i32
    %sign3A_783 = arith.subi %sign3A_779, %sign3A_782 : i32
    %sign3A_784 = arith.constant 0 : i32
    %sign3A_785 = arith.cmpi sgt, %jit3A_775, %sign3A_784 : i32
    %sign3A_786 = arith.extui %sign3A_785 : i1 to i32
    %sign3A_787 = arith.constant 0 : i32
    %sign3A_788 = arith.cmpi slt, %jit3A_775, %sign3A_787 : i32
    %sign3A_789 = arith.extui %sign3A_788 : i1 to i32
    %sign3A_790 = arith.subi %sign3A_786, %sign3A_789 : i32
    %ne3A_791 = arith.cmpi ne, %sign3A_783, %sign3A_790 : i32
    %rem3A_792 = arith.remsi %add3A_774, %jit3A_775 : i32
    %ne3A_793 = arith.constant 0 : i32
    %ne3A_794 = arith.cmpi ne, %rem3A_792, %ne3A_793 : i32
    %and3A_795 = arith.andi %ne3A_791, %ne3A_794 : i1
    %sub3A_796 = arith.constant 1 : i32
    %sub3A_797 = arith.subi %div3A_776, %sub3A_796 : i32
    %select_n3A_798 = arith.select %and3A_795, %sub3A_797, %div3A_776 : i32
    %mul3A_799 = arith.constant 16 : i32
    %mul3A_800 = arith.muli %select_n3A_798, %mul3A_799 : i32
    "tpu.region"() ({
      %run_scoped3A = tpu.sem_alloc : memref<!tpu.dma_semaphore, #tpu.memory_space<semaphore_mem>>
      %dma_start3A_3104 = tpu.memref_slice %arg3[%select_n3A_770, %mul3A_800] : memref<100000x2048xf32, #tpu.memory_space<hbm>> -> memref<1x16xf32, #tpu.memory_space<hbm>>
      %dma_start3A_3105 = tpu.memref_squeeze %dma_start3A_3104 : memref<1x16xf32, #tpu.memory_space<hbm>> -> memref<16xf32, #tpu.memory_space<hbm>>
      %dma_start3A_3106 = tpu.memref_slice %arg3[%select_n3A_770, %mul3A_800] : memref<100000x2048xf32, #tpu.memory_space<hbm>> -> memref<1x16xf32, #tpu.memory_space<hbm>>
      %dma_start3A_3107 = tpu.memref_squeeze %dma_start3A_3106 : memref<1x16xf32, #tpu.memory_space<hbm>> -> memref<16xf32, #tpu.memory_space<hbm>>
      tpu.enqueue_dma source(%dma_start3A_3107 : memref<16xf32, #tpu.memory_space<hbm>>) target(%arg7 : memref<16xf32, #tpu.memory_space<vmem>>) target_semaphore(%run_scoped3A : memref<!tpu.dma_semaphore, #tpu.memory_space<semaphore_mem>>)
      %dma_wait3A = tpu.memref_slice %arg3[%select_n3A_770, %mul3A_800] : memref<100000x2048xf32, #tpu.memory_space<hbm>> -> memref<1x16xf32, #tpu.memory_space<hbm>>
      %dma_wait3A_3108 = tpu.memref_squeeze %dma_wait3A : memref<1x16xf32, #tpu.memory_space<hbm>> -> memref<16xf32, #tpu.memory_space<hbm>>
      %dma_wait3A_3109 = tpu.memref_slice %arg3[%select_n3A_770, %mul3A_800] : memref<100000x2048xf32, #tpu.memory_space<hbm>> -> memref<1x16xf32, #tpu.memory_space<hbm>>
      %dma_wait3A_3110 = tpu.memref_squeeze %dma_wait3A_3109 : memref<1x16xf32, #tpu.memory_space<hbm>> -> memref<16xf32, #tpu.memory_space<hbm>>
      tpu.wait_dma2 semaphore(%run_scoped3A : memref<!tpu.dma_semaphore, #tpu.memory_space<semaphore_mem>>) src(%dma_wait3A_3110 : memref<16xf32, #tpu.memory_space<hbm>>) dst(%arg7 : memref<16xf32, #tpu.memory_space<vmem>>)
      tpu.yield
    }) : () -> ()
    %sub3A_801 = arith.subi %add3A_774, %mul3A_800 : i32
    %jit3A_802 = arith.constant -1 : i32
    %select_n3A_803 = arith.select %ge3A_768, %sub3A_801, %jit3A_802 : i32
    %eq3A_804 = vector.broadcast %select_n3A_803 : i32 to vector<16xi32>
    %eq3A_805 = arith.cmpi eq, %iota3A, %eq3A_804 : vector<16xi32>
    %get3A_806 = arith.constant 0 : index
    %get3A_807 = tpu.vector_load %arg7[%get3A_806] {strides = array<i32>} : memref<16xf32, #tpu.memory_space<vmem>>, vector<16xf32>,
    %get3A_808 = vector.shape_cast %get3A_807 : vector<16xf32> to vector<16xf32>
    %jit3A_809 = arith.constant 0.000000e+00 : f32
    %broadcast_in_dim3A_810 = vector.broadcast %jit3A_809 : f32 to vector<16xf32>
    %select_n3A_811 = arith.select %eq3A_805, %get3A_808, %broadcast_in_dim3A_810 : vector<16xi1>, vector<16xf32>
    %add3A_812 = arith.addf %add3A_761, %select_n3A_811 : vector<16xf32>
    %slice3A_813 = vector.extract_strided_slice %get3A_764 {offsets = [1], sizes = [1], strides = [1]} : vector<16xi32> to vector<1xi32>
    %squeeze3A_814 = vector.extract %slice3A_813[0] : i32 from vector<1xi32>
    %ge3A_815 = arith.constant 69280 : i32
    %ge3A_816 = arith.cmpi sge, %squeeze3A_814, %ge3A_815 : i32
    %jit3A_817 = arith.constant 69280 : i32
    %select_n3A_818 = arith.select %ge3A_816, %squeeze3A_814, %jit3A_817 : i32
    %add3A_819 = arith.constant 16 : i32
    %add3A_820 = arith.addi %mul3A_2, %add3A_819 : i32
    %add3A_821 = arith.constant 1 : i32
    %add3A_822 = arith.addi %add3A_820, %add3A_821 : i32
    %jit3A_823 = arith.constant 16 : i32
    %div3A_824 = arith.divsi %add3A_822, %jit3A_823 : i32
    %sign3A_825 = arith.constant 0 : i32
    %sign3A_826 = arith.cmpi sgt, %add3A_822, %sign3A_825 : i32
    %sign3A_827 = arith.extui %sign3A_826 : i1 to i32
    %sign3A_828 = arith.constant 0 : i32
    %sign3A_829 = arith.cmpi slt, %add3A_822, %sign3A_828 : i32
    %sign3A_830 = arith.extui %sign3A_829 : i1 to i32
    %sign3A_831 = arith.subi %sign3A_827, %sign3A_830 : i32
    %sign3A_832 = arith.constant 0 : i32
    %sign3A_833 = arith.cmpi sgt, %jit3A_823, %sign3A_832 : i32
    %sign3A_834 = arith.extui %sign3A_833 : i1 to i32
    %sign3A_835 = arith.constant 0 : i32
    %sign3A_836 = arith.cmpi slt, %jit3A_823, %sign3A_835 : i32
    %sign3A_837 = arith.extui %sign3A_836 : i1 to i32
    %sign3A_838 = arith.subi %sign3A_834, %sign3A_837 : i32
    %ne3A_839 = arith.cmpi ne, %sign3A_831, %sign3A_838 : i32
    %rem3A_840 = arith.remsi %add3A_822, %jit3A_823 : i32
    %ne3A_841 = arith.constant 0 : i32
    %ne3A_842 = arith.cmpi ne, %rem3A_840, %ne3A_841 : i32
    %and3A_843 = arith.andi %ne3A_839, %ne3A_842 : i1
    %sub3A_844 = arith.constant 1 : i32
    %sub3A_845 = arith.subi %div3A_824, %sub3A_844 : i32
    %select_n3A_846 = arith.select %and3A_843, %sub3A_845, %div3A_824 : i32
    %mul3A_847 = arith.constant 16 : i32
    %mul3A_848 = arith.muli %select_n3A_846, %mul3A_847 : i32
    "tpu.region"() ({
      %run_scoped3A = tpu.sem_alloc : memref<!tpu.dma_semaphore, #tpu.memory_space<semaphore_mem>>
      %dma_start3A_3104 = tpu.memref_slice %arg3[%select_n3A_818, %mul3A_848] : memref<100000x2048xf32, #tpu.memory_space<hbm>> -> memref<1x16xf32, #tpu.memory_space<hbm>>
      %dma_start3A_3105 = tpu.memref_squeeze %dma_start3A_3104 : memref<1x16xf32, #tpu.memory_space<hbm>> -> memref<16xf32, #tpu.memory_space<hbm>>
      %dma_start3A_3106 = tpu.memref_slice %arg3[%select_n3A_818, %mul3A_848] : memref<100000x2048xf32, #tpu.memory_space<hbm>> -> memref<1x16xf32, #tpu.memory_space<hbm>>
      %dma_start3A_3107 = tpu.memref_squeeze %dma_start3A_3106 : memref<1x16xf32, #tpu.memory_space<hbm>> -> memref<16xf32, #tpu.memory_space<hbm>>
      tpu.enqueue_dma source(%dma_start3A_3107 : memref<16xf32, #tpu.memory_space<hbm>>) target(%arg7 : memref<16xf32, #tpu.memory_space<vmem>>) target_semaphore(%run_scoped3A : memref<!tpu.dma_semaphore, #tpu.memory_space<semaphore_mem>>)
      %dma_wait3A = tpu.memref_slice %arg3[%select_n3A_818, %mul3A_848] : memref<100000x2048xf32, #tpu.memory_space<hbm>> -> memref<1x16xf32, #tpu.memory_space<hbm>>
      %dma_wait3A_3108 = tpu.memref_squeeze %dma_wait3A : memref<1x16xf32, #tpu.memory_space<hbm>> -> memref<16xf32, #tpu.memory_space<hbm>>
      %dma_wait3A_3109 = tpu.memref_slice %arg3[%select_n3A_818, %mul3A_848] : memref<100000x2048xf32, #tpu.memory_space<hbm>> -> memref<1x16xf32, #tpu.memory_space<hbm>>
      %dma_wait3A_3110 = tpu.memref_squeeze %dma_wait3A_3109 : memref<1x16xf32, #tpu.memory_space<hbm>> -> memref<16xf32, #tpu.memory_space<hbm>>
      tpu.wait_dma2 semaphore(%run_scoped3A : memref<!tpu.dma_semaphore, #tpu.memory_space<semaphore_mem>>) src(%dma_wait3A_3110 : memref<16xf32, #tpu.memory_space<hbm>>) dst(%arg7 : memref<16xf32, #tpu.memory_space<vmem>>)
      tpu.yield
    }) : () -> ()
    %sub3A_849 = arith.subi %add3A_822, %mul3A_848 : i32
    %jit3A_850 = arith.constant -1 : i32
    %select_n3A_851 = arith.select %ge3A_816, %sub3A_849, %jit3A_850 : i32
    %eq3A_852 = vector.broadcast %select_n3A_851 : i32 to vector<16xi32>
    %eq3A_853 = arith.cmpi eq, %iota3A, %eq3A_852 : vector<16xi32>
    %get3A_854 = arith.constant 0 : index
    %get3A_855 = tpu.vector_load %arg7[%get3A_854] {strides = array<i32>} : memref<16xf32, #tpu.memory_space<vmem>>, vector<16xf32>,
    %get3A_856 = vector.shape_cast %get3A_855 : vector<16xf32> to vector<16xf32>
    %jit3A_857 = arith.constant 0.000000e+00 : f32
    %broadcast_in_dim3A_858 = vector.broadcast %jit3A_857 : f32 to vector<16xf32>
    %select_n3A_859 = arith.select %eq3A_853, %get3A_856, %broadcast_in_dim3A_858 : vector<16xi1>, vector<16xf32>
    %add3A_860 = arith.addf %add3A_812, %select_n3A_859 : vector<16xf32>
    %slice3A_861 = vector.extract_strided_slice %get3A_764 {offsets = [2], sizes = [1], strides = [1]} : vector<16xi32> to vector<1xi32>
    %squeeze3A_862 = vector.extract %slice3A_861[0] : i32 from vector<1xi32>
    %ge3A_863 = arith.constant 69280 : i32
    %ge3A_864 = arith.cmpi sge, %squeeze3A_862, %ge3A_863 : i32
    %jit3A_865 = arith.constant 69280 : i32
    %select_n3A_866 = arith.select %ge3A_864, %squeeze3A_862, %jit3A_865 : i32
    %add3A_867 = arith.constant 16 : i32
    %add3A_868 = arith.addi %mul3A_2, %add3A_867 : i32
    %add3A_869 = arith.constant 2 : i32
    %add3A_870 = arith.addi %add3A_868, %add3A_869 : i32
    %jit3A_871 = arith.constant 16 : i32
    %div3A_872 = arith.divsi %add3A_870, %jit3A_871 : i32
    %sign3A_873 = arith.constant 0 : i32
    %sign3A_874 = arith.cmpi sgt, %add3A_870, %sign3A_873 : i32
    %sign3A_875 = arith.extui %sign3A_874 : i1 to i32
    %sign3A_876 = arith.constant 0 : i32
    %sign3A_877 = arith.cmpi slt, %add3A_870, %sign3A_876 : i32
    %sign3A_878 = arith.extui %sign3A_877 : i1 to i32
    %sign3A_879 = arith.subi %sign3A_875, %sign3A_878 : i32
    %sign3A_880 = arith.constant 0 : i32
    %sign3A_881 = arith.cmpi sgt, %jit3A_871, %sign3A_880 : i32
    %sign3A_882 = arith.extui %sign3A_881 : i1 to i32
    %sign3A_883 = arith.constant 0 : i32
    %sign3A_884 = arith.cmpi slt, %jit3A_871, %sign3A_883 : i32
    %sign3A_885 = arith.extui %sign3A_884 : i1 to i32
    %sign3A_886 = arith.subi %sign3A_882, %sign3A_885 : i32
    %ne3A_887 = arith.cmpi ne, %sign3A_879, %sign3A_886 : i32
    %rem3A_888 = arith.remsi %add3A_870, %jit3A_871 : i32
    %ne3A_889 = arith.constant 0 : i32
    %ne3A_890 = arith.cmpi ne, %rem3A_888, %ne3A_889 : i32
    %and3A_891 = arith.andi %ne3A_887, %ne3A_890 : i1
    %sub3A_892 = arith.constant 1 : i32
    %sub3A_893 = arith.subi %div3A_872, %sub3A_892 : i32
    %select_n3A_894 = arith.select %and3A_891, %sub3A_893, %div3A_872 : i32
    %mul3A_895 = arith.constant 16 : i32
    %mul3A_896 = arith.muli %select_n3A_894, %mul3A_895 : i32
    "tpu.region"() ({
      %run_scoped3A = tpu.sem_alloc : memref<!tpu.dma_semaphore, #tpu.memory_space<semaphore_mem>>
      %dma_start3A_3104 = tpu.memref_slice %arg3[%select_n3A_866, %mul3A_896] : memref<100000x2048xf32, #tpu.memory_space<hbm>> -> memref<1x16xf32, #tpu.memory_space<hbm>>
      %dma_start3A_3105 = tpu.memref_squeeze %dma_start3A_3104 : memref<1x16xf32, #tpu.memory_space<hbm>> -> memref<16xf32, #tpu.memory_space<hbm>>
      %dma_start3A_3106 = tpu.memref_slice %arg3[%select_n3A_866, %mul3A_896] : memref<100000x2048xf32, #tpu.memory_space<hbm>> -> memref<1x16xf32, #tpu.memory_space<hbm>>
      %dma_start3A_3107 = tpu.memref_squeeze %dma_start3A_3106 : memref<1x16xf32, #tpu.memory_space<hbm>> -> memref<16xf32, #tpu.memory_space<hbm>>
      tpu.enqueue_dma source(%dma_start3A_3107 : memref<16xf32, #tpu.memory_space<hbm>>) target(%arg7 : memref<16xf32, #tpu.memory_space<vmem>>) target_semaphore(%run_scoped3A : memref<!tpu.dma_semaphore, #tpu.memory_space<semaphore_mem>>)
      %dma_wait3A = tpu.memref_slice %arg3[%select_n3A_866, %mul3A_896] : memref<100000x2048xf32, #tpu.memory_space<hbm>> -> memref<1x16xf32, #tpu.memory_space<hbm>>
      %dma_wait3A_3108 = tpu.memref_squeeze %dma_wait3A : memref<1x16xf32, #tpu.memory_space<hbm>> -> memref<16xf32, #tpu.memory_space<hbm>>
      %dma_wait3A_3109 = tpu.memref_slice %arg3[%select_n3A_866, %mul3A_896] : memref<100000x2048xf32, #tpu.memory_space<hbm>> -> memref<1x16xf32, #tpu.memory_space<hbm>>
      %dma_wait3A_3110 = tpu.memref_squeeze %dma_wait3A_3109 : memref<1x16xf32, #tpu.memory_space<hbm>> -> memref<16xf32, #tpu.memory_space<hbm>>
      tpu.wait_dma2 semaphore(%run_scoped3A : memref<!tpu.dma_semaphore, #tpu.memory_space<semaphore_mem>>) src(%dma_wait3A_3110 : memref<16xf32, #tpu.memory_space<hbm>>) dst(%arg7 : memref<16xf32, #tpu.memory_space<vmem>>)
      tpu.yield
    }) : () -> ()
    %sub3A_897 = arith.subi %add3A_870, %mul3A_896 : i32
    %jit3A_898 = arith.constant -1 : i32
    %select_n3A_899 = arith.select %ge3A_864, %sub3A_897, %jit3A_898 : i32
    %eq3A_900 = vector.broadcast %select_n3A_899 : i32 to vector<16xi32>
    %eq3A_901 = arith.cmpi eq, %iota3A, %eq3A_900 : vector<16xi32>
    %get3A_902 = arith.constant 0 : index
    %get3A_903 = tpu.vector_load %arg7[%get3A_902] {strides = array<i32>} : memref<16xf32, #tpu.memory_space<vmem>>, vector<16xf32>,
    %get3A_904 = vector.shape_cast %get3A_903 : vector<16xf32> to vector<16xf32>
    %jit3A_905 = arith.constant 0.000000e+00 : f32
    %broadcast_in_dim3A_906 = vector.broadcast %jit3A_905 : f32 to vector<16xf32>
    %select_n3A_907 = arith.select %eq3A_901, %get3A_904, %broadcast_in_dim3A_906 : vector<16xi1>, vector<16xf32>
    %add3A_908 = arith.addf %add3A_860, %select_n3A_907 : vector<16xf32>
    %slice3A_909 = vector.extract_strided_slice %get3A_764 {offsets = [3], sizes = [1], strides = [1]} : vector<16xi32> to vector<1xi32>
    %squeeze3A_910 = vector.extract %slice3A_909[0] : i32 from vector<1xi32>
    %ge3A_911 = arith.constant 69280 : i32
    %ge3A_912 = arith.cmpi sge, %squeeze3A_910, %ge3A_911 : i32
    %jit3A_913 = arith.constant 69280 : i32
    %select_n3A_914 = arith.select %ge3A_912, %squeeze3A_910, %jit3A_913 : i32
    %add3A_915 = arith.constant 16 : i32
    %add3A_916 = arith.addi %mul3A_2, %add3A_915 : i32
    %add3A_917 = arith.constant 3 : i32
    %add3A_918 = arith.addi %add3A_916, %add3A_917 : i32
    %jit3A_919 = arith.constant 16 : i32
    %div3A_920 = arith.divsi %add3A_918, %jit3A_919 : i32
    %sign3A_921 = arith.constant 0 : i32
    %sign3A_922 = arith.cmpi sgt, %add3A_918, %sign3A_921 : i32
    %sign3A_923 = arith.extui %sign3A_922 : i1 to i32
    %sign3A_924 = arith.constant 0 : i32
    %sign3A_925 = arith.cmpi slt, %add3A_918, %sign3A_924 : i32
    %sign3A_926 = arith.extui %sign3A_925 : i1 to i32
    %sign3A_927 = arith.subi %sign3A_923, %sign3A_926 : i32
    %sign3A_928 = arith.constant 0 : i32
    %sign3A_929 = arith.cmpi sgt, %jit3A_919, %sign3A_928 : i32
    %sign3A_930 = arith.extui %sign3A_929 : i1 to i32
    %sign3A_931 = arith.constant 0 : i32
    %sign3A_932 = arith.cmpi slt, %jit3A_919, %sign3A_931 : i32
    %sign3A_933 = arith.extui %sign3A_932 : i1 to i32
    %sign3A_934 = arith.subi %sign3A_930, %sign3A_933 : i32
    %ne3A_935 = arith.cmpi ne, %sign3A_927, %sign3A_934 : i32
    %rem3A_936 = arith.remsi %add3A_918, %jit3A_919 : i32
    %ne3A_937 = arith.constant 0 : i32
    %ne3A_938 = arith.cmpi ne, %rem3A_936, %ne3A_937 : i32
    %and3A_939 = arith.andi %ne3A_935, %ne3A_938 : i1
    %sub3A_940 = arith.constant 1 : i32
    %sub3A_941 = arith.subi %div3A_920, %sub3A_940 : i32
    %select_n3A_942 = arith.select %and3A_939, %sub3A_941, %div3A_920 : i32
    %mul3A_943 = arith.constant 16 : i32
    %mul3A_944 = arith.muli %select_n3A_942, %mul3A_943 : i32
    "tpu.region"() ({
      %run_scoped3A = tpu.sem_alloc : memref<!tpu.dma_semaphore, #tpu.memory_space<semaphore_mem>>
      %dma_start3A_3104 = tpu.memref_slice %arg3[%select_n3A_914, %mul3A_944] : memref<100000x2048xf32, #tpu.memory_space<hbm>> -> memref<1x16xf32, #tpu.memory_space<hbm>>
      %dma_start3A_3105 = tpu.memref_squeeze %dma_start3A_3104 : memref<1x16xf32, #tpu.memory_space<hbm>> -> memref<16xf32, #tpu.memory_space<hbm>>
      %dma_start3A_3106 = tpu.memref_slice %arg3[%select_n3A_914, %mul3A_944] : memref<100000x2048xf32, #tpu.memory_space<hbm>> -> memref<1x16xf32, #tpu.memory_space<hbm>>
      %dma_start3A_3107 = tpu.memref_squeeze %dma_start3A_3106 : memref<1x16xf32, #tpu.memory_space<hbm>> -> memref<16xf32, #tpu.memory_space<hbm>>
      tpu.enqueue_dma source(%dma_start3A_3107 : memref<16xf32, #tpu.memory_space<hbm>>) target(%arg7 : memref<16xf32, #tpu.memory_space<vmem>>) target_semaphore(%run_scoped3A : memref<!tpu.dma_semaphore, #tpu.memory_space<semaphore_mem>>)
      %dma_wait3A = tpu.memref_slice %arg3[%select_n3A_914, %mul3A_944] : memref<100000x2048xf32, #tpu.memory_space<hbm>> -> memref<1x16xf32, #tpu.memory_space<hbm>>
      %dma_wait3A_3108 = tpu.memref_squeeze %dma_wait3A : memref<1x16xf32, #tpu.memory_space<hbm>> -> memref<16xf32, #tpu.memory_space<hbm>>
      %dma_wait3A_3109 = tpu.memref_slice %arg3[%select_n3A_914, %mul3A_944] : memref<100000x2048xf32, #tpu.memory_space<hbm>> -> memref<1x16xf32, #tpu.memory_space<hbm>>
      %dma_wait3A_3110 = tpu.memref_squeeze %dma_wait3A_3109 : memref<1x16xf32, #tpu.memory_space<hbm>> -> memref<16xf32, #tpu.memory_space<hbm>>
      tpu.wait_dma2 semaphore(%run_scoped3A : memref<!tpu.dma_semaphore, #tpu.memory_space<semaphore_mem>>) src(%dma_wait3A_3110 : memref<16xf32, #tpu.memory_space<hbm>>) dst(%arg7 : memref<16xf32, #tpu.memory_space<vmem>>)
      tpu.yield
    }) : () -> ()
    %sub3A_945 = arith.subi %add3A_918, %mul3A_944 : i32
    %jit3A_946 = arith.constant -1 : i32
    %select_n3A_947 = arith.select %ge3A_912, %sub3A_945, %jit3A_946 : i32
    %eq3A_948 = vector.broadcast %select_n3A_947 : i32 to vector<16xi32>
    %eq3A_949 = arith.cmpi eq, %iota3A, %eq3A_948 : vector<16xi32>
    %get3A_950 = arith.constant 0 : index
    %get3A_951 = tpu.vector_load %arg7[%get3A_950] {strides = array<i32>} : memref<16xf32, #tpu.memory_space<vmem>>, vector<16xf32>,
    %get3A_952 = vector.shape_cast %get3A_951 : vector<16xf32> to vector<16xf32>
    %jit3A_953 = arith.constant 0.000000e+00 : f32
    %broadcast_in_dim3A_954 = vector.broadcast %jit3A_953 : f32 to vector<16xf32>
    %select_n3A_955 = arith.select %eq3A_949, %get3A_952, %broadcast_in_dim3A_954 : vector<16xi1>, vector<16xf32>
    %add3A_956 = arith.addf %add3A_908, %select_n3A_955 : vector<16xf32>
    %slice3A_957 = vector.extract_strided_slice %get3A_764 {offsets = [4], sizes = [1], strides = [1]} : vector<16xi32> to vector<1xi32>
    %squeeze3A_958 = vector.extract %slice3A_957[0] : i32 from vector<1xi32>
    %ge3A_959 = arith.constant 69280 : i32
    %ge3A_960 = arith.cmpi sge, %squeeze3A_958, %ge3A_959 : i32
    %jit3A_961 = arith.constant 69280 : i32
    %select_n3A_962 = arith.select %ge3A_960, %squeeze3A_958, %jit3A_961 : i32
    %add3A_963 = arith.constant 16 : i32
    %add3A_964 = arith.addi %mul3A_2, %add3A_963 : i32
    %add3A_965 = arith.constant 4 : i32
    %add3A_966 = arith.addi %add3A_964, %add3A_965 : i32
    %jit3A_967 = arith.constant 16 : i32
    %div3A_968 = arith.divsi %add3A_966, %jit3A_967 : i32
    %sign3A_969 = arith.constant 0 : i32
    %sign3A_970 = arith.cmpi sgt, %add3A_966, %sign3A_969 : i32
    %sign3A_971 = arith.extui %sign3A_970 : i1 to i32
    %sign3A_972 = arith.constant 0 : i32
    %sign3A_973 = arith.cmpi slt, %add3A_966, %sign3A_972 : i32
    %sign3A_974 = arith.extui %sign3A_973 : i1 to i32
    %sign3A_975 = arith.subi %sign3A_971, %sign3A_974 : i32
    %sign3A_976 = arith.constant 0 : i32
    %sign3A_977 = arith.cmpi sgt, %jit3A_967, %sign3A_976 : i32
    %sign3A_978 = arith.extui %sign3A_977 : i1 to i32
    %sign3A_979 = arith.constant 0 : i32
    %sign3A_980 = arith.cmpi slt, %jit3A_967, %sign3A_979 : i32
    %sign3A_981 = arith.extui %sign3A_980 : i1 to i32
    %sign3A_982 = arith.subi %sign3A_978, %sign3A_981 : i32
    %ne3A_983 = arith.cmpi ne, %sign3A_975, %sign3A_982 : i32
    %rem3A_984 = arith.remsi %add3A_966, %jit3A_967 : i32
    %ne3A_985 = arith.constant 0 : i32
    %ne3A_986 = arith.cmpi ne, %rem3A_984, %ne3A_985 : i32
    %and3A_987 = arith.andi %ne3A_983, %ne3A_986 : i1
    %sub3A_988 = arith.constant 1 : i32
    %sub3A_989 = arith.subi %div3A_968, %sub3A_988 : i32
    %select_n3A_990 = arith.select %and3A_987, %sub3A_989, %div3A_968 : i32
    %mul3A_991 = arith.constant 16 : i32
    %mul3A_992 = arith.muli %select_n3A_990, %mul3A_991 : i32
    "tpu.region"() ({
      %run_scoped3A = tpu.sem_alloc : memref<!tpu.dma_semaphore, #tpu.memory_space<semaphore_mem>>
      %dma_start3A_3104 = tpu.memref_slice %arg3[%select_n3A_962, %mul3A_992] : memref<100000x2048xf32, #tpu.memory_space<hbm>> -> memref<1x16xf32, #tpu.memory_space<hbm>>
      %dma_start3A_3105 = tpu.memref_squeeze %dma_start3A_3104 : memref<1x16xf32, #tpu.memory_space<hbm>> -> memref<16xf32, #tpu.memory_space<hbm>>
      %dma_start3A_3106 = tpu.memref_slice %arg3[%select_n3A_962, %mul3A_992] : memref<100000x2048xf32, #tpu.memory_space<hbm>> -> memref<1x16xf32, #tpu.memory_space<hbm>>
      %dma_start3A_3107 = tpu.memref_squeeze %dma_start3A_3106 : memref<1x16xf32, #tpu.memory_space<hbm>> -> memref<16xf32, #tpu.memory_space<hbm>>
      tpu.enqueue_dma source(%dma_start3A_3107 : memref<16xf32, #tpu.memory_space<hbm>>) target(%arg7 : memref<16xf32, #tpu.memory_space<vmem>>) target_semaphore(%run_scoped3A : memref<!tpu.dma_semaphore, #tpu.memory_space<semaphore_mem>>)
      %dma_wait3A = tpu.memref_slice %arg3[%select_n3A_962, %mul3A_992] : memref<100000x2048xf32, #tpu.memory_space<hbm>> -> memref<1x16xf32, #tpu.memory_space<hbm>>
      %dma_wait3A_3108 = tpu.memref_squeeze %dma_wait3A : memref<1x16xf32, #tpu.memory_space<hbm>> -> memref<16xf32, #tpu.memory_space<hbm>>
      %dma_wait3A_3109 = tpu.memref_slice %arg3[%select_n3A_962, %mul3A_992] : memref<100000x2048xf32, #tpu.memory_space<hbm>> -> memref<1x16xf32, #tpu.memory_space<hbm>>
      %dma_wait3A_3110 = tpu.memref_squeeze %dma_wait3A_3109 : memref<1x16xf32, #tpu.memory_space<hbm>> -> memref<16xf32, #tpu.memory_space<hbm>>
      tpu.wait_dma2 semaphore(%run_scoped3A : memref<!tpu.dma_semaphore, #tpu.memory_space<semaphore_mem>>) src(%dma_wait3A_3110 : memref<16xf32, #tpu.memory_space<hbm>>) dst(%arg7 : memref<16xf32, #tpu.memory_space<vmem>>)
      tpu.yield
    }) : () -> ()
    %sub3A_993 = arith.subi %add3A_966, %mul3A_992 : i32
    %jit3A_994 = arith.constant -1 : i32
    %select_n3A_995 = arith.select %ge3A_960, %sub3A_993, %jit3A_994 : i32
    %eq3A_996 = vector.broadcast %select_n3A_995 : i32 to vector<16xi32>
    %eq3A_997 = arith.cmpi eq, %iota3A, %eq3A_996 : vector<16xi32>
    %get3A_998 = arith.constant 0 : index
    %get3A_999 = tpu.vector_load %arg7[%get3A_998] {strides = array<i32>} : memref<16xf32, #tpu.memory_space<vmem>>, vector<16xf32>,
    %get3A_1000 = vector.shape_cast %get3A_999 : vector<16xf32> to vector<16xf32>
    %jit3A_1001 = arith.constant 0.000000e+00 : f32
    %broadcast_in_dim3A_1002 = vector.broadcast %jit3A_1001 : f32 to vector<16xf32>
    %select_n3A_1003 = arith.select %eq3A_997, %get3A_1000, %broadcast_in_dim3A_1002 : vector<16xi1>, vector<16xf32>
    %add3A_1004 = arith.addf %add3A_956, %select_n3A_1003 : vector<16xf32>
    %slice3A_1005 = vector.extract_strided_slice %get3A_764 {offsets = [5], sizes = [1], strides = [1]} : vector<16xi32> to vector<1xi32>
    %squeeze3A_1006 = vector.extract %slice3A_1005[0] : i32 from vector<1xi32>
    %ge3A_1007 = arith.constant 69280 : i32
    %ge3A_1008 = arith.cmpi sge, %squeeze3A_1006, %ge3A_1007 : i32
    %jit3A_1009 = arith.constant 69280 : i32
    %select_n3A_1010 = arith.select %ge3A_1008, %squeeze3A_1006, %jit3A_1009 : i32
    %add3A_1011 = arith.constant 16 : i32
    %add3A_1012 = arith.addi %mul3A_2, %add3A_1011 : i32
    %add3A_1013 = arith.constant 5 : i32
    %add3A_1014 = arith.addi %add3A_1012, %add3A_1013 : i32
    %jit3A_1015 = arith.constant 16 : i32
    %div3A_1016 = arith.divsi %add3A_1014, %jit3A_1015 : i32
    %sign3A_1017 = arith.constant 0 : i32
    %sign3A_1018 = arith.cmpi sgt, %add3A_1014, %sign3A_1017 : i32
    %sign3A_1019 = arith.extui %sign3A_1018 : i1 to i32
    %sign3A_1020 = arith.constant 0 : i32
    %sign3A_1021 = arith.cmpi slt, %add3A_1014, %sign3A_1020 : i32
    %sign3A_1022 = arith.extui %sign3A_1021 : i1 to i32
    %sign3A_1023 = arith.subi %sign3A_1019, %sign3A_1022 : i32
    %sign3A_1024 = arith.constant 0 : i32
    %sign3A_1025 = arith.cmpi sgt, %jit3A_1015, %sign3A_1024 : i32
    %sign3A_1026 = arith.extui %sign3A_1025 : i1 to i32
    %sign3A_1027 = arith.constant 0 : i32
    %sign3A_1028 = arith.cmpi slt, %jit3A_1015, %sign3A_1027 : i32
    %sign3A_1029 = arith.extui %sign3A_1028 : i1 to i32
    %sign3A_1030 = arith.subi %sign3A_1026, %sign3A_1029 : i32
    %ne3A_1031 = arith.cmpi ne, %sign3A_1023, %sign3A_1030 : i32
    %rem3A_1032 = arith.remsi %add3A_1014, %jit3A_1015 : i32
    %ne3A_1033 = arith.constant 0 : i32
    %ne3A_1034 = arith.cmpi ne, %rem3A_1032, %ne3A_1033 : i32
    %and3A_1035 = arith.andi %ne3A_1031, %ne3A_1034 : i1
    %sub3A_1036 = arith.constant 1 : i32
    %sub3A_1037 = arith.subi %div3A_1016, %sub3A_1036 : i32
    %select_n3A_1038 = arith.select %and3A_1035, %sub3A_1037, %div3A_1016 : i32
    %mul3A_1039 = arith.constant 16 : i32
    %mul3A_1040 = arith.muli %select_n3A_1038, %mul3A_1039 : i32
    "tpu.region"() ({
      %run_scoped3A = tpu.sem_alloc : memref<!tpu.dma_semaphore, #tpu.memory_space<semaphore_mem>>
      %dma_start3A_3104 = tpu.memref_slice %arg3[%select_n3A_1010, %mul3A_1040] : memref<100000x2048xf32, #tpu.memory_space<hbm>> -> memref<1x16xf32, #tpu.memory_space<hbm>>
      %dma_start3A_3105 = tpu.memref_squeeze %dma_start3A_3104 : memref<1x16xf32, #tpu.memory_space<hbm>> -> memref<16xf32, #tpu.memory_space<hbm>>
      %dma_start3A_3106 = tpu.memref_slice %arg3[%select_n3A_1010, %mul3A_1040] : memref<100000x2048xf32, #tpu.memory_space<hbm>> -> memref<1x16xf32, #tpu.memory_space<hbm>>
      %dma_start3A_3107 = tpu.memref_squeeze %dma_start3A_3106 : memref<1x16xf32, #tpu.memory_space<hbm>> -> memref<16xf32, #tpu.memory_space<hbm>>
      tpu.enqueue_dma source(%dma_start3A_3107 : memref<16xf32, #tpu.memory_space<hbm>>) target(%arg7 : memref<16xf32, #tpu.memory_space<vmem>>) target_semaphore(%run_scoped3A : memref<!tpu.dma_semaphore, #tpu.memory_space<semaphore_mem>>)
      %dma_wait3A = tpu.memref_slice %arg3[%select_n3A_1010, %mul3A_1040] : memref<100000x2048xf32, #tpu.memory_space<hbm>> -> memref<1x16xf32, #tpu.memory_space<hbm>>
      %dma_wait3A_3108 = tpu.memref_squeeze %dma_wait3A : memref<1x16xf32, #tpu.memory_space<hbm>> -> memref<16xf32, #tpu.memory_space<hbm>>
      %dma_wait3A_3109 = tpu.memref_slice %arg3[%select_n3A_1010, %mul3A_1040] : memref<100000x2048xf32, #tpu.memory_space<hbm>> -> memref<1x16xf32, #tpu.memory_space<hbm>>
      %dma_wait3A_3110 = tpu.memref_squeeze %dma_wait3A_3109 : memref<1x16xf32, #tpu.memory_space<hbm>> -> memref<16xf32, #tpu.memory_space<hbm>>
      tpu.wait_dma2 semaphore(%run_scoped3A : memref<!tpu.dma_semaphore, #tpu.memory_space<semaphore_mem>>) src(%dma_wait3A_3110 : memref<16xf32, #tpu.memory_space<hbm>>) dst(%arg7 : memref<16xf32, #tpu.memory_space<vmem>>)
      tpu.yield
    }) : () -> ()
    %sub3A_1041 = arith.subi %add3A_1014, %mul3A_1040 : i32
    %jit3A_1042 = arith.constant -1 : i32
    %select_n3A_1043 = arith.select %ge3A_1008, %sub3A_1041, %jit3A_1042 : i32
    %eq3A_1044 = vector.broadcast %select_n3A_1043 : i32 to vector<16xi32>
    %eq3A_1045 = arith.cmpi eq, %iota3A, %eq3A_1044 : vector<16xi32>
    %get3A_1046 = arith.constant 0 : index
    %get3A_1047 = tpu.vector_load %arg7[%get3A_1046] {strides = array<i32>} : memref<16xf32, #tpu.memory_space<vmem>>, vector<16xf32>,
    %get3A_1048 = vector.shape_cast %get3A_1047 : vector<16xf32> to vector<16xf32>
    %jit3A_1049 = arith.constant 0.000000e+00 : f32
    %broadcast_in_dim3A_1050 = vector.broadcast %jit3A_1049 : f32 to vector<16xf32>
    %select_n3A_1051 = arith.select %eq3A_1045, %get3A_1048, %broadcast_in_dim3A_1050 : vector<16xi1>, vector<16xf32>
    %add3A_1052 = arith.addf %add3A_1004, %select_n3A_1051 : vector<16xf32>
    %slice3A_1053 = vector.extract_strided_slice %get3A_764 {offsets = [6], sizes = [1], strides = [1]} : vector<16xi32> to vector<1xi32>
    %squeeze3A_1054 = vector.extract %slice3A_1053[0] : i32 from vector<1xi32>
    %ge3A_1055 = arith.constant 69280 : i32
    %ge3A_1056 = arith.cmpi sge, %squeeze3A_1054, %ge3A_1055 : i32
    %jit3A_1057 = arith.constant 69280 : i32
    %select_n3A_1058 = arith.select %ge3A_1056, %squeeze3A_1054, %jit3A_1057 : i32
    %add3A_1059 = arith.constant 16 : i32
    %add3A_1060 = arith.addi %mul3A_2, %add3A_1059 : i32
    %add3A_1061 = arith.constant 6 : i32
    %add3A_1062 = arith.addi %add3A_1060, %add3A_1061 : i32
    %jit3A_1063 = arith.constant 16 : i32
    %div3A_1064 = arith.divsi %add3A_1062, %jit3A_1063 : i32
    %sign3A_1065 = arith.constant 0 : i32
    %sign3A_1066 = arith.cmpi sgt, %add3A_1062, %sign3A_1065 : i32
    %sign3A_1067 = arith.extui %sign3A_1066 : i1 to i32
    %sign3A_1068 = arith.constant 0 : i32
    %sign3A_1069 = arith.cmpi slt, %add3A_1062, %sign3A_1068 : i32
    %sign3A_1070 = arith.extui %sign3A_1069 : i1 to i32
    %sign3A_1071 = arith.subi %sign3A_1067, %sign3A_1070 : i32
    %sign3A_1072 = arith.constant 0 : i32
    %sign3A_1073 = arith.cmpi sgt, %jit3A_1063, %sign3A_1072 : i32
    %sign3A_1074 = arith.extui %sign3A_1073 : i1 to i32
    %sign3A_1075 = arith.constant 0 : i32
    %sign3A_1076 = arith.cmpi slt, %jit3A_1063, %sign3A_1075 : i32
    %sign3A_1077 = arith.extui %sign3A_1076 : i1 to i32
    %sign3A_1078 = arith.subi %sign3A_1074, %sign3A_1077 : i32
    %ne3A_1079 = arith.cmpi ne, %sign3A_1071, %sign3A_1078 : i32
    %rem3A_1080 = arith.remsi %add3A_1062, %jit3A_1063 : i32
    %ne3A_1081 = arith.constant 0 : i32
    %ne3A_1082 = arith.cmpi ne, %rem3A_1080, %ne3A_1081 : i32
    %and3A_1083 = arith.andi %ne3A_1079, %ne3A_1082 : i1
    %sub3A_1084 = arith.constant 1 : i32
    %sub3A_1085 = arith.subi %div3A_1064, %sub3A_1084 : i32
    %select_n3A_1086 = arith.select %and3A_1083, %sub3A_1085, %div3A_1064 : i32
    %mul3A_1087 = arith.constant 16 : i32
    %mul3A_1088 = arith.muli %select_n3A_1086, %mul3A_1087 : i32
    "tpu.region"() ({
      %run_scoped3A = tpu.sem_alloc : memref<!tpu.dma_semaphore, #tpu.memory_space<semaphore_mem>>
      %dma_start3A_3104 = tpu.memref_slice %arg3[%select_n3A_1058, %mul3A_1088] : memref<100000x2048xf32, #tpu.memory_space<hbm>> -> memref<1x16xf32, #tpu.memory_space<hbm>>
      %dma_start3A_3105 = tpu.memref_squeeze %dma_start3A_3104 : memref<1x16xf32, #tpu.memory_space<hbm>> -> memref<16xf32, #tpu.memory_space<hbm>>
      %dma_start3A_3106 = tpu.memref_slice %arg3[%select_n3A_1058, %mul3A_1088] : memref<100000x2048xf32, #tpu.memory_space<hbm>> -> memref<1x16xf32, #tpu.memory_space<hbm>>
      %dma_start3A_3107 = tpu.memref_squeeze %dma_start3A_3106 : memref<1x16xf32, #tpu.memory_space<hbm>> -> memref<16xf32, #tpu.memory_space<hbm>>
      tpu.enqueue_dma source(%dma_start3A_3107 : memref<16xf32, #tpu.memory_space<hbm>>) target(%arg7 : memref<16xf32, #tpu.memory_space<vmem>>) target_semaphore(%run_scoped3A : memref<!tpu.dma_semaphore, #tpu.memory_space<semaphore_mem>>)
      %dma_wait3A = tpu.memref_slice %arg3[%select_n3A_1058, %mul3A_1088] : memref<100000x2048xf32, #tpu.memory_space<hbm>> -> memref<1x16xf32, #tpu.memory_space<hbm>>
      %dma_wait3A_3108 = tpu.memref_squeeze %dma_wait3A : memref<1x16xf32, #tpu.memory_space<hbm>> -> memref<16xf32, #tpu.memory_space<hbm>>
      %dma_wait3A_3109 = tpu.memref_slice %arg3[%select_n3A_1058, %mul3A_1088] : memref<100000x2048xf32, #tpu.memory_space<hbm>> -> memref<1x16xf32, #tpu.memory_space<hbm>>
      %dma_wait3A_3110 = tpu.memref_squeeze %dma_wait3A_3109 : memref<1x16xf32, #tpu.memory_space<hbm>> -> memref<16xf32, #tpu.memory_space<hbm>>
      tpu.wait_dma2 semaphore(%run_scoped3A : memref<!tpu.dma_semaphore, #tpu.memory_space<semaphore_mem>>) src(%dma_wait3A_3110 : memref<16xf32, #tpu.memory_space<hbm>>) dst(%arg7 : memref<16xf32, #tpu.memory_space<vmem>>)
      tpu.yield
    }) : () -> ()
    %sub3A_1089 = arith.subi %add3A_1062, %mul3A_1088 : i32
    %jit3A_1090 = arith.constant -1 : i32
    %select_n3A_1091 = arith.select %ge3A_1056, %sub3A_1089, %jit3A_1090 : i32
    %eq3A_1092 = vector.broadcast %select_n3A_1091 : i32 to vector<16xi32>
    %eq3A_1093 = arith.cmpi eq, %iota3A, %eq3A_1092 : vector<16xi32>
    %get3A_1094 = arith.constant 0 : index
    %get3A_1095 = tpu.vector_load %arg7[%get3A_1094] {strides = array<i32>} : memref<16xf32, #tpu.memory_space<vmem>>, vector<16xf32>,
    %get3A_1096 = vector.shape_cast %get3A_1095 : vector<16xf32> to vector<16xf32>
    %jit3A_1097 = arith.constant 0.000000e+00 : f32
    %broadcast_in_dim3A_1098 = vector.broadcast %jit3A_1097 : f32 to vector<16xf32>
    %select_n3A_1099 = arith.select %eq3A_1093, %get3A_1096, %broadcast_in_dim3A_1098 : vector<16xi1>, vector<16xf32>
    %add3A_1100 = arith.addf %add3A_1052, %select_n3A_1099 : vector<16xf32>
    %slice3A_1101 = vector.extract_strided_slice %get3A_764 {offsets = [7], sizes = [1], strides = [1]} : vector<16xi32> to vector<1xi32>
    %squeeze3A_1102 = vector.extract %slice3A_1101[0] : i32 from vector<1xi32>
    %ge3A_1103 = arith.constant 69280 : i32
    %ge3A_1104 = arith.cmpi sge, %squeeze3A_1102, %ge3A_1103 : i32
    %jit3A_1105 = arith.constant 69280 : i32
    %select_n3A_1106 = arith.select %ge3A_1104, %squeeze3A_1102, %jit3A_1105 : i32
    %add3A_1107 = arith.constant 16 : i32
    %add3A_1108 = arith.addi %mul3A_2, %add3A_1107 : i32
    %add3A_1109 = arith.constant 7 : i32
    %add3A_1110 = arith.addi %add3A_1108, %add3A_1109 : i32
    %jit3A_1111 = arith.constant 16 : i32
    %div3A_1112 = arith.divsi %add3A_1110, %jit3A_1111 : i32
    %sign3A_1113 = arith.constant 0 : i32
    %sign3A_1114 = arith.cmpi sgt, %add3A_1110, %sign3A_1113 : i32
    %sign3A_1115 = arith.extui %sign3A_1114 : i1 to i32
    %sign3A_1116 = arith.constant 0 : i32
    %sign3A_1117 = arith.cmpi slt, %add3A_1110, %sign3A_1116 : i32
    %sign3A_1118 = arith.extui %sign3A_1117 : i1 to i32
    %sign3A_1119 = arith.subi %sign3A_1115, %sign3A_1118 : i32
    %sign3A_1120 = arith.constant 0 : i32
    %sign3A_1121 = arith.cmpi sgt, %jit3A_1111, %sign3A_1120 : i32
    %sign3A_1122 = arith.extui %sign3A_1121 : i1 to i32
    %sign3A_1123 = arith.constant 0 : i32
    %sign3A_1124 = arith.cmpi slt, %jit3A_1111, %sign3A_1123 : i32
    %sign3A_1125 = arith.extui %sign3A_1124 : i1 to i32
    %sign3A_1126 = arith.subi %sign3A_1122, %sign3A_1125 : i32
    %ne3A_1127 = arith.cmpi ne, %sign3A_1119, %sign3A_1126 : i32
    %rem3A_1128 = arith.remsi %add3A_1110, %jit3A_1111 : i32
    %ne3A_1129 = arith.constant 0 : i32
    %ne3A_1130 = arith.cmpi ne, %rem3A_1128, %ne3A_1129 : i32
    %and3A_1131 = arith.andi %ne3A_1127, %ne3A_1130 : i1
    %sub3A_1132 = arith.constant 1 : i32
    %sub3A_1133 = arith.subi %div3A_1112, %sub3A_1132 : i32
    %select_n3A_1134 = arith.select %and3A_1131, %sub3A_1133, %div3A_1112 : i32
    %mul3A_1135 = arith.constant 16 : i32
    %mul3A_1136 = arith.muli %select_n3A_1134, %mul3A_1135 : i32
    "tpu.region"() ({
      %run_scoped3A = tpu.sem_alloc : memref<!tpu.dma_semaphore, #tpu.memory_space<semaphore_mem>>
      %dma_start3A_3104 = tpu.memref_slice %arg3[%select_n3A_1106, %mul3A_1136] : memref<100000x2048xf32, #tpu.memory_space<hbm>> -> memref<1x16xf32, #tpu.memory_space<hbm>>
      %dma_start3A_3105 = tpu.memref_squeeze %dma_start3A_3104 : memref<1x16xf32, #tpu.memory_space<hbm>> -> memref<16xf32, #tpu.memory_space<hbm>>
      %dma_start3A_3106 = tpu.memref_slice %arg3[%select_n3A_1106, %mul3A_1136] : memref<100000x2048xf32, #tpu.memory_space<hbm>> -> memref<1x16xf32, #tpu.memory_space<hbm>>
      %dma_start3A_3107 = tpu.memref_squeeze %dma_start3A_3106 : memref<1x16xf32, #tpu.memory_space<hbm>> -> memref<16xf32, #tpu.memory_space<hbm>>
      tpu.enqueue_dma source(%dma_start3A_3107 : memref<16xf32, #tpu.memory_space<hbm>>) target(%arg7 : memref<16xf32, #tpu.memory_space<vmem>>) target_semaphore(%run_scoped3A : memref<!tpu.dma_semaphore, #tpu.memory_space<semaphore_mem>>)
      %dma_wait3A = tpu.memref_slice %arg3[%select_n3A_1106, %mul3A_1136] : memref<100000x2048xf32, #tpu.memory_space<hbm>> -> memref<1x16xf32, #tpu.memory_space<hbm>>
      %dma_wait3A_3108 = tpu.memref_squeeze %dma_wait3A : memref<1x16xf32, #tpu.memory_space<hbm>> -> memref<16xf32, #tpu.memory_space<hbm>>
      %dma_wait3A_3109 = tpu.memref_slice %arg3[%select_n3A_1106, %mul3A_1136] : memref<100000x2048xf32, #tpu.memory_space<hbm>> -> memref<1x16xf32, #tpu.memory_space<hbm>>
      %dma_wait3A_3110 = tpu.memref_squeeze %dma_wait3A_3109 : memref<1x16xf32, #tpu.memory_space<hbm>> -> memref<16xf32, #tpu.memory_space<hbm>>
      tpu.wait_dma2 semaphore(%run_scoped3A : memref<!tpu.dma_semaphore, #tpu.memory_space<semaphore_mem>>) src(%dma_wait3A_3110 : memref<16xf32, #tpu.memory_space<hbm>>) dst(%arg7 : memref<16xf32, #tpu.memory_space<vmem>>)
      tpu.yield
    }) : () -> ()
    %sub3A_1137 = arith.subi %add3A_1110, %mul3A_1136 : i32
    %jit3A_1138 = arith.constant -1 : i32
    %select_n3A_1139 = arith.select %ge3A_1104, %sub3A_1137, %jit3A_1138 : i32
    %eq3A_1140 = vector.broadcast %select_n3A_1139 : i32 to vector<16xi32>
    %eq3A_1141 = arith.cmpi eq, %iota3A, %eq3A_1140 : vector<16xi32>
    %get3A_1142 = arith.constant 0 : index
    %get3A_1143 = tpu.vector_load %arg7[%get3A_1142] {strides = array<i32>} : memref<16xf32, #tpu.memory_space<vmem>>, vector<16xf32>,
    %get3A_1144 = vector.shape_cast %get3A_1143 : vector<16xf32> to vector<16xf32>
    %jit3A_1145 = arith.constant 0.000000e+00 : f32
    %broadcast_in_dim3A_1146 = vector.broadcast %jit3A_1145 : f32 to vector<16xf32>
    %select_n3A_1147 = arith.select %eq3A_1141, %get3A_1144, %broadcast_in_dim3A_1146 : vector<16xi1>, vector<16xf32>
    %add3A_1148 = arith.addf %add3A_1100, %select_n3A_1147 : vector<16xf32>
    %slice3A_1149 = vector.extract_strided_slice %get3A_764 {offsets = [8], sizes = [1], strides = [1]} : vector<16xi32> to vector<1xi32>
    %squeeze3A_1150 = vector.extract %slice3A_1149[0] : i32 from vector<1xi32>
    %ge3A_1151 = arith.constant 69280 : i32
    %ge3A_1152 = arith.cmpi sge, %squeeze3A_1150, %ge3A_1151 : i32
    %jit3A_1153 = arith.constant 69280 : i32
    %select_n3A_1154 = arith.select %ge3A_1152, %squeeze3A_1150, %jit3A_1153 : i32
    %add3A_1155 = arith.constant 16 : i32
    %add3A_1156 = arith.addi %mul3A_2, %add3A_1155 : i32
    %add3A_1157 = arith.constant 8 : i32
    %add3A_1158 = arith.addi %add3A_1156, %add3A_1157 : i32
    %jit3A_1159 = arith.constant 16 : i32
    %div3A_1160 = arith.divsi %add3A_1158, %jit3A_1159 : i32
    %sign3A_1161 = arith.constant 0 : i32
    %sign3A_1162 = arith.cmpi sgt, %add3A_1158, %sign3A_1161 : i32
    %sign3A_1163 = arith.extui %sign3A_1162 : i1 to i32
    %sign3A_1164 = arith.constant 0 : i32
    %sign3A_1165 = arith.cmpi slt, %add3A_1158, %sign3A_1164 : i32
    %sign3A_1166 = arith.extui %sign3A_1165 : i1 to i32
    %sign3A_1167 = arith.subi %sign3A_1163, %sign3A_1166 : i32
    %sign3A_1168 = arith.constant 0 : i32
    %sign3A_1169 = arith.cmpi sgt, %jit3A_1159, %sign3A_1168 : i32
    %sign3A_1170 = arith.extui %sign3A_1169 : i1 to i32
    %sign3A_1171 = arith.constant 0 : i32
    %sign3A_1172 = arith.cmpi slt, %jit3A_1159, %sign3A_1171 : i32
    %sign3A_1173 = arith.extui %sign3A_1172 : i1 to i32
    %sign3A_1174 = arith.subi %sign3A_1170, %sign3A_1173 : i32
    %ne3A_1175 = arith.cmpi ne, %sign3A_1167, %sign3A_1174 : i32
    %rem3A_1176 = arith.remsi %add3A_1158, %jit3A_1159 : i32
    %ne3A_1177 = arith.constant 0 : i32
    %ne3A_1178 = arith.cmpi ne, %rem3A_1176, %ne3A_1177 : i32
    %and3A_1179 = arith.andi %ne3A_1175, %ne3A_1178 : i1
    %sub3A_1180 = arith.constant 1 : i32
    %sub3A_1181 = arith.subi %div3A_1160, %sub3A_1180 : i32
    %select_n3A_1182 = arith.select %and3A_1179, %sub3A_1181, %div3A_1160 : i32
    %mul3A_1183 = arith.constant 16 : i32
    %mul3A_1184 = arith.muli %select_n3A_1182, %mul3A_1183 : i32
    "tpu.region"() ({
      %run_scoped3A = tpu.sem_alloc : memref<!tpu.dma_semaphore, #tpu.memory_space<semaphore_mem>>
      %dma_start3A_3104 = tpu.memref_slice %arg3[%select_n3A_1154, %mul3A_1184] : memref<100000x2048xf32, #tpu.memory_space<hbm>> -> memref<1x16xf32, #tpu.memory_space<hbm>>
      %dma_start3A_3105 = tpu.memref_squeeze %dma_start3A_3104 : memref<1x16xf32, #tpu.memory_space<hbm>> -> memref<16xf32, #tpu.memory_space<hbm>>
      %dma_start3A_3106 = tpu.memref_slice %arg3[%select_n3A_1154, %mul3A_1184] : memref<100000x2048xf32, #tpu.memory_space<hbm>> -> memref<1x16xf32, #tpu.memory_space<hbm>>
      %dma_start3A_3107 = tpu.memref_squeeze %dma_start3A_3106 : memref<1x16xf32, #tpu.memory_space<hbm>> -> memref<16xf32, #tpu.memory_space<hbm>>
      tpu.enqueue_dma source(%dma_start3A_3107 : memref<16xf32, #tpu.memory_space<hbm>>) target(%arg7 : memref<16xf32, #tpu.memory_space<vmem>>) target_semaphore(%run_scoped3A : memref<!tpu.dma_semaphore, #tpu.memory_space<semaphore_mem>>)
      %dma_wait3A = tpu.memref_slice %arg3[%select_n3A_1154, %mul3A_1184] : memref<100000x2048xf32, #tpu.memory_space<hbm>> -> memref<1x16xf32, #tpu.memory_space<hbm>>
      %dma_wait3A_3108 = tpu.memref_squeeze %dma_wait3A : memref<1x16xf32, #tpu.memory_space<hbm>> -> memref<16xf32, #tpu.memory_space<hbm>>
      %dma_wait3A_3109 = tpu.memref_slice %arg3[%select_n3A_1154, %mul3A_1184] : memref<100000x2048xf32, #tpu.memory_space<hbm>> -> memref<1x16xf32, #tpu.memory_space<hbm>>
      %dma_wait3A_3110 = tpu.memref_squeeze %dma_wait3A_3109 : memref<1x16xf32, #tpu.memory_space<hbm>> -> memref<16xf32, #tpu.memory_space<hbm>>
      tpu.wait_dma2 semaphore(%run_scoped3A : memref<!tpu.dma_semaphore, #tpu.memory_space<semaphore_mem>>) src(%dma_wait3A_3110 : memref<16xf32, #tpu.memory_space<hbm>>) dst(%arg7 : memref<16xf32, #tpu.memory_space<vmem>>)
      tpu.yield
    }) : () -> ()
    %sub3A_1185 = arith.subi %add3A_1158, %mul3A_1184 : i32
    %jit3A_1186 = arith.constant -1 : i32
    %select_n3A_1187 = arith.select %ge3A_1152, %sub3A_1185, %jit3A_1186 : i32
    %eq3A_1188 = vector.broadcast %select_n3A_1187 : i32 to vector<16xi32>
    %eq3A_1189 = arith.cmpi eq, %iota3A, %eq3A_1188 : vector<16xi32>
    %get3A_1190 = arith.constant 0 : index
    %get3A_1191 = tpu.vector_load %arg7[%get3A_1190] {strides = array<i32>} : memref<16xf32, #tpu.memory_space<vmem>>, vector<16xf32>,
    %get3A_1192 = vector.shape_cast %get3A_1191 : vector<16xf32> to vector<16xf32>
    %jit3A_1193 = arith.constant 0.000000e+00 : f32
    %broadcast_in_dim3A_1194 = vector.broadcast %jit3A_1193 : f32 to vector<16xf32>
    %select_n3A_1195 = arith.select %eq3A_1189, %get3A_1192, %broadcast_in_dim3A_1194 : vector<16xi1>, vector<16xf32>
    %add3A_1196 = arith.addf %add3A_1148, %select_n3A_1195 : vector<16xf32>
    %slice3A_1197 = vector.extract_strided_slice %get3A_764 {offsets = [9], sizes = [1], strides = [1]} : vector<16xi32> to vector<1xi32>
    %squeeze3A_1198 = vector.extract %slice3A_1197[0] : i32 from vector<1xi32>
    %ge3A_1199 = arith.constant 69280 : i32
    %ge3A_1200 = arith.cmpi sge, %squeeze3A_1198, %ge3A_1199 : i32
    %jit3A_1201 = arith.constant 69280 : i32
    %select_n3A_1202 = arith.select %ge3A_1200, %squeeze3A_1198, %jit3A_1201 : i32
    %add3A_1203 = arith.constant 16 : i32
    %add3A_1204 = arith.addi %mul3A_2, %add3A_1203 : i32
    %add3A_1205 = arith.constant 9 : i32
    %add3A_1206 = arith.addi %add3A_1204, %add3A_1205 : i32
    %jit3A_1207 = arith.constant 16 : i32
    %div3A_1208 = arith.divsi %add3A_1206, %jit3A_1207 : i32
    %sign3A_1209 = arith.constant 0 : i32
    %sign3A_1210 = arith.cmpi sgt, %add3A_1206, %sign3A_1209 : i32
    %sign3A_1211 = arith.extui %sign3A_1210 : i1 to i32
    %sign3A_1212 = arith.constant 0 : i32
    %sign3A_1213 = arith.cmpi slt, %add3A_1206, %sign3A_1212 : i32
    %sign3A_1214 = arith.extui %sign3A_1213 : i1 to i32
    %sign3A_1215 = arith.subi %sign3A_1211, %sign3A_1214 : i32
    %sign3A_1216 = arith.constant 0 : i32
    %sign3A_1217 = arith.cmpi sgt, %jit3A_1207, %sign3A_1216 : i32
    %sign3A_1218 = arith.extui %sign3A_1217 : i1 to i32
    %sign3A_1219 = arith.constant 0 : i32
    %sign3A_1220 = arith.cmpi slt, %jit3A_1207, %sign3A_1219 : i32
    %sign3A_1221 = arith.extui %sign3A_1220 : i1 to i32
    %sign3A_1222 = arith.subi %sign3A_1218, %sign3A_1221 : i32
    %ne3A_1223 = arith.cmpi ne, %sign3A_1215, %sign3A_1222 : i32
    %rem3A_1224 = arith.remsi %add3A_1206, %jit3A_1207 : i32
    %ne3A_1225 = arith.constant 0 : i32
    %ne3A_1226 = arith.cmpi ne, %rem3A_1224, %ne3A_1225 : i32
    %and3A_1227 = arith.andi %ne3A_1223, %ne3A_1226 : i1
    %sub3A_1228 = arith.constant 1 : i32
    %sub3A_1229 = arith.subi %div3A_1208, %sub3A_1228 : i32
    %select_n3A_1230 = arith.select %and3A_1227, %sub3A_1229, %div3A_1208 : i32
    %mul3A_1231 = arith.constant 16 : i32
    %mul3A_1232 = arith.muli %select_n3A_1230, %mul3A_1231 : i32
    "tpu.region"() ({
      %run_scoped3A = tpu.sem_alloc : memref<!tpu.dma_semaphore, #tpu.memory_space<semaphore_mem>>
      %dma_start3A_3104 = tpu.memref_slice %arg3[%select_n3A_1202, %mul3A_1232] : memref<100000x2048xf32, #tpu.memory_space<hbm>> -> memref<1x16xf32, #tpu.memory_space<hbm>>
      %dma_start3A_3105 = tpu.memref_squeeze %dma_start3A_3104 : memref<1x16xf32, #tpu.memory_space<hbm>> -> memref<16xf32, #tpu.memory_space<hbm>>
      %dma_start3A_3106 = tpu.memref_slice %arg3[%select_n3A_1202, %mul3A_1232] : memref<100000x2048xf32, #tpu.memory_space<hbm>> -> memref<1x16xf32, #tpu.memory_space<hbm>>
      %dma_start3A_3107 = tpu.memref_squeeze %dma_start3A_3106 : memref<1x16xf32, #tpu.memory_space<hbm>> -> memref<16xf32, #tpu.memory_space<hbm>>
      tpu.enqueue_dma source(%dma_start3A_3107 : memref<16xf32, #tpu.memory_space<hbm>>) target(%arg7 : memref<16xf32, #tpu.memory_space<vmem>>) target_semaphore(%run_scoped3A : memref<!tpu.dma_semaphore, #tpu.memory_space<semaphore_mem>>)
      %dma_wait3A = tpu.memref_slice %arg3[%select_n3A_1202, %mul3A_1232] : memref<100000x2048xf32, #tpu.memory_space<hbm>> -> memref<1x16xf32, #tpu.memory_space<hbm>>
      %dma_wait3A_3108 = tpu.memref_squeeze %dma_wait3A : memref<1x16xf32, #tpu.memory_space<hbm>> -> memref<16xf32, #tpu.memory_space<hbm>>
      %dma_wait3A_3109 = tpu.memref_slice %arg3[%select_n3A_1202, %mul3A_1232] : memref<100000x2048xf32, #tpu.memory_space<hbm>> -> memref<1x16xf32, #tpu.memory_space<hbm>>
      %dma_wait3A_3110 = tpu.memref_squeeze %dma_wait3A_3109 : memref<1x16xf32, #tpu.memory_space<hbm>> -> memref<16xf32, #tpu.memory_space<hbm>>
      tpu.wait_dma2 semaphore(%run_scoped3A : memref<!tpu.dma_semaphore, #tpu.memory_space<semaphore_mem>>) src(%dma_wait3A_3110 : memref<16xf32, #tpu.memory_space<hbm>>) dst(%arg7 : memref<16xf32, #tpu.memory_space<vmem>>)
      tpu.yield
    }) : () -> ()
    %sub3A_1233 = arith.subi %add3A_1206, %mul3A_1232 : i32
    %jit3A_1234 = arith.constant -1 : i32
    %select_n3A_1235 = arith.select %ge3A_1200, %sub3A_1233, %jit3A_1234 : i32
    %eq3A_1236 = vector.broadcast %select_n3A_1235 : i32 to vector<16xi32>
    %eq3A_1237 = arith.cmpi eq, %iota3A, %eq3A_1236 : vector<16xi32>
    %get3A_1238 = arith.constant 0 : index
    %get3A_1239 = tpu.vector_load %arg7[%get3A_1238] {strides = array<i32>} : memref<16xf32, #tpu.memory_space<vmem>>, vector<16xf32>,
    %get3A_1240 = vector.shape_cast %get3A_1239 : vector<16xf32> to vector<16xf32>
    %jit3A_1241 = arith.constant 0.000000e+00 : f32
    %broadcast_in_dim3A_1242 = vector.broadcast %jit3A_1241 : f32 to vector<16xf32>
    %select_n3A_1243 = arith.select %eq3A_1237, %get3A_1240, %broadcast_in_dim3A_1242 : vector<16xi1>, vector<16xf32>
    %add3A_1244 = arith.addf %add3A_1196, %select_n3A_1243 : vector<16xf32>
    %slice3A_1245 = vector.extract_strided_slice %get3A_764 {offsets = [10], sizes = [1], strides = [1]} : vector<16xi32> to vector<1xi32>
    %squeeze3A_1246 = vector.extract %slice3A_1245[0] : i32 from vector<1xi32>
    %ge3A_1247 = arith.constant 69280 : i32
    %ge3A_1248 = arith.cmpi sge, %squeeze3A_1246, %ge3A_1247 : i32
    %jit3A_1249 = arith.constant 69280 : i32
    %select_n3A_1250 = arith.select %ge3A_1248, %squeeze3A_1246, %jit3A_1249 : i32
    %add3A_1251 = arith.constant 16 : i32
    %add3A_1252 = arith.addi %mul3A_2, %add3A_1251 : i32
    %add3A_1253 = arith.constant 10 : i32
    %add3A_1254 = arith.addi %add3A_1252, %add3A_1253 : i32
    %jit3A_1255 = arith.constant 16 : i32
    %div3A_1256 = arith.divsi %add3A_1254, %jit3A_1255 : i32
    %sign3A_1257 = arith.constant 0 : i32
    %sign3A_1258 = arith.cmpi sgt, %add3A_1254, %sign3A_1257 : i32
    %sign3A_1259 = arith.extui %sign3A_1258 : i1 to i32
    %sign3A_1260 = arith.constant 0 : i32
    %sign3A_1261 = arith.cmpi slt, %add3A_1254, %sign3A_1260 : i32
    %sign3A_1262 = arith.extui %sign3A_1261 : i1 to i32
    %sign3A_1263 = arith.subi %sign3A_1259, %sign3A_1262 : i32
    %sign3A_1264 = arith.constant 0 : i32
    %sign3A_1265 = arith.cmpi sgt, %jit3A_1255, %sign3A_1264 : i32
    %sign3A_1266 = arith.extui %sign3A_1265 : i1 to i32
    %sign3A_1267 = arith.constant 0 : i32
    %sign3A_1268 = arith.cmpi slt, %jit3A_1255, %sign3A_1267 : i32
    %sign3A_1269 = arith.extui %sign3A_1268 : i1 to i32
    %sign3A_1270 = arith.subi %sign3A_1266, %sign3A_1269 : i32
    %ne3A_1271 = arith.cmpi ne, %sign3A_1263, %sign3A_1270 : i32
    %rem3A_1272 = arith.remsi %add3A_1254, %jit3A_1255 : i32
    %ne3A_1273 = arith.constant 0 : i32
    %ne3A_1274 = arith.cmpi ne, %rem3A_1272, %ne3A_1273 : i32
    %and3A_1275 = arith.andi %ne3A_1271, %ne3A_1274 : i1
    %sub3A_1276 = arith.constant 1 : i32
    %sub3A_1277 = arith.subi %div3A_1256, %sub3A_1276 : i32
    %select_n3A_1278 = arith.select %and3A_1275, %sub3A_1277, %div3A_1256 : i32
    %mul3A_1279 = arith.constant 16 : i32
    %mul3A_1280 = arith.muli %select_n3A_1278, %mul3A_1279 : i32
    "tpu.region"() ({
      %run_scoped3A = tpu.sem_alloc : memref<!tpu.dma_semaphore, #tpu.memory_space<semaphore_mem>>
      %dma_start3A_3104 = tpu.memref_slice %arg3[%select_n3A_1250, %mul3A_1280] : memref<100000x2048xf32, #tpu.memory_space<hbm>> -> memref<1x16xf32, #tpu.memory_space<hbm>>
      %dma_start3A_3105 = tpu.memref_squeeze %dma_start3A_3104 : memref<1x16xf32, #tpu.memory_space<hbm>> -> memref<16xf32, #tpu.memory_space<hbm>>
      %dma_start3A_3106 = tpu.memref_slice %arg3[%select_n3A_1250, %mul3A_1280] : memref<100000x2048xf32, #tpu.memory_space<hbm>> -> memref<1x16xf32, #tpu.memory_space<hbm>>
      %dma_start3A_3107 = tpu.memref_squeeze %dma_start3A_3106 : memref<1x16xf32, #tpu.memory_space<hbm>> -> memref<16xf32, #tpu.memory_space<hbm>>
      tpu.enqueue_dma source(%dma_start3A_3107 : memref<16xf32, #tpu.memory_space<hbm>>) target(%arg7 : memref<16xf32, #tpu.memory_space<vmem>>) target_semaphore(%run_scoped3A : memref<!tpu.dma_semaphore, #tpu.memory_space<semaphore_mem>>)
      %dma_wait3A = tpu.memref_slice %arg3[%select_n3A_1250, %mul3A_1280] : memref<100000x2048xf32, #tpu.memory_space<hbm>> -> memref<1x16xf32, #tpu.memory_space<hbm>>
      %dma_wait3A_3108 = tpu.memref_squeeze %dma_wait3A : memref<1x16xf32, #tpu.memory_space<hbm>> -> memref<16xf32, #tpu.memory_space<hbm>>
      %dma_wait3A_3109 = tpu.memref_slice %arg3[%select_n3A_1250, %mul3A_1280] : memref<100000x2048xf32, #tpu.memory_space<hbm>> -> memref<1x16xf32, #tpu.memory_space<hbm>>
      %dma_wait3A_3110 = tpu.memref_squeeze %dma_wait3A_3109 : memref<1x16xf32, #tpu.memory_space<hbm>> -> memref<16xf32, #tpu.memory_space<hbm>>
      tpu.wait_dma2 semaphore(%run_scoped3A : memref<!tpu.dma_semaphore, #tpu.memory_space<semaphore_mem>>) src(%dma_wait3A_3110 : memref<16xf32, #tpu.memory_space<hbm>>) dst(%arg7 : memref<16xf32, #tpu.memory_space<vmem>>)
      tpu.yield
    }) : () -> ()
    %sub3A_1281 = arith.subi %add3A_1254, %mul3A_1280 : i32
    %jit3A_1282 = arith.constant -1 : i32
    %select_n3A_1283 = arith.select %ge3A_1248, %sub3A_1281, %jit3A_1282 : i32
    %eq3A_1284 = vector.broadcast %select_n3A_1283 : i32 to vector<16xi32>
    %eq3A_1285 = arith.cmpi eq, %iota3A, %eq3A_1284 : vector<16xi32>
    %get3A_1286 = arith.constant 0 : index
    %get3A_1287 = tpu.vector_load %arg7[%get3A_1286] {strides = array<i32>} : memref<16xf32, #tpu.memory_space<vmem>>, vector<16xf32>,
    %get3A_1288 = vector.shape_cast %get3A_1287 : vector<16xf32> to vector<16xf32>
    %jit3A_1289 = arith.constant 0.000000e+00 : f32
    %broadcast_in_dim3A_1290 = vector.broadcast %jit3A_1289 : f32 to vector<16xf32>
    %select_n3A_1291 = arith.select %eq3A_1285, %get3A_1288, %broadcast_in_dim3A_1290 : vector<16xi1>, vector<16xf32>
    %add3A_1292 = arith.addf %add3A_1244, %select_n3A_1291 : vector<16xf32>
    %slice3A_1293 = vector.extract_strided_slice %get3A_764 {offsets = [11], sizes = [1], strides = [1]} : vector<16xi32> to vector<1xi32>
    %squeeze3A_1294 = vector.extract %slice3A_1293[0] : i32 from vector<1xi32>
    %ge3A_1295 = arith.constant 69280 : i32
    %ge3A_1296 = arith.cmpi sge, %squeeze3A_1294, %ge3A_1295 : i32
    %jit3A_1297 = arith.constant 69280 : i32
    %select_n3A_1298 = arith.select %ge3A_1296, %squeeze3A_1294, %jit3A_1297 : i32
    %add3A_1299 = arith.constant 16 : i32
    %add3A_1300 = arith.addi %mul3A_2, %add3A_1299 : i32
    %add3A_1301 = arith.constant 11 : i32
    %add3A_1302 = arith.addi %add3A_1300, %add3A_1301 : i32
    %jit3A_1303 = arith.constant 16 : i32
    %div3A_1304 = arith.divsi %add3A_1302, %jit3A_1303 : i32
    %sign3A_1305 = arith.constant 0 : i32
    %sign3A_1306 = arith.cmpi sgt, %add3A_1302, %sign3A_1305 : i32
    %sign3A_1307 = arith.extui %sign3A_1306 : i1 to i32
    %sign3A_1308 = arith.constant 0 : i32
    %sign3A_1309 = arith.cmpi slt, %add3A_1302, %sign3A_1308 : i32
    %sign3A_1310 = arith.extui %sign3A_1309 : i1 to i32
    %sign3A_1311 = arith.subi %sign3A_1307, %sign3A_1310 : i32
    %sign3A_1312 = arith.constant 0 : i32
    %sign3A_1313 = arith.cmpi sgt, %jit3A_1303, %sign3A_1312 : i32
    %sign3A_1314 = arith.extui %sign3A_1313 : i1 to i32
    %sign3A_1315 = arith.constant 0 : i32
    %sign3A_1316 = arith.cmpi slt, %jit3A_1303, %sign3A_1315 : i32
    %sign3A_1317 = arith.extui %sign3A_1316 : i1 to i32
    %sign3A_1318 = arith.subi %sign3A_1314, %sign3A_1317 : i32
    %ne3A_1319 = arith.cmpi ne, %sign3A_1311, %sign3A_1318 : i32
    %rem3A_1320 = arith.remsi %add3A_1302, %jit3A_1303 : i32
    %ne3A_1321 = arith.constant 0 : i32
    %ne3A_1322 = arith.cmpi ne, %rem3A_1320, %ne3A_1321 : i32
    %and3A_1323 = arith.andi %ne3A_1319, %ne3A_1322 : i1
    %sub3A_1324 = arith.constant 1 : i32
    %sub3A_1325 = arith.subi %div3A_1304, %sub3A_1324 : i32
    %select_n3A_1326 = arith.select %and3A_1323, %sub3A_1325, %div3A_1304 : i32
    %mul3A_1327 = arith.constant 16 : i32
    %mul3A_1328 = arith.muli %select_n3A_1326, %mul3A_1327 : i32
    "tpu.region"() ({
      %run_scoped3A = tpu.sem_alloc : memref<!tpu.dma_semaphore, #tpu.memory_space<semaphore_mem>>
      %dma_start3A_3104 = tpu.memref_slice %arg3[%select_n3A_1298, %mul3A_1328] : memref<100000x2048xf32, #tpu.memory_space<hbm>> -> memref<1x16xf32, #tpu.memory_space<hbm>>
      %dma_start3A_3105 = tpu.memref_squeeze %dma_start3A_3104 : memref<1x16xf32, #tpu.memory_space<hbm>> -> memref<16xf32, #tpu.memory_space<hbm>>
      %dma_start3A_3106 = tpu.memref_slice %arg3[%select_n3A_1298, %mul3A_1328] : memref<100000x2048xf32, #tpu.memory_space<hbm>> -> memref<1x16xf32, #tpu.memory_space<hbm>>
      %dma_start3A_3107 = tpu.memref_squeeze %dma_start3A_3106 : memref<1x16xf32, #tpu.memory_space<hbm>> -> memref<16xf32, #tpu.memory_space<hbm>>
      tpu.enqueue_dma source(%dma_start3A_3107 : memref<16xf32, #tpu.memory_space<hbm>>) target(%arg7 : memref<16xf32, #tpu.memory_space<vmem>>) target_semaphore(%run_scoped3A : memref<!tpu.dma_semaphore, #tpu.memory_space<semaphore_mem>>)
      %dma_wait3A = tpu.memref_slice %arg3[%select_n3A_1298, %mul3A_1328] : memref<100000x2048xf32, #tpu.memory_space<hbm>> -> memref<1x16xf32, #tpu.memory_space<hbm>>
      %dma_wait3A_3108 = tpu.memref_squeeze %dma_wait3A : memref<1x16xf32, #tpu.memory_space<hbm>> -> memref<16xf32, #tpu.memory_space<hbm>>
      %dma_wait3A_3109 = tpu.memref_slice %arg3[%select_n3A_1298, %mul3A_1328] : memref<100000x2048xf32, #tpu.memory_space<hbm>> -> memref<1x16xf32, #tpu.memory_space<hbm>>
      %dma_wait3A_3110 = tpu.memref_squeeze %dma_wait3A_3109 : memref<1x16xf32, #tpu.memory_space<hbm>> -> memref<16xf32, #tpu.memory_space<hbm>>
      tpu.wait_dma2 semaphore(%run_scoped3A : memref<!tpu.dma_semaphore, #tpu.memory_space<semaphore_mem>>) src(%dma_wait3A_3110 : memref<16xf32, #tpu.memory_space<hbm>>) dst(%arg7 : memref<16xf32, #tpu.memory_space<vmem>>)
      tpu.yield
    }) : () -> ()
    %sub3A_1329 = arith.subi %add3A_1302, %mul3A_1328 : i32
    %jit3A_1330 = arith.constant -1 : i32
    %select_n3A_1331 = arith.select %ge3A_1296, %sub3A_1329, %jit3A_1330 : i32
    %eq3A_1332 = vector.broadcast %select_n3A_1331 : i32 to vector<16xi32>
    %eq3A_1333 = arith.cmpi eq, %iota3A, %eq3A_1332 : vector<16xi32>
    %get3A_1334 = arith.constant 0 : index
    %get3A_1335 = tpu.vector_load %arg7[%get3A_1334] {strides = array<i32>} : memref<16xf32, #tpu.memory_space<vmem>>, vector<16xf32>,
    %get3A_1336 = vector.shape_cast %get3A_1335 : vector<16xf32> to vector<16xf32>
    %jit3A_1337 = arith.constant 0.000000e+00 : f32
    %broadcast_in_dim3A_1338 = vector.broadcast %jit3A_1337 : f32 to vector<16xf32>
    %select_n3A_1339 = arith.select %eq3A_1333, %get3A_1336, %broadcast_in_dim3A_1338 : vector<16xi1>, vector<16xf32>
    %add3A_1340 = arith.addf %add3A_1292, %select_n3A_1339 : vector<16xf32>
    %slice3A_1341 = vector.extract_strided_slice %get3A_764 {offsets = [12], sizes = [1], strides = [1]} : vector<16xi32> to vector<1xi32>
    %squeeze3A_1342 = vector.extract %slice3A_1341[0] : i32 from vector<1xi32>
    %ge3A_1343 = arith.constant 69280 : i32
    %ge3A_1344 = arith.cmpi sge, %squeeze3A_1342, %ge3A_1343 : i32
    %jit3A_1345 = arith.constant 69280 : i32
    %select_n3A_1346 = arith.select %ge3A_1344, %squeeze3A_1342, %jit3A_1345 : i32
    %add3A_1347 = arith.constant 16 : i32
    %add3A_1348 = arith.addi %mul3A_2, %add3A_1347 : i32
    %add3A_1349 = arith.constant 12 : i32
    %add3A_1350 = arith.addi %add3A_1348, %add3A_1349 : i32
    %jit3A_1351 = arith.constant 16 : i32
    %div3A_1352 = arith.divsi %add3A_1350, %jit3A_1351 : i32
    %sign3A_1353 = arith.constant 0 : i32
    %sign3A_1354 = arith.cmpi sgt, %add3A_1350, %sign3A_1353 : i32
    %sign3A_1355 = arith.extui %sign3A_1354 : i1 to i32
    %sign3A_1356 = arith.constant 0 : i32
    %sign3A_1357 = arith.cmpi slt, %add3A_1350, %sign3A_1356 : i32
    %sign3A_1358 = arith.extui %sign3A_1357 : i1 to i32
    %sign3A_1359 = arith.subi %sign3A_1355, %sign3A_1358 : i32
    %sign3A_1360 = arith.constant 0 : i32
    %sign3A_1361 = arith.cmpi sgt, %jit3A_1351, %sign3A_1360 : i32
    %sign3A_1362 = arith.extui %sign3A_1361 : i1 to i32
    %sign3A_1363 = arith.constant 0 : i32
    %sign3A_1364 = arith.cmpi slt, %jit3A_1351, %sign3A_1363 : i32
    %sign3A_1365 = arith.extui %sign3A_1364 : i1 to i32
    %sign3A_1366 = arith.subi %sign3A_1362, %sign3A_1365 : i32
    %ne3A_1367 = arith.cmpi ne, %sign3A_1359, %sign3A_1366 : i32
    %rem3A_1368 = arith.remsi %add3A_1350, %jit3A_1351 : i32
    %ne3A_1369 = arith.constant 0 : i32
    %ne3A_1370 = arith.cmpi ne, %rem3A_1368, %ne3A_1369 : i32
    %and3A_1371 = arith.andi %ne3A_1367, %ne3A_1370 : i1
    %sub3A_1372 = arith.constant 1 : i32
    %sub3A_1373 = arith.subi %div3A_1352, %sub3A_1372 : i32
    %select_n3A_1374 = arith.select %and3A_1371, %sub3A_1373, %div3A_1352 : i32
    %mul3A_1375 = arith.constant 16 : i32
    %mul3A_1376 = arith.muli %select_n3A_1374, %mul3A_1375 : i32
    "tpu.region"() ({
      %run_scoped3A = tpu.sem_alloc : memref<!tpu.dma_semaphore, #tpu.memory_space<semaphore_mem>>
      %dma_start3A_3104 = tpu.memref_slice %arg3[%select_n3A_1346, %mul3A_1376] : memref<100000x2048xf32, #tpu.memory_space<hbm>> -> memref<1x16xf32, #tpu.memory_space<hbm>>
      %dma_start3A_3105 = tpu.memref_squeeze %dma_start3A_3104 : memref<1x16xf32, #tpu.memory_space<hbm>> -> memref<16xf32, #tpu.memory_space<hbm>>
      %dma_start3A_3106 = tpu.memref_slice %arg3[%select_n3A_1346, %mul3A_1376] : memref<100000x2048xf32, #tpu.memory_space<hbm>> -> memref<1x16xf32, #tpu.memory_space<hbm>>
      %dma_start3A_3107 = tpu.memref_squeeze %dma_start3A_3106 : memref<1x16xf32, #tpu.memory_space<hbm>> -> memref<16xf32, #tpu.memory_space<hbm>>
      tpu.enqueue_dma source(%dma_start3A_3107 : memref<16xf32, #tpu.memory_space<hbm>>) target(%arg7 : memref<16xf32, #tpu.memory_space<vmem>>) target_semaphore(%run_scoped3A : memref<!tpu.dma_semaphore, #tpu.memory_space<semaphore_mem>>)
      %dma_wait3A = tpu.memref_slice %arg3[%select_n3A_1346, %mul3A_1376] : memref<100000x2048xf32, #tpu.memory_space<hbm>> -> memref<1x16xf32, #tpu.memory_space<hbm>>
      %dma_wait3A_3108 = tpu.memref_squeeze %dma_wait3A : memref<1x16xf32, #tpu.memory_space<hbm>> -> memref<16xf32, #tpu.memory_space<hbm>>
      %dma_wait3A_3109 = tpu.memref_slice %arg3[%select_n3A_1346, %mul3A_1376] : memref<100000x2048xf32, #tpu.memory_space<hbm>> -> memref<1x16xf32, #tpu.memory_space<hbm>>
      %dma_wait3A_3110 = tpu.memref_squeeze %dma_wait3A_3109 : memref<1x16xf32, #tpu.memory_space<hbm>> -> memref<16xf32, #tpu.memory_space<hbm>>
      tpu.wait_dma2 semaphore(%run_scoped3A : memref<!tpu.dma_semaphore, #tpu.memory_space<semaphore_mem>>) src(%dma_wait3A_3110 : memref<16xf32, #tpu.memory_space<hbm>>) dst(%arg7 : memref<16xf32, #tpu.memory_space<vmem>>)
      tpu.yield
    }) : () -> ()
    %sub3A_1377 = arith.subi %add3A_1350, %mul3A_1376 : i32
    %jit3A_1378 = arith.constant -1 : i32
    %select_n3A_1379 = arith.select %ge3A_1344, %sub3A_1377, %jit3A_1378 : i32
    %eq3A_1380 = vector.broadcast %select_n3A_1379 : i32 to vector<16xi32>
    %eq3A_1381 = arith.cmpi eq, %iota3A, %eq3A_1380 : vector<16xi32>
    %get3A_1382 = arith.constant 0 : index
    %get3A_1383 = tpu.vector_load %arg7[%get3A_1382] {strides = array<i32>} : memref<16xf32, #tpu.memory_space<vmem>>, vector<16xf32>,
    %get3A_1384 = vector.shape_cast %get3A_1383 : vector<16xf32> to vector<16xf32>
    %jit3A_1385 = arith.constant 0.000000e+00 : f32
    %broadcast_in_dim3A_1386 = vector.broadcast %jit3A_1385 : f32 to vector<16xf32>
    %select_n3A_1387 = arith.select %eq3A_1381, %get3A_1384, %broadcast_in_dim3A_1386 : vector<16xi1>, vector<16xf32>
    %add3A_1388 = arith.addf %add3A_1340, %select_n3A_1387 : vector<16xf32>
    %slice3A_1389 = vector.extract_strided_slice %get3A_764 {offsets = [13], sizes = [1], strides = [1]} : vector<16xi32> to vector<1xi32>
    %squeeze3A_1390 = vector.extract %slice3A_1389[0] : i32 from vector<1xi32>
    %ge3A_1391 = arith.constant 69280 : i32
    %ge3A_1392 = arith.cmpi sge, %squeeze3A_1390, %ge3A_1391 : i32
    %jit3A_1393 = arith.constant 69280 : i32
    %select_n3A_1394 = arith.select %ge3A_1392, %squeeze3A_1390, %jit3A_1393 : i32
    %add3A_1395 = arith.constant 16 : i32
    %add3A_1396 = arith.addi %mul3A_2, %add3A_1395 : i32
    %add3A_1397 = arith.constant 13 : i32
    %add3A_1398 = arith.addi %add3A_1396, %add3A_1397 : i32
    %jit3A_1399 = arith.constant 16 : i32
    %div3A_1400 = arith.divsi %add3A_1398, %jit3A_1399 : i32
    %sign3A_1401 = arith.constant 0 : i32
    %sign3A_1402 = arith.cmpi sgt, %add3A_1398, %sign3A_1401 : i32
    %sign3A_1403 = arith.extui %sign3A_1402 : i1 to i32
    %sign3A_1404 = arith.constant 0 : i32
    %sign3A_1405 = arith.cmpi slt, %add3A_1398, %sign3A_1404 : i32
    %sign3A_1406 = arith.extui %sign3A_1405 : i1 to i32
    %sign3A_1407 = arith.subi %sign3A_1403, %sign3A_1406 : i32
    %sign3A_1408 = arith.constant 0 : i32
    %sign3A_1409 = arith.cmpi sgt, %jit3A_1399, %sign3A_1408 : i32
    %sign3A_1410 = arith.extui %sign3A_1409 : i1 to i32
    %sign3A_1411 = arith.constant 0 : i32
    %sign3A_1412 = arith.cmpi slt, %jit3A_1399, %sign3A_1411 : i32
    %sign3A_1413 = arith.extui %sign3A_1412 : i1 to i32
    %sign3A_1414 = arith.subi %sign3A_1410, %sign3A_1413 : i32
    %ne3A_1415 = arith.cmpi ne, %sign3A_1407, %sign3A_1414 : i32
    %rem3A_1416 = arith.remsi %add3A_1398, %jit3A_1399 : i32
    %ne3A_1417 = arith.constant 0 : i32
    %ne3A_1418 = arith.cmpi ne, %rem3A_1416, %ne3A_1417 : i32
    %and3A_1419 = arith.andi %ne3A_1415, %ne3A_1418 : i1
    %sub3A_1420 = arith.constant 1 : i32
    %sub3A_1421 = arith.subi %div3A_1400, %sub3A_1420 : i32
    %select_n3A_1422 = arith.select %and3A_1419, %sub3A_1421, %div3A_1400 : i32
    %mul3A_1423 = arith.constant 16 : i32
    %mul3A_1424 = arith.muli %select_n3A_1422, %mul3A_1423 : i32
    "tpu.region"() ({
      %run_scoped3A = tpu.sem_alloc : memref<!tpu.dma_semaphore, #tpu.memory_space<semaphore_mem>>
      %dma_start3A_3104 = tpu.memref_slice %arg3[%select_n3A_1394, %mul3A_1424] : memref<100000x2048xf32, #tpu.memory_space<hbm>> -> memref<1x16xf32, #tpu.memory_space<hbm>>
      %dma_start3A_3105 = tpu.memref_squeeze %dma_start3A_3104 : memref<1x16xf32, #tpu.memory_space<hbm>> -> memref<16xf32, #tpu.memory_space<hbm>>
      %dma_start3A_3106 = tpu.memref_slice %arg3[%select_n3A_1394, %mul3A_1424] : memref<100000x2048xf32, #tpu.memory_space<hbm>> -> memref<1x16xf32, #tpu.memory_space<hbm>>
      %dma_start3A_3107 = tpu.memref_squeeze %dma_start3A_3106 : memref<1x16xf32, #tpu.memory_space<hbm>> -> memref<16xf32, #tpu.memory_space<hbm>>
      tpu.enqueue_dma source(%dma_start3A_3107 : memref<16xf32, #tpu.memory_space<hbm>>) target(%arg7 : memref<16xf32, #tpu.memory_space<vmem>>) target_semaphore(%run_scoped3A : memref<!tpu.dma_semaphore, #tpu.memory_space<semaphore_mem>>)
      %dma_wait3A = tpu.memref_slice %arg3[%select_n3A_1394, %mul3A_1424] : memref<100000x2048xf32, #tpu.memory_space<hbm>> -> memref<1x16xf32, #tpu.memory_space<hbm>>
      %dma_wait3A_3108 = tpu.memref_squeeze %dma_wait3A : memref<1x16xf32, #tpu.memory_space<hbm>> -> memref<16xf32, #tpu.memory_space<hbm>>
      %dma_wait3A_3109 = tpu.memref_slice %arg3[%select_n3A_1394, %mul3A_1424] : memref<100000x2048xf32, #tpu.memory_space<hbm>> -> memref<1x16xf32, #tpu.memory_space<hbm>>
      %dma_wait3A_3110 = tpu.memref_squeeze %dma_wait3A_3109 : memref<1x16xf32, #tpu.memory_space<hbm>> -> memref<16xf32, #tpu.memory_space<hbm>>
      tpu.wait_dma2 semaphore(%run_scoped3A : memref<!tpu.dma_semaphore, #tpu.memory_space<semaphore_mem>>) src(%dma_wait3A_3110 : memref<16xf32, #tpu.memory_space<hbm>>) dst(%arg7 : memref<16xf32, #tpu.memory_space<vmem>>)
      tpu.yield
    }) : () -> ()
    %sub3A_1425 = arith.subi %add3A_1398, %mul3A_1424 : i32
    %jit3A_1426 = arith.constant -1 : i32
    %select_n3A_1427 = arith.select %ge3A_1392, %sub3A_1425, %jit3A_1426 : i32
    %eq3A_1428 = vector.broadcast %select_n3A_1427 : i32 to vector<16xi32>
    %eq3A_1429 = arith.cmpi eq, %iota3A, %eq3A_1428 : vector<16xi32>
    %get3A_1430 = arith.constant 0 : index
    %get3A_1431 = tpu.vector_load %arg7[%get3A_1430] {strides = array<i32>} : memref<16xf32, #tpu.memory_space<vmem>>, vector<16xf32>,
    %get3A_1432 = vector.shape_cast %get3A_1431 : vector<16xf32> to vector<16xf32>
    %jit3A_1433 = arith.constant 0.000000e+00 : f32
    %broadcast_in_dim3A_1434 = vector.broadcast %jit3A_1433 : f32 to vector<16xf32>
    %select_n3A_1435 = arith.select %eq3A_1429, %get3A_1432, %broadcast_in_dim3A_1434 : vector<16xi1>, vector<16xf32>
    %add3A_1436 = arith.addf %add3A_1388, %select_n3A_1435 : vector<16xf32>
    %slice3A_1437 = vector.extract_strided_slice %get3A_764 {offsets = [14], sizes = [1], strides = [1]} : vector<16xi32> to vector<1xi32>
    %squeeze3A_1438 = vector.extract %slice3A_1437[0] : i32 from vector<1xi32>
    %ge3A_1439 = arith.constant 69280 : i32
    %ge3A_1440 = arith.cmpi sge, %squeeze3A_1438, %ge3A_1439 : i32
    %jit3A_1441 = arith.constant 69280 : i32
    %select_n3A_1442 = arith.select %ge3A_1440, %squeeze3A_1438, %jit3A_1441 : i32
    %add3A_1443 = arith.constant 16 : i32
    %add3A_1444 = arith.addi %mul3A_2, %add3A_1443 : i32
    %add3A_1445 = arith.constant 14 : i32
    %add3A_1446 = arith.addi %add3A_1444, %add3A_1445 : i32
    %jit3A_1447 = arith.constant 16 : i32
    %div3A_1448 = arith.divsi %add3A_1446, %jit3A_1447 : i32
    %sign3A_1449 = arith.constant 0 : i32
    %sign3A_1450 = arith.cmpi sgt, %add3A_1446, %sign3A_1449 : i32
    %sign3A_1451 = arith.extui %sign3A_1450 : i1 to i32
    %sign3A_1452 = arith.constant 0 : i32
    %sign3A_1453 = arith.cmpi slt, %add3A_1446, %sign3A_1452 : i32
    %sign3A_1454 = arith.extui %sign3A_1453 : i1 to i32
    %sign3A_1455 = arith.subi %sign3A_1451, %sign3A_1454 : i32
    %sign3A_1456 = arith.constant 0 : i32
    %sign3A_1457 = arith.cmpi sgt, %jit3A_1447, %sign3A_1456 : i32
    %sign3A_1458 = arith.extui %sign3A_1457 : i1 to i32
    %sign3A_1459 = arith.constant 0 : i32
    %sign3A_1460 = arith.cmpi slt, %jit3A_1447, %sign3A_1459 : i32
    %sign3A_1461 = arith.extui %sign3A_1460 : i1 to i32
    %sign3A_1462 = arith.subi %sign3A_1458, %sign3A_1461 : i32
    %ne3A_1463 = arith.cmpi ne, %sign3A_1455, %sign3A_1462 : i32
    %rem3A_1464 = arith.remsi %add3A_1446, %jit3A_1447 : i32
    %ne3A_1465 = arith.constant 0 : i32
    %ne3A_1466 = arith.cmpi ne, %rem3A_1464, %ne3A_1465 : i32
    %and3A_1467 = arith.andi %ne3A_1463, %ne3A_1466 : i1
    %sub3A_1468 = arith.constant 1 : i32
    %sub3A_1469 = arith.subi %div3A_1448, %sub3A_1468 : i32
    %select_n3A_1470 = arith.select %and3A_1467, %sub3A_1469, %div3A_1448 : i32
    %mul3A_1471 = arith.constant 16 : i32
    %mul3A_1472 = arith.muli %select_n3A_1470, %mul3A_1471 : i32
    "tpu.region"() ({
      %run_scoped3A = tpu.sem_alloc : memref<!tpu.dma_semaphore, #tpu.memory_space<semaphore_mem>>
      %dma_start3A_3104 = tpu.memref_slice %arg3[%select_n3A_1442, %mul3A_1472] : memref<100000x2048xf32, #tpu.memory_space<hbm>> -> memref<1x16xf32, #tpu.memory_space<hbm>>
      %dma_start3A_3105 = tpu.memref_squeeze %dma_start3A_3104 : memref<1x16xf32, #tpu.memory_space<hbm>> -> memref<16xf32, #tpu.memory_space<hbm>>
      %dma_start3A_3106 = tpu.memref_slice %arg3[%select_n3A_1442, %mul3A_1472] : memref<100000x2048xf32, #tpu.memory_space<hbm>> -> memref<1x16xf32, #tpu.memory_space<hbm>>
      %dma_start3A_3107 = tpu.memref_squeeze %dma_start3A_3106 : memref<1x16xf32, #tpu.memory_space<hbm>> -> memref<16xf32, #tpu.memory_space<hbm>>
      tpu.enqueue_dma source(%dma_start3A_3107 : memref<16xf32, #tpu.memory_space<hbm>>) target(%arg7 : memref<16xf32, #tpu.memory_space<vmem>>) target_semaphore(%run_scoped3A : memref<!tpu.dma_semaphore, #tpu.memory_space<semaphore_mem>>)
      %dma_wait3A = tpu.memref_slice %arg3[%select_n3A_1442, %mul3A_1472] : memref<100000x2048xf32, #tpu.memory_space<hbm>> -> memref<1x16xf32, #tpu.memory_space<hbm>>
      %dma_wait3A_3108 = tpu.memref_squeeze %dma_wait3A : memref<1x16xf32, #tpu.memory_space<hbm>> -> memref<16xf32, #tpu.memory_space<hbm>>
      %dma_wait3A_3109 = tpu.memref_slice %arg3[%select_n3A_1442, %mul3A_1472] : memref<100000x2048xf32, #tpu.memory_space<hbm>> -> memref<1x16xf32, #tpu.memory_space<hbm>>
      %dma_wait3A_3110 = tpu.memref_squeeze %dma_wait3A_3109 : memref<1x16xf32, #tpu.memory_space<hbm>> -> memref<16xf32, #tpu.memory_space<hbm>>
      tpu.wait_dma2 semaphore(%run_scoped3A : memref<!tpu.dma_semaphore, #tpu.memory_space<semaphore_mem>>) src(%dma_wait3A_3110 : memref<16xf32, #tpu.memory_space<hbm>>) dst(%arg7 : memref<16xf32, #tpu.memory_space<vmem>>)
      tpu.yield
    }) : () -> ()
    %sub3A_1473 = arith.subi %add3A_1446, %mul3A_1472 : i32
    %jit3A_1474 = arith.constant -1 : i32
    %select_n3A_1475 = arith.select %ge3A_1440, %sub3A_1473, %jit3A_1474 : i32
    %eq3A_1476 = vector.broadcast %select_n3A_1475 : i32 to vector<16xi32>
    %eq3A_1477 = arith.cmpi eq, %iota3A, %eq3A_1476 : vector<16xi32>
    %get3A_1478 = arith.constant 0 : index
    %get3A_1479 = tpu.vector_load %arg7[%get3A_1478] {strides = array<i32>} : memref<16xf32, #tpu.memory_space<vmem>>, vector<16xf32>,
    %get3A_1480 = vector.shape_cast %get3A_1479 : vector<16xf32> to vector<16xf32>
    %jit3A_1481 = arith.constant 0.000000e+00 : f32
    %broadcast_in_dim3A_1482 = vector.broadcast %jit3A_1481 : f32 to vector<16xf32>
    %select_n3A_1483 = arith.select %eq3A_1477, %get3A_1480, %broadcast_in_dim3A_1482 : vector<16xi1>, vector<16xf32>
    %add3A_1484 = arith.addf %add3A_1436, %select_n3A_1483 : vector<16xf32>
    %slice3A_1485 = vector.extract_strided_slice %get3A_764 {offsets = [15], sizes = [1], strides = [1]} : vector<16xi32> to vector<1xi32>
    %squeeze3A_1486 = vector.extract %slice3A_1485[0] : i32 from vector<1xi32>
    %ge3A_1487 = arith.constant 69280 : i32
    %ge3A_1488 = arith.cmpi sge, %squeeze3A_1486, %ge3A_1487 : i32
    %jit3A_1489 = arith.constant 69280 : i32
    %select_n3A_1490 = arith.select %ge3A_1488, %squeeze3A_1486, %jit3A_1489 : i32
    %add3A_1491 = arith.constant 16 : i32
    %add3A_1492 = arith.addi %mul3A_2, %add3A_1491 : i32
    %add3A_1493 = arith.constant 15 : i32
    %add3A_1494 = arith.addi %add3A_1492, %add3A_1493 : i32
    %jit3A_1495 = arith.constant 16 : i32
    %div3A_1496 = arith.divsi %add3A_1494, %jit3A_1495 : i32
    %sign3A_1497 = arith.constant 0 : i32
    %sign3A_1498 = arith.cmpi sgt, %add3A_1494, %sign3A_1497 : i32
    %sign3A_1499 = arith.extui %sign3A_1498 : i1 to i32
    %sign3A_1500 = arith.constant 0 : i32
    %sign3A_1501 = arith.cmpi slt, %add3A_1494, %sign3A_1500 : i32
    %sign3A_1502 = arith.extui %sign3A_1501 : i1 to i32
    %sign3A_1503 = arith.subi %sign3A_1499, %sign3A_1502 : i32
    %sign3A_1504 = arith.constant 0 : i32
    %sign3A_1505 = arith.cmpi sgt, %jit3A_1495, %sign3A_1504 : i32
    %sign3A_1506 = arith.extui %sign3A_1505 : i1 to i32
    %sign3A_1507 = arith.constant 0 : i32
    %sign3A_1508 = arith.cmpi slt, %jit3A_1495, %sign3A_1507 : i32
    %sign3A_1509 = arith.extui %sign3A_1508 : i1 to i32
    %sign3A_1510 = arith.subi %sign3A_1506, %sign3A_1509 : i32
    %ne3A_1511 = arith.cmpi ne, %sign3A_1503, %sign3A_1510 : i32
    %rem3A_1512 = arith.remsi %add3A_1494, %jit3A_1495 : i32
    %ne3A_1513 = arith.constant 0 : i32
    %ne3A_1514 = arith.cmpi ne, %rem3A_1512, %ne3A_1513 : i32
    %and3A_1515 = arith.andi %ne3A_1511, %ne3A_1514 : i1
    %sub3A_1516 = arith.constant 1 : i32
    %sub3A_1517 = arith.subi %div3A_1496, %sub3A_1516 : i32
    %select_n3A_1518 = arith.select %and3A_1515, %sub3A_1517, %div3A_1496 : i32
    %mul3A_1519 = arith.constant 16 : i32
    %mul3A_1520 = arith.muli %select_n3A_1518, %mul3A_1519 : i32
    "tpu.region"() ({
      %run_scoped3A = tpu.sem_alloc : memref<!tpu.dma_semaphore, #tpu.memory_space<semaphore_mem>>
      %dma_start3A_3104 = tpu.memref_slice %arg3[%select_n3A_1490, %mul3A_1520] : memref<100000x2048xf32, #tpu.memory_space<hbm>> -> memref<1x16xf32, #tpu.memory_space<hbm>>
      %dma_start3A_3105 = tpu.memref_squeeze %dma_start3A_3104 : memref<1x16xf32, #tpu.memory_space<hbm>> -> memref<16xf32, #tpu.memory_space<hbm>>
      %dma_start3A_3106 = tpu.memref_slice %arg3[%select_n3A_1490, %mul3A_1520] : memref<100000x2048xf32, #tpu.memory_space<hbm>> -> memref<1x16xf32, #tpu.memory_space<hbm>>
      %dma_start3A_3107 = tpu.memref_squeeze %dma_start3A_3106 : memref<1x16xf32, #tpu.memory_space<hbm>> -> memref<16xf32, #tpu.memory_space<hbm>>
      tpu.enqueue_dma source(%dma_start3A_3107 : memref<16xf32, #tpu.memory_space<hbm>>) target(%arg7 : memref<16xf32, #tpu.memory_space<vmem>>) target_semaphore(%run_scoped3A : memref<!tpu.dma_semaphore, #tpu.memory_space<semaphore_mem>>)
      %dma_wait3A = tpu.memref_slice %arg3[%select_n3A_1490, %mul3A_1520] : memref<100000x2048xf32, #tpu.memory_space<hbm>> -> memref<1x16xf32, #tpu.memory_space<hbm>>
      %dma_wait3A_3108 = tpu.memref_squeeze %dma_wait3A : memref<1x16xf32, #tpu.memory_space<hbm>> -> memref<16xf32, #tpu.memory_space<hbm>>
      %dma_wait3A_3109 = tpu.memref_slice %arg3[%select_n3A_1490, %mul3A_1520] : memref<100000x2048xf32, #tpu.memory_space<hbm>> -> memref<1x16xf32, #tpu.memory_space<hbm>>
      %dma_wait3A_3110 = tpu.memref_squeeze %dma_wait3A_3109 : memref<1x16xf32, #tpu.memory_space<hbm>> -> memref<16xf32, #tpu.memory_space<hbm>>
      tpu.wait_dma2 semaphore(%run_scoped3A : memref<!tpu.dma_semaphore, #tpu.memory_space<semaphore_mem>>) src(%dma_wait3A_3110 : memref<16xf32, #tpu.memory_space<hbm>>) dst(%arg7 : memref<16xf32, #tpu.memory_space<vmem>>)
      tpu.yield
    }) : () -> ()
    %sub3A_1521 = arith.subi %add3A_1494, %mul3A_1520 : i32
    %jit3A_1522 = arith.constant -1 : i32
    %select_n3A_1523 = arith.select %ge3A_1488, %sub3A_1521, %jit3A_1522 : i32
    %eq3A_1524 = vector.broadcast %select_n3A_1523 : i32 to vector<16xi32>
    %eq3A_1525 = arith.cmpi eq, %iota3A, %eq3A_1524 : vector<16xi32>
    %get3A_1526 = arith.constant 0 : index
    %get3A_1527 = tpu.vector_load %arg7[%get3A_1526] {strides = array<i32>} : memref<16xf32, #tpu.memory_space<vmem>>, vector<16xf32>,
    %get3A_1528 = vector.shape_cast %get3A_1527 : vector<16xf32> to vector<16xf32>
    %jit3A_1529 = arith.constant 0.000000e+00 : f32
    %broadcast_in_dim3A_1530 = vector.broadcast %jit3A_1529 : f32 to vector<16xf32>
    %select_n3A_1531 = arith.select %eq3A_1525, %get3A_1528, %broadcast_in_dim3A_1530 : vector<16xi1>, vector<16xf32>
    %add3A_1532 = arith.addf %add3A_1484, %select_n3A_1531 : vector<16xf32>
    %get3A_1533 = arith.constant 32 : index
    %get3A_1534 = tpu.vector_load %arg6[%get3A_1533] {strides = array<i32>} : memref<64xi32, #tpu.memory_space<vmem>>, vector<16xi32>,
    %get3A_1535 = vector.shape_cast %get3A_1534 : vector<16xi32> to vector<16xi32>
    %slice3A_1536 = vector.extract_strided_slice %get3A_1535 {offsets = [0], sizes = [1], strides = [1]} : vector<16xi32> to vector<1xi32>
    %squeeze3A_1537 = vector.extract %slice3A_1536[0] : i32 from vector<1xi32>
    %ge3A_1538 = arith.constant 69280 : i32
    %ge3A_1539 = arith.cmpi sge, %squeeze3A_1537, %ge3A_1538 : i32
    %jit3A_1540 = arith.constant 69280 : i32
    %select_n3A_1541 = arith.select %ge3A_1539, %squeeze3A_1537, %jit3A_1540 : i32
    %add3A_1542 = arith.constant 32 : i32
    %add3A_1543 = arith.addi %mul3A_2, %add3A_1542 : i32
    %add3A_1544 = arith.constant 0 : i32
    %add3A_1545 = arith.addi %add3A_1543, %add3A_1544 : i32
    %jit3A_1546 = arith.constant 16 : i32
    %div3A_1547 = arith.divsi %add3A_1545, %jit3A_1546 : i32
    %sign3A_1548 = arith.constant 0 : i32
    %sign3A_1549 = arith.cmpi sgt, %add3A_1545, %sign3A_1548 : i32
    %sign3A_1550 = arith.extui %sign3A_1549 : i1 to i32
    %sign3A_1551 = arith.constant 0 : i32
    %sign3A_1552 = arith.cmpi slt, %add3A_1545, %sign3A_1551 : i32
    %sign3A_1553 = arith.extui %sign3A_1552 : i1 to i32
    %sign3A_1554 = arith.subi %sign3A_1550, %sign3A_1553 : i32
    %sign3A_1555 = arith.constant 0 : i32
    %sign3A_1556 = arith.cmpi sgt, %jit3A_1546, %sign3A_1555 : i32
    %sign3A_1557 = arith.extui %sign3A_1556 : i1 to i32
    %sign3A_1558 = arith.constant 0 : i32
    %sign3A_1559 = arith.cmpi slt, %jit3A_1546, %sign3A_1558 : i32
    %sign3A_1560 = arith.extui %sign3A_1559 : i1 to i32
    %sign3A_1561 = arith.subi %sign3A_1557, %sign3A_1560 : i32
    %ne3A_1562 = arith.cmpi ne, %sign3A_1554, %sign3A_1561 : i32
    %rem3A_1563 = arith.remsi %add3A_1545, %jit3A_1546 : i32
    %ne3A_1564 = arith.constant 0 : i32
    %ne3A_1565 = arith.cmpi ne, %rem3A_1563, %ne3A_1564 : i32
    %and3A_1566 = arith.andi %ne3A_1562, %ne3A_1565 : i1
    %sub3A_1567 = arith.constant 1 : i32
    %sub3A_1568 = arith.subi %div3A_1547, %sub3A_1567 : i32
    %select_n3A_1569 = arith.select %and3A_1566, %sub3A_1568, %div3A_1547 : i32
    %mul3A_1570 = arith.constant 16 : i32
    %mul3A_1571 = arith.muli %select_n3A_1569, %mul3A_1570 : i32
    "tpu.region"() ({
      %run_scoped3A = tpu.sem_alloc : memref<!tpu.dma_semaphore, #tpu.memory_space<semaphore_mem>>
      %dma_start3A_3104 = tpu.memref_slice %arg3[%select_n3A_1541, %mul3A_1571] : memref<100000x2048xf32, #tpu.memory_space<hbm>> -> memref<1x16xf32, #tpu.memory_space<hbm>>
      %dma_start3A_3105 = tpu.memref_squeeze %dma_start3A_3104 : memref<1x16xf32, #tpu.memory_space<hbm>> -> memref<16xf32, #tpu.memory_space<hbm>>
      %dma_start3A_3106 = tpu.memref_slice %arg3[%select_n3A_1541, %mul3A_1571] : memref<100000x2048xf32, #tpu.memory_space<hbm>> -> memref<1x16xf32, #tpu.memory_space<hbm>>
      %dma_start3A_3107 = tpu.memref_squeeze %dma_start3A_3106 : memref<1x16xf32, #tpu.memory_space<hbm>> -> memref<16xf32, #tpu.memory_space<hbm>>
      tpu.enqueue_dma source(%dma_start3A_3107 : memref<16xf32, #tpu.memory_space<hbm>>) target(%arg7 : memref<16xf32, #tpu.memory_space<vmem>>) target_semaphore(%run_scoped3A : memref<!tpu.dma_semaphore, #tpu.memory_space<semaphore_mem>>)
      %dma_wait3A = tpu.memref_slice %arg3[%select_n3A_1541, %mul3A_1571] : memref<100000x2048xf32, #tpu.memory_space<hbm>> -> memref<1x16xf32, #tpu.memory_space<hbm>>
      %dma_wait3A_3108 = tpu.memref_squeeze %dma_wait3A : memref<1x16xf32, #tpu.memory_space<hbm>> -> memref<16xf32, #tpu.memory_space<hbm>>
      %dma_wait3A_3109 = tpu.memref_slice %arg3[%select_n3A_1541, %mul3A_1571] : memref<100000x2048xf32, #tpu.memory_space<hbm>> -> memref<1x16xf32, #tpu.memory_space<hbm>>
      %dma_wait3A_3110 = tpu.memref_squeeze %dma_wait3A_3109 : memref<1x16xf32, #tpu.memory_space<hbm>> -> memref<16xf32, #tpu.memory_space<hbm>>
      tpu.wait_dma2 semaphore(%run_scoped3A : memref<!tpu.dma_semaphore, #tpu.memory_space<semaphore_mem>>) src(%dma_wait3A_3110 : memref<16xf32, #tpu.memory_space<hbm>>) dst(%arg7 : memref<16xf32, #tpu.memory_space<vmem>>)
      tpu.yield
    }) : () -> ()
    %sub3A_1572 = arith.subi %add3A_1545, %mul3A_1571 : i32
    %jit3A_1573 = arith.constant -1 : i32
    %select_n3A_1574 = arith.select %ge3A_1539, %sub3A_1572, %jit3A_1573 : i32
    %eq3A_1575 = vector.broadcast %select_n3A_1574 : i32 to vector<16xi32>
    %eq3A_1576 = arith.cmpi eq, %iota3A, %eq3A_1575 : vector<16xi32>
    %get3A_1577 = arith.constant 0 : index
    %get3A_1578 = tpu.vector_load %arg7[%get3A_1577] {strides = array<i32>} : memref<16xf32, #tpu.memory_space<vmem>>, vector<16xf32>,
    %get3A_1579 = vector.shape_cast %get3A_1578 : vector<16xf32> to vector<16xf32>
    %jit3A_1580 = arith.constant 0.000000e+00 : f32
    %broadcast_in_dim3A_1581 = vector.broadcast %jit3A_1580 : f32 to vector<16xf32>
    %select_n3A_1582 = arith.select %eq3A_1576, %get3A_1579, %broadcast_in_dim3A_1581 : vector<16xi1>, vector<16xf32>
    %add3A_1583 = arith.addf %add3A_1532, %select_n3A_1582 : vector<16xf32>
    %slice3A_1584 = vector.extract_strided_slice %get3A_1535 {offsets = [1], sizes = [1], strides = [1]} : vector<16xi32> to vector<1xi32>
    %squeeze3A_1585 = vector.extract %slice3A_1584[0] : i32 from vector<1xi32>
    %ge3A_1586 = arith.constant 69280 : i32
    %ge3A_1587 = arith.cmpi sge, %squeeze3A_1585, %ge3A_1586 : i32
    %jit3A_1588 = arith.constant 69280 : i32
    %select_n3A_1589 = arith.select %ge3A_1587, %squeeze3A_1585, %jit3A_1588 : i32
    %add3A_1590 = arith.constant 32 : i32
    %add3A_1591 = arith.addi %mul3A_2, %add3A_1590 : i32
    %add3A_1592 = arith.constant 1 : i32
    %add3A_1593 = arith.addi %add3A_1591, %add3A_1592 : i32
    %jit3A_1594 = arith.constant 16 : i32
    %div3A_1595 = arith.divsi %add3A_1593, %jit3A_1594 : i32
    %sign3A_1596 = arith.constant 0 : i32
    %sign3A_1597 = arith.cmpi sgt, %add3A_1593, %sign3A_1596 : i32
    %sign3A_1598 = arith.extui %sign3A_1597 : i1 to i32
    %sign3A_1599 = arith.constant 0 : i32
    %sign3A_1600 = arith.cmpi slt, %add3A_1593, %sign3A_1599 : i32
    %sign3A_1601 = arith.extui %sign3A_1600 : i1 to i32
    %sign3A_1602 = arith.subi %sign3A_1598, %sign3A_1601 : i32
    %sign3A_1603 = arith.constant 0 : i32
    %sign3A_1604 = arith.cmpi sgt, %jit3A_1594, %sign3A_1603 : i32
    %sign3A_1605 = arith.extui %sign3A_1604 : i1 to i32
    %sign3A_1606 = arith.constant 0 : i32
    %sign3A_1607 = arith.cmpi slt, %jit3A_1594, %sign3A_1606 : i32
    %sign3A_1608 = arith.extui %sign3A_1607 : i1 to i32
    %sign3A_1609 = arith.subi %sign3A_1605, %sign3A_1608 : i32
    %ne3A_1610 = arith.cmpi ne, %sign3A_1602, %sign3A_1609 : i32
    %rem3A_1611 = arith.remsi %add3A_1593, %jit3A_1594 : i32
    %ne3A_1612 = arith.constant 0 : i32
    %ne3A_1613 = arith.cmpi ne, %rem3A_1611, %ne3A_1612 : i32
    %and3A_1614 = arith.andi %ne3A_1610, %ne3A_1613 : i1
    %sub3A_1615 = arith.constant 1 : i32
    %sub3A_1616 = arith.subi %div3A_1595, %sub3A_1615 : i32
    %select_n3A_1617 = arith.select %and3A_1614, %sub3A_1616, %div3A_1595 : i32
    %mul3A_1618 = arith.constant 16 : i32
    %mul3A_1619 = arith.muli %select_n3A_1617, %mul3A_1618 : i32
    "tpu.region"() ({
      %run_scoped3A = tpu.sem_alloc : memref<!tpu.dma_semaphore, #tpu.memory_space<semaphore_mem>>
      %dma_start3A_3104 = tpu.memref_slice %arg3[%select_n3A_1589, %mul3A_1619] : memref<100000x2048xf32, #tpu.memory_space<hbm>> -> memref<1x16xf32, #tpu.memory_space<hbm>>
      %dma_start3A_3105 = tpu.memref_squeeze %dma_start3A_3104 : memref<1x16xf32, #tpu.memory_space<hbm>> -> memref<16xf32, #tpu.memory_space<hbm>>
      %dma_start3A_3106 = tpu.memref_slice %arg3[%select_n3A_1589, %mul3A_1619] : memref<100000x2048xf32, #tpu.memory_space<hbm>> -> memref<1x16xf32, #tpu.memory_space<hbm>>
      %dma_start3A_3107 = tpu.memref_squeeze %dma_start3A_3106 : memref<1x16xf32, #tpu.memory_space<hbm>> -> memref<16xf32, #tpu.memory_space<hbm>>
      tpu.enqueue_dma source(%dma_start3A_3107 : memref<16xf32, #tpu.memory_space<hbm>>) target(%arg7 : memref<16xf32, #tpu.memory_space<vmem>>) target_semaphore(%run_scoped3A : memref<!tpu.dma_semaphore, #tpu.memory_space<semaphore_mem>>)
      %dma_wait3A = tpu.memref_slice %arg3[%select_n3A_1589, %mul3A_1619] : memref<100000x2048xf32, #tpu.memory_space<hbm>> -> memref<1x16xf32, #tpu.memory_space<hbm>>
      %dma_wait3A_3108 = tpu.memref_squeeze %dma_wait3A : memref<1x16xf32, #tpu.memory_space<hbm>> -> memref<16xf32, #tpu.memory_space<hbm>>
      %dma_wait3A_3109 = tpu.memref_slice %arg3[%select_n3A_1589, %mul3A_1619] : memref<100000x2048xf32, #tpu.memory_space<hbm>> -> memref<1x16xf32, #tpu.memory_space<hbm>>
      %dma_wait3A_3110 = tpu.memref_squeeze %dma_wait3A_3109 : memref<1x16xf32, #tpu.memory_space<hbm>> -> memref<16xf32, #tpu.memory_space<hbm>>
      tpu.wait_dma2 semaphore(%run_scoped3A : memref<!tpu.dma_semaphore, #tpu.memory_space<semaphore_mem>>) src(%dma_wait3A_3110 : memref<16xf32, #tpu.memory_space<hbm>>) dst(%arg7 : memref<16xf32, #tpu.memory_space<vmem>>)
      tpu.yield
    }) : () -> ()
    %sub3A_1620 = arith.subi %add3A_1593, %mul3A_1619 : i32
    %jit3A_1621 = arith.constant -1 : i32
    %select_n3A_1622 = arith.select %ge3A_1587, %sub3A_1620, %jit3A_1621 : i32
    %eq3A_1623 = vector.broadcast %select_n3A_1622 : i32 to vector<16xi32>
    %eq3A_1624 = arith.cmpi eq, %iota3A, %eq3A_1623 : vector<16xi32>
    %get3A_1625 = arith.constant 0 : index
    %get3A_1626 = tpu.vector_load %arg7[%get3A_1625] {strides = array<i32>} : memref<16xf32, #tpu.memory_space<vmem>>, vector<16xf32>,
    %get3A_1627 = vector.shape_cast %get3A_1626 : vector<16xf32> to vector<16xf32>
    %jit3A_1628 = arith.constant 0.000000e+00 : f32
    %broadcast_in_dim3A_1629 = vector.broadcast %jit3A_1628 : f32 to vector<16xf32>
    %select_n3A_1630 = arith.select %eq3A_1624, %get3A_1627, %broadcast_in_dim3A_1629 : vector<16xi1>, vector<16xf32>
    %add3A_1631 = arith.addf %add3A_1583, %select_n3A_1630 : vector<16xf32>
    %slice3A_1632 = vector.extract_strided_slice %get3A_1535 {offsets = [2], sizes = [1], strides = [1]} : vector<16xi32> to vector<1xi32>
    %squeeze3A_1633 = vector.extract %slice3A_1632[0] : i32 from vector<1xi32>
    %ge3A_1634 = arith.constant 69280 : i32
    %ge3A_1635 = arith.cmpi sge, %squeeze3A_1633, %ge3A_1634 : i32
    %jit3A_1636 = arith.constant 69280 : i32
    %select_n3A_1637 = arith.select %ge3A_1635, %squeeze3A_1633, %jit3A_1636 : i32
    %add3A_1638 = arith.constant 32 : i32
    %add3A_1639 = arith.addi %mul3A_2, %add3A_1638 : i32
    %add3A_1640 = arith.constant 2 : i32
    %add3A_1641 = arith.addi %add3A_1639, %add3A_1640 : i32
    %jit3A_1642 = arith.constant 16 : i32
    %div3A_1643 = arith.divsi %add3A_1641, %jit3A_1642 : i32
    %sign3A_1644 = arith.constant 0 : i32
    %sign3A_1645 = arith.cmpi sgt, %add3A_1641, %sign3A_1644 : i32
    %sign3A_1646 = arith.extui %sign3A_1645 : i1 to i32
    %sign3A_1647 = arith.constant 0 : i32
    %sign3A_1648 = arith.cmpi slt, %add3A_1641, %sign3A_1647 : i32
    %sign3A_1649 = arith.extui %sign3A_1648 : i1 to i32
    %sign3A_1650 = arith.subi %sign3A_1646, %sign3A_1649 : i32
    %sign3A_1651 = arith.constant 0 : i32
    %sign3A_1652 = arith.cmpi sgt, %jit3A_1642, %sign3A_1651 : i32
    %sign3A_1653 = arith.extui %sign3A_1652 : i1 to i32
    %sign3A_1654 = arith.constant 0 : i32
    %sign3A_1655 = arith.cmpi slt, %jit3A_1642, %sign3A_1654 : i32
    %sign3A_1656 = arith.extui %sign3A_1655 : i1 to i32
    %sign3A_1657 = arith.subi %sign3A_1653, %sign3A_1656 : i32
    %ne3A_1658 = arith.cmpi ne, %sign3A_1650, %sign3A_1657 : i32
    %rem3A_1659 = arith.remsi %add3A_1641, %jit3A_1642 : i32
    %ne3A_1660 = arith.constant 0 : i32
    %ne3A_1661 = arith.cmpi ne, %rem3A_1659, %ne3A_1660 : i32
    %and3A_1662 = arith.andi %ne3A_1658, %ne3A_1661 : i1
    %sub3A_1663 = arith.constant 1 : i32
    %sub3A_1664 = arith.subi %div3A_1643, %sub3A_1663 : i32
    %select_n3A_1665 = arith.select %and3A_1662, %sub3A_1664, %div3A_1643 : i32
    %mul3A_1666 = arith.constant 16 : i32
    %mul3A_1667 = arith.muli %select_n3A_1665, %mul3A_1666 : i32
    "tpu.region"() ({
      %run_scoped3A = tpu.sem_alloc : memref<!tpu.dma_semaphore, #tpu.memory_space<semaphore_mem>>
      %dma_start3A_3104 = tpu.memref_slice %arg3[%select_n3A_1637, %mul3A_1667] : memref<100000x2048xf32, #tpu.memory_space<hbm>> -> memref<1x16xf32, #tpu.memory_space<hbm>>
      %dma_start3A_3105 = tpu.memref_squeeze %dma_start3A_3104 : memref<1x16xf32, #tpu.memory_space<hbm>> -> memref<16xf32, #tpu.memory_space<hbm>>
      %dma_start3A_3106 = tpu.memref_slice %arg3[%select_n3A_1637, %mul3A_1667] : memref<100000x2048xf32, #tpu.memory_space<hbm>> -> memref<1x16xf32, #tpu.memory_space<hbm>>
      %dma_start3A_3107 = tpu.memref_squeeze %dma_start3A_3106 : memref<1x16xf32, #tpu.memory_space<hbm>> -> memref<16xf32, #tpu.memory_space<hbm>>
      tpu.enqueue_dma source(%dma_start3A_3107 : memref<16xf32, #tpu.memory_space<hbm>>) target(%arg7 : memref<16xf32, #tpu.memory_space<vmem>>) target_semaphore(%run_scoped3A : memref<!tpu.dma_semaphore, #tpu.memory_space<semaphore_mem>>)
      %dma_wait3A = tpu.memref_slice %arg3[%select_n3A_1637, %mul3A_1667] : memref<100000x2048xf32, #tpu.memory_space<hbm>> -> memref<1x16xf32, #tpu.memory_space<hbm>>
      %dma_wait3A_3108 = tpu.memref_squeeze %dma_wait3A : memref<1x16xf32, #tpu.memory_space<hbm>> -> memref<16xf32, #tpu.memory_space<hbm>>
      %dma_wait3A_3109 = tpu.memref_slice %arg3[%select_n3A_1637, %mul3A_1667] : memref<100000x2048xf32, #tpu.memory_space<hbm>> -> memref<1x16xf32, #tpu.memory_space<hbm>>
      %dma_wait3A_3110 = tpu.memref_squeeze %dma_wait3A_3109 : memref<1x16xf32, #tpu.memory_space<hbm>> -> memref<16xf32, #tpu.memory_space<hbm>>
      tpu.wait_dma2 semaphore(%run_scoped3A : memref<!tpu.dma_semaphore, #tpu.memory_space<semaphore_mem>>) src(%dma_wait3A_3110 : memref<16xf32, #tpu.memory_space<hbm>>) dst(%arg7 : memref<16xf32, #tpu.memory_space<vmem>>)
      tpu.yield
    }) : () -> ()
    %sub3A_1668 = arith.subi %add3A_1641, %mul3A_1667 : i32
    %jit3A_1669 = arith.constant -1 : i32
    %select_n3A_1670 = arith.select %ge3A_1635, %sub3A_1668, %jit3A_1669 : i32
    %eq3A_1671 = vector.broadcast %select_n3A_1670 : i32 to vector<16xi32>
    %eq3A_1672 = arith.cmpi eq, %iota3A, %eq3A_1671 : vector<16xi32>
    %get3A_1673 = arith.constant 0 : index
    %get3A_1674 = tpu.vector_load %arg7[%get3A_1673] {strides = array<i32>} : memref<16xf32, #tpu.memory_space<vmem>>, vector<16xf32>,
    %get3A_1675 = vector.shape_cast %get3A_1674 : vector<16xf32> to vector<16xf32>
    %jit3A_1676 = arith.constant 0.000000e+00 : f32
    %broadcast_in_dim3A_1677 = vector.broadcast %jit3A_1676 : f32 to vector<16xf32>
    %select_n3A_1678 = arith.select %eq3A_1672, %get3A_1675, %broadcast_in_dim3A_1677 : vector<16xi1>, vector<16xf32>
    %add3A_1679 = arith.addf %add3A_1631, %select_n3A_1678 : vector<16xf32>
    %slice3A_1680 = vector.extract_strided_slice %get3A_1535 {offsets = [3], sizes = [1], strides = [1]} : vector<16xi32> to vector<1xi32>
    %squeeze3A_1681 = vector.extract %slice3A_1680[0] : i32 from vector<1xi32>
    %ge3A_1682 = arith.constant 69280 : i32
    %ge3A_1683 = arith.cmpi sge, %squeeze3A_1681, %ge3A_1682 : i32
    %jit3A_1684 = arith.constant 69280 : i32
    %select_n3A_1685 = arith.select %ge3A_1683, %squeeze3A_1681, %jit3A_1684 : i32
    %add3A_1686 = arith.constant 32 : i32
    %add3A_1687 = arith.addi %mul3A_2, %add3A_1686 : i32
    %add3A_1688 = arith.constant 3 : i32
    %add3A_1689 = arith.addi %add3A_1687, %add3A_1688 : i32
    %jit3A_1690 = arith.constant 16 : i32
    %div3A_1691 = arith.divsi %add3A_1689, %jit3A_1690 : i32
    %sign3A_1692 = arith.constant 0 : i32
    %sign3A_1693 = arith.cmpi sgt, %add3A_1689, %sign3A_1692 : i32
    %sign3A_1694 = arith.extui %sign3A_1693 : i1 to i32
    %sign3A_1695 = arith.constant 0 : i32
    %sign3A_1696 = arith.cmpi slt, %add3A_1689, %sign3A_1695 : i32
    %sign3A_1697 = arith.extui %sign3A_1696 : i1 to i32
    %sign3A_1698 = arith.subi %sign3A_1694, %sign3A_1697 : i32
    %sign3A_1699 = arith.constant 0 : i32
    %sign3A_1700 = arith.cmpi sgt, %jit3A_1690, %sign3A_1699 : i32
    %sign3A_1701 = arith.extui %sign3A_1700 : i1 to i32
    %sign3A_1702 = arith.constant 0 : i32
    %sign3A_1703 = arith.cmpi slt, %jit3A_1690, %sign3A_1702 : i32
    %sign3A_1704 = arith.extui %sign3A_1703 : i1 to i32
    %sign3A_1705 = arith.subi %sign3A_1701, %sign3A_1704 : i32
    %ne3A_1706 = arith.cmpi ne, %sign3A_1698, %sign3A_1705 : i32
    %rem3A_1707 = arith.remsi %add3A_1689, %jit3A_1690 : i32
    %ne3A_1708 = arith.constant 0 : i32
    %ne3A_1709 = arith.cmpi ne, %rem3A_1707, %ne3A_1708 : i32
    %and3A_1710 = arith.andi %ne3A_1706, %ne3A_1709 : i1
    %sub3A_1711 = arith.constant 1 : i32
    %sub3A_1712 = arith.subi %div3A_1691, %sub3A_1711 : i32
    %select_n3A_1713 = arith.select %and3A_1710, %sub3A_1712, %div3A_1691 : i32
    %mul3A_1714 = arith.constant 16 : i32
    %mul3A_1715 = arith.muli %select_n3A_1713, %mul3A_1714 : i32
    "tpu.region"() ({
      %run_scoped3A = tpu.sem_alloc : memref<!tpu.dma_semaphore, #tpu.memory_space<semaphore_mem>>
      %dma_start3A_3104 = tpu.memref_slice %arg3[%select_n3A_1685, %mul3A_1715] : memref<100000x2048xf32, #tpu.memory_space<hbm>> -> memref<1x16xf32, #tpu.memory_space<hbm>>
      %dma_start3A_3105 = tpu.memref_squeeze %dma_start3A_3104 : memref<1x16xf32, #tpu.memory_space<hbm>> -> memref<16xf32, #tpu.memory_space<hbm>>
      %dma_start3A_3106 = tpu.memref_slice %arg3[%select_n3A_1685, %mul3A_1715] : memref<100000x2048xf32, #tpu.memory_space<hbm>> -> memref<1x16xf32, #tpu.memory_space<hbm>>
      %dma_start3A_3107 = tpu.memref_squeeze %dma_start3A_3106 : memref<1x16xf32, #tpu.memory_space<hbm>> -> memref<16xf32, #tpu.memory_space<hbm>>
      tpu.enqueue_dma source(%dma_start3A_3107 : memref<16xf32, #tpu.memory_space<hbm>>) target(%arg7 : memref<16xf32, #tpu.memory_space<vmem>>) target_semaphore(%run_scoped3A : memref<!tpu.dma_semaphore, #tpu.memory_space<semaphore_mem>>)
      %dma_wait3A = tpu.memref_slice %arg3[%select_n3A_1685, %mul3A_1715] : memref<100000x2048xf32, #tpu.memory_space<hbm>> -> memref<1x16xf32, #tpu.memory_space<hbm>>
      %dma_wait3A_3108 = tpu.memref_squeeze %dma_wait3A : memref<1x16xf32, #tpu.memory_space<hbm>> -> memref<16xf32, #tpu.memory_space<hbm>>
      %dma_wait3A_3109 = tpu.memref_slice %arg3[%select_n3A_1685, %mul3A_1715] : memref<100000x2048xf32, #tpu.memory_space<hbm>> -> memref<1x16xf32, #tpu.memory_space<hbm>>
      %dma_wait3A_3110 = tpu.memref_squeeze %dma_wait3A_3109 : memref<1x16xf32, #tpu.memory_space<hbm>> -> memref<16xf32, #tpu.memory_space<hbm>>
      tpu.wait_dma2 semaphore(%run_scoped3A : memref<!tpu.dma_semaphore, #tpu.memory_space<semaphore_mem>>) src(%dma_wait3A_3110 : memref<16xf32, #tpu.memory_space<hbm>>) dst(%arg7 : memref<16xf32, #tpu.memory_space<vmem>>)
      tpu.yield
    }) : () -> ()
    %sub3A_1716 = arith.subi %add3A_1689, %mul3A_1715 : i32
    %jit3A_1717 = arith.constant -1 : i32
    %select_n3A_1718 = arith.select %ge3A_1683, %sub3A_1716, %jit3A_1717 : i32
    %eq3A_1719 = vector.broadcast %select_n3A_1718 : i32 to vector<16xi32>
    %eq3A_1720 = arith.cmpi eq, %iota3A, %eq3A_1719 : vector<16xi32>
    %get3A_1721 = arith.constant 0 : index
    %get3A_1722 = tpu.vector_load %arg7[%get3A_1721] {strides = array<i32>} : memref<16xf32, #tpu.memory_space<vmem>>, vector<16xf32>,
    %get3A_1723 = vector.shape_cast %get3A_1722 : vector<16xf32> to vector<16xf32>
    %jit3A_1724 = arith.constant 0.000000e+00 : f32
    %broadcast_in_dim3A_1725 = vector.broadcast %jit3A_1724 : f32 to vector<16xf32>
    %select_n3A_1726 = arith.select %eq3A_1720, %get3A_1723, %broadcast_in_dim3A_1725 : vector<16xi1>, vector<16xf32>
    %add3A_1727 = arith.addf %add3A_1679, %select_n3A_1726 : vector<16xf32>
    %slice3A_1728 = vector.extract_strided_slice %get3A_1535 {offsets = [4], sizes = [1], strides = [1]} : vector<16xi32> to vector<1xi32>
    %squeeze3A_1729 = vector.extract %slice3A_1728[0] : i32 from vector<1xi32>
    %ge3A_1730 = arith.constant 69280 : i32
    %ge3A_1731 = arith.cmpi sge, %squeeze3A_1729, %ge3A_1730 : i32
    %jit3A_1732 = arith.constant 69280 : i32
    %select_n3A_1733 = arith.select %ge3A_1731, %squeeze3A_1729, %jit3A_1732 : i32
    %add3A_1734 = arith.constant 32 : i32
    %add3A_1735 = arith.addi %mul3A_2, %add3A_1734 : i32
    %add3A_1736 = arith.constant 4 : i32
    %add3A_1737 = arith.addi %add3A_1735, %add3A_1736 : i32
    %jit3A_1738 = arith.constant 16 : i32
    %div3A_1739 = arith.divsi %add3A_1737, %jit3A_1738 : i32
    %sign3A_1740 = arith.constant 0 : i32
    %sign3A_1741 = arith.cmpi sgt, %add3A_1737, %sign3A_1740 : i32
    %sign3A_1742 = arith.extui %sign3A_1741 : i1 to i32
    %sign3A_1743 = arith.constant 0 : i32
    %sign3A_1744 = arith.cmpi slt, %add3A_1737, %sign3A_1743 : i32
    %sign3A_1745 = arith.extui %sign3A_1744 : i1 to i32
    %sign3A_1746 = arith.subi %sign3A_1742, %sign3A_1745 : i32
    %sign3A_1747 = arith.constant 0 : i32
    %sign3A_1748 = arith.cmpi sgt, %jit3A_1738, %sign3A_1747 : i32
    %sign3A_1749 = arith.extui %sign3A_1748 : i1 to i32
    %sign3A_1750 = arith.constant 0 : i32
    %sign3A_1751 = arith.cmpi slt, %jit3A_1738, %sign3A_1750 : i32
    %sign3A_1752 = arith.extui %sign3A_1751 : i1 to i32
    %sign3A_1753 = arith.subi %sign3A_1749, %sign3A_1752 : i32
    %ne3A_1754 = arith.cmpi ne, %sign3A_1746, %sign3A_1753 : i32
    %rem3A_1755 = arith.remsi %add3A_1737, %jit3A_1738 : i32
    %ne3A_1756 = arith.constant 0 : i32
    %ne3A_1757 = arith.cmpi ne, %rem3A_1755, %ne3A_1756 : i32
    %and3A_1758 = arith.andi %ne3A_1754, %ne3A_1757 : i1
    %sub3A_1759 = arith.constant 1 : i32
    %sub3A_1760 = arith.subi %div3A_1739, %sub3A_1759 : i32
    %select_n3A_1761 = arith.select %and3A_1758, %sub3A_1760, %div3A_1739 : i32
    %mul3A_1762 = arith.constant 16 : i32
    %mul3A_1763 = arith.muli %select_n3A_1761, %mul3A_1762 : i32
    "tpu.region"() ({
      %run_scoped3A = tpu.sem_alloc : memref<!tpu.dma_semaphore, #tpu.memory_space<semaphore_mem>>
      %dma_start3A_3104 = tpu.memref_slice %arg3[%select_n3A_1733, %mul3A_1763] : memref<100000x2048xf32, #tpu.memory_space<hbm>> -> memref<1x16xf32, #tpu.memory_space<hbm>>
      %dma_start3A_3105 = tpu.memref_squeeze %dma_start3A_3104 : memref<1x16xf32, #tpu.memory_space<hbm>> -> memref<16xf32, #tpu.memory_space<hbm>>
      %dma_start3A_3106 = tpu.memref_slice %arg3[%select_n3A_1733, %mul3A_1763] : memref<100000x2048xf32, #tpu.memory_space<hbm>> -> memref<1x16xf32, #tpu.memory_space<hbm>>
      %dma_start3A_3107 = tpu.memref_squeeze %dma_start3A_3106 : memref<1x16xf32, #tpu.memory_space<hbm>> -> memref<16xf32, #tpu.memory_space<hbm>>
      tpu.enqueue_dma source(%dma_start3A_3107 : memref<16xf32, #tpu.memory_space<hbm>>) target(%arg7 : memref<16xf32, #tpu.memory_space<vmem>>) target_semaphore(%run_scoped3A : memref<!tpu.dma_semaphore, #tpu.memory_space<semaphore_mem>>)
      %dma_wait3A = tpu.memref_slice %arg3[%select_n3A_1733, %mul3A_1763] : memref<100000x2048xf32, #tpu.memory_space<hbm>> -> memref<1x16xf32, #tpu.memory_space<hbm>>
      %dma_wait3A_3108 = tpu.memref_squeeze %dma_wait3A : memref<1x16xf32, #tpu.memory_space<hbm>> -> memref<16xf32, #tpu.memory_space<hbm>>
      %dma_wait3A_3109 = tpu.memref_slice %arg3[%select_n3A_1733, %mul3A_1763] : memref<100000x2048xf32, #tpu.memory_space<hbm>> -> memref<1x16xf32, #tpu.memory_space<hbm>>
      %dma_wait3A_3110 = tpu.memref_squeeze %dma_wait3A_3109 : memref<1x16xf32, #tpu.memory_space<hbm>> -> memref<16xf32, #tpu.memory_space<hbm>>
      tpu.wait_dma2 semaphore(%run_scoped3A : memref<!tpu.dma_semaphore, #tpu.memory_space<semaphore_mem>>) src(%dma_wait3A_3110 : memref<16xf32, #tpu.memory_space<hbm>>) dst(%arg7 : memref<16xf32, #tpu.memory_space<vmem>>)
      tpu.yield
    }) : () -> ()
    %sub3A_1764 = arith.subi %add3A_1737, %mul3A_1763 : i32
    %jit3A_1765 = arith.constant -1 : i32
    %select_n3A_1766 = arith.select %ge3A_1731, %sub3A_1764, %jit3A_1765 : i32
    %eq3A_1767 = vector.broadcast %select_n3A_1766 : i32 to vector<16xi32>
    %eq3A_1768 = arith.cmpi eq, %iota3A, %eq3A_1767 : vector<16xi32>
    %get3A_1769 = arith.constant 0 : index
    %get3A_1770 = tpu.vector_load %arg7[%get3A_1769] {strides = array<i32>} : memref<16xf32, #tpu.memory_space<vmem>>, vector<16xf32>,
    %get3A_1771 = vector.shape_cast %get3A_1770 : vector<16xf32> to vector<16xf32>
    %jit3A_1772 = arith.constant 0.000000e+00 : f32
    %broadcast_in_dim3A_1773 = vector.broadcast %jit3A_1772 : f32 to vector<16xf32>
    %select_n3A_1774 = arith.select %eq3A_1768, %get3A_1771, %broadcast_in_dim3A_1773 : vector<16xi1>, vector<16xf32>
    %add3A_1775 = arith.addf %add3A_1727, %select_n3A_1774 : vector<16xf32>
    %slice3A_1776 = vector.extract_strided_slice %get3A_1535 {offsets = [5], sizes = [1], strides = [1]} : vector<16xi32> to vector<1xi32>
    %squeeze3A_1777 = vector.extract %slice3A_1776[0] : i32 from vector<1xi32>
    %ge3A_1778 = arith.constant 69280 : i32
    %ge3A_1779 = arith.cmpi sge, %squeeze3A_1777, %ge3A_1778 : i32
    %jit3A_1780 = arith.constant 69280 : i32
    %select_n3A_1781 = arith.select %ge3A_1779, %squeeze3A_1777, %jit3A_1780 : i32
    %add3A_1782 = arith.constant 32 : i32
    %add3A_1783 = arith.addi %mul3A_2, %add3A_1782 : i32
    %add3A_1784 = arith.constant 5 : i32
    %add3A_1785 = arith.addi %add3A_1783, %add3A_1784 : i32
    %jit3A_1786 = arith.constant 16 : i32
    %div3A_1787 = arith.divsi %add3A_1785, %jit3A_1786 : i32
    %sign3A_1788 = arith.constant 0 : i32
    %sign3A_1789 = arith.cmpi sgt, %add3A_1785, %sign3A_1788 : i32
    %sign3A_1790 = arith.extui %sign3A_1789 : i1 to i32
    %sign3A_1791 = arith.constant 0 : i32
    %sign3A_1792 = arith.cmpi slt, %add3A_1785, %sign3A_1791 : i32
    %sign3A_1793 = arith.extui %sign3A_1792 : i1 to i32
    %sign3A_1794 = arith.subi %sign3A_1790, %sign3A_1793 : i32
    %sign3A_1795 = arith.constant 0 : i32
    %sign3A_1796 = arith.cmpi sgt, %jit3A_1786, %sign3A_1795 : i32
    %sign3A_1797 = arith.extui %sign3A_1796 : i1 to i32
    %sign3A_1798 = arith.constant 0 : i32
    %sign3A_1799 = arith.cmpi slt, %jit3A_1786, %sign3A_1798 : i32
    %sign3A_1800 = arith.extui %sign3A_1799 : i1 to i32
    %sign3A_1801 = arith.subi %sign3A_1797, %sign3A_1800 : i32
    %ne3A_1802 = arith.cmpi ne, %sign3A_1794, %sign3A_1801 : i32
    %rem3A_1803 = arith.remsi %add3A_1785, %jit3A_1786 : i32
    %ne3A_1804 = arith.constant 0 : i32
    %ne3A_1805 = arith.cmpi ne, %rem3A_1803, %ne3A_1804 : i32
    %and3A_1806 = arith.andi %ne3A_1802, %ne3A_1805 : i1
    %sub3A_1807 = arith.constant 1 : i32
    %sub3A_1808 = arith.subi %div3A_1787, %sub3A_1807 : i32
    %select_n3A_1809 = arith.select %and3A_1806, %sub3A_1808, %div3A_1787 : i32
    %mul3A_1810 = arith.constant 16 : i32
    %mul3A_1811 = arith.muli %select_n3A_1809, %mul3A_1810 : i32
    "tpu.region"() ({
      %run_scoped3A = tpu.sem_alloc : memref<!tpu.dma_semaphore, #tpu.memory_space<semaphore_mem>>
      %dma_start3A_3104 = tpu.memref_slice %arg3[%select_n3A_1781, %mul3A_1811] : memref<100000x2048xf32, #tpu.memory_space<hbm>> -> memref<1x16xf32, #tpu.memory_space<hbm>>
      %dma_start3A_3105 = tpu.memref_squeeze %dma_start3A_3104 : memref<1x16xf32, #tpu.memory_space<hbm>> -> memref<16xf32, #tpu.memory_space<hbm>>
      %dma_start3A_3106 = tpu.memref_slice %arg3[%select_n3A_1781, %mul3A_1811] : memref<100000x2048xf32, #tpu.memory_space<hbm>> -> memref<1x16xf32, #tpu.memory_space<hbm>>
      %dma_start3A_3107 = tpu.memref_squeeze %dma_start3A_3106 : memref<1x16xf32, #tpu.memory_space<hbm>> -> memref<16xf32, #tpu.memory_space<hbm>>
      tpu.enqueue_dma source(%dma_start3A_3107 : memref<16xf32, #tpu.memory_space<hbm>>) target(%arg7 : memref<16xf32, #tpu.memory_space<vmem>>) target_semaphore(%run_scoped3A : memref<!tpu.dma_semaphore, #tpu.memory_space<semaphore_mem>>)
      %dma_wait3A = tpu.memref_slice %arg3[%select_n3A_1781, %mul3A_1811] : memref<100000x2048xf32, #tpu.memory_space<hbm>> -> memref<1x16xf32, #tpu.memory_space<hbm>>
      %dma_wait3A_3108 = tpu.memref_squeeze %dma_wait3A : memref<1x16xf32, #tpu.memory_space<hbm>> -> memref<16xf32, #tpu.memory_space<hbm>>
      %dma_wait3A_3109 = tpu.memref_slice %arg3[%select_n3A_1781, %mul3A_1811] : memref<100000x2048xf32, #tpu.memory_space<hbm>> -> memref<1x16xf32, #tpu.memory_space<hbm>>
      %dma_wait3A_3110 = tpu.memref_squeeze %dma_wait3A_3109 : memref<1x16xf32, #tpu.memory_space<hbm>> -> memref<16xf32, #tpu.memory_space<hbm>>
      tpu.wait_dma2 semaphore(%run_scoped3A : memref<!tpu.dma_semaphore, #tpu.memory_space<semaphore_mem>>) src(%dma_wait3A_3110 : memref<16xf32, #tpu.memory_space<hbm>>) dst(%arg7 : memref<16xf32, #tpu.memory_space<vmem>>)
      tpu.yield
    }) : () -> ()
    %sub3A_1812 = arith.subi %add3A_1785, %mul3A_1811 : i32
    %jit3A_1813 = arith.constant -1 : i32
    %select_n3A_1814 = arith.select %ge3A_1779, %sub3A_1812, %jit3A_1813 : i32
    %eq3A_1815 = vector.broadcast %select_n3A_1814 : i32 to vector<16xi32>
    %eq3A_1816 = arith.cmpi eq, %iota3A, %eq3A_1815 : vector<16xi32>
    %get3A_1817 = arith.constant 0 : index
    %get3A_1818 = tpu.vector_load %arg7[%get3A_1817] {strides = array<i32>} : memref<16xf32, #tpu.memory_space<vmem>>, vector<16xf32>,
    %get3A_1819 = vector.shape_cast %get3A_1818 : vector<16xf32> to vector<16xf32>
    %jit3A_1820 = arith.constant 0.000000e+00 : f32
    %broadcast_in_dim3A_1821 = vector.broadcast %jit3A_1820 : f32 to vector<16xf32>
    %select_n3A_1822 = arith.select %eq3A_1816, %get3A_1819, %broadcast_in_dim3A_1821 : vector<16xi1>, vector<16xf32>
    %add3A_1823 = arith.addf %add3A_1775, %select_n3A_1822 : vector<16xf32>
    %slice3A_1824 = vector.extract_strided_slice %get3A_1535 {offsets = [6], sizes = [1], strides = [1]} : vector<16xi32> to vector<1xi32>
    %squeeze3A_1825 = vector.extract %slice3A_1824[0] : i32 from vector<1xi32>
    %ge3A_1826 = arith.constant 69280 : i32
    %ge3A_1827 = arith.cmpi sge, %squeeze3A_1825, %ge3A_1826 : i32
    %jit3A_1828 = arith.constant 69280 : i32
    %select_n3A_1829 = arith.select %ge3A_1827, %squeeze3A_1825, %jit3A_1828 : i32
    %add3A_1830 = arith.constant 32 : i32
    %add3A_1831 = arith.addi %mul3A_2, %add3A_1830 : i32
    %add3A_1832 = arith.constant 6 : i32
    %add3A_1833 = arith.addi %add3A_1831, %add3A_1832 : i32
    %jit3A_1834 = arith.constant 16 : i32
    %div3A_1835 = arith.divsi %add3A_1833, %jit3A_1834 : i32
    %sign3A_1836 = arith.constant 0 : i32
    %sign3A_1837 = arith.cmpi sgt, %add3A_1833, %sign3A_1836 : i32
    %sign3A_1838 = arith.extui %sign3A_1837 : i1 to i32
    %sign3A_1839 = arith.constant 0 : i32
    %sign3A_1840 = arith.cmpi slt, %add3A_1833, %sign3A_1839 : i32
    %sign3A_1841 = arith.extui %sign3A_1840 : i1 to i32
    %sign3A_1842 = arith.subi %sign3A_1838, %sign3A_1841 : i32
    %sign3A_1843 = arith.constant 0 : i32
    %sign3A_1844 = arith.cmpi sgt, %jit3A_1834, %sign3A_1843 : i32
    %sign3A_1845 = arith.extui %sign3A_1844 : i1 to i32
    %sign3A_1846 = arith.constant 0 : i32
    %sign3A_1847 = arith.cmpi slt, %jit3A_1834, %sign3A_1846 : i32
    %sign3A_1848 = arith.extui %sign3A_1847 : i1 to i32
    %sign3A_1849 = arith.subi %sign3A_1845, %sign3A_1848 : i32
    %ne3A_1850 = arith.cmpi ne, %sign3A_1842, %sign3A_1849 : i32
    %rem3A_1851 = arith.remsi %add3A_1833, %jit3A_1834 : i32
    %ne3A_1852 = arith.constant 0 : i32
    %ne3A_1853 = arith.cmpi ne, %rem3A_1851, %ne3A_1852 : i32
    %and3A_1854 = arith.andi %ne3A_1850, %ne3A_1853 : i1
    %sub3A_1855 = arith.constant 1 : i32
    %sub3A_1856 = arith.subi %div3A_1835, %sub3A_1855 : i32
    %select_n3A_1857 = arith.select %and3A_1854, %sub3A_1856, %div3A_1835 : i32
    %mul3A_1858 = arith.constant 16 : i32
    %mul3A_1859 = arith.muli %select_n3A_1857, %mul3A_1858 : i32
    "tpu.region"() ({
      %run_scoped3A = tpu.sem_alloc : memref<!tpu.dma_semaphore, #tpu.memory_space<semaphore_mem>>
      %dma_start3A_3104 = tpu.memref_slice %arg3[%select_n3A_1829, %mul3A_1859] : memref<100000x2048xf32, #tpu.memory_space<hbm>> -> memref<1x16xf32, #tpu.memory_space<hbm>>
      %dma_start3A_3105 = tpu.memref_squeeze %dma_start3A_3104 : memref<1x16xf32, #tpu.memory_space<hbm>> -> memref<16xf32, #tpu.memory_space<hbm>>
      %dma_start3A_3106 = tpu.memref_slice %arg3[%select_n3A_1829, %mul3A_1859] : memref<100000x2048xf32, #tpu.memory_space<hbm>> -> memref<1x16xf32, #tpu.memory_space<hbm>>
      %dma_start3A_3107 = tpu.memref_squeeze %dma_start3A_3106 : memref<1x16xf32, #tpu.memory_space<hbm>> -> memref<16xf32, #tpu.memory_space<hbm>>
      tpu.enqueue_dma source(%dma_start3A_3107 : memref<16xf32, #tpu.memory_space<hbm>>) target(%arg7 : memref<16xf32, #tpu.memory_space<vmem>>) target_semaphore(%run_scoped3A : memref<!tpu.dma_semaphore, #tpu.memory_space<semaphore_mem>>)
      %dma_wait3A = tpu.memref_slice %arg3[%select_n3A_1829, %mul3A_1859] : memref<100000x2048xf32, #tpu.memory_space<hbm>> -> memref<1x16xf32, #tpu.memory_space<hbm>>
      %dma_wait3A_3108 = tpu.memref_squeeze %dma_wait3A : memref<1x16xf32, #tpu.memory_space<hbm>> -> memref<16xf32, #tpu.memory_space<hbm>>
      %dma_wait3A_3109 = tpu.memref_slice %arg3[%select_n3A_1829, %mul3A_1859] : memref<100000x2048xf32, #tpu.memory_space<hbm>> -> memref<1x16xf32, #tpu.memory_space<hbm>>
      %dma_wait3A_3110 = tpu.memref_squeeze %dma_wait3A_3109 : memref<1x16xf32, #tpu.memory_space<hbm>> -> memref<16xf32, #tpu.memory_space<hbm>>
      tpu.wait_dma2 semaphore(%run_scoped3A : memref<!tpu.dma_semaphore, #tpu.memory_space<semaphore_mem>>) src(%dma_wait3A_3110 : memref<16xf32, #tpu.memory_space<hbm>>) dst(%arg7 : memref<16xf32, #tpu.memory_space<vmem>>)
      tpu.yield
    }) : () -> ()
    %sub3A_1860 = arith.subi %add3A_1833, %mul3A_1859 : i32
    %jit3A_1861 = arith.constant -1 : i32
    %select_n3A_1862 = arith.select %ge3A_1827, %sub3A_1860, %jit3A_1861 : i32
    %eq3A_1863 = vector.broadcast %select_n3A_1862 : i32 to vector<16xi32>
    %eq3A_1864 = arith.cmpi eq, %iota3A, %eq3A_1863 : vector<16xi32>
    %get3A_1865 = arith.constant 0 : index
    %get3A_1866 = tpu.vector_load %arg7[%get3A_1865] {strides = array<i32>} : memref<16xf32, #tpu.memory_space<vmem>>, vector<16xf32>,
    %get3A_1867 = vector.shape_cast %get3A_1866 : vector<16xf32> to vector<16xf32>
    %jit3A_1868 = arith.constant 0.000000e+00 : f32
    %broadcast_in_dim3A_1869 = vector.broadcast %jit3A_1868 : f32 to vector<16xf32>
    %select_n3A_1870 = arith.select %eq3A_1864, %get3A_1867, %broadcast_in_dim3A_1869 : vector<16xi1>, vector<16xf32>
    %add3A_1871 = arith.addf %add3A_1823, %select_n3A_1870 : vector<16xf32>
    %slice3A_1872 = vector.extract_strided_slice %get3A_1535 {offsets = [7], sizes = [1], strides = [1]} : vector<16xi32> to vector<1xi32>
    %squeeze3A_1873 = vector.extract %slice3A_1872[0] : i32 from vector<1xi32>
    %ge3A_1874 = arith.constant 69280 : i32
    %ge3A_1875 = arith.cmpi sge, %squeeze3A_1873, %ge3A_1874 : i32
    %jit3A_1876 = arith.constant 69280 : i32
    %select_n3A_1877 = arith.select %ge3A_1875, %squeeze3A_1873, %jit3A_1876 : i32
    %add3A_1878 = arith.constant 32 : i32
    %add3A_1879 = arith.addi %mul3A_2, %add3A_1878 : i32
    %add3A_1880 = arith.constant 7 : i32
    %add3A_1881 = arith.addi %add3A_1879, %add3A_1880 : i32
    %jit3A_1882 = arith.constant 16 : i32
    %div3A_1883 = arith.divsi %add3A_1881, %jit3A_1882 : i32
    %sign3A_1884 = arith.constant 0 : i32
    %sign3A_1885 = arith.cmpi sgt, %add3A_1881, %sign3A_1884 : i32
    %sign3A_1886 = arith.extui %sign3A_1885 : i1 to i32
    %sign3A_1887 = arith.constant 0 : i32
    %sign3A_1888 = arith.cmpi slt, %add3A_1881, %sign3A_1887 : i32
    %sign3A_1889 = arith.extui %sign3A_1888 : i1 to i32
    %sign3A_1890 = arith.subi %sign3A_1886, %sign3A_1889 : i32
    %sign3A_1891 = arith.constant 0 : i32
    %sign3A_1892 = arith.cmpi sgt, %jit3A_1882, %sign3A_1891 : i32
    %sign3A_1893 = arith.extui %sign3A_1892 : i1 to i32
    %sign3A_1894 = arith.constant 0 : i32
    %sign3A_1895 = arith.cmpi slt, %jit3A_1882, %sign3A_1894 : i32
    %sign3A_1896 = arith.extui %sign3A_1895 : i1 to i32
    %sign3A_1897 = arith.subi %sign3A_1893, %sign3A_1896 : i32
    %ne3A_1898 = arith.cmpi ne, %sign3A_1890, %sign3A_1897 : i32
    %rem3A_1899 = arith.remsi %add3A_1881, %jit3A_1882 : i32
    %ne3A_1900 = arith.constant 0 : i32
    %ne3A_1901 = arith.cmpi ne, %rem3A_1899, %ne3A_1900 : i32
    %and3A_1902 = arith.andi %ne3A_1898, %ne3A_1901 : i1
    %sub3A_1903 = arith.constant 1 : i32
    %sub3A_1904 = arith.subi %div3A_1883, %sub3A_1903 : i32
    %select_n3A_1905 = arith.select %and3A_1902, %sub3A_1904, %div3A_1883 : i32
    %mul3A_1906 = arith.constant 16 : i32
    %mul3A_1907 = arith.muli %select_n3A_1905, %mul3A_1906 : i32
    "tpu.region"() ({
      %run_scoped3A = tpu.sem_alloc : memref<!tpu.dma_semaphore, #tpu.memory_space<semaphore_mem>>
      %dma_start3A_3104 = tpu.memref_slice %arg3[%select_n3A_1877, %mul3A_1907] : memref<100000x2048xf32, #tpu.memory_space<hbm>> -> memref<1x16xf32, #tpu.memory_space<hbm>>
      %dma_start3A_3105 = tpu.memref_squeeze %dma_start3A_3104 : memref<1x16xf32, #tpu.memory_space<hbm>> -> memref<16xf32, #tpu.memory_space<hbm>>
      %dma_start3A_3106 = tpu.memref_slice %arg3[%select_n3A_1877, %mul3A_1907] : memref<100000x2048xf32, #tpu.memory_space<hbm>> -> memref<1x16xf32, #tpu.memory_space<hbm>>
      %dma_start3A_3107 = tpu.memref_squeeze %dma_start3A_3106 : memref<1x16xf32, #tpu.memory_space<hbm>> -> memref<16xf32, #tpu.memory_space<hbm>>
      tpu.enqueue_dma source(%dma_start3A_3107 : memref<16xf32, #tpu.memory_space<hbm>>) target(%arg7 : memref<16xf32, #tpu.memory_space<vmem>>) target_semaphore(%run_scoped3A : memref<!tpu.dma_semaphore, #tpu.memory_space<semaphore_mem>>)
      %dma_wait3A = tpu.memref_slice %arg3[%select_n3A_1877, %mul3A_1907] : memref<100000x2048xf32, #tpu.memory_space<hbm>> -> memref<1x16xf32, #tpu.memory_space<hbm>>
      %dma_wait3A_3108 = tpu.memref_squeeze %dma_wait3A : memref<1x16xf32, #tpu.memory_space<hbm>> -> memref<16xf32, #tpu.memory_space<hbm>>
      %dma_wait3A_3109 = tpu.memref_slice %arg3[%select_n3A_1877, %mul3A_1907] : memref<100000x2048xf32, #tpu.memory_space<hbm>> -> memref<1x16xf32, #tpu.memory_space<hbm>>
      %dma_wait3A_3110 = tpu.memref_squeeze %dma_wait3A_3109 : memref<1x16xf32, #tpu.memory_space<hbm>> -> memref<16xf32, #tpu.memory_space<hbm>>
      tpu.wait_dma2 semaphore(%run_scoped3A : memref<!tpu.dma_semaphore, #tpu.memory_space<semaphore_mem>>) src(%dma_wait3A_3110 : memref<16xf32, #tpu.memory_space<hbm>>) dst(%arg7 : memref<16xf32, #tpu.memory_space<vmem>>)
      tpu.yield
    }) : () -> ()
    %sub3A_1908 = arith.subi %add3A_1881, %mul3A_1907 : i32
    %jit3A_1909 = arith.constant -1 : i32
    %select_n3A_1910 = arith.select %ge3A_1875, %sub3A_1908, %jit3A_1909 : i32
    %eq3A_1911 = vector.broadcast %select_n3A_1910 : i32 to vector<16xi32>
    %eq3A_1912 = arith.cmpi eq, %iota3A, %eq3A_1911 : vector<16xi32>
    %get3A_1913 = arith.constant 0 : index
    %get3A_1914 = tpu.vector_load %arg7[%get3A_1913] {strides = array<i32>} : memref<16xf32, #tpu.memory_space<vmem>>, vector<16xf32>,
    %get3A_1915 = vector.shape_cast %get3A_1914 : vector<16xf32> to vector<16xf32>
    %jit3A_1916 = arith.constant 0.000000e+00 : f32
    %broadcast_in_dim3A_1917 = vector.broadcast %jit3A_1916 : f32 to vector<16xf32>
    %select_n3A_1918 = arith.select %eq3A_1912, %get3A_1915, %broadcast_in_dim3A_1917 : vector<16xi1>, vector<16xf32>
    %add3A_1919 = arith.addf %add3A_1871, %select_n3A_1918 : vector<16xf32>
    %slice3A_1920 = vector.extract_strided_slice %get3A_1535 {offsets = [8], sizes = [1], strides = [1]} : vector<16xi32> to vector<1xi32>
    %squeeze3A_1921 = vector.extract %slice3A_1920[0] : i32 from vector<1xi32>
    %ge3A_1922 = arith.constant 69280 : i32
    %ge3A_1923 = arith.cmpi sge, %squeeze3A_1921, %ge3A_1922 : i32
    %jit3A_1924 = arith.constant 69280 : i32
    %select_n3A_1925 = arith.select %ge3A_1923, %squeeze3A_1921, %jit3A_1924 : i32
    %add3A_1926 = arith.constant 32 : i32
    %add3A_1927 = arith.addi %mul3A_2, %add3A_1926 : i32
    %add3A_1928 = arith.constant 8 : i32
    %add3A_1929 = arith.addi %add3A_1927, %add3A_1928 : i32
    %jit3A_1930 = arith.constant 16 : i32
    %div3A_1931 = arith.divsi %add3A_1929, %jit3A_1930 : i32
    %sign3A_1932 = arith.constant 0 : i32
    %sign3A_1933 = arith.cmpi sgt, %add3A_1929, %sign3A_1932 : i32
    %sign3A_1934 = arith.extui %sign3A_1933 : i1 to i32
    %sign3A_1935 = arith.constant 0 : i32
    %sign3A_1936 = arith.cmpi slt, %add3A_1929, %sign3A_1935 : i32
    %sign3A_1937 = arith.extui %sign3A_1936 : i1 to i32
    %sign3A_1938 = arith.subi %sign3A_1934, %sign3A_1937 : i32
    %sign3A_1939 = arith.constant 0 : i32
    %sign3A_1940 = arith.cmpi sgt, %jit3A_1930, %sign3A_1939 : i32
    %sign3A_1941 = arith.extui %sign3A_1940 : i1 to i32
    %sign3A_1942 = arith.constant 0 : i32
    %sign3A_1943 = arith.cmpi slt, %jit3A_1930, %sign3A_1942 : i32
    %sign3A_1944 = arith.extui %sign3A_1943 : i1 to i32
    %sign3A_1945 = arith.subi %sign3A_1941, %sign3A_1944 : i32
    %ne3A_1946 = arith.cmpi ne, %sign3A_1938, %sign3A_1945 : i32
    %rem3A_1947 = arith.remsi %add3A_1929, %jit3A_1930 : i32
    %ne3A_1948 = arith.constant 0 : i32
    %ne3A_1949 = arith.cmpi ne, %rem3A_1947, %ne3A_1948 : i32
    %and3A_1950 = arith.andi %ne3A_1946, %ne3A_1949 : i1
    %sub3A_1951 = arith.constant 1 : i32
    %sub3A_1952 = arith.subi %div3A_1931, %sub3A_1951 : i32
    %select_n3A_1953 = arith.select %and3A_1950, %sub3A_1952, %div3A_1931 : i32
    %mul3A_1954 = arith.constant 16 : i32
    %mul3A_1955 = arith.muli %select_n3A_1953, %mul3A_1954 : i32
    "tpu.region"() ({
      %run_scoped3A = tpu.sem_alloc : memref<!tpu.dma_semaphore, #tpu.memory_space<semaphore_mem>>
      %dma_start3A_3104 = tpu.memref_slice %arg3[%select_n3A_1925, %mul3A_1955] : memref<100000x2048xf32, #tpu.memory_space<hbm>> -> memref<1x16xf32, #tpu.memory_space<hbm>>
      %dma_start3A_3105 = tpu.memref_squeeze %dma_start3A_3104 : memref<1x16xf32, #tpu.memory_space<hbm>> -> memref<16xf32, #tpu.memory_space<hbm>>
      %dma_start3A_3106 = tpu.memref_slice %arg3[%select_n3A_1925, %mul3A_1955] : memref<100000x2048xf32, #tpu.memory_space<hbm>> -> memref<1x16xf32, #tpu.memory_space<hbm>>
      %dma_start3A_3107 = tpu.memref_squeeze %dma_start3A_3106 : memref<1x16xf32, #tpu.memory_space<hbm>> -> memref<16xf32, #tpu.memory_space<hbm>>
      tpu.enqueue_dma source(%dma_start3A_3107 : memref<16xf32, #tpu.memory_space<hbm>>) target(%arg7 : memref<16xf32, #tpu.memory_space<vmem>>) target_semaphore(%run_scoped3A : memref<!tpu.dma_semaphore, #tpu.memory_space<semaphore_mem>>)
      %dma_wait3A = tpu.memref_slice %arg3[%select_n3A_1925, %mul3A_1955] : memref<100000x2048xf32, #tpu.memory_space<hbm>> -> memref<1x16xf32, #tpu.memory_space<hbm>>
      %dma_wait3A_3108 = tpu.memref_squeeze %dma_wait3A : memref<1x16xf32, #tpu.memory_space<hbm>> -> memref<16xf32, #tpu.memory_space<hbm>>
      %dma_wait3A_3109 = tpu.memref_slice %arg3[%select_n3A_1925, %mul3A_1955] : memref<100000x2048xf32, #tpu.memory_space<hbm>> -> memref<1x16xf32, #tpu.memory_space<hbm>>
      %dma_wait3A_3110 = tpu.memref_squeeze %dma_wait3A_3109 : memref<1x16xf32, #tpu.memory_space<hbm>> -> memref<16xf32, #tpu.memory_space<hbm>>
      tpu.wait_dma2 semaphore(%run_scoped3A : memref<!tpu.dma_semaphore, #tpu.memory_space<semaphore_mem>>) src(%dma_wait3A_3110 : memref<16xf32, #tpu.memory_space<hbm>>) dst(%arg7 : memref<16xf32, #tpu.memory_space<vmem>>)
      tpu.yield
    }) : () -> ()
    %sub3A_1956 = arith.subi %add3A_1929, %mul3A_1955 : i32
    %jit3A_1957 = arith.constant -1 : i32
    %select_n3A_1958 = arith.select %ge3A_1923, %sub3A_1956, %jit3A_1957 : i32
    %eq3A_1959 = vector.broadcast %select_n3A_1958 : i32 to vector<16xi32>
    %eq3A_1960 = arith.cmpi eq, %iota3A, %eq3A_1959 : vector<16xi32>
    %get3A_1961 = arith.constant 0 : index
    %get3A_1962 = tpu.vector_load %arg7[%get3A_1961] {strides = array<i32>} : memref<16xf32, #tpu.memory_space<vmem>>, vector<16xf32>,
    %get3A_1963 = vector.shape_cast %get3A_1962 : vector<16xf32> to vector<16xf32>
    %jit3A_1964 = arith.constant 0.000000e+00 : f32
    %broadcast_in_dim3A_1965 = vector.broadcast %jit3A_1964 : f32 to vector<16xf32>
    %select_n3A_1966 = arith.select %eq3A_1960, %get3A_1963, %broadcast_in_dim3A_1965 : vector<16xi1>, vector<16xf32>
    %add3A_1967 = arith.addf %add3A_1919, %select_n3A_1966 : vector<16xf32>
    %slice3A_1968 = vector.extract_strided_slice %get3A_1535 {offsets = [9], sizes = [1], strides = [1]} : vector<16xi32> to vector<1xi32>
    %squeeze3A_1969 = vector.extract %slice3A_1968[0] : i32 from vector<1xi32>
    %ge3A_1970 = arith.constant 69280 : i32
    %ge3A_1971 = arith.cmpi sge, %squeeze3A_1969, %ge3A_1970 : i32
    %jit3A_1972 = arith.constant 69280 : i32
    %select_n3A_1973 = arith.select %ge3A_1971, %squeeze3A_1969, %jit3A_1972 : i32
    %add3A_1974 = arith.constant 32 : i32
    %add3A_1975 = arith.addi %mul3A_2, %add3A_1974 : i32
    %add3A_1976 = arith.constant 9 : i32
    %add3A_1977 = arith.addi %add3A_1975, %add3A_1976 : i32
    %jit3A_1978 = arith.constant 16 : i32
    %div3A_1979 = arith.divsi %add3A_1977, %jit3A_1978 : i32
    %sign3A_1980 = arith.constant 0 : i32
    %sign3A_1981 = arith.cmpi sgt, %add3A_1977, %sign3A_1980 : i32
    %sign3A_1982 = arith.extui %sign3A_1981 : i1 to i32
    %sign3A_1983 = arith.constant 0 : i32
    %sign3A_1984 = arith.cmpi slt, %add3A_1977, %sign3A_1983 : i32
    %sign3A_1985 = arith.extui %sign3A_1984 : i1 to i32
    %sign3A_1986 = arith.subi %sign3A_1982, %sign3A_1985 : i32
    %sign3A_1987 = arith.constant 0 : i32
    %sign3A_1988 = arith.cmpi sgt, %jit3A_1978, %sign3A_1987 : i32
    %sign3A_1989 = arith.extui %sign3A_1988 : i1 to i32
    %sign3A_1990 = arith.constant 0 : i32
    %sign3A_1991 = arith.cmpi slt, %jit3A_1978, %sign3A_1990 : i32
    %sign3A_1992 = arith.extui %sign3A_1991 : i1 to i32
    %sign3A_1993 = arith.subi %sign3A_1989, %sign3A_1992 : i32
    %ne3A_1994 = arith.cmpi ne, %sign3A_1986, %sign3A_1993 : i32
    %rem3A_1995 = arith.remsi %add3A_1977, %jit3A_1978 : i32
    %ne3A_1996 = arith.constant 0 : i32
    %ne3A_1997 = arith.cmpi ne, %rem3A_1995, %ne3A_1996 : i32
    %and3A_1998 = arith.andi %ne3A_1994, %ne3A_1997 : i1
    %sub3A_1999 = arith.constant 1 : i32
    %sub3A_2000 = arith.subi %div3A_1979, %sub3A_1999 : i32
    %select_n3A_2001 = arith.select %and3A_1998, %sub3A_2000, %div3A_1979 : i32
    %mul3A_2002 = arith.constant 16 : i32
    %mul3A_2003 = arith.muli %select_n3A_2001, %mul3A_2002 : i32
    "tpu.region"() ({
      %run_scoped3A = tpu.sem_alloc : memref<!tpu.dma_semaphore, #tpu.memory_space<semaphore_mem>>
      %dma_start3A_3104 = tpu.memref_slice %arg3[%select_n3A_1973, %mul3A_2003] : memref<100000x2048xf32, #tpu.memory_space<hbm>> -> memref<1x16xf32, #tpu.memory_space<hbm>>
      %dma_start3A_3105 = tpu.memref_squeeze %dma_start3A_3104 : memref<1x16xf32, #tpu.memory_space<hbm>> -> memref<16xf32, #tpu.memory_space<hbm>>
      %dma_start3A_3106 = tpu.memref_slice %arg3[%select_n3A_1973, %mul3A_2003] : memref<100000x2048xf32, #tpu.memory_space<hbm>> -> memref<1x16xf32, #tpu.memory_space<hbm>>
      %dma_start3A_3107 = tpu.memref_squeeze %dma_start3A_3106 : memref<1x16xf32, #tpu.memory_space<hbm>> -> memref<16xf32, #tpu.memory_space<hbm>>
      tpu.enqueue_dma source(%dma_start3A_3107 : memref<16xf32, #tpu.memory_space<hbm>>) target(%arg7 : memref<16xf32, #tpu.memory_space<vmem>>) target_semaphore(%run_scoped3A : memref<!tpu.dma_semaphore, #tpu.memory_space<semaphore_mem>>)
      %dma_wait3A = tpu.memref_slice %arg3[%select_n3A_1973, %mul3A_2003] : memref<100000x2048xf32, #tpu.memory_space<hbm>> -> memref<1x16xf32, #tpu.memory_space<hbm>>
      %dma_wait3A_3108 = tpu.memref_squeeze %dma_wait3A : memref<1x16xf32, #tpu.memory_space<hbm>> -> memref<16xf32, #tpu.memory_space<hbm>>
      %dma_wait3A_3109 = tpu.memref_slice %arg3[%select_n3A_1973, %mul3A_2003] : memref<100000x2048xf32, #tpu.memory_space<hbm>> -> memref<1x16xf32, #tpu.memory_space<hbm>>
      %dma_wait3A_3110 = tpu.memref_squeeze %dma_wait3A_3109 : memref<1x16xf32, #tpu.memory_space<hbm>> -> memref<16xf32, #tpu.memory_space<hbm>>
      tpu.wait_dma2 semaphore(%run_scoped3A : memref<!tpu.dma_semaphore, #tpu.memory_space<semaphore_mem>>) src(%dma_wait3A_3110 : memref<16xf32, #tpu.memory_space<hbm>>) dst(%arg7 : memref<16xf32, #tpu.memory_space<vmem>>)
      tpu.yield
    }) : () -> ()
    %sub3A_2004 = arith.subi %add3A_1977, %mul3A_2003 : i32
    %jit3A_2005 = arith.constant -1 : i32
    %select_n3A_2006 = arith.select %ge3A_1971, %sub3A_2004, %jit3A_2005 : i32
    %eq3A_2007 = vector.broadcast %select_n3A_2006 : i32 to vector<16xi32>
    %eq3A_2008 = arith.cmpi eq, %iota3A, %eq3A_2007 : vector<16xi32>
    %get3A_2009 = arith.constant 0 : index
    %get3A_2010 = tpu.vector_load %arg7[%get3A_2009] {strides = array<i32>} : memref<16xf32, #tpu.memory_space<vmem>>, vector<16xf32>,
    %get3A_2011 = vector.shape_cast %get3A_2010 : vector<16xf32> to vector<16xf32>
    %jit3A_2012 = arith.constant 0.000000e+00 : f32
    %broadcast_in_dim3A_2013 = vector.broadcast %jit3A_2012 : f32 to vector<16xf32>
    %select_n3A_2014 = arith.select %eq3A_2008, %get3A_2011, %broadcast_in_dim3A_2013 : vector<16xi1>, vector<16xf32>
    %add3A_2015 = arith.addf %add3A_1967, %select_n3A_2014 : vector<16xf32>
    %slice3A_2016 = vector.extract_strided_slice %get3A_1535 {offsets = [10], sizes = [1], strides = [1]} : vector<16xi32> to vector<1xi32>
    %squeeze3A_2017 = vector.extract %slice3A_2016[0] : i32 from vector<1xi32>
    %ge3A_2018 = arith.constant 69280 : i32
    %ge3A_2019 = arith.cmpi sge, %squeeze3A_2017, %ge3A_2018 : i32
    %jit3A_2020 = arith.constant 69280 : i32
    %select_n3A_2021 = arith.select %ge3A_2019, %squeeze3A_2017, %jit3A_2020 : i32
    %add3A_2022 = arith.constant 32 : i32
    %add3A_2023 = arith.addi %mul3A_2, %add3A_2022 : i32
    %add3A_2024 = arith.constant 10 : i32
    %add3A_2025 = arith.addi %add3A_2023, %add3A_2024 : i32
    %jit3A_2026 = arith.constant 16 : i32
    %div3A_2027 = arith.divsi %add3A_2025, %jit3A_2026 : i32
    %sign3A_2028 = arith.constant 0 : i32
    %sign3A_2029 = arith.cmpi sgt, %add3A_2025, %sign3A_2028 : i32
    %sign3A_2030 = arith.extui %sign3A_2029 : i1 to i32
    %sign3A_2031 = arith.constant 0 : i32
    %sign3A_2032 = arith.cmpi slt, %add3A_2025, %sign3A_2031 : i32
    %sign3A_2033 = arith.extui %sign3A_2032 : i1 to i32
    %sign3A_2034 = arith.subi %sign3A_2030, %sign3A_2033 : i32
    %sign3A_2035 = arith.constant 0 : i32
    %sign3A_2036 = arith.cmpi sgt, %jit3A_2026, %sign3A_2035 : i32
    %sign3A_2037 = arith.extui %sign3A_2036 : i1 to i32
    %sign3A_2038 = arith.constant 0 : i32
    %sign3A_2039 = arith.cmpi slt, %jit3A_2026, %sign3A_2038 : i32
    %sign3A_2040 = arith.extui %sign3A_2039 : i1 to i32
    %sign3A_2041 = arith.subi %sign3A_2037, %sign3A_2040 : i32
    %ne3A_2042 = arith.cmpi ne, %sign3A_2034, %sign3A_2041 : i32
    %rem3A_2043 = arith.remsi %add3A_2025, %jit3A_2026 : i32
    %ne3A_2044 = arith.constant 0 : i32
    %ne3A_2045 = arith.cmpi ne, %rem3A_2043, %ne3A_2044 : i32
    %and3A_2046 = arith.andi %ne3A_2042, %ne3A_2045 : i1
    %sub3A_2047 = arith.constant 1 : i32
    %sub3A_2048 = arith.subi %div3A_2027, %sub3A_2047 : i32
    %select_n3A_2049 = arith.select %and3A_2046, %sub3A_2048, %div3A_2027 : i32
    %mul3A_2050 = arith.constant 16 : i32
    %mul3A_2051 = arith.muli %select_n3A_2049, %mul3A_2050 : i32
    "tpu.region"() ({
      %run_scoped3A = tpu.sem_alloc : memref<!tpu.dma_semaphore, #tpu.memory_space<semaphore_mem>>
      %dma_start3A_3104 = tpu.memref_slice %arg3[%select_n3A_2021, %mul3A_2051] : memref<100000x2048xf32, #tpu.memory_space<hbm>> -> memref<1x16xf32, #tpu.memory_space<hbm>>
      %dma_start3A_3105 = tpu.memref_squeeze %dma_start3A_3104 : memref<1x16xf32, #tpu.memory_space<hbm>> -> memref<16xf32, #tpu.memory_space<hbm>>
      %dma_start3A_3106 = tpu.memref_slice %arg3[%select_n3A_2021, %mul3A_2051] : memref<100000x2048xf32, #tpu.memory_space<hbm>> -> memref<1x16xf32, #tpu.memory_space<hbm>>
      %dma_start3A_3107 = tpu.memref_squeeze %dma_start3A_3106 : memref<1x16xf32, #tpu.memory_space<hbm>> -> memref<16xf32, #tpu.memory_space<hbm>>
      tpu.enqueue_dma source(%dma_start3A_3107 : memref<16xf32, #tpu.memory_space<hbm>>) target(%arg7 : memref<16xf32, #tpu.memory_space<vmem>>) target_semaphore(%run_scoped3A : memref<!tpu.dma_semaphore, #tpu.memory_space<semaphore_mem>>)
      %dma_wait3A = tpu.memref_slice %arg3[%select_n3A_2021, %mul3A_2051] : memref<100000x2048xf32, #tpu.memory_space<hbm>> -> memref<1x16xf32, #tpu.memory_space<hbm>>
      %dma_wait3A_3108 = tpu.memref_squeeze %dma_wait3A : memref<1x16xf32, #tpu.memory_space<hbm>> -> memref<16xf32, #tpu.memory_space<hbm>>
      %dma_wait3A_3109 = tpu.memref_slice %arg3[%select_n3A_2021, %mul3A_2051] : memref<100000x2048xf32, #tpu.memory_space<hbm>> -> memref<1x16xf32, #tpu.memory_space<hbm>>
      %dma_wait3A_3110 = tpu.memref_squeeze %dma_wait3A_3109 : memref<1x16xf32, #tpu.memory_space<hbm>> -> memref<16xf32, #tpu.memory_space<hbm>>
      tpu.wait_dma2 semaphore(%run_scoped3A : memref<!tpu.dma_semaphore, #tpu.memory_space<semaphore_mem>>) src(%dma_wait3A_3110 : memref<16xf32, #tpu.memory_space<hbm>>) dst(%arg7 : memref<16xf32, #tpu.memory_space<vmem>>)
      tpu.yield
    }) : () -> ()
    %sub3A_2052 = arith.subi %add3A_2025, %mul3A_2051 : i32
    %jit3A_2053 = arith.constant -1 : i32
    %select_n3A_2054 = arith.select %ge3A_2019, %sub3A_2052, %jit3A_2053 : i32
    %eq3A_2055 = vector.broadcast %select_n3A_2054 : i32 to vector<16xi32>
    %eq3A_2056 = arith.cmpi eq, %iota3A, %eq3A_2055 : vector<16xi32>
    %get3A_2057 = arith.constant 0 : index
    %get3A_2058 = tpu.vector_load %arg7[%get3A_2057] {strides = array<i32>} : memref<16xf32, #tpu.memory_space<vmem>>, vector<16xf32>,
    %get3A_2059 = vector.shape_cast %get3A_2058 : vector<16xf32> to vector<16xf32>
    %jit3A_2060 = arith.constant 0.000000e+00 : f32
    %broadcast_in_dim3A_2061 = vector.broadcast %jit3A_2060 : f32 to vector<16xf32>
    %select_n3A_2062 = arith.select %eq3A_2056, %get3A_2059, %broadcast_in_dim3A_2061 : vector<16xi1>, vector<16xf32>
    %add3A_2063 = arith.addf %add3A_2015, %select_n3A_2062 : vector<16xf32>
    %slice3A_2064 = vector.extract_strided_slice %get3A_1535 {offsets = [11], sizes = [1], strides = [1]} : vector<16xi32> to vector<1xi32>
    %squeeze3A_2065 = vector.extract %slice3A_2064[0] : i32 from vector<1xi32>
    %ge3A_2066 = arith.constant 69280 : i32
    %ge3A_2067 = arith.cmpi sge, %squeeze3A_2065, %ge3A_2066 : i32
    %jit3A_2068 = arith.constant 69280 : i32
    %select_n3A_2069 = arith.select %ge3A_2067, %squeeze3A_2065, %jit3A_2068 : i32
    %add3A_2070 = arith.constant 32 : i32
    %add3A_2071 = arith.addi %mul3A_2, %add3A_2070 : i32
    %add3A_2072 = arith.constant 11 : i32
    %add3A_2073 = arith.addi %add3A_2071, %add3A_2072 : i32
    %jit3A_2074 = arith.constant 16 : i32
    %div3A_2075 = arith.divsi %add3A_2073, %jit3A_2074 : i32
    %sign3A_2076 = arith.constant 0 : i32
    %sign3A_2077 = arith.cmpi sgt, %add3A_2073, %sign3A_2076 : i32
    %sign3A_2078 = arith.extui %sign3A_2077 : i1 to i32
    %sign3A_2079 = arith.constant 0 : i32
    %sign3A_2080 = arith.cmpi slt, %add3A_2073, %sign3A_2079 : i32
    %sign3A_2081 = arith.extui %sign3A_2080 : i1 to i32
    %sign3A_2082 = arith.subi %sign3A_2078, %sign3A_2081 : i32
    %sign3A_2083 = arith.constant 0 : i32
    %sign3A_2084 = arith.cmpi sgt, %jit3A_2074, %sign3A_2083 : i32
    %sign3A_2085 = arith.extui %sign3A_2084 : i1 to i32
    %sign3A_2086 = arith.constant 0 : i32
    %sign3A_2087 = arith.cmpi slt, %jit3A_2074, %sign3A_2086 : i32
    %sign3A_2088 = arith.extui %sign3A_2087 : i1 to i32
    %sign3A_2089 = arith.subi %sign3A_2085, %sign3A_2088 : i32
    %ne3A_2090 = arith.cmpi ne, %sign3A_2082, %sign3A_2089 : i32
    %rem3A_2091 = arith.remsi %add3A_2073, %jit3A_2074 : i32
    %ne3A_2092 = arith.constant 0 : i32
    %ne3A_2093 = arith.cmpi ne, %rem3A_2091, %ne3A_2092 : i32
    %and3A_2094 = arith.andi %ne3A_2090, %ne3A_2093 : i1
    %sub3A_2095 = arith.constant 1 : i32
    %sub3A_2096 = arith.subi %div3A_2075, %sub3A_2095 : i32
    %select_n3A_2097 = arith.select %and3A_2094, %sub3A_2096, %div3A_2075 : i32
    %mul3A_2098 = arith.constant 16 : i32
    %mul3A_2099 = arith.muli %select_n3A_2097, %mul3A_2098 : i32
    "tpu.region"() ({
      %run_scoped3A = tpu.sem_alloc : memref<!tpu.dma_semaphore, #tpu.memory_space<semaphore_mem>>
      %dma_start3A_3104 = tpu.memref_slice %arg3[%select_n3A_2069, %mul3A_2099] : memref<100000x2048xf32, #tpu.memory_space<hbm>> -> memref<1x16xf32, #tpu.memory_space<hbm>>
      %dma_start3A_3105 = tpu.memref_squeeze %dma_start3A_3104 : memref<1x16xf32, #tpu.memory_space<hbm>> -> memref<16xf32, #tpu.memory_space<hbm>>
      %dma_start3A_3106 = tpu.memref_slice %arg3[%select_n3A_2069, %mul3A_2099] : memref<100000x2048xf32, #tpu.memory_space<hbm>> -> memref<1x16xf32, #tpu.memory_space<hbm>>
      %dma_start3A_3107 = tpu.memref_squeeze %dma_start3A_3106 : memref<1x16xf32, #tpu.memory_space<hbm>> -> memref<16xf32, #tpu.memory_space<hbm>>
      tpu.enqueue_dma source(%dma_start3A_3107 : memref<16xf32, #tpu.memory_space<hbm>>) target(%arg7 : memref<16xf32, #tpu.memory_space<vmem>>) target_semaphore(%run_scoped3A : memref<!tpu.dma_semaphore, #tpu.memory_space<semaphore_mem>>)
      %dma_wait3A = tpu.memref_slice %arg3[%select_n3A_2069, %mul3A_2099] : memref<100000x2048xf32, #tpu.memory_space<hbm>> -> memref<1x16xf32, #tpu.memory_space<hbm>>
      %dma_wait3A_3108 = tpu.memref_squeeze %dma_wait3A : memref<1x16xf32, #tpu.memory_space<hbm>> -> memref<16xf32, #tpu.memory_space<hbm>>
      %dma_wait3A_3109 = tpu.memref_slice %arg3[%select_n3A_2069, %mul3A_2099] : memref<100000x2048xf32, #tpu.memory_space<hbm>> -> memref<1x16xf32, #tpu.memory_space<hbm>>
      %dma_wait3A_3110 = tpu.memref_squeeze %dma_wait3A_3109 : memref<1x16xf32, #tpu.memory_space<hbm>> -> memref<16xf32, #tpu.memory_space<hbm>>
      tpu.wait_dma2 semaphore(%run_scoped3A : memref<!tpu.dma_semaphore, #tpu.memory_space<semaphore_mem>>) src(%dma_wait3A_3110 : memref<16xf32, #tpu.memory_space<hbm>>) dst(%arg7 : memref<16xf32, #tpu.memory_space<vmem>>)
      tpu.yield
    }) : () -> ()
    %sub3A_2100 = arith.subi %add3A_2073, %mul3A_2099 : i32
    %jit3A_2101 = arith.constant -1 : i32
    %select_n3A_2102 = arith.select %ge3A_2067, %sub3A_2100, %jit3A_2101 : i32
    %eq3A_2103 = vector.broadcast %select_n3A_2102 : i32 to vector<16xi32>
    %eq3A_2104 = arith.cmpi eq, %iota3A, %eq3A_2103 : vector<16xi32>
    %get3A_2105 = arith.constant 0 : index
    %get3A_2106 = tpu.vector_load %arg7[%get3A_2105] {strides = array<i32>} : memref<16xf32, #tpu.memory_space<vmem>>, vector<16xf32>,
    %get3A_2107 = vector.shape_cast %get3A_2106 : vector<16xf32> to vector<16xf32>
    %jit3A_2108 = arith.constant 0.000000e+00 : f32
    %broadcast_in_dim3A_2109 = vector.broadcast %jit3A_2108 : f32 to vector<16xf32>
    %select_n3A_2110 = arith.select %eq3A_2104, %get3A_2107, %broadcast_in_dim3A_2109 : vector<16xi1>, vector<16xf32>
    %add3A_2111 = arith.addf %add3A_2063, %select_n3A_2110 : vector<16xf32>
    %slice3A_2112 = vector.extract_strided_slice %get3A_1535 {offsets = [12], sizes = [1], strides = [1]} : vector<16xi32> to vector<1xi32>
    %squeeze3A_2113 = vector.extract %slice3A_2112[0] : i32 from vector<1xi32>
    %ge3A_2114 = arith.constant 69280 : i32
    %ge3A_2115 = arith.cmpi sge, %squeeze3A_2113, %ge3A_2114 : i32
    %jit3A_2116 = arith.constant 69280 : i32
    %select_n3A_2117 = arith.select %ge3A_2115, %squeeze3A_2113, %jit3A_2116 : i32
    %add3A_2118 = arith.constant 32 : i32
    %add3A_2119 = arith.addi %mul3A_2, %add3A_2118 : i32
    %add3A_2120 = arith.constant 12 : i32
    %add3A_2121 = arith.addi %add3A_2119, %add3A_2120 : i32
    %jit3A_2122 = arith.constant 16 : i32
    %div3A_2123 = arith.divsi %add3A_2121, %jit3A_2122 : i32
    %sign3A_2124 = arith.constant 0 : i32
    %sign3A_2125 = arith.cmpi sgt, %add3A_2121, %sign3A_2124 : i32
    %sign3A_2126 = arith.extui %sign3A_2125 : i1 to i32
    %sign3A_2127 = arith.constant 0 : i32
    %sign3A_2128 = arith.cmpi slt, %add3A_2121, %sign3A_2127 : i32
    %sign3A_2129 = arith.extui %sign3A_2128 : i1 to i32
    %sign3A_2130 = arith.subi %sign3A_2126, %sign3A_2129 : i32
    %sign3A_2131 = arith.constant 0 : i32
    %sign3A_2132 = arith.cmpi sgt, %jit3A_2122, %sign3A_2131 : i32
    %sign3A_2133 = arith.extui %sign3A_2132 : i1 to i32
    %sign3A_2134 = arith.constant 0 : i32
    %sign3A_2135 = arith.cmpi slt, %jit3A_2122, %sign3A_2134 : i32
    %sign3A_2136 = arith.extui %sign3A_2135 : i1 to i32
    %sign3A_2137 = arith.subi %sign3A_2133, %sign3A_2136 : i32
    %ne3A_2138 = arith.cmpi ne, %sign3A_2130, %sign3A_2137 : i32
    %rem3A_2139 = arith.remsi %add3A_2121, %jit3A_2122 : i32
    %ne3A_2140 = arith.constant 0 : i32
    %ne3A_2141 = arith.cmpi ne, %rem3A_2139, %ne3A_2140 : i32
    %and3A_2142 = arith.andi %ne3A_2138, %ne3A_2141 : i1
    %sub3A_2143 = arith.constant 1 : i32
    %sub3A_2144 = arith.subi %div3A_2123, %sub3A_2143 : i32
    %select_n3A_2145 = arith.select %and3A_2142, %sub3A_2144, %div3A_2123 : i32
    %mul3A_2146 = arith.constant 16 : i32
    %mul3A_2147 = arith.muli %select_n3A_2145, %mul3A_2146 : i32
    "tpu.region"() ({
      %run_scoped3A = tpu.sem_alloc : memref<!tpu.dma_semaphore, #tpu.memory_space<semaphore_mem>>
      %dma_start3A_3104 = tpu.memref_slice %arg3[%select_n3A_2117, %mul3A_2147] : memref<100000x2048xf32, #tpu.memory_space<hbm>> -> memref<1x16xf32, #tpu.memory_space<hbm>>
      %dma_start3A_3105 = tpu.memref_squeeze %dma_start3A_3104 : memref<1x16xf32, #tpu.memory_space<hbm>> -> memref<16xf32, #tpu.memory_space<hbm>>
      %dma_start3A_3106 = tpu.memref_slice %arg3[%select_n3A_2117, %mul3A_2147] : memref<100000x2048xf32, #tpu.memory_space<hbm>> -> memref<1x16xf32, #tpu.memory_space<hbm>>
      %dma_start3A_3107 = tpu.memref_squeeze %dma_start3A_3106 : memref<1x16xf32, #tpu.memory_space<hbm>> -> memref<16xf32, #tpu.memory_space<hbm>>
      tpu.enqueue_dma source(%dma_start3A_3107 : memref<16xf32, #tpu.memory_space<hbm>>) target(%arg7 : memref<16xf32, #tpu.memory_space<vmem>>) target_semaphore(%run_scoped3A : memref<!tpu.dma_semaphore, #tpu.memory_space<semaphore_mem>>)
      %dma_wait3A = tpu.memref_slice %arg3[%select_n3A_2117, %mul3A_2147] : memref<100000x2048xf32, #tpu.memory_space<hbm>> -> memref<1x16xf32, #tpu.memory_space<hbm>>
      %dma_wait3A_3108 = tpu.memref_squeeze %dma_wait3A : memref<1x16xf32, #tpu.memory_space<hbm>> -> memref<16xf32, #tpu.memory_space<hbm>>
      %dma_wait3A_3109 = tpu.memref_slice %arg3[%select_n3A_2117, %mul3A_2147] : memref<100000x2048xf32, #tpu.memory_space<hbm>> -> memref<1x16xf32, #tpu.memory_space<hbm>>
      %dma_wait3A_3110 = tpu.memref_squeeze %dma_wait3A_3109 : memref<1x16xf32, #tpu.memory_space<hbm>> -> memref<16xf32, #tpu.memory_space<hbm>>
      tpu.wait_dma2 semaphore(%run_scoped3A : memref<!tpu.dma_semaphore, #tpu.memory_space<semaphore_mem>>) src(%dma_wait3A_3110 : memref<16xf32, #tpu.memory_space<hbm>>) dst(%arg7 : memref<16xf32, #tpu.memory_space<vmem>>)
      tpu.yield
    }) : () -> ()
    %sub3A_2148 = arith.subi %add3A_2121, %mul3A_2147 : i32
    %jit3A_2149 = arith.constant -1 : i32
    %select_n3A_2150 = arith.select %ge3A_2115, %sub3A_2148, %jit3A_2149 : i32
    %eq3A_2151 = vector.broadcast %select_n3A_2150 : i32 to vector<16xi32>
    %eq3A_2152 = arith.cmpi eq, %iota3A, %eq3A_2151 : vector<16xi32>
    %get3A_2153 = arith.constant 0 : index
    %get3A_2154 = tpu.vector_load %arg7[%get3A_2153] {strides = array<i32>} : memref<16xf32, #tpu.memory_space<vmem>>, vector<16xf32>,
    %get3A_2155 = vector.shape_cast %get3A_2154 : vector<16xf32> to vector<16xf32>
    %jit3A_2156 = arith.constant 0.000000e+00 : f32
    %broadcast_in_dim3A_2157 = vector.broadcast %jit3A_2156 : f32 to vector<16xf32>
    %select_n3A_2158 = arith.select %eq3A_2152, %get3A_2155, %broadcast_in_dim3A_2157 : vector<16xi1>, vector<16xf32>
    %add3A_2159 = arith.addf %add3A_2111, %select_n3A_2158 : vector<16xf32>
    %slice3A_2160 = vector.extract_strided_slice %get3A_1535 {offsets = [13], sizes = [1], strides = [1]} : vector<16xi32> to vector<1xi32>
    %squeeze3A_2161 = vector.extract %slice3A_2160[0] : i32 from vector<1xi32>
    %ge3A_2162 = arith.constant 69280 : i32
    %ge3A_2163 = arith.cmpi sge, %squeeze3A_2161, %ge3A_2162 : i32
    %jit3A_2164 = arith.constant 69280 : i32
    %select_n3A_2165 = arith.select %ge3A_2163, %squeeze3A_2161, %jit3A_2164 : i32
    %add3A_2166 = arith.constant 32 : i32
    %add3A_2167 = arith.addi %mul3A_2, %add3A_2166 : i32
    %add3A_2168 = arith.constant 13 : i32
    %add3A_2169 = arith.addi %add3A_2167, %add3A_2168 : i32
    %jit3A_2170 = arith.constant 16 : i32
    %div3A_2171 = arith.divsi %add3A_2169, %jit3A_2170 : i32
    %sign3A_2172 = arith.constant 0 : i32
    %sign3A_2173 = arith.cmpi sgt, %add3A_2169, %sign3A_2172 : i32
    %sign3A_2174 = arith.extui %sign3A_2173 : i1 to i32
    %sign3A_2175 = arith.constant 0 : i32
    %sign3A_2176 = arith.cmpi slt, %add3A_2169, %sign3A_2175 : i32
    %sign3A_2177 = arith.extui %sign3A_2176 : i1 to i32
    %sign3A_2178 = arith.subi %sign3A_2174, %sign3A_2177 : i32
    %sign3A_2179 = arith.constant 0 : i32
    %sign3A_2180 = arith.cmpi sgt, %jit3A_2170, %sign3A_2179 : i32
    %sign3A_2181 = arith.extui %sign3A_2180 : i1 to i32
    %sign3A_2182 = arith.constant 0 : i32
    %sign3A_2183 = arith.cmpi slt, %jit3A_2170, %sign3A_2182 : i32
    %sign3A_2184 = arith.extui %sign3A_2183 : i1 to i32
    %sign3A_2185 = arith.subi %sign3A_2181, %sign3A_2184 : i32
    %ne3A_2186 = arith.cmpi ne, %sign3A_2178, %sign3A_2185 : i32
    %rem3A_2187 = arith.remsi %add3A_2169, %jit3A_2170 : i32
    %ne3A_2188 = arith.constant 0 : i32
    %ne3A_2189 = arith.cmpi ne, %rem3A_2187, %ne3A_2188 : i32
    %and3A_2190 = arith.andi %ne3A_2186, %ne3A_2189 : i1
    %sub3A_2191 = arith.constant 1 : i32
    %sub3A_2192 = arith.subi %div3A_2171, %sub3A_2191 : i32
    %select_n3A_2193 = arith.select %and3A_2190, %sub3A_2192, %div3A_2171 : i32
    %mul3A_2194 = arith.constant 16 : i32
    %mul3A_2195 = arith.muli %select_n3A_2193, %mul3A_2194 : i32
    "tpu.region"() ({
      %run_scoped3A = tpu.sem_alloc : memref<!tpu.dma_semaphore, #tpu.memory_space<semaphore_mem>>
      %dma_start3A_3104 = tpu.memref_slice %arg3[%select_n3A_2165, %mul3A_2195] : memref<100000x2048xf32, #tpu.memory_space<hbm>> -> memref<1x16xf32, #tpu.memory_space<hbm>>
      %dma_start3A_3105 = tpu.memref_squeeze %dma_start3A_3104 : memref<1x16xf32, #tpu.memory_space<hbm>> -> memref<16xf32, #tpu.memory_space<hbm>>
      %dma_start3A_3106 = tpu.memref_slice %arg3[%select_n3A_2165, %mul3A_2195] : memref<100000x2048xf32, #tpu.memory_space<hbm>> -> memref<1x16xf32, #tpu.memory_space<hbm>>
      %dma_start3A_3107 = tpu.memref_squeeze %dma_start3A_3106 : memref<1x16xf32, #tpu.memory_space<hbm>> -> memref<16xf32, #tpu.memory_space<hbm>>
      tpu.enqueue_dma source(%dma_start3A_3107 : memref<16xf32, #tpu.memory_space<hbm>>) target(%arg7 : memref<16xf32, #tpu.memory_space<vmem>>) target_semaphore(%run_scoped3A : memref<!tpu.dma_semaphore, #tpu.memory_space<semaphore_mem>>)
      %dma_wait3A = tpu.memref_slice %arg3[%select_n3A_2165, %mul3A_2195] : memref<100000x2048xf32, #tpu.memory_space<hbm>> -> memref<1x16xf32, #tpu.memory_space<hbm>>
      %dma_wait3A_3108 = tpu.memref_squeeze %dma_wait3A : memref<1x16xf32, #tpu.memory_space<hbm>> -> memref<16xf32, #tpu.memory_space<hbm>>
      %dma_wait3A_3109 = tpu.memref_slice %arg3[%select_n3A_2165, %mul3A_2195] : memref<100000x2048xf32, #tpu.memory_space<hbm>> -> memref<1x16xf32, #tpu.memory_space<hbm>>
      %dma_wait3A_3110 = tpu.memref_squeeze %dma_wait3A_3109 : memref<1x16xf32, #tpu.memory_space<hbm>> -> memref<16xf32, #tpu.memory_space<hbm>>
      tpu.wait_dma2 semaphore(%run_scoped3A : memref<!tpu.dma_semaphore, #tpu.memory_space<semaphore_mem>>) src(%dma_wait3A_3110 : memref<16xf32, #tpu.memory_space<hbm>>) dst(%arg7 : memref<16xf32, #tpu.memory_space<vmem>>)
      tpu.yield
    }) : () -> ()
    %sub3A_2196 = arith.subi %add3A_2169, %mul3A_2195 : i32
    %jit3A_2197 = arith.constant -1 : i32
    %select_n3A_2198 = arith.select %ge3A_2163, %sub3A_2196, %jit3A_2197 : i32
    %eq3A_2199 = vector.broadcast %select_n3A_2198 : i32 to vector<16xi32>
    %eq3A_2200 = arith.cmpi eq, %iota3A, %eq3A_2199 : vector<16xi32>
    %get3A_2201 = arith.constant 0 : index
    %get3A_2202 = tpu.vector_load %arg7[%get3A_2201] {strides = array<i32>} : memref<16xf32, #tpu.memory_space<vmem>>, vector<16xf32>,
    %get3A_2203 = vector.shape_cast %get3A_2202 : vector<16xf32> to vector<16xf32>
    %jit3A_2204 = arith.constant 0.000000e+00 : f32
    %broadcast_in_dim3A_2205 = vector.broadcast %jit3A_2204 : f32 to vector<16xf32>
    %select_n3A_2206 = arith.select %eq3A_2200, %get3A_2203, %broadcast_in_dim3A_2205 : vector<16xi1>, vector<16xf32>
    %add3A_2207 = arith.addf %add3A_2159, %select_n3A_2206 : vector<16xf32>
    %slice3A_2208 = vector.extract_strided_slice %get3A_1535 {offsets = [14], sizes = [1], strides = [1]} : vector<16xi32> to vector<1xi32>
    %squeeze3A_2209 = vector.extract %slice3A_2208[0] : i32 from vector<1xi32>
    %ge3A_2210 = arith.constant 69280 : i32
    %ge3A_2211 = arith.cmpi sge, %squeeze3A_2209, %ge3A_2210 : i32
    %jit3A_2212 = arith.constant 69280 : i32
    %select_n3A_2213 = arith.select %ge3A_2211, %squeeze3A_2209, %jit3A_2212 : i32
    %add3A_2214 = arith.constant 32 : i32
    %add3A_2215 = arith.addi %mul3A_2, %add3A_2214 : i32
    %add3A_2216 = arith.constant 14 : i32
    %add3A_2217 = arith.addi %add3A_2215, %add3A_2216 : i32
    %jit3A_2218 = arith.constant 16 : i32
    %div3A_2219 = arith.divsi %add3A_2217, %jit3A_2218 : i32
    %sign3A_2220 = arith.constant 0 : i32
    %sign3A_2221 = arith.cmpi sgt, %add3A_2217, %sign3A_2220 : i32
    %sign3A_2222 = arith.extui %sign3A_2221 : i1 to i32
    %sign3A_2223 = arith.constant 0 : i32
    %sign3A_2224 = arith.cmpi slt, %add3A_2217, %sign3A_2223 : i32
    %sign3A_2225 = arith.extui %sign3A_2224 : i1 to i32
    %sign3A_2226 = arith.subi %sign3A_2222, %sign3A_2225 : i32
    %sign3A_2227 = arith.constant 0 : i32
    %sign3A_2228 = arith.cmpi sgt, %jit3A_2218, %sign3A_2227 : i32
    %sign3A_2229 = arith.extui %sign3A_2228 : i1 to i32
    %sign3A_2230 = arith.constant 0 : i32
    %sign3A_2231 = arith.cmpi slt, %jit3A_2218, %sign3A_2230 : i32
    %sign3A_2232 = arith.extui %sign3A_2231 : i1 to i32
    %sign3A_2233 = arith.subi %sign3A_2229, %sign3A_2232 : i32
    %ne3A_2234 = arith.cmpi ne, %sign3A_2226, %sign3A_2233 : i32
    %rem3A_2235 = arith.remsi %add3A_2217, %jit3A_2218 : i32
    %ne3A_2236 = arith.constant 0 : i32
    %ne3A_2237 = arith.cmpi ne, %rem3A_2235, %ne3A_2236 : i32
    %and3A_2238 = arith.andi %ne3A_2234, %ne3A_2237 : i1
    %sub3A_2239 = arith.constant 1 : i32
    %sub3A_2240 = arith.subi %div3A_2219, %sub3A_2239 : i32
    %select_n3A_2241 = arith.select %and3A_2238, %sub3A_2240, %div3A_2219 : i32
    %mul3A_2242 = arith.constant 16 : i32
    %mul3A_2243 = arith.muli %select_n3A_2241, %mul3A_2242 : i32
    "tpu.region"() ({
      %run_scoped3A = tpu.sem_alloc : memref<!tpu.dma_semaphore, #tpu.memory_space<semaphore_mem>>
      %dma_start3A_3104 = tpu.memref_slice %arg3[%select_n3A_2213, %mul3A_2243] : memref<100000x2048xf32, #tpu.memory_space<hbm>> -> memref<1x16xf32, #tpu.memory_space<hbm>>
      %dma_start3A_3105 = tpu.memref_squeeze %dma_start3A_3104 : memref<1x16xf32, #tpu.memory_space<hbm>> -> memref<16xf32, #tpu.memory_space<hbm>>
      %dma_start3A_3106 = tpu.memref_slice %arg3[%select_n3A_2213, %mul3A_2243] : memref<100000x2048xf32, #tpu.memory_space<hbm>> -> memref<1x16xf32, #tpu.memory_space<hbm>>
      %dma_start3A_3107 = tpu.memref_squeeze %dma_start3A_3106 : memref<1x16xf32, #tpu.memory_space<hbm>> -> memref<16xf32, #tpu.memory_space<hbm>>
      tpu.enqueue_dma source(%dma_start3A_3107 : memref<16xf32, #tpu.memory_space<hbm>>) target(%arg7 : memref<16xf32, #tpu.memory_space<vmem>>) target_semaphore(%run_scoped3A : memref<!tpu.dma_semaphore, #tpu.memory_space<semaphore_mem>>)
      %dma_wait3A = tpu.memref_slice %arg3[%select_n3A_2213, %mul3A_2243] : memref<100000x2048xf32, #tpu.memory_space<hbm>> -> memref<1x16xf32, #tpu.memory_space<hbm>>
      %dma_wait3A_3108 = tpu.memref_squeeze %dma_wait3A : memref<1x16xf32, #tpu.memory_space<hbm>> -> memref<16xf32, #tpu.memory_space<hbm>>
      %dma_wait3A_3109 = tpu.memref_slice %arg3[%select_n3A_2213, %mul3A_2243] : memref<100000x2048xf32, #tpu.memory_space<hbm>> -> memref<1x16xf32, #tpu.memory_space<hbm>>
      %dma_wait3A_3110 = tpu.memref_squeeze %dma_wait3A_3109 : memref<1x16xf32, #tpu.memory_space<hbm>> -> memref<16xf32, #tpu.memory_space<hbm>>
      tpu.wait_dma2 semaphore(%run_scoped3A : memref<!tpu.dma_semaphore, #tpu.memory_space<semaphore_mem>>) src(%dma_wait3A_3110 : memref<16xf32, #tpu.memory_space<hbm>>) dst(%arg7 : memref<16xf32, #tpu.memory_space<vmem>>)
      tpu.yield
    }) : () -> ()
    %sub3A_2244 = arith.subi %add3A_2217, %mul3A_2243 : i32
    %jit3A_2245 = arith.constant -1 : i32
    %select_n3A_2246 = arith.select %ge3A_2211, %sub3A_2244, %jit3A_2245 : i32
    %eq3A_2247 = vector.broadcast %select_n3A_2246 : i32 to vector<16xi32>
    %eq3A_2248 = arith.cmpi eq, %iota3A, %eq3A_2247 : vector<16xi32>
    %get3A_2249 = arith.constant 0 : index
    %get3A_2250 = tpu.vector_load %arg7[%get3A_2249] {strides = array<i32>} : memref<16xf32, #tpu.memory_space<vmem>>, vector<16xf32>,
    %get3A_2251 = vector.shape_cast %get3A_2250 : vector<16xf32> to vector<16xf32>
    %jit3A_2252 = arith.constant 0.000000e+00 : f32
    %broadcast_in_dim3A_2253 = vector.broadcast %jit3A_2252 : f32 to vector<16xf32>
    %select_n3A_2254 = arith.select %eq3A_2248, %get3A_2251, %broadcast_in_dim3A_2253 : vector<16xi1>, vector<16xf32>
    %add3A_2255 = arith.addf %add3A_2207, %select_n3A_2254 : vector<16xf32>
    %slice3A_2256 = vector.extract_strided_slice %get3A_1535 {offsets = [15], sizes = [1], strides = [1]} : vector<16xi32> to vector<1xi32>
    %squeeze3A_2257 = vector.extract %slice3A_2256[0] : i32 from vector<1xi32>
    %ge3A_2258 = arith.constant 69280 : i32
    %ge3A_2259 = arith.cmpi sge, %squeeze3A_2257, %ge3A_2258 : i32
    %jit3A_2260 = arith.constant 69280 : i32
    %select_n3A_2261 = arith.select %ge3A_2259, %squeeze3A_2257, %jit3A_2260 : i32
    %add3A_2262 = arith.constant 32 : i32
    %add3A_2263 = arith.addi %mul3A_2, %add3A_2262 : i32
    %add3A_2264 = arith.constant 15 : i32
    %add3A_2265 = arith.addi %add3A_2263, %add3A_2264 : i32
    %jit3A_2266 = arith.constant 16 : i32
    %div3A_2267 = arith.divsi %add3A_2265, %jit3A_2266 : i32
    %sign3A_2268 = arith.constant 0 : i32
    %sign3A_2269 = arith.cmpi sgt, %add3A_2265, %sign3A_2268 : i32
    %sign3A_2270 = arith.extui %sign3A_2269 : i1 to i32
    %sign3A_2271 = arith.constant 0 : i32
    %sign3A_2272 = arith.cmpi slt, %add3A_2265, %sign3A_2271 : i32
    %sign3A_2273 = arith.extui %sign3A_2272 : i1 to i32
    %sign3A_2274 = arith.subi %sign3A_2270, %sign3A_2273 : i32
    %sign3A_2275 = arith.constant 0 : i32
    %sign3A_2276 = arith.cmpi sgt, %jit3A_2266, %sign3A_2275 : i32
    %sign3A_2277 = arith.extui %sign3A_2276 : i1 to i32
    %sign3A_2278 = arith.constant 0 : i32
    %sign3A_2279 = arith.cmpi slt, %jit3A_2266, %sign3A_2278 : i32
    %sign3A_2280 = arith.extui %sign3A_2279 : i1 to i32
    %sign3A_2281 = arith.subi %sign3A_2277, %sign3A_2280 : i32
    %ne3A_2282 = arith.cmpi ne, %sign3A_2274, %sign3A_2281 : i32
    %rem3A_2283 = arith.remsi %add3A_2265, %jit3A_2266 : i32
    %ne3A_2284 = arith.constant 0 : i32
    %ne3A_2285 = arith.cmpi ne, %rem3A_2283, %ne3A_2284 : i32
    %and3A_2286 = arith.andi %ne3A_2282, %ne3A_2285 : i1
    %sub3A_2287 = arith.constant 1 : i32
    %sub3A_2288 = arith.subi %div3A_2267, %sub3A_2287 : i32
    %select_n3A_2289 = arith.select %and3A_2286, %sub3A_2288, %div3A_2267 : i32
    %mul3A_2290 = arith.constant 16 : i32
    %mul3A_2291 = arith.muli %select_n3A_2289, %mul3A_2290 : i32
    "tpu.region"() ({
      %run_scoped3A = tpu.sem_alloc : memref<!tpu.dma_semaphore, #tpu.memory_space<semaphore_mem>>
      %dma_start3A_3104 = tpu.memref_slice %arg3[%select_n3A_2261, %mul3A_2291] : memref<100000x2048xf32, #tpu.memory_space<hbm>> -> memref<1x16xf32, #tpu.memory_space<hbm>>
      %dma_start3A_3105 = tpu.memref_squeeze %dma_start3A_3104 : memref<1x16xf32, #tpu.memory_space<hbm>> -> memref<16xf32, #tpu.memory_space<hbm>>
      %dma_start3A_3106 = tpu.memref_slice %arg3[%select_n3A_2261, %mul3A_2291] : memref<100000x2048xf32, #tpu.memory_space<hbm>> -> memref<1x16xf32, #tpu.memory_space<hbm>>
      %dma_start3A_3107 = tpu.memref_squeeze %dma_start3A_3106 : memref<1x16xf32, #tpu.memory_space<hbm>> -> memref<16xf32, #tpu.memory_space<hbm>>
      tpu.enqueue_dma source(%dma_start3A_3107 : memref<16xf32, #tpu.memory_space<hbm>>) target(%arg7 : memref<16xf32, #tpu.memory_space<vmem>>) target_semaphore(%run_scoped3A : memref<!tpu.dma_semaphore, #tpu.memory_space<semaphore_mem>>)
      %dma_wait3A = tpu.memref_slice %arg3[%select_n3A_2261, %mul3A_2291] : memref<100000x2048xf32, #tpu.memory_space<hbm>> -> memref<1x16xf32, #tpu.memory_space<hbm>>
      %dma_wait3A_3108 = tpu.memref_squeeze %dma_wait3A : memref<1x16xf32, #tpu.memory_space<hbm>> -> memref<16xf32, #tpu.memory_space<hbm>>
      %dma_wait3A_3109 = tpu.memref_slice %arg3[%select_n3A_2261, %mul3A_2291] : memref<100000x2048xf32, #tpu.memory_space<hbm>> -> memref<1x16xf32, #tpu.memory_space<hbm>>
      %dma_wait3A_3110 = tpu.memref_squeeze %dma_wait3A_3109 : memref<1x16xf32, #tpu.memory_space<hbm>> -> memref<16xf32, #tpu.memory_space<hbm>>
      tpu.wait_dma2 semaphore(%run_scoped3A : memref<!tpu.dma_semaphore, #tpu.memory_space<semaphore_mem>>) src(%dma_wait3A_3110 : memref<16xf32, #tpu.memory_space<hbm>>) dst(%arg7 : memref<16xf32, #tpu.memory_space<vmem>>)
      tpu.yield
    }) : () -> ()
    %sub3A_2292 = arith.subi %add3A_2265, %mul3A_2291 : i32
    %jit3A_2293 = arith.constant -1 : i32
    %select_n3A_2294 = arith.select %ge3A_2259, %sub3A_2292, %jit3A_2293 : i32
    %eq3A_2295 = vector.broadcast %select_n3A_2294 : i32 to vector<16xi32>
    %eq3A_2296 = arith.cmpi eq, %iota3A, %eq3A_2295 : vector<16xi32>
    %get3A_2297 = arith.constant 0 : index
    %get3A_2298 = tpu.vector_load %arg7[%get3A_2297] {strides = array<i32>} : memref<16xf32, #tpu.memory_space<vmem>>, vector<16xf32>,
    %get3A_2299 = vector.shape_cast %get3A_2298 : vector<16xf32> to vector<16xf32>
    %jit3A_2300 = arith.constant 0.000000e+00 : f32
    %broadcast_in_dim3A_2301 = vector.broadcast %jit3A_2300 : f32 to vector<16xf32>
    %select_n3A_2302 = arith.select %eq3A_2296, %get3A_2299, %broadcast_in_dim3A_2301 : vector<16xi1>, vector<16xf32>
    %add3A_2303 = arith.addf %add3A_2255, %select_n3A_2302 : vector<16xf32>
    %get3A_2304 = arith.constant 48 : index
    %get3A_2305 = tpu.vector_load %arg6[%get3A_2304] {strides = array<i32>} : memref<64xi32, #tpu.memory_space<vmem>>, vector<16xi32>,
    %get3A_2306 = vector.shape_cast %get3A_2305 : vector<16xi32> to vector<16xi32>
    %slice3A_2307 = vector.extract_strided_slice %get3A_2306 {offsets = [0], sizes = [1], strides = [1]} : vector<16xi32> to vector<1xi32>
    %squeeze3A_2308 = vector.extract %slice3A_2307[0] : i32 from vector<1xi32>
    %ge3A_2309 = arith.constant 69280 : i32
    %ge3A_2310 = arith.cmpi sge, %squeeze3A_2308, %ge3A_2309 : i32
    %jit3A_2311 = arith.constant 69280 : i32
    %select_n3A_2312 = arith.select %ge3A_2310, %squeeze3A_2308, %jit3A_2311 : i32
    %add3A_2313 = arith.constant 48 : i32
    %add3A_2314 = arith.addi %mul3A_2, %add3A_2313 : i32
    %add3A_2315 = arith.constant 0 : i32
    %add3A_2316 = arith.addi %add3A_2314, %add3A_2315 : i32
    %jit3A_2317 = arith.constant 16 : i32
    %div3A_2318 = arith.divsi %add3A_2316, %jit3A_2317 : i32
    %sign3A_2319 = arith.constant 0 : i32
    %sign3A_2320 = arith.cmpi sgt, %add3A_2316, %sign3A_2319 : i32
    %sign3A_2321 = arith.extui %sign3A_2320 : i1 to i32
    %sign3A_2322 = arith.constant 0 : i32
    %sign3A_2323 = arith.cmpi slt, %add3A_2316, %sign3A_2322 : i32
    %sign3A_2324 = arith.extui %sign3A_2323 : i1 to i32
    %sign3A_2325 = arith.subi %sign3A_2321, %sign3A_2324 : i32
    %sign3A_2326 = arith.constant 0 : i32
    %sign3A_2327 = arith.cmpi sgt, %jit3A_2317, %sign3A_2326 : i32
    %sign3A_2328 = arith.extui %sign3A_2327 : i1 to i32
    %sign3A_2329 = arith.constant 0 : i32
    %sign3A_2330 = arith.cmpi slt, %jit3A_2317, %sign3A_2329 : i32
    %sign3A_2331 = arith.extui %sign3A_2330 : i1 to i32
    %sign3A_2332 = arith.subi %sign3A_2328, %sign3A_2331 : i32
    %ne3A_2333 = arith.cmpi ne, %sign3A_2325, %sign3A_2332 : i32
    %rem3A_2334 = arith.remsi %add3A_2316, %jit3A_2317 : i32
    %ne3A_2335 = arith.constant 0 : i32
    %ne3A_2336 = arith.cmpi ne, %rem3A_2334, %ne3A_2335 : i32
    %and3A_2337 = arith.andi %ne3A_2333, %ne3A_2336 : i1
    %sub3A_2338 = arith.constant 1 : i32
    %sub3A_2339 = arith.subi %div3A_2318, %sub3A_2338 : i32
    %select_n3A_2340 = arith.select %and3A_2337, %sub3A_2339, %div3A_2318 : i32
    %mul3A_2341 = arith.constant 16 : i32
    %mul3A_2342 = arith.muli %select_n3A_2340, %mul3A_2341 : i32
    "tpu.region"() ({
      %run_scoped3A = tpu.sem_alloc : memref<!tpu.dma_semaphore, #tpu.memory_space<semaphore_mem>>
      %dma_start3A_3104 = tpu.memref_slice %arg3[%select_n3A_2312, %mul3A_2342] : memref<100000x2048xf32, #tpu.memory_space<hbm>> -> memref<1x16xf32, #tpu.memory_space<hbm>>
      %dma_start3A_3105 = tpu.memref_squeeze %dma_start3A_3104 : memref<1x16xf32, #tpu.memory_space<hbm>> -> memref<16xf32, #tpu.memory_space<hbm>>
      %dma_start3A_3106 = tpu.memref_slice %arg3[%select_n3A_2312, %mul3A_2342] : memref<100000x2048xf32, #tpu.memory_space<hbm>> -> memref<1x16xf32, #tpu.memory_space<hbm>>
      %dma_start3A_3107 = tpu.memref_squeeze %dma_start3A_3106 : memref<1x16xf32, #tpu.memory_space<hbm>> -> memref<16xf32, #tpu.memory_space<hbm>>
      tpu.enqueue_dma source(%dma_start3A_3107 : memref<16xf32, #tpu.memory_space<hbm>>) target(%arg7 : memref<16xf32, #tpu.memory_space<vmem>>) target_semaphore(%run_scoped3A : memref<!tpu.dma_semaphore, #tpu.memory_space<semaphore_mem>>)
      %dma_wait3A = tpu.memref_slice %arg3[%select_n3A_2312, %mul3A_2342] : memref<100000x2048xf32, #tpu.memory_space<hbm>> -> memref<1x16xf32, #tpu.memory_space<hbm>>
      %dma_wait3A_3108 = tpu.memref_squeeze %dma_wait3A : memref<1x16xf32, #tpu.memory_space<hbm>> -> memref<16xf32, #tpu.memory_space<hbm>>
      %dma_wait3A_3109 = tpu.memref_slice %arg3[%select_n3A_2312, %mul3A_2342] : memref<100000x2048xf32, #tpu.memory_space<hbm>> -> memref<1x16xf32, #tpu.memory_space<hbm>>
      %dma_wait3A_3110 = tpu.memref_squeeze %dma_wait3A_3109 : memref<1x16xf32, #tpu.memory_space<hbm>> -> memref<16xf32, #tpu.memory_space<hbm>>
      tpu.wait_dma2 semaphore(%run_scoped3A : memref<!tpu.dma_semaphore, #tpu.memory_space<semaphore_mem>>) src(%dma_wait3A_3110 : memref<16xf32, #tpu.memory_space<hbm>>) dst(%arg7 : memref<16xf32, #tpu.memory_space<vmem>>)
      tpu.yield
    }) : () -> ()
    %sub3A_2343 = arith.subi %add3A_2316, %mul3A_2342 : i32
    %jit3A_2344 = arith.constant -1 : i32
    %select_n3A_2345 = arith.select %ge3A_2310, %sub3A_2343, %jit3A_2344 : i32
    %eq3A_2346 = vector.broadcast %select_n3A_2345 : i32 to vector<16xi32>
    %eq3A_2347 = arith.cmpi eq, %iota3A, %eq3A_2346 : vector<16xi32>
    %get3A_2348 = arith.constant 0 : index
    %get3A_2349 = tpu.vector_load %arg7[%get3A_2348] {strides = array<i32>} : memref<16xf32, #tpu.memory_space<vmem>>, vector<16xf32>,
    %get3A_2350 = vector.shape_cast %get3A_2349 : vector<16xf32> to vector<16xf32>
    %jit3A_2351 = arith.constant 0.000000e+00 : f32
    %broadcast_in_dim3A_2352 = vector.broadcast %jit3A_2351 : f32 to vector<16xf32>
    %select_n3A_2353 = arith.select %eq3A_2347, %get3A_2350, %broadcast_in_dim3A_2352 : vector<16xi1>, vector<16xf32>
    %add3A_2354 = arith.addf %add3A_2303, %select_n3A_2353 : vector<16xf32>
    %slice3A_2355 = vector.extract_strided_slice %get3A_2306 {offsets = [1], sizes = [1], strides = [1]} : vector<16xi32> to vector<1xi32>
    %squeeze3A_2356 = vector.extract %slice3A_2355[0] : i32 from vector<1xi32>
    %ge3A_2357 = arith.constant 69280 : i32
    %ge3A_2358 = arith.cmpi sge, %squeeze3A_2356, %ge3A_2357 : i32
    %jit3A_2359 = arith.constant 69280 : i32
    %select_n3A_2360 = arith.select %ge3A_2358, %squeeze3A_2356, %jit3A_2359 : i32
    %add3A_2361 = arith.constant 48 : i32
    %add3A_2362 = arith.addi %mul3A_2, %add3A_2361 : i32
    %add3A_2363 = arith.constant 1 : i32
    %add3A_2364 = arith.addi %add3A_2362, %add3A_2363 : i32
    %jit3A_2365 = arith.constant 16 : i32
    %div3A_2366 = arith.divsi %add3A_2364, %jit3A_2365 : i32
    %sign3A_2367 = arith.constant 0 : i32
    %sign3A_2368 = arith.cmpi sgt, %add3A_2364, %sign3A_2367 : i32
    %sign3A_2369 = arith.extui %sign3A_2368 : i1 to i32
    %sign3A_2370 = arith.constant 0 : i32
    %sign3A_2371 = arith.cmpi slt, %add3A_2364, %sign3A_2370 : i32
    %sign3A_2372 = arith.extui %sign3A_2371 : i1 to i32
    %sign3A_2373 = arith.subi %sign3A_2369, %sign3A_2372 : i32
    %sign3A_2374 = arith.constant 0 : i32
    %sign3A_2375 = arith.cmpi sgt, %jit3A_2365, %sign3A_2374 : i32
    %sign3A_2376 = arith.extui %sign3A_2375 : i1 to i32
    %sign3A_2377 = arith.constant 0 : i32
    %sign3A_2378 = arith.cmpi slt, %jit3A_2365, %sign3A_2377 : i32
    %sign3A_2379 = arith.extui %sign3A_2378 : i1 to i32
    %sign3A_2380 = arith.subi %sign3A_2376, %sign3A_2379 : i32
    %ne3A_2381 = arith.cmpi ne, %sign3A_2373, %sign3A_2380 : i32
    %rem3A_2382 = arith.remsi %add3A_2364, %jit3A_2365 : i32
    %ne3A_2383 = arith.constant 0 : i32
    %ne3A_2384 = arith.cmpi ne, %rem3A_2382, %ne3A_2383 : i32
    %and3A_2385 = arith.andi %ne3A_2381, %ne3A_2384 : i1
    %sub3A_2386 = arith.constant 1 : i32
    %sub3A_2387 = arith.subi %div3A_2366, %sub3A_2386 : i32
    %select_n3A_2388 = arith.select %and3A_2385, %sub3A_2387, %div3A_2366 : i32
    %mul3A_2389 = arith.constant 16 : i32
    %mul3A_2390 = arith.muli %select_n3A_2388, %mul3A_2389 : i32
    "tpu.region"() ({
      %run_scoped3A = tpu.sem_alloc : memref<!tpu.dma_semaphore, #tpu.memory_space<semaphore_mem>>
      %dma_start3A_3104 = tpu.memref_slice %arg3[%select_n3A_2360, %mul3A_2390] : memref<100000x2048xf32, #tpu.memory_space<hbm>> -> memref<1x16xf32, #tpu.memory_space<hbm>>
      %dma_start3A_3105 = tpu.memref_squeeze %dma_start3A_3104 : memref<1x16xf32, #tpu.memory_space<hbm>> -> memref<16xf32, #tpu.memory_space<hbm>>
      %dma_start3A_3106 = tpu.memref_slice %arg3[%select_n3A_2360, %mul3A_2390] : memref<100000x2048xf32, #tpu.memory_space<hbm>> -> memref<1x16xf32, #tpu.memory_space<hbm>>
      %dma_start3A_3107 = tpu.memref_squeeze %dma_start3A_3106 : memref<1x16xf32, #tpu.memory_space<hbm>> -> memref<16xf32, #tpu.memory_space<hbm>>
      tpu.enqueue_dma source(%dma_start3A_3107 : memref<16xf32, #tpu.memory_space<hbm>>) target(%arg7 : memref<16xf32, #tpu.memory_space<vmem>>) target_semaphore(%run_scoped3A : memref<!tpu.dma_semaphore, #tpu.memory_space<semaphore_mem>>)
      %dma_wait3A = tpu.memref_slice %arg3[%select_n3A_2360, %mul3A_2390] : memref<100000x2048xf32, #tpu.memory_space<hbm>> -> memref<1x16xf32, #tpu.memory_space<hbm>>
      %dma_wait3A_3108 = tpu.memref_squeeze %dma_wait3A : memref<1x16xf32, #tpu.memory_space<hbm>> -> memref<16xf32, #tpu.memory_space<hbm>>
      %dma_wait3A_3109 = tpu.memref_slice %arg3[%select_n3A_2360, %mul3A_2390] : memref<100000x2048xf32, #tpu.memory_space<hbm>> -> memref<1x16xf32, #tpu.memory_space<hbm>>
      %dma_wait3A_3110 = tpu.memref_squeeze %dma_wait3A_3109 : memref<1x16xf32, #tpu.memory_space<hbm>> -> memref<16xf32, #tpu.memory_space<hbm>>
      tpu.wait_dma2 semaphore(%run_scoped3A : memref<!tpu.dma_semaphore, #tpu.memory_space<semaphore_mem>>) src(%dma_wait3A_3110 : memref<16xf32, #tpu.memory_space<hbm>>) dst(%arg7 : memref<16xf32, #tpu.memory_space<vmem>>)
      tpu.yield
    }) : () -> ()
    %sub3A_2391 = arith.subi %add3A_2364, %mul3A_2390 : i32
    %jit3A_2392 = arith.constant -1 : i32
    %select_n3A_2393 = arith.select %ge3A_2358, %sub3A_2391, %jit3A_2392 : i32
    %eq3A_2394 = vector.broadcast %select_n3A_2393 : i32 to vector<16xi32>
    %eq3A_2395 = arith.cmpi eq, %iota3A, %eq3A_2394 : vector<16xi32>
    %get3A_2396 = arith.constant 0 : index
    %get3A_2397 = tpu.vector_load %arg7[%get3A_2396] {strides = array<i32>} : memref<16xf32, #tpu.memory_space<vmem>>, vector<16xf32>,
    %get3A_2398 = vector.shape_cast %get3A_2397 : vector<16xf32> to vector<16xf32>
    %jit3A_2399 = arith.constant 0.000000e+00 : f32
    %broadcast_in_dim3A_2400 = vector.broadcast %jit3A_2399 : f32 to vector<16xf32>
    %select_n3A_2401 = arith.select %eq3A_2395, %get3A_2398, %broadcast_in_dim3A_2400 : vector<16xi1>, vector<16xf32>
    %add3A_2402 = arith.addf %add3A_2354, %select_n3A_2401 : vector<16xf32>
    %slice3A_2403 = vector.extract_strided_slice %get3A_2306 {offsets = [2], sizes = [1], strides = [1]} : vector<16xi32> to vector<1xi32>
    %squeeze3A_2404 = vector.extract %slice3A_2403[0] : i32 from vector<1xi32>
    %ge3A_2405 = arith.constant 69280 : i32
    %ge3A_2406 = arith.cmpi sge, %squeeze3A_2404, %ge3A_2405 : i32
    %jit3A_2407 = arith.constant 69280 : i32
    %select_n3A_2408 = arith.select %ge3A_2406, %squeeze3A_2404, %jit3A_2407 : i32
    %add3A_2409 = arith.constant 48 : i32
    %add3A_2410 = arith.addi %mul3A_2, %add3A_2409 : i32
    %add3A_2411 = arith.constant 2 : i32
    %add3A_2412 = arith.addi %add3A_2410, %add3A_2411 : i32
    %jit3A_2413 = arith.constant 16 : i32
    %div3A_2414 = arith.divsi %add3A_2412, %jit3A_2413 : i32
    %sign3A_2415 = arith.constant 0 : i32
    %sign3A_2416 = arith.cmpi sgt, %add3A_2412, %sign3A_2415 : i32
    %sign3A_2417 = arith.extui %sign3A_2416 : i1 to i32
    %sign3A_2418 = arith.constant 0 : i32
    %sign3A_2419 = arith.cmpi slt, %add3A_2412, %sign3A_2418 : i32
    %sign3A_2420 = arith.extui %sign3A_2419 : i1 to i32
    %sign3A_2421 = arith.subi %sign3A_2417, %sign3A_2420 : i32
    %sign3A_2422 = arith.constant 0 : i32
    %sign3A_2423 = arith.cmpi sgt, %jit3A_2413, %sign3A_2422 : i32
    %sign3A_2424 = arith.extui %sign3A_2423 : i1 to i32
    %sign3A_2425 = arith.constant 0 : i32
    %sign3A_2426 = arith.cmpi slt, %jit3A_2413, %sign3A_2425 : i32
    %sign3A_2427 = arith.extui %sign3A_2426 : i1 to i32
    %sign3A_2428 = arith.subi %sign3A_2424, %sign3A_2427 : i32
    %ne3A_2429 = arith.cmpi ne, %sign3A_2421, %sign3A_2428 : i32
    %rem3A_2430 = arith.remsi %add3A_2412, %jit3A_2413 : i32
    %ne3A_2431 = arith.constant 0 : i32
    %ne3A_2432 = arith.cmpi ne, %rem3A_2430, %ne3A_2431 : i32
    %and3A_2433 = arith.andi %ne3A_2429, %ne3A_2432 : i1
    %sub3A_2434 = arith.constant 1 : i32
    %sub3A_2435 = arith.subi %div3A_2414, %sub3A_2434 : i32
    %select_n3A_2436 = arith.select %and3A_2433, %sub3A_2435, %div3A_2414 : i32
    %mul3A_2437 = arith.constant 16 : i32
    %mul3A_2438 = arith.muli %select_n3A_2436, %mul3A_2437 : i32
    "tpu.region"() ({
      %run_scoped3A = tpu.sem_alloc : memref<!tpu.dma_semaphore, #tpu.memory_space<semaphore_mem>>
      %dma_start3A_3104 = tpu.memref_slice %arg3[%select_n3A_2408, %mul3A_2438] : memref<100000x2048xf32, #tpu.memory_space<hbm>> -> memref<1x16xf32, #tpu.memory_space<hbm>>
      %dma_start3A_3105 = tpu.memref_squeeze %dma_start3A_3104 : memref<1x16xf32, #tpu.memory_space<hbm>> -> memref<16xf32, #tpu.memory_space<hbm>>
      %dma_start3A_3106 = tpu.memref_slice %arg3[%select_n3A_2408, %mul3A_2438] : memref<100000x2048xf32, #tpu.memory_space<hbm>> -> memref<1x16xf32, #tpu.memory_space<hbm>>
      %dma_start3A_3107 = tpu.memref_squeeze %dma_start3A_3106 : memref<1x16xf32, #tpu.memory_space<hbm>> -> memref<16xf32, #tpu.memory_space<hbm>>
      tpu.enqueue_dma source(%dma_start3A_3107 : memref<16xf32, #tpu.memory_space<hbm>>) target(%arg7 : memref<16xf32, #tpu.memory_space<vmem>>) target_semaphore(%run_scoped3A : memref<!tpu.dma_semaphore, #tpu.memory_space<semaphore_mem>>)
      %dma_wait3A = tpu.memref_slice %arg3[%select_n3A_2408, %mul3A_2438] : memref<100000x2048xf32, #tpu.memory_space<hbm>> -> memref<1x16xf32, #tpu.memory_space<hbm>>
      %dma_wait3A_3108 = tpu.memref_squeeze %dma_wait3A : memref<1x16xf32, #tpu.memory_space<hbm>> -> memref<16xf32, #tpu.memory_space<hbm>>
      %dma_wait3A_3109 = tpu.memref_slice %arg3[%select_n3A_2408, %mul3A_2438] : memref<100000x2048xf32, #tpu.memory_space<hbm>> -> memref<1x16xf32, #tpu.memory_space<hbm>>
      %dma_wait3A_3110 = tpu.memref_squeeze %dma_wait3A_3109 : memref<1x16xf32, #tpu.memory_space<hbm>> -> memref<16xf32, #tpu.memory_space<hbm>>
      tpu.wait_dma2 semaphore(%run_scoped3A : memref<!tpu.dma_semaphore, #tpu.memory_space<semaphore_mem>>) src(%dma_wait3A_3110 : memref<16xf32, #tpu.memory_space<hbm>>) dst(%arg7 : memref<16xf32, #tpu.memory_space<vmem>>)
      tpu.yield
    }) : () -> ()
    %sub3A_2439 = arith.subi %add3A_2412, %mul3A_2438 : i32
    %jit3A_2440 = arith.constant -1 : i32
    %select_n3A_2441 = arith.select %ge3A_2406, %sub3A_2439, %jit3A_2440 : i32
    %eq3A_2442 = vector.broadcast %select_n3A_2441 : i32 to vector<16xi32>
    %eq3A_2443 = arith.cmpi eq, %iota3A, %eq3A_2442 : vector<16xi32>
    %get3A_2444 = arith.constant 0 : index
    %get3A_2445 = tpu.vector_load %arg7[%get3A_2444] {strides = array<i32>} : memref<16xf32, #tpu.memory_space<vmem>>, vector<16xf32>,
    %get3A_2446 = vector.shape_cast %get3A_2445 : vector<16xf32> to vector<16xf32>
    %jit3A_2447 = arith.constant 0.000000e+00 : f32
    %broadcast_in_dim3A_2448 = vector.broadcast %jit3A_2447 : f32 to vector<16xf32>
    %select_n3A_2449 = arith.select %eq3A_2443, %get3A_2446, %broadcast_in_dim3A_2448 : vector<16xi1>, vector<16xf32>
    %add3A_2450 = arith.addf %add3A_2402, %select_n3A_2449 : vector<16xf32>
    %slice3A_2451 = vector.extract_strided_slice %get3A_2306 {offsets = [3], sizes = [1], strides = [1]} : vector<16xi32> to vector<1xi32>
    %squeeze3A_2452 = vector.extract %slice3A_2451[0] : i32 from vector<1xi32>
    %ge3A_2453 = arith.constant 69280 : i32
    %ge3A_2454 = arith.cmpi sge, %squeeze3A_2452, %ge3A_2453 : i32
    %jit3A_2455 = arith.constant 69280 : i32
    %select_n3A_2456 = arith.select %ge3A_2454, %squeeze3A_2452, %jit3A_2455 : i32
    %add3A_2457 = arith.constant 48 : i32
    %add3A_2458 = arith.addi %mul3A_2, %add3A_2457 : i32
    %add3A_2459 = arith.constant 3 : i32
    %add3A_2460 = arith.addi %add3A_2458, %add3A_2459 : i32
    %jit3A_2461 = arith.constant 16 : i32
    %div3A_2462 = arith.divsi %add3A_2460, %jit3A_2461 : i32
    %sign3A_2463 = arith.constant 0 : i32
    %sign3A_2464 = arith.cmpi sgt, %add3A_2460, %sign3A_2463 : i32
    %sign3A_2465 = arith.extui %sign3A_2464 : i1 to i32
    %sign3A_2466 = arith.constant 0 : i32
    %sign3A_2467 = arith.cmpi slt, %add3A_2460, %sign3A_2466 : i32
    %sign3A_2468 = arith.extui %sign3A_2467 : i1 to i32
    %sign3A_2469 = arith.subi %sign3A_2465, %sign3A_2468 : i32
    %sign3A_2470 = arith.constant 0 : i32
    %sign3A_2471 = arith.cmpi sgt, %jit3A_2461, %sign3A_2470 : i32
    %sign3A_2472 = arith.extui %sign3A_2471 : i1 to i32
    %sign3A_2473 = arith.constant 0 : i32
    %sign3A_2474 = arith.cmpi slt, %jit3A_2461, %sign3A_2473 : i32
    %sign3A_2475 = arith.extui %sign3A_2474 : i1 to i32
    %sign3A_2476 = arith.subi %sign3A_2472, %sign3A_2475 : i32
    %ne3A_2477 = arith.cmpi ne, %sign3A_2469, %sign3A_2476 : i32
    %rem3A_2478 = arith.remsi %add3A_2460, %jit3A_2461 : i32
    %ne3A_2479 = arith.constant 0 : i32
    %ne3A_2480 = arith.cmpi ne, %rem3A_2478, %ne3A_2479 : i32
    %and3A_2481 = arith.andi %ne3A_2477, %ne3A_2480 : i1
    %sub3A_2482 = arith.constant 1 : i32
    %sub3A_2483 = arith.subi %div3A_2462, %sub3A_2482 : i32
    %select_n3A_2484 = arith.select %and3A_2481, %sub3A_2483, %div3A_2462 : i32
    %mul3A_2485 = arith.constant 16 : i32
    %mul3A_2486 = arith.muli %select_n3A_2484, %mul3A_2485 : i32
    "tpu.region"() ({
      %run_scoped3A = tpu.sem_alloc : memref<!tpu.dma_semaphore, #tpu.memory_space<semaphore_mem>>
      %dma_start3A_3104 = tpu.memref_slice %arg3[%select_n3A_2456, %mul3A_2486] : memref<100000x2048xf32, #tpu.memory_space<hbm>> -> memref<1x16xf32, #tpu.memory_space<hbm>>
      %dma_start3A_3105 = tpu.memref_squeeze %dma_start3A_3104 : memref<1x16xf32, #tpu.memory_space<hbm>> -> memref<16xf32, #tpu.memory_space<hbm>>
      %dma_start3A_3106 = tpu.memref_slice %arg3[%select_n3A_2456, %mul3A_2486] : memref<100000x2048xf32, #tpu.memory_space<hbm>> -> memref<1x16xf32, #tpu.memory_space<hbm>>
      %dma_start3A_3107 = tpu.memref_squeeze %dma_start3A_3106 : memref<1x16xf32, #tpu.memory_space<hbm>> -> memref<16xf32, #tpu.memory_space<hbm>>
      tpu.enqueue_dma source(%dma_start3A_3107 : memref<16xf32, #tpu.memory_space<hbm>>) target(%arg7 : memref<16xf32, #tpu.memory_space<vmem>>) target_semaphore(%run_scoped3A : memref<!tpu.dma_semaphore, #tpu.memory_space<semaphore_mem>>)
      %dma_wait3A = tpu.memref_slice %arg3[%select_n3A_2456, %mul3A_2486] : memref<100000x2048xf32, #tpu.memory_space<hbm>> -> memref<1x16xf32, #tpu.memory_space<hbm>>
      %dma_wait3A_3108 = tpu.memref_squeeze %dma_wait3A : memref<1x16xf32, #tpu.memory_space<hbm>> -> memref<16xf32, #tpu.memory_space<hbm>>
      %dma_wait3A_3109 = tpu.memref_slice %arg3[%select_n3A_2456, %mul3A_2486] : memref<100000x2048xf32, #tpu.memory_space<hbm>> -> memref<1x16xf32, #tpu.memory_space<hbm>>
      %dma_wait3A_3110 = tpu.memref_squeeze %dma_wait3A_3109 : memref<1x16xf32, #tpu.memory_space<hbm>> -> memref<16xf32, #tpu.memory_space<hbm>>
      tpu.wait_dma2 semaphore(%run_scoped3A : memref<!tpu.dma_semaphore, #tpu.memory_space<semaphore_mem>>) src(%dma_wait3A_3110 : memref<16xf32, #tpu.memory_space<hbm>>) dst(%arg7 : memref<16xf32, #tpu.memory_space<vmem>>)
      tpu.yield
    }) : () -> ()
    %sub3A_2487 = arith.subi %add3A_2460, %mul3A_2486 : i32
    %jit3A_2488 = arith.constant -1 : i32
    %select_n3A_2489 = arith.select %ge3A_2454, %sub3A_2487, %jit3A_2488 : i32
    %eq3A_2490 = vector.broadcast %select_n3A_2489 : i32 to vector<16xi32>
    %eq3A_2491 = arith.cmpi eq, %iota3A, %eq3A_2490 : vector<16xi32>
    %get3A_2492 = arith.constant 0 : index
    %get3A_2493 = tpu.vector_load %arg7[%get3A_2492] {strides = array<i32>} : memref<16xf32, #tpu.memory_space<vmem>>, vector<16xf32>,
    %get3A_2494 = vector.shape_cast %get3A_2493 : vector<16xf32> to vector<16xf32>
    %jit3A_2495 = arith.constant 0.000000e+00 : f32
    %broadcast_in_dim3A_2496 = vector.broadcast %jit3A_2495 : f32 to vector<16xf32>
    %select_n3A_2497 = arith.select %eq3A_2491, %get3A_2494, %broadcast_in_dim3A_2496 : vector<16xi1>, vector<16xf32>
    %add3A_2498 = arith.addf %add3A_2450, %select_n3A_2497 : vector<16xf32>
    %slice3A_2499 = vector.extract_strided_slice %get3A_2306 {offsets = [4], sizes = [1], strides = [1]} : vector<16xi32> to vector<1xi32>
    %squeeze3A_2500 = vector.extract %slice3A_2499[0] : i32 from vector<1xi32>
    %ge3A_2501 = arith.constant 69280 : i32
    %ge3A_2502 = arith.cmpi sge, %squeeze3A_2500, %ge3A_2501 : i32
    %jit3A_2503 = arith.constant 69280 : i32
    %select_n3A_2504 = arith.select %ge3A_2502, %squeeze3A_2500, %jit3A_2503 : i32
    %add3A_2505 = arith.constant 48 : i32
    %add3A_2506 = arith.addi %mul3A_2, %add3A_2505 : i32
    %add3A_2507 = arith.constant 4 : i32
    %add3A_2508 = arith.addi %add3A_2506, %add3A_2507 : i32
    %jit3A_2509 = arith.constant 16 : i32
    %div3A_2510 = arith.divsi %add3A_2508, %jit3A_2509 : i32
    %sign3A_2511 = arith.constant 0 : i32
    %sign3A_2512 = arith.cmpi sgt, %add3A_2508, %sign3A_2511 : i32
    %sign3A_2513 = arith.extui %sign3A_2512 : i1 to i32
    %sign3A_2514 = arith.constant 0 : i32
    %sign3A_2515 = arith.cmpi slt, %add3A_2508, %sign3A_2514 : i32
    %sign3A_2516 = arith.extui %sign3A_2515 : i1 to i32
    %sign3A_2517 = arith.subi %sign3A_2513, %sign3A_2516 : i32
    %sign3A_2518 = arith.constant 0 : i32
    %sign3A_2519 = arith.cmpi sgt, %jit3A_2509, %sign3A_2518 : i32
    %sign3A_2520 = arith.extui %sign3A_2519 : i1 to i32
    %sign3A_2521 = arith.constant 0 : i32
    %sign3A_2522 = arith.cmpi slt, %jit3A_2509, %sign3A_2521 : i32
    %sign3A_2523 = arith.extui %sign3A_2522 : i1 to i32
    %sign3A_2524 = arith.subi %sign3A_2520, %sign3A_2523 : i32
    %ne3A_2525 = arith.cmpi ne, %sign3A_2517, %sign3A_2524 : i32
    %rem3A_2526 = arith.remsi %add3A_2508, %jit3A_2509 : i32
    %ne3A_2527 = arith.constant 0 : i32
    %ne3A_2528 = arith.cmpi ne, %rem3A_2526, %ne3A_2527 : i32
    %and3A_2529 = arith.andi %ne3A_2525, %ne3A_2528 : i1
    %sub3A_2530 = arith.constant 1 : i32
    %sub3A_2531 = arith.subi %div3A_2510, %sub3A_2530 : i32
    %select_n3A_2532 = arith.select %and3A_2529, %sub3A_2531, %div3A_2510 : i32
    %mul3A_2533 = arith.constant 16 : i32
    %mul3A_2534 = arith.muli %select_n3A_2532, %mul3A_2533 : i32
    "tpu.region"() ({
      %run_scoped3A = tpu.sem_alloc : memref<!tpu.dma_semaphore, #tpu.memory_space<semaphore_mem>>
      %dma_start3A_3104 = tpu.memref_slice %arg3[%select_n3A_2504, %mul3A_2534] : memref<100000x2048xf32, #tpu.memory_space<hbm>> -> memref<1x16xf32, #tpu.memory_space<hbm>>
      %dma_start3A_3105 = tpu.memref_squeeze %dma_start3A_3104 : memref<1x16xf32, #tpu.memory_space<hbm>> -> memref<16xf32, #tpu.memory_space<hbm>>
      %dma_start3A_3106 = tpu.memref_slice %arg3[%select_n3A_2504, %mul3A_2534] : memref<100000x2048xf32, #tpu.memory_space<hbm>> -> memref<1x16xf32, #tpu.memory_space<hbm>>
      %dma_start3A_3107 = tpu.memref_squeeze %dma_start3A_3106 : memref<1x16xf32, #tpu.memory_space<hbm>> -> memref<16xf32, #tpu.memory_space<hbm>>
      tpu.enqueue_dma source(%dma_start3A_3107 : memref<16xf32, #tpu.memory_space<hbm>>) target(%arg7 : memref<16xf32, #tpu.memory_space<vmem>>) target_semaphore(%run_scoped3A : memref<!tpu.dma_semaphore, #tpu.memory_space<semaphore_mem>>)
      %dma_wait3A = tpu.memref_slice %arg3[%select_n3A_2504, %mul3A_2534] : memref<100000x2048xf32, #tpu.memory_space<hbm>> -> memref<1x16xf32, #tpu.memory_space<hbm>>
      %dma_wait3A_3108 = tpu.memref_squeeze %dma_wait3A : memref<1x16xf32, #tpu.memory_space<hbm>> -> memref<16xf32, #tpu.memory_space<hbm>>
      %dma_wait3A_3109 = tpu.memref_slice %arg3[%select_n3A_2504, %mul3A_2534] : memref<100000x2048xf32, #tpu.memory_space<hbm>> -> memref<1x16xf32, #tpu.memory_space<hbm>>
      %dma_wait3A_3110 = tpu.memref_squeeze %dma_wait3A_3109 : memref<1x16xf32, #tpu.memory_space<hbm>> -> memref<16xf32, #tpu.memory_space<hbm>>
      tpu.wait_dma2 semaphore(%run_scoped3A : memref<!tpu.dma_semaphore, #tpu.memory_space<semaphore_mem>>) src(%dma_wait3A_3110 : memref<16xf32, #tpu.memory_space<hbm>>) dst(%arg7 : memref<16xf32, #tpu.memory_space<vmem>>)
      tpu.yield
    }) : () -> ()
    %sub3A_2535 = arith.subi %add3A_2508, %mul3A_2534 : i32
    %jit3A_2536 = arith.constant -1 : i32
    %select_n3A_2537 = arith.select %ge3A_2502, %sub3A_2535, %jit3A_2536 : i32
    %eq3A_2538 = vector.broadcast %select_n3A_2537 : i32 to vector<16xi32>
    %eq3A_2539 = arith.cmpi eq, %iota3A, %eq3A_2538 : vector<16xi32>
    %get3A_2540 = arith.constant 0 : index
    %get3A_2541 = tpu.vector_load %arg7[%get3A_2540] {strides = array<i32>} : memref<16xf32, #tpu.memory_space<vmem>>, vector<16xf32>,
    %get3A_2542 = vector.shape_cast %get3A_2541 : vector<16xf32> to vector<16xf32>
    %jit3A_2543 = arith.constant 0.000000e+00 : f32
    %broadcast_in_dim3A_2544 = vector.broadcast %jit3A_2543 : f32 to vector<16xf32>
    %select_n3A_2545 = arith.select %eq3A_2539, %get3A_2542, %broadcast_in_dim3A_2544 : vector<16xi1>, vector<16xf32>
    %add3A_2546 = arith.addf %add3A_2498, %select_n3A_2545 : vector<16xf32>
    %slice3A_2547 = vector.extract_strided_slice %get3A_2306 {offsets = [5], sizes = [1], strides = [1]} : vector<16xi32> to vector<1xi32>
    %squeeze3A_2548 = vector.extract %slice3A_2547[0] : i32 from vector<1xi32>
    %ge3A_2549 = arith.constant 69280 : i32
    %ge3A_2550 = arith.cmpi sge, %squeeze3A_2548, %ge3A_2549 : i32
    %jit3A_2551 = arith.constant 69280 : i32
    %select_n3A_2552 = arith.select %ge3A_2550, %squeeze3A_2548, %jit3A_2551 : i32
    %add3A_2553 = arith.constant 48 : i32
    %add3A_2554 = arith.addi %mul3A_2, %add3A_2553 : i32
    %add3A_2555 = arith.constant 5 : i32
    %add3A_2556 = arith.addi %add3A_2554, %add3A_2555 : i32
    %jit3A_2557 = arith.constant 16 : i32
    %div3A_2558 = arith.divsi %add3A_2556, %jit3A_2557 : i32
    %sign3A_2559 = arith.constant 0 : i32
    %sign3A_2560 = arith.cmpi sgt, %add3A_2556, %sign3A_2559 : i32
    %sign3A_2561 = arith.extui %sign3A_2560 : i1 to i32
    %sign3A_2562 = arith.constant 0 : i32
    %sign3A_2563 = arith.cmpi slt, %add3A_2556, %sign3A_2562 : i32
    %sign3A_2564 = arith.extui %sign3A_2563 : i1 to i32
    %sign3A_2565 = arith.subi %sign3A_2561, %sign3A_2564 : i32
    %sign3A_2566 = arith.constant 0 : i32
    %sign3A_2567 = arith.cmpi sgt, %jit3A_2557, %sign3A_2566 : i32
    %sign3A_2568 = arith.extui %sign3A_2567 : i1 to i32
    %sign3A_2569 = arith.constant 0 : i32
    %sign3A_2570 = arith.cmpi slt, %jit3A_2557, %sign3A_2569 : i32
    %sign3A_2571 = arith.extui %sign3A_2570 : i1 to i32
    %sign3A_2572 = arith.subi %sign3A_2568, %sign3A_2571 : i32
    %ne3A_2573 = arith.cmpi ne, %sign3A_2565, %sign3A_2572 : i32
    %rem3A_2574 = arith.remsi %add3A_2556, %jit3A_2557 : i32
    %ne3A_2575 = arith.constant 0 : i32
    %ne3A_2576 = arith.cmpi ne, %rem3A_2574, %ne3A_2575 : i32
    %and3A_2577 = arith.andi %ne3A_2573, %ne3A_2576 : i1
    %sub3A_2578 = arith.constant 1 : i32
    %sub3A_2579 = arith.subi %div3A_2558, %sub3A_2578 : i32
    %select_n3A_2580 = arith.select %and3A_2577, %sub3A_2579, %div3A_2558 : i32
    %mul3A_2581 = arith.constant 16 : i32
    %mul3A_2582 = arith.muli %select_n3A_2580, %mul3A_2581 : i32
    "tpu.region"() ({
      %run_scoped3A = tpu.sem_alloc : memref<!tpu.dma_semaphore, #tpu.memory_space<semaphore_mem>>
      %dma_start3A_3104 = tpu.memref_slice %arg3[%select_n3A_2552, %mul3A_2582] : memref<100000x2048xf32, #tpu.memory_space<hbm>> -> memref<1x16xf32, #tpu.memory_space<hbm>>
      %dma_start3A_3105 = tpu.memref_squeeze %dma_start3A_3104 : memref<1x16xf32, #tpu.memory_space<hbm>> -> memref<16xf32, #tpu.memory_space<hbm>>
      %dma_start3A_3106 = tpu.memref_slice %arg3[%select_n3A_2552, %mul3A_2582] : memref<100000x2048xf32, #tpu.memory_space<hbm>> -> memref<1x16xf32, #tpu.memory_space<hbm>>
      %dma_start3A_3107 = tpu.memref_squeeze %dma_start3A_3106 : memref<1x16xf32, #tpu.memory_space<hbm>> -> memref<16xf32, #tpu.memory_space<hbm>>
      tpu.enqueue_dma source(%dma_start3A_3107 : memref<16xf32, #tpu.memory_space<hbm>>) target(%arg7 : memref<16xf32, #tpu.memory_space<vmem>>) target_semaphore(%run_scoped3A : memref<!tpu.dma_semaphore, #tpu.memory_space<semaphore_mem>>)
      %dma_wait3A = tpu.memref_slice %arg3[%select_n3A_2552, %mul3A_2582] : memref<100000x2048xf32, #tpu.memory_space<hbm>> -> memref<1x16xf32, #tpu.memory_space<hbm>>
      %dma_wait3A_3108 = tpu.memref_squeeze %dma_wait3A : memref<1x16xf32, #tpu.memory_space<hbm>> -> memref<16xf32, #tpu.memory_space<hbm>>
      %dma_wait3A_3109 = tpu.memref_slice %arg3[%select_n3A_2552, %mul3A_2582] : memref<100000x2048xf32, #tpu.memory_space<hbm>> -> memref<1x16xf32, #tpu.memory_space<hbm>>
      %dma_wait3A_3110 = tpu.memref_squeeze %dma_wait3A_3109 : memref<1x16xf32, #tpu.memory_space<hbm>> -> memref<16xf32, #tpu.memory_space<hbm>>
      tpu.wait_dma2 semaphore(%run_scoped3A : memref<!tpu.dma_semaphore, #tpu.memory_space<semaphore_mem>>) src(%dma_wait3A_3110 : memref<16xf32, #tpu.memory_space<hbm>>) dst(%arg7 : memref<16xf32, #tpu.memory_space<vmem>>)
      tpu.yield
    }) : () -> ()
    %sub3A_2583 = arith.subi %add3A_2556, %mul3A_2582 : i32
    %jit3A_2584 = arith.constant -1 : i32
    %select_n3A_2585 = arith.select %ge3A_2550, %sub3A_2583, %jit3A_2584 : i32
    %eq3A_2586 = vector.broadcast %select_n3A_2585 : i32 to vector<16xi32>
    %eq3A_2587 = arith.cmpi eq, %iota3A, %eq3A_2586 : vector<16xi32>
    %get3A_2588 = arith.constant 0 : index
    %get3A_2589 = tpu.vector_load %arg7[%get3A_2588] {strides = array<i32>} : memref<16xf32, #tpu.memory_space<vmem>>, vector<16xf32>,
    %get3A_2590 = vector.shape_cast %get3A_2589 : vector<16xf32> to vector<16xf32>
    %jit3A_2591 = arith.constant 0.000000e+00 : f32
    %broadcast_in_dim3A_2592 = vector.broadcast %jit3A_2591 : f32 to vector<16xf32>
    %select_n3A_2593 = arith.select %eq3A_2587, %get3A_2590, %broadcast_in_dim3A_2592 : vector<16xi1>, vector<16xf32>
    %add3A_2594 = arith.addf %add3A_2546, %select_n3A_2593 : vector<16xf32>
    %slice3A_2595 = vector.extract_strided_slice %get3A_2306 {offsets = [6], sizes = [1], strides = [1]} : vector<16xi32> to vector<1xi32>
    %squeeze3A_2596 = vector.extract %slice3A_2595[0] : i32 from vector<1xi32>
    %ge3A_2597 = arith.constant 69280 : i32
    %ge3A_2598 = arith.cmpi sge, %squeeze3A_2596, %ge3A_2597 : i32
    %jit3A_2599 = arith.constant 69280 : i32
    %select_n3A_2600 = arith.select %ge3A_2598, %squeeze3A_2596, %jit3A_2599 : i32
    %add3A_2601 = arith.constant 48 : i32
    %add3A_2602 = arith.addi %mul3A_2, %add3A_2601 : i32
    %add3A_2603 = arith.constant 6 : i32
    %add3A_2604 = arith.addi %add3A_2602, %add3A_2603 : i32
    %jit3A_2605 = arith.constant 16 : i32
    %div3A_2606 = arith.divsi %add3A_2604, %jit3A_2605 : i32
    %sign3A_2607 = arith.constant 0 : i32
    %sign3A_2608 = arith.cmpi sgt, %add3A_2604, %sign3A_2607 : i32
    %sign3A_2609 = arith.extui %sign3A_2608 : i1 to i32
    %sign3A_2610 = arith.constant 0 : i32
    %sign3A_2611 = arith.cmpi slt, %add3A_2604, %sign3A_2610 : i32
    %sign3A_2612 = arith.extui %sign3A_2611 : i1 to i32
    %sign3A_2613 = arith.subi %sign3A_2609, %sign3A_2612 : i32
    %sign3A_2614 = arith.constant 0 : i32
    %sign3A_2615 = arith.cmpi sgt, %jit3A_2605, %sign3A_2614 : i32
    %sign3A_2616 = arith.extui %sign3A_2615 : i1 to i32
    %sign3A_2617 = arith.constant 0 : i32
    %sign3A_2618 = arith.cmpi slt, %jit3A_2605, %sign3A_2617 : i32
    %sign3A_2619 = arith.extui %sign3A_2618 : i1 to i32
    %sign3A_2620 = arith.subi %sign3A_2616, %sign3A_2619 : i32
    %ne3A_2621 = arith.cmpi ne, %sign3A_2613, %sign3A_2620 : i32
    %rem3A_2622 = arith.remsi %add3A_2604, %jit3A_2605 : i32
    %ne3A_2623 = arith.constant 0 : i32
    %ne3A_2624 = arith.cmpi ne, %rem3A_2622, %ne3A_2623 : i32
    %and3A_2625 = arith.andi %ne3A_2621, %ne3A_2624 : i1
    %sub3A_2626 = arith.constant 1 : i32
    %sub3A_2627 = arith.subi %div3A_2606, %sub3A_2626 : i32
    %select_n3A_2628 = arith.select %and3A_2625, %sub3A_2627, %div3A_2606 : i32
    %mul3A_2629 = arith.constant 16 : i32
    %mul3A_2630 = arith.muli %select_n3A_2628, %mul3A_2629 : i32
    "tpu.region"() ({
      %run_scoped3A = tpu.sem_alloc : memref<!tpu.dma_semaphore, #tpu.memory_space<semaphore_mem>>
      %dma_start3A_3104 = tpu.memref_slice %arg3[%select_n3A_2600, %mul3A_2630] : memref<100000x2048xf32, #tpu.memory_space<hbm>> -> memref<1x16xf32, #tpu.memory_space<hbm>>
      %dma_start3A_3105 = tpu.memref_squeeze %dma_start3A_3104 : memref<1x16xf32, #tpu.memory_space<hbm>> -> memref<16xf32, #tpu.memory_space<hbm>>
      %dma_start3A_3106 = tpu.memref_slice %arg3[%select_n3A_2600, %mul3A_2630] : memref<100000x2048xf32, #tpu.memory_space<hbm>> -> memref<1x16xf32, #tpu.memory_space<hbm>>
      %dma_start3A_3107 = tpu.memref_squeeze %dma_start3A_3106 : memref<1x16xf32, #tpu.memory_space<hbm>> -> memref<16xf32, #tpu.memory_space<hbm>>
      tpu.enqueue_dma source(%dma_start3A_3107 : memref<16xf32, #tpu.memory_space<hbm>>) target(%arg7 : memref<16xf32, #tpu.memory_space<vmem>>) target_semaphore(%run_scoped3A : memref<!tpu.dma_semaphore, #tpu.memory_space<semaphore_mem>>)
      %dma_wait3A = tpu.memref_slice %arg3[%select_n3A_2600, %mul3A_2630] : memref<100000x2048xf32, #tpu.memory_space<hbm>> -> memref<1x16xf32, #tpu.memory_space<hbm>>
      %dma_wait3A_3108 = tpu.memref_squeeze %dma_wait3A : memref<1x16xf32, #tpu.memory_space<hbm>> -> memref<16xf32, #tpu.memory_space<hbm>>
      %dma_wait3A_3109 = tpu.memref_slice %arg3[%select_n3A_2600, %mul3A_2630] : memref<100000x2048xf32, #tpu.memory_space<hbm>> -> memref<1x16xf32, #tpu.memory_space<hbm>>
      %dma_wait3A_3110 = tpu.memref_squeeze %dma_wait3A_3109 : memref<1x16xf32, #tpu.memory_space<hbm>> -> memref<16xf32, #tpu.memory_space<hbm>>
      tpu.wait_dma2 semaphore(%run_scoped3A : memref<!tpu.dma_semaphore, #tpu.memory_space<semaphore_mem>>) src(%dma_wait3A_3110 : memref<16xf32, #tpu.memory_space<hbm>>) dst(%arg7 : memref<16xf32, #tpu.memory_space<vmem>>)
      tpu.yield
    }) : () -> ()
    %sub3A_2631 = arith.subi %add3A_2604, %mul3A_2630 : i32
    %jit3A_2632 = arith.constant -1 : i32
    %select_n3A_2633 = arith.select %ge3A_2598, %sub3A_2631, %jit3A_2632 : i32
    %eq3A_2634 = vector.broadcast %select_n3A_2633 : i32 to vector<16xi32>
    %eq3A_2635 = arith.cmpi eq, %iota3A, %eq3A_2634 : vector<16xi32>
    %get3A_2636 = arith.constant 0 : index
    %get3A_2637 = tpu.vector_load %arg7[%get3A_2636] {strides = array<i32>} : memref<16xf32, #tpu.memory_space<vmem>>, vector<16xf32>,
    %get3A_2638 = vector.shape_cast %get3A_2637 : vector<16xf32> to vector<16xf32>
    %jit3A_2639 = arith.constant 0.000000e+00 : f32
    %broadcast_in_dim3A_2640 = vector.broadcast %jit3A_2639 : f32 to vector<16xf32>
    %select_n3A_2641 = arith.select %eq3A_2635, %get3A_2638, %broadcast_in_dim3A_2640 : vector<16xi1>, vector<16xf32>
    %add3A_2642 = arith.addf %add3A_2594, %select_n3A_2641 : vector<16xf32>
    %slice3A_2643 = vector.extract_strided_slice %get3A_2306 {offsets = [7], sizes = [1], strides = [1]} : vector<16xi32> to vector<1xi32>
    %squeeze3A_2644 = vector.extract %slice3A_2643[0] : i32 from vector<1xi32>
    %ge3A_2645 = arith.constant 69280 : i32
    %ge3A_2646 = arith.cmpi sge, %squeeze3A_2644, %ge3A_2645 : i32
    %jit3A_2647 = arith.constant 69280 : i32
    %select_n3A_2648 = arith.select %ge3A_2646, %squeeze3A_2644, %jit3A_2647 : i32
    %add3A_2649 = arith.constant 48 : i32
    %add3A_2650 = arith.addi %mul3A_2, %add3A_2649 : i32
    %add3A_2651 = arith.constant 7 : i32
    %add3A_2652 = arith.addi %add3A_2650, %add3A_2651 : i32
    %jit3A_2653 = arith.constant 16 : i32
    %div3A_2654 = arith.divsi %add3A_2652, %jit3A_2653 : i32
    %sign3A_2655 = arith.constant 0 : i32
    %sign3A_2656 = arith.cmpi sgt, %add3A_2652, %sign3A_2655 : i32
    %sign3A_2657 = arith.extui %sign3A_2656 : i1 to i32
    %sign3A_2658 = arith.constant 0 : i32
    %sign3A_2659 = arith.cmpi slt, %add3A_2652, %sign3A_2658 : i32
    %sign3A_2660 = arith.extui %sign3A_2659 : i1 to i32
    %sign3A_2661 = arith.subi %sign3A_2657, %sign3A_2660 : i32
    %sign3A_2662 = arith.constant 0 : i32
    %sign3A_2663 = arith.cmpi sgt, %jit3A_2653, %sign3A_2662 : i32
    %sign3A_2664 = arith.extui %sign3A_2663 : i1 to i32
    %sign3A_2665 = arith.constant 0 : i32
    %sign3A_2666 = arith.cmpi slt, %jit3A_2653, %sign3A_2665 : i32
    %sign3A_2667 = arith.extui %sign3A_2666 : i1 to i32
    %sign3A_2668 = arith.subi %sign3A_2664, %sign3A_2667 : i32
    %ne3A_2669 = arith.cmpi ne, %sign3A_2661, %sign3A_2668 : i32
    %rem3A_2670 = arith.remsi %add3A_2652, %jit3A_2653 : i32
    %ne3A_2671 = arith.constant 0 : i32
    %ne3A_2672 = arith.cmpi ne, %rem3A_2670, %ne3A_2671 : i32
    %and3A_2673 = arith.andi %ne3A_2669, %ne3A_2672 : i1
    %sub3A_2674 = arith.constant 1 : i32
    %sub3A_2675 = arith.subi %div3A_2654, %sub3A_2674 : i32
    %select_n3A_2676 = arith.select %and3A_2673, %sub3A_2675, %div3A_2654 : i32
    %mul3A_2677 = arith.constant 16 : i32
    %mul3A_2678 = arith.muli %select_n3A_2676, %mul3A_2677 : i32
    "tpu.region"() ({
      %run_scoped3A = tpu.sem_alloc : memref<!tpu.dma_semaphore, #tpu.memory_space<semaphore_mem>>
      %dma_start3A_3104 = tpu.memref_slice %arg3[%select_n3A_2648, %mul3A_2678] : memref<100000x2048xf32, #tpu.memory_space<hbm>> -> memref<1x16xf32, #tpu.memory_space<hbm>>
      %dma_start3A_3105 = tpu.memref_squeeze %dma_start3A_3104 : memref<1x16xf32, #tpu.memory_space<hbm>> -> memref<16xf32, #tpu.memory_space<hbm>>
      %dma_start3A_3106 = tpu.memref_slice %arg3[%select_n3A_2648, %mul3A_2678] : memref<100000x2048xf32, #tpu.memory_space<hbm>> -> memref<1x16xf32, #tpu.memory_space<hbm>>
      %dma_start3A_3107 = tpu.memref_squeeze %dma_start3A_3106 : memref<1x16xf32, #tpu.memory_space<hbm>> -> memref<16xf32, #tpu.memory_space<hbm>>
      tpu.enqueue_dma source(%dma_start3A_3107 : memref<16xf32, #tpu.memory_space<hbm>>) target(%arg7 : memref<16xf32, #tpu.memory_space<vmem>>) target_semaphore(%run_scoped3A : memref<!tpu.dma_semaphore, #tpu.memory_space<semaphore_mem>>)
      %dma_wait3A = tpu.memref_slice %arg3[%select_n3A_2648, %mul3A_2678] : memref<100000x2048xf32, #tpu.memory_space<hbm>> -> memref<1x16xf32, #tpu.memory_space<hbm>>
      %dma_wait3A_3108 = tpu.memref_squeeze %dma_wait3A : memref<1x16xf32, #tpu.memory_space<hbm>> -> memref<16xf32, #tpu.memory_space<hbm>>
      %dma_wait3A_3109 = tpu.memref_slice %arg3[%select_n3A_2648, %mul3A_2678] : memref<100000x2048xf32, #tpu.memory_space<hbm>> -> memref<1x16xf32, #tpu.memory_space<hbm>>
      %dma_wait3A_3110 = tpu.memref_squeeze %dma_wait3A_3109 : memref<1x16xf32, #tpu.memory_space<hbm>> -> memref<16xf32, #tpu.memory_space<hbm>>
      tpu.wait_dma2 semaphore(%run_scoped3A : memref<!tpu.dma_semaphore, #tpu.memory_space<semaphore_mem>>) src(%dma_wait3A_3110 : memref<16xf32, #tpu.memory_space<hbm>>) dst(%arg7 : memref<16xf32, #tpu.memory_space<vmem>>)
      tpu.yield
    }) : () -> ()
    %sub3A_2679 = arith.subi %add3A_2652, %mul3A_2678 : i32
    %jit3A_2680 = arith.constant -1 : i32
    %select_n3A_2681 = arith.select %ge3A_2646, %sub3A_2679, %jit3A_2680 : i32
    %eq3A_2682 = vector.broadcast %select_n3A_2681 : i32 to vector<16xi32>
    %eq3A_2683 = arith.cmpi eq, %iota3A, %eq3A_2682 : vector<16xi32>
    %get3A_2684 = arith.constant 0 : index
    %get3A_2685 = tpu.vector_load %arg7[%get3A_2684] {strides = array<i32>} : memref<16xf32, #tpu.memory_space<vmem>>, vector<16xf32>,
    %get3A_2686 = vector.shape_cast %get3A_2685 : vector<16xf32> to vector<16xf32>
    %jit3A_2687 = arith.constant 0.000000e+00 : f32
    %broadcast_in_dim3A_2688 = vector.broadcast %jit3A_2687 : f32 to vector<16xf32>
    %select_n3A_2689 = arith.select %eq3A_2683, %get3A_2686, %broadcast_in_dim3A_2688 : vector<16xi1>, vector<16xf32>
    %add3A_2690 = arith.addf %add3A_2642, %select_n3A_2689 : vector<16xf32>
    %slice3A_2691 = vector.extract_strided_slice %get3A_2306 {offsets = [8], sizes = [1], strides = [1]} : vector<16xi32> to vector<1xi32>
    %squeeze3A_2692 = vector.extract %slice3A_2691[0] : i32 from vector<1xi32>
    %ge3A_2693 = arith.constant 69280 : i32
    %ge3A_2694 = arith.cmpi sge, %squeeze3A_2692, %ge3A_2693 : i32
    %jit3A_2695 = arith.constant 69280 : i32
    %select_n3A_2696 = arith.select %ge3A_2694, %squeeze3A_2692, %jit3A_2695 : i32
    %add3A_2697 = arith.constant 48 : i32
    %add3A_2698 = arith.addi %mul3A_2, %add3A_2697 : i32
    %add3A_2699 = arith.constant 8 : i32
    %add3A_2700 = arith.addi %add3A_2698, %add3A_2699 : i32
    %jit3A_2701 = arith.constant 16 : i32
    %div3A_2702 = arith.divsi %add3A_2700, %jit3A_2701 : i32
    %sign3A_2703 = arith.constant 0 : i32
    %sign3A_2704 = arith.cmpi sgt, %add3A_2700, %sign3A_2703 : i32
    %sign3A_2705 = arith.extui %sign3A_2704 : i1 to i32
    %sign3A_2706 = arith.constant 0 : i32
    %sign3A_2707 = arith.cmpi slt, %add3A_2700, %sign3A_2706 : i32
    %sign3A_2708 = arith.extui %sign3A_2707 : i1 to i32
    %sign3A_2709 = arith.subi %sign3A_2705, %sign3A_2708 : i32
    %sign3A_2710 = arith.constant 0 : i32
    %sign3A_2711 = arith.cmpi sgt, %jit3A_2701, %sign3A_2710 : i32
    %sign3A_2712 = arith.extui %sign3A_2711 : i1 to i32
    %sign3A_2713 = arith.constant 0 : i32
    %sign3A_2714 = arith.cmpi slt, %jit3A_2701, %sign3A_2713 : i32
    %sign3A_2715 = arith.extui %sign3A_2714 : i1 to i32
    %sign3A_2716 = arith.subi %sign3A_2712, %sign3A_2715 : i32
    %ne3A_2717 = arith.cmpi ne, %sign3A_2709, %sign3A_2716 : i32
    %rem3A_2718 = arith.remsi %add3A_2700, %jit3A_2701 : i32
    %ne3A_2719 = arith.constant 0 : i32
    %ne3A_2720 = arith.cmpi ne, %rem3A_2718, %ne3A_2719 : i32
    %and3A_2721 = arith.andi %ne3A_2717, %ne3A_2720 : i1
    %sub3A_2722 = arith.constant 1 : i32
    %sub3A_2723 = arith.subi %div3A_2702, %sub3A_2722 : i32
    %select_n3A_2724 = arith.select %and3A_2721, %sub3A_2723, %div3A_2702 : i32
    %mul3A_2725 = arith.constant 16 : i32
    %mul3A_2726 = arith.muli %select_n3A_2724, %mul3A_2725 : i32
    "tpu.region"() ({
      %run_scoped3A = tpu.sem_alloc : memref<!tpu.dma_semaphore, #tpu.memory_space<semaphore_mem>>
      %dma_start3A_3104 = tpu.memref_slice %arg3[%select_n3A_2696, %mul3A_2726] : memref<100000x2048xf32, #tpu.memory_space<hbm>> -> memref<1x16xf32, #tpu.memory_space<hbm>>
      %dma_start3A_3105 = tpu.memref_squeeze %dma_start3A_3104 : memref<1x16xf32, #tpu.memory_space<hbm>> -> memref<16xf32, #tpu.memory_space<hbm>>
      %dma_start3A_3106 = tpu.memref_slice %arg3[%select_n3A_2696, %mul3A_2726] : memref<100000x2048xf32, #tpu.memory_space<hbm>> -> memref<1x16xf32, #tpu.memory_space<hbm>>
      %dma_start3A_3107 = tpu.memref_squeeze %dma_start3A_3106 : memref<1x16xf32, #tpu.memory_space<hbm>> -> memref<16xf32, #tpu.memory_space<hbm>>
      tpu.enqueue_dma source(%dma_start3A_3107 : memref<16xf32, #tpu.memory_space<hbm>>) target(%arg7 : memref<16xf32, #tpu.memory_space<vmem>>) target_semaphore(%run_scoped3A : memref<!tpu.dma_semaphore, #tpu.memory_space<semaphore_mem>>)
      %dma_wait3A = tpu.memref_slice %arg3[%select_n3A_2696, %mul3A_2726] : memref<100000x2048xf32, #tpu.memory_space<hbm>> -> memref<1x16xf32, #tpu.memory_space<hbm>>
      %dma_wait3A_3108 = tpu.memref_squeeze %dma_wait3A : memref<1x16xf32, #tpu.memory_space<hbm>> -> memref<16xf32, #tpu.memory_space<hbm>>
      %dma_wait3A_3109 = tpu.memref_slice %arg3[%select_n3A_2696, %mul3A_2726] : memref<100000x2048xf32, #tpu.memory_space<hbm>> -> memref<1x16xf32, #tpu.memory_space<hbm>>
      %dma_wait3A_3110 = tpu.memref_squeeze %dma_wait3A_3109 : memref<1x16xf32, #tpu.memory_space<hbm>> -> memref<16xf32, #tpu.memory_space<hbm>>
      tpu.wait_dma2 semaphore(%run_scoped3A : memref<!tpu.dma_semaphore, #tpu.memory_space<semaphore_mem>>) src(%dma_wait3A_3110 : memref<16xf32, #tpu.memory_space<hbm>>) dst(%arg7 : memref<16xf32, #tpu.memory_space<vmem>>)
      tpu.yield
    }) : () -> ()
    %sub3A_2727 = arith.subi %add3A_2700, %mul3A_2726 : i32
    %jit3A_2728 = arith.constant -1 : i32
    %select_n3A_2729 = arith.select %ge3A_2694, %sub3A_2727, %jit3A_2728 : i32
    %eq3A_2730 = vector.broadcast %select_n3A_2729 : i32 to vector<16xi32>
    %eq3A_2731 = arith.cmpi eq, %iota3A, %eq3A_2730 : vector<16xi32>
    %get3A_2732 = arith.constant 0 : index
    %get3A_2733 = tpu.vector_load %arg7[%get3A_2732] {strides = array<i32>} : memref<16xf32, #tpu.memory_space<vmem>>, vector<16xf32>,
    %get3A_2734 = vector.shape_cast %get3A_2733 : vector<16xf32> to vector<16xf32>
    %jit3A_2735 = arith.constant 0.000000e+00 : f32
    %broadcast_in_dim3A_2736 = vector.broadcast %jit3A_2735 : f32 to vector<16xf32>
    %select_n3A_2737 = arith.select %eq3A_2731, %get3A_2734, %broadcast_in_dim3A_2736 : vector<16xi1>, vector<16xf32>
    %add3A_2738 = arith.addf %add3A_2690, %select_n3A_2737 : vector<16xf32>
    %slice3A_2739 = vector.extract_strided_slice %get3A_2306 {offsets = [9], sizes = [1], strides = [1]} : vector<16xi32> to vector<1xi32>
    %squeeze3A_2740 = vector.extract %slice3A_2739[0] : i32 from vector<1xi32>
    %ge3A_2741 = arith.constant 69280 : i32
    %ge3A_2742 = arith.cmpi sge, %squeeze3A_2740, %ge3A_2741 : i32
    %jit3A_2743 = arith.constant 69280 : i32
    %select_n3A_2744 = arith.select %ge3A_2742, %squeeze3A_2740, %jit3A_2743 : i32
    %add3A_2745 = arith.constant 48 : i32
    %add3A_2746 = arith.addi %mul3A_2, %add3A_2745 : i32
    %add3A_2747 = arith.constant 9 : i32
    %add3A_2748 = arith.addi %add3A_2746, %add3A_2747 : i32
    %jit3A_2749 = arith.constant 16 : i32
    %div3A_2750 = arith.divsi %add3A_2748, %jit3A_2749 : i32
    %sign3A_2751 = arith.constant 0 : i32
    %sign3A_2752 = arith.cmpi sgt, %add3A_2748, %sign3A_2751 : i32
    %sign3A_2753 = arith.extui %sign3A_2752 : i1 to i32
    %sign3A_2754 = arith.constant 0 : i32
    %sign3A_2755 = arith.cmpi slt, %add3A_2748, %sign3A_2754 : i32
    %sign3A_2756 = arith.extui %sign3A_2755 : i1 to i32
    %sign3A_2757 = arith.subi %sign3A_2753, %sign3A_2756 : i32
    %sign3A_2758 = arith.constant 0 : i32
    %sign3A_2759 = arith.cmpi sgt, %jit3A_2749, %sign3A_2758 : i32
    %sign3A_2760 = arith.extui %sign3A_2759 : i1 to i32
    %sign3A_2761 = arith.constant 0 : i32
    %sign3A_2762 = arith.cmpi slt, %jit3A_2749, %sign3A_2761 : i32
    %sign3A_2763 = arith.extui %sign3A_2762 : i1 to i32
    %sign3A_2764 = arith.subi %sign3A_2760, %sign3A_2763 : i32
    %ne3A_2765 = arith.cmpi ne, %sign3A_2757, %sign3A_2764 : i32
    %rem3A_2766 = arith.remsi %add3A_2748, %jit3A_2749 : i32
    %ne3A_2767 = arith.constant 0 : i32
    %ne3A_2768 = arith.cmpi ne, %rem3A_2766, %ne3A_2767 : i32
    %and3A_2769 = arith.andi %ne3A_2765, %ne3A_2768 : i1
    %sub3A_2770 = arith.constant 1 : i32
    %sub3A_2771 = arith.subi %div3A_2750, %sub3A_2770 : i32
    %select_n3A_2772 = arith.select %and3A_2769, %sub3A_2771, %div3A_2750 : i32
    %mul3A_2773 = arith.constant 16 : i32
    %mul3A_2774 = arith.muli %select_n3A_2772, %mul3A_2773 : i32
    "tpu.region"() ({
      %run_scoped3A = tpu.sem_alloc : memref<!tpu.dma_semaphore, #tpu.memory_space<semaphore_mem>>
      %dma_start3A_3104 = tpu.memref_slice %arg3[%select_n3A_2744, %mul3A_2774] : memref<100000x2048xf32, #tpu.memory_space<hbm>> -> memref<1x16xf32, #tpu.memory_space<hbm>>
      %dma_start3A_3105 = tpu.memref_squeeze %dma_start3A_3104 : memref<1x16xf32, #tpu.memory_space<hbm>> -> memref<16xf32, #tpu.memory_space<hbm>>
      %dma_start3A_3106 = tpu.memref_slice %arg3[%select_n3A_2744, %mul3A_2774] : memref<100000x2048xf32, #tpu.memory_space<hbm>> -> memref<1x16xf32, #tpu.memory_space<hbm>>
      %dma_start3A_3107 = tpu.memref_squeeze %dma_start3A_3106 : memref<1x16xf32, #tpu.memory_space<hbm>> -> memref<16xf32, #tpu.memory_space<hbm>>
      tpu.enqueue_dma source(%dma_start3A_3107 : memref<16xf32, #tpu.memory_space<hbm>>) target(%arg7 : memref<16xf32, #tpu.memory_space<vmem>>) target_semaphore(%run_scoped3A : memref<!tpu.dma_semaphore, #tpu.memory_space<semaphore_mem>>)
      %dma_wait3A = tpu.memref_slice %arg3[%select_n3A_2744, %mul3A_2774] : memref<100000x2048xf32, #tpu.memory_space<hbm>> -> memref<1x16xf32, #tpu.memory_space<hbm>>
      %dma_wait3A_3108 = tpu.memref_squeeze %dma_wait3A : memref<1x16xf32, #tpu.memory_space<hbm>> -> memref<16xf32, #tpu.memory_space<hbm>>
      %dma_wait3A_3109 = tpu.memref_slice %arg3[%select_n3A_2744, %mul3A_2774] : memref<100000x2048xf32, #tpu.memory_space<hbm>> -> memref<1x16xf32, #tpu.memory_space<hbm>>
      %dma_wait3A_3110 = tpu.memref_squeeze %dma_wait3A_3109 : memref<1x16xf32, #tpu.memory_space<hbm>> -> memref<16xf32, #tpu.memory_space<hbm>>
      tpu.wait_dma2 semaphore(%run_scoped3A : memref<!tpu.dma_semaphore, #tpu.memory_space<semaphore_mem>>) src(%dma_wait3A_3110 : memref<16xf32, #tpu.memory_space<hbm>>) dst(%arg7 : memref<16xf32, #tpu.memory_space<vmem>>)
      tpu.yield
    }) : () -> ()
    %sub3A_2775 = arith.subi %add3A_2748, %mul3A_2774 : i32
    %jit3A_2776 = arith.constant -1 : i32
    %select_n3A_2777 = arith.select %ge3A_2742, %sub3A_2775, %jit3A_2776 : i32
    %eq3A_2778 = vector.broadcast %select_n3A_2777 : i32 to vector<16xi32>
    %eq3A_2779 = arith.cmpi eq, %iota3A, %eq3A_2778 : vector<16xi32>
    %get3A_2780 = arith.constant 0 : index
    %get3A_2781 = tpu.vector_load %arg7[%get3A_2780] {strides = array<i32>} : memref<16xf32, #tpu.memory_space<vmem>>, vector<16xf32>,
    %get3A_2782 = vector.shape_cast %get3A_2781 : vector<16xf32> to vector<16xf32>
    %jit3A_2783 = arith.constant 0.000000e+00 : f32
    %broadcast_in_dim3A_2784 = vector.broadcast %jit3A_2783 : f32 to vector<16xf32>
    %select_n3A_2785 = arith.select %eq3A_2779, %get3A_2782, %broadcast_in_dim3A_2784 : vector<16xi1>, vector<16xf32>
    %add3A_2786 = arith.addf %add3A_2738, %select_n3A_2785 : vector<16xf32>
    %slice3A_2787 = vector.extract_strided_slice %get3A_2306 {offsets = [10], sizes = [1], strides = [1]} : vector<16xi32> to vector<1xi32>
    %squeeze3A_2788 = vector.extract %slice3A_2787[0] : i32 from vector<1xi32>
    %ge3A_2789 = arith.constant 69280 : i32
    %ge3A_2790 = arith.cmpi sge, %squeeze3A_2788, %ge3A_2789 : i32
    %jit3A_2791 = arith.constant 69280 : i32
    %select_n3A_2792 = arith.select %ge3A_2790, %squeeze3A_2788, %jit3A_2791 : i32
    %add3A_2793 = arith.constant 48 : i32
    %add3A_2794 = arith.addi %mul3A_2, %add3A_2793 : i32
    %add3A_2795 = arith.constant 10 : i32
    %add3A_2796 = arith.addi %add3A_2794, %add3A_2795 : i32
    %jit3A_2797 = arith.constant 16 : i32
    %div3A_2798 = arith.divsi %add3A_2796, %jit3A_2797 : i32
    %sign3A_2799 = arith.constant 0 : i32
    %sign3A_2800 = arith.cmpi sgt, %add3A_2796, %sign3A_2799 : i32
    %sign3A_2801 = arith.extui %sign3A_2800 : i1 to i32
    %sign3A_2802 = arith.constant 0 : i32
    %sign3A_2803 = arith.cmpi slt, %add3A_2796, %sign3A_2802 : i32
    %sign3A_2804 = arith.extui %sign3A_2803 : i1 to i32
    %sign3A_2805 = arith.subi %sign3A_2801, %sign3A_2804 : i32
    %sign3A_2806 = arith.constant 0 : i32
    %sign3A_2807 = arith.cmpi sgt, %jit3A_2797, %sign3A_2806 : i32
    %sign3A_2808 = arith.extui %sign3A_2807 : i1 to i32
    %sign3A_2809 = arith.constant 0 : i32
    %sign3A_2810 = arith.cmpi slt, %jit3A_2797, %sign3A_2809 : i32
    %sign3A_2811 = arith.extui %sign3A_2810 : i1 to i32
    %sign3A_2812 = arith.subi %sign3A_2808, %sign3A_2811 : i32
    %ne3A_2813 = arith.cmpi ne, %sign3A_2805, %sign3A_2812 : i32
    %rem3A_2814 = arith.remsi %add3A_2796, %jit3A_2797 : i32
    %ne3A_2815 = arith.constant 0 : i32
    %ne3A_2816 = arith.cmpi ne, %rem3A_2814, %ne3A_2815 : i32
    %and3A_2817 = arith.andi %ne3A_2813, %ne3A_2816 : i1
    %sub3A_2818 = arith.constant 1 : i32
    %sub3A_2819 = arith.subi %div3A_2798, %sub3A_2818 : i32
    %select_n3A_2820 = arith.select %and3A_2817, %sub3A_2819, %div3A_2798 : i32
    %mul3A_2821 = arith.constant 16 : i32
    %mul3A_2822 = arith.muli %select_n3A_2820, %mul3A_2821 : i32
    "tpu.region"() ({
      %run_scoped3A = tpu.sem_alloc : memref<!tpu.dma_semaphore, #tpu.memory_space<semaphore_mem>>
      %dma_start3A_3104 = tpu.memref_slice %arg3[%select_n3A_2792, %mul3A_2822] : memref<100000x2048xf32, #tpu.memory_space<hbm>> -> memref<1x16xf32, #tpu.memory_space<hbm>>
      %dma_start3A_3105 = tpu.memref_squeeze %dma_start3A_3104 : memref<1x16xf32, #tpu.memory_space<hbm>> -> memref<16xf32, #tpu.memory_space<hbm>>
      %dma_start3A_3106 = tpu.memref_slice %arg3[%select_n3A_2792, %mul3A_2822] : memref<100000x2048xf32, #tpu.memory_space<hbm>> -> memref<1x16xf32, #tpu.memory_space<hbm>>
      %dma_start3A_3107 = tpu.memref_squeeze %dma_start3A_3106 : memref<1x16xf32, #tpu.memory_space<hbm>> -> memref<16xf32, #tpu.memory_space<hbm>>
      tpu.enqueue_dma source(%dma_start3A_3107 : memref<16xf32, #tpu.memory_space<hbm>>) target(%arg7 : memref<16xf32, #tpu.memory_space<vmem>>) target_semaphore(%run_scoped3A : memref<!tpu.dma_semaphore, #tpu.memory_space<semaphore_mem>>)
      %dma_wait3A = tpu.memref_slice %arg3[%select_n3A_2792, %mul3A_2822] : memref<100000x2048xf32, #tpu.memory_space<hbm>> -> memref<1x16xf32, #tpu.memory_space<hbm>>
      %dma_wait3A_3108 = tpu.memref_squeeze %dma_wait3A : memref<1x16xf32, #tpu.memory_space<hbm>> -> memref<16xf32, #tpu.memory_space<hbm>>
      %dma_wait3A_3109 = tpu.memref_slice %arg3[%select_n3A_2792, %mul3A_2822] : memref<100000x2048xf32, #tpu.memory_space<hbm>> -> memref<1x16xf32, #tpu.memory_space<hbm>>
      %dma_wait3A_3110 = tpu.memref_squeeze %dma_wait3A_3109 : memref<1x16xf32, #tpu.memory_space<hbm>> -> memref<16xf32, #tpu.memory_space<hbm>>
      tpu.wait_dma2 semaphore(%run_scoped3A : memref<!tpu.dma_semaphore, #tpu.memory_space<semaphore_mem>>) src(%dma_wait3A_3110 : memref<16xf32, #tpu.memory_space<hbm>>) dst(%arg7 : memref<16xf32, #tpu.memory_space<vmem>>)
      tpu.yield
    }) : () -> ()
    %sub3A_2823 = arith.subi %add3A_2796, %mul3A_2822 : i32
    %jit3A_2824 = arith.constant -1 : i32
    %select_n3A_2825 = arith.select %ge3A_2790, %sub3A_2823, %jit3A_2824 : i32
    %eq3A_2826 = vector.broadcast %select_n3A_2825 : i32 to vector<16xi32>
    %eq3A_2827 = arith.cmpi eq, %iota3A, %eq3A_2826 : vector<16xi32>
    %get3A_2828 = arith.constant 0 : index
    %get3A_2829 = tpu.vector_load %arg7[%get3A_2828] {strides = array<i32>} : memref<16xf32, #tpu.memory_space<vmem>>, vector<16xf32>,
    %get3A_2830 = vector.shape_cast %get3A_2829 : vector<16xf32> to vector<16xf32>
    %jit3A_2831 = arith.constant 0.000000e+00 : f32
    %broadcast_in_dim3A_2832 = vector.broadcast %jit3A_2831 : f32 to vector<16xf32>
    %select_n3A_2833 = arith.select %eq3A_2827, %get3A_2830, %broadcast_in_dim3A_2832 : vector<16xi1>, vector<16xf32>
    %add3A_2834 = arith.addf %add3A_2786, %select_n3A_2833 : vector<16xf32>
    %slice3A_2835 = vector.extract_strided_slice %get3A_2306 {offsets = [11], sizes = [1], strides = [1]} : vector<16xi32> to vector<1xi32>
    %squeeze3A_2836 = vector.extract %slice3A_2835[0] : i32 from vector<1xi32>
    %ge3A_2837 = arith.constant 69280 : i32
    %ge3A_2838 = arith.cmpi sge, %squeeze3A_2836, %ge3A_2837 : i32
    %jit3A_2839 = arith.constant 69280 : i32
    %select_n3A_2840 = arith.select %ge3A_2838, %squeeze3A_2836, %jit3A_2839 : i32
    %add3A_2841 = arith.constant 48 : i32
    %add3A_2842 = arith.addi %mul3A_2, %add3A_2841 : i32
    %add3A_2843 = arith.constant 11 : i32
    %add3A_2844 = arith.addi %add3A_2842, %add3A_2843 : i32
    %jit3A_2845 = arith.constant 16 : i32
    %div3A_2846 = arith.divsi %add3A_2844, %jit3A_2845 : i32
    %sign3A_2847 = arith.constant 0 : i32
    %sign3A_2848 = arith.cmpi sgt, %add3A_2844, %sign3A_2847 : i32
    %sign3A_2849 = arith.extui %sign3A_2848 : i1 to i32
    %sign3A_2850 = arith.constant 0 : i32
    %sign3A_2851 = arith.cmpi slt, %add3A_2844, %sign3A_2850 : i32
    %sign3A_2852 = arith.extui %sign3A_2851 : i1 to i32
    %sign3A_2853 = arith.subi %sign3A_2849, %sign3A_2852 : i32
    %sign3A_2854 = arith.constant 0 : i32
    %sign3A_2855 = arith.cmpi sgt, %jit3A_2845, %sign3A_2854 : i32
    %sign3A_2856 = arith.extui %sign3A_2855 : i1 to i32
    %sign3A_2857 = arith.constant 0 : i32
    %sign3A_2858 = arith.cmpi slt, %jit3A_2845, %sign3A_2857 : i32
    %sign3A_2859 = arith.extui %sign3A_2858 : i1 to i32
    %sign3A_2860 = arith.subi %sign3A_2856, %sign3A_2859 : i32
    %ne3A_2861 = arith.cmpi ne, %sign3A_2853, %sign3A_2860 : i32
    %rem3A_2862 = arith.remsi %add3A_2844, %jit3A_2845 : i32
    %ne3A_2863 = arith.constant 0 : i32
    %ne3A_2864 = arith.cmpi ne, %rem3A_2862, %ne3A_2863 : i32
    %and3A_2865 = arith.andi %ne3A_2861, %ne3A_2864 : i1
    %sub3A_2866 = arith.constant 1 : i32
    %sub3A_2867 = arith.subi %div3A_2846, %sub3A_2866 : i32
    %select_n3A_2868 = arith.select %and3A_2865, %sub3A_2867, %div3A_2846 : i32
    %mul3A_2869 = arith.constant 16 : i32
    %mul3A_2870 = arith.muli %select_n3A_2868, %mul3A_2869 : i32
    "tpu.region"() ({
      %run_scoped3A = tpu.sem_alloc : memref<!tpu.dma_semaphore, #tpu.memory_space<semaphore_mem>>
      %dma_start3A_3104 = tpu.memref_slice %arg3[%select_n3A_2840, %mul3A_2870] : memref<100000x2048xf32, #tpu.memory_space<hbm>> -> memref<1x16xf32, #tpu.memory_space<hbm>>
      %dma_start3A_3105 = tpu.memref_squeeze %dma_start3A_3104 : memref<1x16xf32, #tpu.memory_space<hbm>> -> memref<16xf32, #tpu.memory_space<hbm>>
      %dma_start3A_3106 = tpu.memref_slice %arg3[%select_n3A_2840, %mul3A_2870] : memref<100000x2048xf32, #tpu.memory_space<hbm>> -> memref<1x16xf32, #tpu.memory_space<hbm>>
      %dma_start3A_3107 = tpu.memref_squeeze %dma_start3A_3106 : memref<1x16xf32, #tpu.memory_space<hbm>> -> memref<16xf32, #tpu.memory_space<hbm>>
      tpu.enqueue_dma source(%dma_start3A_3107 : memref<16xf32, #tpu.memory_space<hbm>>) target(%arg7 : memref<16xf32, #tpu.memory_space<vmem>>) target_semaphore(%run_scoped3A : memref<!tpu.dma_semaphore, #tpu.memory_space<semaphore_mem>>)
      %dma_wait3A = tpu.memref_slice %arg3[%select_n3A_2840, %mul3A_2870] : memref<100000x2048xf32, #tpu.memory_space<hbm>> -> memref<1x16xf32, #tpu.memory_space<hbm>>
      %dma_wait3A_3108 = tpu.memref_squeeze %dma_wait3A : memref<1x16xf32, #tpu.memory_space<hbm>> -> memref<16xf32, #tpu.memory_space<hbm>>
      %dma_wait3A_3109 = tpu.memref_slice %arg3[%select_n3A_2840, %mul3A_2870] : memref<100000x2048xf32, #tpu.memory_space<hbm>> -> memref<1x16xf32, #tpu.memory_space<hbm>>
      %dma_wait3A_3110 = tpu.memref_squeeze %dma_wait3A_3109 : memref<1x16xf32, #tpu.memory_space<hbm>> -> memref<16xf32, #tpu.memory_space<hbm>>
      tpu.wait_dma2 semaphore(%run_scoped3A : memref<!tpu.dma_semaphore, #tpu.memory_space<semaphore_mem>>) src(%dma_wait3A_3110 : memref<16xf32, #tpu.memory_space<hbm>>) dst(%arg7 : memref<16xf32, #tpu.memory_space<vmem>>)
      tpu.yield
    }) : () -> ()
    %sub3A_2871 = arith.subi %add3A_2844, %mul3A_2870 : i32
    %jit3A_2872 = arith.constant -1 : i32
    %select_n3A_2873 = arith.select %ge3A_2838, %sub3A_2871, %jit3A_2872 : i32
    %eq3A_2874 = vector.broadcast %select_n3A_2873 : i32 to vector<16xi32>
    %eq3A_2875 = arith.cmpi eq, %iota3A, %eq3A_2874 : vector<16xi32>
    %get3A_2876 = arith.constant 0 : index
    %get3A_2877 = tpu.vector_load %arg7[%get3A_2876] {strides = array<i32>} : memref<16xf32, #tpu.memory_space<vmem>>, vector<16xf32>,
    %get3A_2878 = vector.shape_cast %get3A_2877 : vector<16xf32> to vector<16xf32>
    %jit3A_2879 = arith.constant 0.000000e+00 : f32
    %broadcast_in_dim3A_2880 = vector.broadcast %jit3A_2879 : f32 to vector<16xf32>
    %select_n3A_2881 = arith.select %eq3A_2875, %get3A_2878, %broadcast_in_dim3A_2880 : vector<16xi1>, vector<16xf32>
    %add3A_2882 = arith.addf %add3A_2834, %select_n3A_2881 : vector<16xf32>
    %slice3A_2883 = vector.extract_strided_slice %get3A_2306 {offsets = [12], sizes = [1], strides = [1]} : vector<16xi32> to vector<1xi32>
    %squeeze3A_2884 = vector.extract %slice3A_2883[0] : i32 from vector<1xi32>
    %ge3A_2885 = arith.constant 69280 : i32
    %ge3A_2886 = arith.cmpi sge, %squeeze3A_2884, %ge3A_2885 : i32
    %jit3A_2887 = arith.constant 69280 : i32
    %select_n3A_2888 = arith.select %ge3A_2886, %squeeze3A_2884, %jit3A_2887 : i32
    %add3A_2889 = arith.constant 48 : i32
    %add3A_2890 = arith.addi %mul3A_2, %add3A_2889 : i32
    %add3A_2891 = arith.constant 12 : i32
    %add3A_2892 = arith.addi %add3A_2890, %add3A_2891 : i32
    %jit3A_2893 = arith.constant 16 : i32
    %div3A_2894 = arith.divsi %add3A_2892, %jit3A_2893 : i32
    %sign3A_2895 = arith.constant 0 : i32
    %sign3A_2896 = arith.cmpi sgt, %add3A_2892, %sign3A_2895 : i32
    %sign3A_2897 = arith.extui %sign3A_2896 : i1 to i32
    %sign3A_2898 = arith.constant 0 : i32
    %sign3A_2899 = arith.cmpi slt, %add3A_2892, %sign3A_2898 : i32
    %sign3A_2900 = arith.extui %sign3A_2899 : i1 to i32
    %sign3A_2901 = arith.subi %sign3A_2897, %sign3A_2900 : i32
    %sign3A_2902 = arith.constant 0 : i32
    %sign3A_2903 = arith.cmpi sgt, %jit3A_2893, %sign3A_2902 : i32
    %sign3A_2904 = arith.extui %sign3A_2903 : i1 to i32
    %sign3A_2905 = arith.constant 0 : i32
    %sign3A_2906 = arith.cmpi slt, %jit3A_2893, %sign3A_2905 : i32
    %sign3A_2907 = arith.extui %sign3A_2906 : i1 to i32
    %sign3A_2908 = arith.subi %sign3A_2904, %sign3A_2907 : i32
    %ne3A_2909 = arith.cmpi ne, %sign3A_2901, %sign3A_2908 : i32
    %rem3A_2910 = arith.remsi %add3A_2892, %jit3A_2893 : i32
    %ne3A_2911 = arith.constant 0 : i32
    %ne3A_2912 = arith.cmpi ne, %rem3A_2910, %ne3A_2911 : i32
    %and3A_2913 = arith.andi %ne3A_2909, %ne3A_2912 : i1
    %sub3A_2914 = arith.constant 1 : i32
    %sub3A_2915 = arith.subi %div3A_2894, %sub3A_2914 : i32
    %select_n3A_2916 = arith.select %and3A_2913, %sub3A_2915, %div3A_2894 : i32
    %mul3A_2917 = arith.constant 16 : i32
    %mul3A_2918 = arith.muli %select_n3A_2916, %mul3A_2917 : i32
    "tpu.region"() ({
      %run_scoped3A = tpu.sem_alloc : memref<!tpu.dma_semaphore, #tpu.memory_space<semaphore_mem>>
      %dma_start3A_3104 = tpu.memref_slice %arg3[%select_n3A_2888, %mul3A_2918] : memref<100000x2048xf32, #tpu.memory_space<hbm>> -> memref<1x16xf32, #tpu.memory_space<hbm>>
      %dma_start3A_3105 = tpu.memref_squeeze %dma_start3A_3104 : memref<1x16xf32, #tpu.memory_space<hbm>> -> memref<16xf32, #tpu.memory_space<hbm>>
      %dma_start3A_3106 = tpu.memref_slice %arg3[%select_n3A_2888, %mul3A_2918] : memref<100000x2048xf32, #tpu.memory_space<hbm>> -> memref<1x16xf32, #tpu.memory_space<hbm>>
      %dma_start3A_3107 = tpu.memref_squeeze %dma_start3A_3106 : memref<1x16xf32, #tpu.memory_space<hbm>> -> memref<16xf32, #tpu.memory_space<hbm>>
      tpu.enqueue_dma source(%dma_start3A_3107 : memref<16xf32, #tpu.memory_space<hbm>>) target(%arg7 : memref<16xf32, #tpu.memory_space<vmem>>) target_semaphore(%run_scoped3A : memref<!tpu.dma_semaphore, #tpu.memory_space<semaphore_mem>>)
      %dma_wait3A = tpu.memref_slice %arg3[%select_n3A_2888, %mul3A_2918] : memref<100000x2048xf32, #tpu.memory_space<hbm>> -> memref<1x16xf32, #tpu.memory_space<hbm>>
      %dma_wait3A_3108 = tpu.memref_squeeze %dma_wait3A : memref<1x16xf32, #tpu.memory_space<hbm>> -> memref<16xf32, #tpu.memory_space<hbm>>
      %dma_wait3A_3109 = tpu.memref_slice %arg3[%select_n3A_2888, %mul3A_2918] : memref<100000x2048xf32, #tpu.memory_space<hbm>> -> memref<1x16xf32, #tpu.memory_space<hbm>>
      %dma_wait3A_3110 = tpu.memref_squeeze %dma_wait3A_3109 : memref<1x16xf32, #tpu.memory_space<hbm>> -> memref<16xf32, #tpu.memory_space<hbm>>
      tpu.wait_dma2 semaphore(%run_scoped3A : memref<!tpu.dma_semaphore, #tpu.memory_space<semaphore_mem>>) src(%dma_wait3A_3110 : memref<16xf32, #tpu.memory_space<hbm>>) dst(%arg7 : memref<16xf32, #tpu.memory_space<vmem>>)
      tpu.yield
    }) : () -> ()
    %sub3A_2919 = arith.subi %add3A_2892, %mul3A_2918 : i32
    %jit3A_2920 = arith.constant -1 : i32
    %select_n3A_2921 = arith.select %ge3A_2886, %sub3A_2919, %jit3A_2920 : i32
    %eq3A_2922 = vector.broadcast %select_n3A_2921 : i32 to vector<16xi32>
    %eq3A_2923 = arith.cmpi eq, %iota3A, %eq3A_2922 : vector<16xi32>
    %get3A_2924 = arith.constant 0 : index
    %get3A_2925 = tpu.vector_load %arg7[%get3A_2924] {strides = array<i32>} : memref<16xf32, #tpu.memory_space<vmem>>, vector<16xf32>,
    %get3A_2926 = vector.shape_cast %get3A_2925 : vector<16xf32> to vector<16xf32>
    %jit3A_2927 = arith.constant 0.000000e+00 : f32
    %broadcast_in_dim3A_2928 = vector.broadcast %jit3A_2927 : f32 to vector<16xf32>
    %select_n3A_2929 = arith.select %eq3A_2923, %get3A_2926, %broadcast_in_dim3A_2928 : vector<16xi1>, vector<16xf32>
    %add3A_2930 = arith.addf %add3A_2882, %select_n3A_2929 : vector<16xf32>
    %slice3A_2931 = vector.extract_strided_slice %get3A_2306 {offsets = [13], sizes = [1], strides = [1]} : vector<16xi32> to vector<1xi32>
    %squeeze3A_2932 = vector.extract %slice3A_2931[0] : i32 from vector<1xi32>
    %ge3A_2933 = arith.constant 69280 : i32
    %ge3A_2934 = arith.cmpi sge, %squeeze3A_2932, %ge3A_2933 : i32
    %jit3A_2935 = arith.constant 69280 : i32
    %select_n3A_2936 = arith.select %ge3A_2934, %squeeze3A_2932, %jit3A_2935 : i32
    %add3A_2937 = arith.constant 48 : i32
    %add3A_2938 = arith.addi %mul3A_2, %add3A_2937 : i32
    %add3A_2939 = arith.constant 13 : i32
    %add3A_2940 = arith.addi %add3A_2938, %add3A_2939 : i32
    %jit3A_2941 = arith.constant 16 : i32
    %div3A_2942 = arith.divsi %add3A_2940, %jit3A_2941 : i32
    %sign3A_2943 = arith.constant 0 : i32
    %sign3A_2944 = arith.cmpi sgt, %add3A_2940, %sign3A_2943 : i32
    %sign3A_2945 = arith.extui %sign3A_2944 : i1 to i32
    %sign3A_2946 = arith.constant 0 : i32
    %sign3A_2947 = arith.cmpi slt, %add3A_2940, %sign3A_2946 : i32
    %sign3A_2948 = arith.extui %sign3A_2947 : i1 to i32
    %sign3A_2949 = arith.subi %sign3A_2945, %sign3A_2948 : i32
    %sign3A_2950 = arith.constant 0 : i32
    %sign3A_2951 = arith.cmpi sgt, %jit3A_2941, %sign3A_2950 : i32
    %sign3A_2952 = arith.extui %sign3A_2951 : i1 to i32
    %sign3A_2953 = arith.constant 0 : i32
    %sign3A_2954 = arith.cmpi slt, %jit3A_2941, %sign3A_2953 : i32
    %sign3A_2955 = arith.extui %sign3A_2954 : i1 to i32
    %sign3A_2956 = arith.subi %sign3A_2952, %sign3A_2955 : i32
    %ne3A_2957 = arith.cmpi ne, %sign3A_2949, %sign3A_2956 : i32
    %rem3A_2958 = arith.remsi %add3A_2940, %jit3A_2941 : i32
    %ne3A_2959 = arith.constant 0 : i32
    %ne3A_2960 = arith.cmpi ne, %rem3A_2958, %ne3A_2959 : i32
    %and3A_2961 = arith.andi %ne3A_2957, %ne3A_2960 : i1
    %sub3A_2962 = arith.constant 1 : i32
    %sub3A_2963 = arith.subi %div3A_2942, %sub3A_2962 : i32
    %select_n3A_2964 = arith.select %and3A_2961, %sub3A_2963, %div3A_2942 : i32
    %mul3A_2965 = arith.constant 16 : i32
    %mul3A_2966 = arith.muli %select_n3A_2964, %mul3A_2965 : i32
    "tpu.region"() ({
      %run_scoped3A = tpu.sem_alloc : memref<!tpu.dma_semaphore, #tpu.memory_space<semaphore_mem>>
      %dma_start3A_3104 = tpu.memref_slice %arg3[%select_n3A_2936, %mul3A_2966] : memref<100000x2048xf32, #tpu.memory_space<hbm>> -> memref<1x16xf32, #tpu.memory_space<hbm>>
      %dma_start3A_3105 = tpu.memref_squeeze %dma_start3A_3104 : memref<1x16xf32, #tpu.memory_space<hbm>> -> memref<16xf32, #tpu.memory_space<hbm>>
      %dma_start3A_3106 = tpu.memref_slice %arg3[%select_n3A_2936, %mul3A_2966] : memref<100000x2048xf32, #tpu.memory_space<hbm>> -> memref<1x16xf32, #tpu.memory_space<hbm>>
      %dma_start3A_3107 = tpu.memref_squeeze %dma_start3A_3106 : memref<1x16xf32, #tpu.memory_space<hbm>> -> memref<16xf32, #tpu.memory_space<hbm>>
      tpu.enqueue_dma source(%dma_start3A_3107 : memref<16xf32, #tpu.memory_space<hbm>>) target(%arg7 : memref<16xf32, #tpu.memory_space<vmem>>) target_semaphore(%run_scoped3A : memref<!tpu.dma_semaphore, #tpu.memory_space<semaphore_mem>>)
      %dma_wait3A = tpu.memref_slice %arg3[%select_n3A_2936, %mul3A_2966] : memref<100000x2048xf32, #tpu.memory_space<hbm>> -> memref<1x16xf32, #tpu.memory_space<hbm>>
      %dma_wait3A_3108 = tpu.memref_squeeze %dma_wait3A : memref<1x16xf32, #tpu.memory_space<hbm>> -> memref<16xf32, #tpu.memory_space<hbm>>
      %dma_wait3A_3109 = tpu.memref_slice %arg3[%select_n3A_2936, %mul3A_2966] : memref<100000x2048xf32, #tpu.memory_space<hbm>> -> memref<1x16xf32, #tpu.memory_space<hbm>>
      %dma_wait3A_3110 = tpu.memref_squeeze %dma_wait3A_3109 : memref<1x16xf32, #tpu.memory_space<hbm>> -> memref<16xf32, #tpu.memory_space<hbm>>
      tpu.wait_dma2 semaphore(%run_scoped3A : memref<!tpu.dma_semaphore, #tpu.memory_space<semaphore_mem>>) src(%dma_wait3A_3110 : memref<16xf32, #tpu.memory_space<hbm>>) dst(%arg7 : memref<16xf32, #tpu.memory_space<vmem>>)
      tpu.yield
    }) : () -> ()
    %sub3A_2967 = arith.subi %add3A_2940, %mul3A_2966 : i32
    %jit3A_2968 = arith.constant -1 : i32
    %select_n3A_2969 = arith.select %ge3A_2934, %sub3A_2967, %jit3A_2968 : i32
    %eq3A_2970 = vector.broadcast %select_n3A_2969 : i32 to vector<16xi32>
    %eq3A_2971 = arith.cmpi eq, %iota3A, %eq3A_2970 : vector<16xi32>
    %get3A_2972 = arith.constant 0 : index
    %get3A_2973 = tpu.vector_load %arg7[%get3A_2972] {strides = array<i32>} : memref<16xf32, #tpu.memory_space<vmem>>, vector<16xf32>,
    %get3A_2974 = vector.shape_cast %get3A_2973 : vector<16xf32> to vector<16xf32>
    %jit3A_2975 = arith.constant 0.000000e+00 : f32
    %broadcast_in_dim3A_2976 = vector.broadcast %jit3A_2975 : f32 to vector<16xf32>
    %select_n3A_2977 = arith.select %eq3A_2971, %get3A_2974, %broadcast_in_dim3A_2976 : vector<16xi1>, vector<16xf32>
    %add3A_2978 = arith.addf %add3A_2930, %select_n3A_2977 : vector<16xf32>
    %slice3A_2979 = vector.extract_strided_slice %get3A_2306 {offsets = [14], sizes = [1], strides = [1]} : vector<16xi32> to vector<1xi32>
    %squeeze3A_2980 = vector.extract %slice3A_2979[0] : i32 from vector<1xi32>
    %ge3A_2981 = arith.constant 69280 : i32
    %ge3A_2982 = arith.cmpi sge, %squeeze3A_2980, %ge3A_2981 : i32
    %jit3A_2983 = arith.constant 69280 : i32
    %select_n3A_2984 = arith.select %ge3A_2982, %squeeze3A_2980, %jit3A_2983 : i32
    %add3A_2985 = arith.constant 48 : i32
    %add3A_2986 = arith.addi %mul3A_2, %add3A_2985 : i32
    %add3A_2987 = arith.constant 14 : i32
    %add3A_2988 = arith.addi %add3A_2986, %add3A_2987 : i32
    %jit3A_2989 = arith.constant 16 : i32
    %div3A_2990 = arith.divsi %add3A_2988, %jit3A_2989 : i32
    %sign3A_2991 = arith.constant 0 : i32
    %sign3A_2992 = arith.cmpi sgt, %add3A_2988, %sign3A_2991 : i32
    %sign3A_2993 = arith.extui %sign3A_2992 : i1 to i32
    %sign3A_2994 = arith.constant 0 : i32
    %sign3A_2995 = arith.cmpi slt, %add3A_2988, %sign3A_2994 : i32
    %sign3A_2996 = arith.extui %sign3A_2995 : i1 to i32
    %sign3A_2997 = arith.subi %sign3A_2993, %sign3A_2996 : i32
    %sign3A_2998 = arith.constant 0 : i32
    %sign3A_2999 = arith.cmpi sgt, %jit3A_2989, %sign3A_2998 : i32
    %sign3A_3000 = arith.extui %sign3A_2999 : i1 to i32
    %sign3A_3001 = arith.constant 0 : i32
    %sign3A_3002 = arith.cmpi slt, %jit3A_2989, %sign3A_3001 : i32
    %sign3A_3003 = arith.extui %sign3A_3002 : i1 to i32
    %sign3A_3004 = arith.subi %sign3A_3000, %sign3A_3003 : i32
    %ne3A_3005 = arith.cmpi ne, %sign3A_2997, %sign3A_3004 : i32
    %rem3A_3006 = arith.remsi %add3A_2988, %jit3A_2989 : i32
    %ne3A_3007 = arith.constant 0 : i32
    %ne3A_3008 = arith.cmpi ne, %rem3A_3006, %ne3A_3007 : i32
    %and3A_3009 = arith.andi %ne3A_3005, %ne3A_3008 : i1
    %sub3A_3010 = arith.constant 1 : i32
    %sub3A_3011 = arith.subi %div3A_2990, %sub3A_3010 : i32
    %select_n3A_3012 = arith.select %and3A_3009, %sub3A_3011, %div3A_2990 : i32
    %mul3A_3013 = arith.constant 16 : i32
    %mul3A_3014 = arith.muli %select_n3A_3012, %mul3A_3013 : i32
    "tpu.region"() ({
      %run_scoped3A = tpu.sem_alloc : memref<!tpu.dma_semaphore, #tpu.memory_space<semaphore_mem>>
      %dma_start3A_3104 = tpu.memref_slice %arg3[%select_n3A_2984, %mul3A_3014] : memref<100000x2048xf32, #tpu.memory_space<hbm>> -> memref<1x16xf32, #tpu.memory_space<hbm>>
      %dma_start3A_3105 = tpu.memref_squeeze %dma_start3A_3104 : memref<1x16xf32, #tpu.memory_space<hbm>> -> memref<16xf32, #tpu.memory_space<hbm>>
      %dma_start3A_3106 = tpu.memref_slice %arg3[%select_n3A_2984, %mul3A_3014] : memref<100000x2048xf32, #tpu.memory_space<hbm>> -> memref<1x16xf32, #tpu.memory_space<hbm>>
      %dma_start3A_3107 = tpu.memref_squeeze %dma_start3A_3106 : memref<1x16xf32, #tpu.memory_space<hbm>> -> memref<16xf32, #tpu.memory_space<hbm>>
      tpu.enqueue_dma source(%dma_start3A_3107 : memref<16xf32, #tpu.memory_space<hbm>>) target(%arg7 : memref<16xf32, #tpu.memory_space<vmem>>) target_semaphore(%run_scoped3A : memref<!tpu.dma_semaphore, #tpu.memory_space<semaphore_mem>>)
      %dma_wait3A = tpu.memref_slice %arg3[%select_n3A_2984, %mul3A_3014] : memref<100000x2048xf32, #tpu.memory_space<hbm>> -> memref<1x16xf32, #tpu.memory_space<hbm>>
      %dma_wait3A_3108 = tpu.memref_squeeze %dma_wait3A : memref<1x16xf32, #tpu.memory_space<hbm>> -> memref<16xf32, #tpu.memory_space<hbm>>
      %dma_wait3A_3109 = tpu.memref_slice %arg3[%select_n3A_2984, %mul3A_3014] : memref<100000x2048xf32, #tpu.memory_space<hbm>> -> memref<1x16xf32, #tpu.memory_space<hbm>>
      %dma_wait3A_3110 = tpu.memref_squeeze %dma_wait3A_3109 : memref<1x16xf32, #tpu.memory_space<hbm>> -> memref<16xf32, #tpu.memory_space<hbm>>
      tpu.wait_dma2 semaphore(%run_scoped3A : memref<!tpu.dma_semaphore, #tpu.memory_space<semaphore_mem>>) src(%dma_wait3A_3110 : memref<16xf32, #tpu.memory_space<hbm>>) dst(%arg7 : memref<16xf32, #tpu.memory_space<vmem>>)
      tpu.yield
    }) : () -> ()
    %sub3A_3015 = arith.subi %add3A_2988, %mul3A_3014 : i32
    %jit3A_3016 = arith.constant -1 : i32
    %select_n3A_3017 = arith.select %ge3A_2982, %sub3A_3015, %jit3A_3016 : i32
    %eq3A_3018 = vector.broadcast %select_n3A_3017 : i32 to vector<16xi32>
    %eq3A_3019 = arith.cmpi eq, %iota3A, %eq3A_3018 : vector<16xi32>
    %get3A_3020 = arith.constant 0 : index
    %get3A_3021 = tpu.vector_load %arg7[%get3A_3020] {strides = array<i32>} : memref<16xf32, #tpu.memory_space<vmem>>, vector<16xf32>,
    %get3A_3022 = vector.shape_cast %get3A_3021 : vector<16xf32> to vector<16xf32>
    %jit3A_3023 = arith.constant 0.000000e+00 : f32
    %broadcast_in_dim3A_3024 = vector.broadcast %jit3A_3023 : f32 to vector<16xf32>
    %select_n3A_3025 = arith.select %eq3A_3019, %get3A_3022, %broadcast_in_dim3A_3024 : vector<16xi1>, vector<16xf32>
    %add3A_3026 = arith.addf %add3A_2978, %select_n3A_3025 : vector<16xf32>
    %slice3A_3027 = vector.extract_strided_slice %get3A_2306 {offsets = [15], sizes = [1], strides = [1]} : vector<16xi32> to vector<1xi32>
    %squeeze3A_3028 = vector.extract %slice3A_3027[0] : i32 from vector<1xi32>
    %ge3A_3029 = arith.constant 69280 : i32
    %ge3A_3030 = arith.cmpi sge, %squeeze3A_3028, %ge3A_3029 : i32
    %jit3A_3031 = arith.constant 69280 : i32
    %select_n3A_3032 = arith.select %ge3A_3030, %squeeze3A_3028, %jit3A_3031 : i32
    %add3A_3033 = arith.constant 48 : i32
    %add3A_3034 = arith.addi %mul3A_2, %add3A_3033 : i32
    %add3A_3035 = arith.constant 15 : i32
    %add3A_3036 = arith.addi %add3A_3034, %add3A_3035 : i32
    %jit3A_3037 = arith.constant 16 : i32
    %div3A_3038 = arith.divsi %add3A_3036, %jit3A_3037 : i32
    %sign3A_3039 = arith.constant 0 : i32
    %sign3A_3040 = arith.cmpi sgt, %add3A_3036, %sign3A_3039 : i32
    %sign3A_3041 = arith.extui %sign3A_3040 : i1 to i32
    %sign3A_3042 = arith.constant 0 : i32
    %sign3A_3043 = arith.cmpi slt, %add3A_3036, %sign3A_3042 : i32
    %sign3A_3044 = arith.extui %sign3A_3043 : i1 to i32
    %sign3A_3045 = arith.subi %sign3A_3041, %sign3A_3044 : i32
    %sign3A_3046 = arith.constant 0 : i32
    %sign3A_3047 = arith.cmpi sgt, %jit3A_3037, %sign3A_3046 : i32
    %sign3A_3048 = arith.extui %sign3A_3047 : i1 to i32
    %sign3A_3049 = arith.constant 0 : i32
    %sign3A_3050 = arith.cmpi slt, %jit3A_3037, %sign3A_3049 : i32
    %sign3A_3051 = arith.extui %sign3A_3050 : i1 to i32
    %sign3A_3052 = arith.subi %sign3A_3048, %sign3A_3051 : i32
    %ne3A_3053 = arith.cmpi ne, %sign3A_3045, %sign3A_3052 : i32
    %rem3A_3054 = arith.remsi %add3A_3036, %jit3A_3037 : i32
    %ne3A_3055 = arith.constant 0 : i32
    %ne3A_3056 = arith.cmpi ne, %rem3A_3054, %ne3A_3055 : i32
    %and3A_3057 = arith.andi %ne3A_3053, %ne3A_3056 : i1
    %sub3A_3058 = arith.constant 1 : i32
    %sub3A_3059 = arith.subi %div3A_3038, %sub3A_3058 : i32
    %select_n3A_3060 = arith.select %and3A_3057, %sub3A_3059, %div3A_3038 : i32
    %mul3A_3061 = arith.constant 16 : i32
    %mul3A_3062 = arith.muli %select_n3A_3060, %mul3A_3061 : i32
    "tpu.region"() ({
      %run_scoped3A = tpu.sem_alloc : memref<!tpu.dma_semaphore, #tpu.memory_space<semaphore_mem>>
      %dma_start3A_3104 = tpu.memref_slice %arg3[%select_n3A_3032, %mul3A_3062] : memref<100000x2048xf32, #tpu.memory_space<hbm>> -> memref<1x16xf32, #tpu.memory_space<hbm>>
      %dma_start3A_3105 = tpu.memref_squeeze %dma_start3A_3104 : memref<1x16xf32, #tpu.memory_space<hbm>> -> memref<16xf32, #tpu.memory_space<hbm>>
      %dma_start3A_3106 = tpu.memref_slice %arg3[%select_n3A_3032, %mul3A_3062] : memref<100000x2048xf32, #tpu.memory_space<hbm>> -> memref<1x16xf32, #tpu.memory_space<hbm>>
      %dma_start3A_3107 = tpu.memref_squeeze %dma_start3A_3106 : memref<1x16xf32, #tpu.memory_space<hbm>> -> memref<16xf32, #tpu.memory_space<hbm>>
      tpu.enqueue_dma source(%dma_start3A_3107 : memref<16xf32, #tpu.memory_space<hbm>>) target(%arg7 : memref<16xf32, #tpu.memory_space<vmem>>) target_semaphore(%run_scoped3A : memref<!tpu.dma_semaphore, #tpu.memory_space<semaphore_mem>>)
      %dma_wait3A = tpu.memref_slice %arg3[%select_n3A_3032, %mul3A_3062] : memref<100000x2048xf32, #tpu.memory_space<hbm>> -> memref<1x16xf32, #tpu.memory_space<hbm>>
      %dma_wait3A_3108 = tpu.memref_squeeze %dma_wait3A : memref<1x16xf32, #tpu.memory_space<hbm>> -> memref<16xf32, #tpu.memory_space<hbm>>
      %dma_wait3A_3109 = tpu.memref_slice %arg3[%select_n3A_3032, %mul3A_3062] : memref<100000x2048xf32, #tpu.memory_space<hbm>> -> memref<1x16xf32, #tpu.memory_space<hbm>>
      %dma_wait3A_3110 = tpu.memref_squeeze %dma_wait3A_3109 : memref<1x16xf32, #tpu.memory_space<hbm>> -> memref<16xf32, #tpu.memory_space<hbm>>
      tpu.wait_dma2 semaphore(%run_scoped3A : memref<!tpu.dma_semaphore, #tpu.memory_space<semaphore_mem>>) src(%dma_wait3A_3110 : memref<16xf32, #tpu.memory_space<hbm>>) dst(%arg7 : memref<16xf32, #tpu.memory_space<vmem>>)
      tpu.yield
    }) : () -> ()
    %sub3A_3063 = arith.subi %add3A_3036, %mul3A_3062 : i32
    %jit3A_3064 = arith.constant -1 : i32
    %select_n3A_3065 = arith.select %ge3A_3030, %sub3A_3063, %jit3A_3064 : i32
    %eq3A_3066 = vector.broadcast %select_n3A_3065 : i32 to vector<16xi32>
    %eq3A_3067 = arith.cmpi eq, %iota3A, %eq3A_3066 : vector<16xi32>
    %get3A_3068 = arith.constant 0 : index
    %get3A_3069 = tpu.vector_load %arg7[%get3A_3068] {strides = array<i32>} : memref<16xf32, #tpu.memory_space<vmem>>, vector<16xf32>,
    %get3A_3070 = vector.shape_cast %get3A_3069 : vector<16xf32> to vector<16xf32>
    %jit3A_3071 = arith.constant 0.000000e+00 : f32
    %broadcast_in_dim3A_3072 = vector.broadcast %jit3A_3071 : f32 to vector<16xf32>
    %select_n3A_3073 = arith.select %eq3A_3067, %get3A_3070, %broadcast_in_dim3A_3072 : vector<16xi1>, vector<16xf32>
    %add3A_3074 = arith.addf %add3A_3026, %select_n3A_3073 : vector<16xf32>
    %swap3A = arith.constant 0 : index
    %swap3A_3075 = tpu.vector_load %arg11[%swap3A] {strides = array<i32>} : memref<16xf32, #tpu.memory_space<vmem>>, vector<16xf32>,
    %swap3A_3076 = vector.shape_cast %swap3A_3075 : vector<16xf32> to vector<16xf32>
    %swap3A_3077 = vector.shape_cast %add3A_3074 : vector<16xf32> to vector<16xf32>
    tpu.vector_store %arg11[%swap3A], %swap3A_3077 {strides = array<i32>} : memref<16xf32, #tpu.memory_space<vmem>>, vector<16xf32>,
    "tpu.region"() ({
      %run_scoped3A = tpu.sem_alloc : memref<!tpu.dma_semaphore, #tpu.memory_space<semaphore_mem>>
      %dma_start3A_3104 = arith.constant 0 : i32
      %dma_start3A_3105 = tpu.memref_slice %arg5[%add3A, %dma_start3A_3104] : memref<32x16xf32, #tpu.memory_space<hbm>> -> memref<1x16xf32, #tpu.memory_space<hbm>>
      %dma_start3A_3106 = tpu.memref_squeeze %dma_start3A_3105 : memref<1x16xf32, #tpu.memory_space<hbm>> -> memref<16xf32, #tpu.memory_space<hbm>>
      %dma_start3A_3107 = arith.constant 0 : i32
      %dma_start3A_3108 = tpu.memref_slice %arg5[%add3A, %dma_start3A_3107] : memref<32x16xf32, #tpu.memory_space<hbm>> -> memref<1x16xf32, #tpu.memory_space<hbm>>
      %dma_start3A_3109 = tpu.memref_squeeze %dma_start3A_3108 : memref<1x16xf32, #tpu.memory_space<hbm>> -> memref<16xf32, #tpu.memory_space<hbm>>
      tpu.enqueue_dma source(%arg11 : memref<16xf32, #tpu.memory_space<vmem>>) target(%dma_start3A_3109 : memref<16xf32, #tpu.memory_space<hbm>>) target_semaphore(%run_scoped3A : memref<!tpu.dma_semaphore, #tpu.memory_space<semaphore_mem>>)
      %dma_wait3A = arith.constant 0 : i32
      %dma_wait3A_3110 = tpu.memref_slice %arg5[%add3A, %dma_wait3A] : memref<32x16xf32, #tpu.memory_space<hbm>> -> memref<1x16xf32, #tpu.memory_space<hbm>>
      %dma_wait3A_3111 = tpu.memref_squeeze %dma_wait3A_3110 : memref<1x16xf32, #tpu.memory_space<hbm>> -> memref<16xf32, #tpu.memory_space<hbm>>
      %dma_wait3A_3112 = arith.constant 0 : i32
      %dma_wait3A_3113 = tpu.memref_slice %arg5[%add3A, %dma_wait3A_3112] : memref<32x16xf32, #tpu.memory_space<hbm>> -> memref<1x16xf32, #tpu.memory_space<hbm>>
      %dma_wait3A_3114 = tpu.memref_squeeze %dma_wait3A_3113 : memref<1x16xf32, #tpu.memory_space<hbm>> -> memref<16xf32, #tpu.memory_space<hbm>>
      tpu.wait_dma2 semaphore(%run_scoped3A : memref<!tpu.dma_semaphore, #tpu.memory_space<semaphore_mem>>) src(%arg11 : memref<16xf32, #tpu.memory_space<vmem>>) dst(%dma_wait3A_3114 : memref<16xf32, #tpu.memory_space<hbm>>)
      tpu.yield
    }) : () -> ()
    %mul3A_3078 = arith.constant 960 : i32
    %mul3A_3079 = arith.muli %add3A, %mul3A_3078 : i32
    %add3A_3080 = arith.constant 69280 : i32
    %add3A_3081 = arith.addi %add3A_3080, %mul3A_3079 : i32
    %add3A_3082 = arith.constant 0 : i32
    %add3A_3083 = arith.addi %add3A_3081, %add3A_3082 : i32
    %dma_start3A = arith.constant 0 : i32
    %dma_start3A_3084 = tpu.memref_slice %arg3[%add3A_3083, %dma_start3A] : memref<100000x2048xf32, #tpu.memory_space<hbm>> -> memref<16x2048xf32, #tpu.memory_space<hbm>>
    %dma_start3A_3085 = arith.constant 0 : i32
    %dma_start3A_3086 = tpu.memref_slice %arg3[%add3A_3083, %dma_start3A_3085] : memref<100000x2048xf32, #tpu.memory_space<hbm>> -> memref<16x2048xf32, #tpu.memory_space<hbm>>
    tpu.enqueue_dma source(%dma_start3A_3086 : memref<16x2048xf32, #tpu.memory_space<hbm>>) target(%arg8 : memref<16x2048xf32, #tpu.memory_space<vmem>>) target_semaphore(%arg12 : memref<!tpu.dma_semaphore, #tpu.memory_space<semaphore_mem>>)
    %add3A_3087 = arith.constant 16 : i32
    %add3A_3088 = arith.addi %add3A_3081, %add3A_3087 : i32
    %dma_start3A_3089 = arith.constant 0 : i32
    %dma_start3A_3090 = tpu.memref_slice %arg3[%add3A_3088, %dma_start3A_3089] : memref<100000x2048xf32, #tpu.memory_space<hbm>> -> memref<16x2048xf32, #tpu.memory_space<hbm>>
    %dma_start3A_3091 = arith.constant 0 : i32
    %dma_start3A_3092 = tpu.memref_slice %arg3[%add3A_3088, %dma_start3A_3091] : memref<100000x2048xf32, #tpu.memory_space<hbm>> -> memref<16x2048xf32, #tpu.memory_space<hbm>>
    tpu.enqueue_dma source(%dma_start3A_3092 : memref<16x2048xf32, #tpu.memory_space<hbm>>) target(%arg9 : memref<16x2048xf32, #tpu.memory_space<vmem>>) target_semaphore(%arg13 : memref<!tpu.dma_semaphore, #tpu.memory_space<semaphore_mem>>)
    %broadcast_in_dim3A_3093 = arith.constant 0.000000e+00 : f32
    %broadcast_in_dim3A_3094 = vector.broadcast %broadcast_in_dim3A_3093 : f32 to vector<16xf32>
    %scan3A = arith.constant 0 : i32
    %scan3A_3095 = arith.constant 30 : i32
    %scan3A_3096 = arith.addi %scan3A, %scan3A_3095 : i32
    %scan3A_3097 = arith.constant 1 : i32
    %scan3A_3098 = scf.for %scan3A_3104 = %scan3A to %scan3A_3096 step %scan3A_3097 iter_args(%scan3A_3105 = %broadcast_in_dim3A_3094) -> (vector<16xf32>)  : i32 {
      %mul3A_3106 = arith.constant 2 : i32
      %mul3A_3107 = arith.muli %mul3A_3106, %scan3A_3104 : i32
      %add3A_3108 = arith.constant 0 : i32
      %add3A_3109 = arith.addi %mul3A_3107, %add3A_3108 : i32
      %mul3A_3110 = arith.constant 16 : i32
      %mul3A_3111 = arith.muli %add3A_3109, %mul3A_3110 : i32
      %add3A_3112 = arith.addi %add3A_3081, %mul3A_3111 : i32
      %dma_wait3A = arith.constant 0 : i32
      %dma_wait3A_3113 = tpu.memref_slice %arg3[%add3A_3112, %dma_wait3A] : memref<100000x2048xf32, #tpu.memory_space<hbm>> -> memref<16x2048xf32, #tpu.memory_space<hbm>>
      %dma_wait3A_3114 = arith.constant 0 : i32
      %dma_wait3A_3115 = tpu.memref_slice %arg3[%add3A_3112, %dma_wait3A_3114] : memref<100000x2048xf32, #tpu.memory_space<hbm>> -> memref<16x2048xf32, #tpu.memory_space<hbm>>
      tpu.wait_dma2 semaphore(%arg12 : memref<!tpu.dma_semaphore, #tpu.memory_space<semaphore_mem>>) src(%dma_wait3A_3115 : memref<16x2048xf32, #tpu.memory_space<hbm>>) dst(%arg8 : memref<16x2048xf32, #tpu.memory_space<vmem>>)
      %scan3A_3116 = arith.constant 0 : i32
      %scan3A_3117 = arith.constant 128 : i32
      %scan3A_3118 = arith.addi %scan3A_3116, %scan3A_3117 : i32
      %scan3A_3119 = arith.constant 1 : i32
      %scan3A_3120 = scf.for %scan3A_3150 = %scan3A_3116 to %scan3A_3118 step %scan3A_3119 iter_args(%scan3A_3151 = %scan3A_3105) -> (vector<16xf32>)  : i32 {
        %mul3A_3152 = arith.constant 16 : i32
        %mul3A_3153 = arith.muli %scan3A_3150, %mul3A_3152 : i32
        %get3A_3154 = arith.constant 0 : i32
        %get3A_3155 = arith.index_cast %get3A_3154 : i32 to index
        %get3A_3156 = arith.index_cast %mul3A_3153 : i32 to index
        %get3A_3157 = tpu.vector_load %arg8[%get3A_3155, %get3A_3156] {strides = array<i32>} : memref<16x2048xf32, #tpu.memory_space<vmem>>, vector<1x16xf32>,
        %get3A_3158 = vector.shape_cast %get3A_3157 : vector<1x16xf32> to vector<16xf32>
        %add3A_3159 = arith.addf %scan3A_3151, %get3A_3158 : vector<16xf32>
        %mul3A_3160 = arith.constant 16 : i32
        %mul3A_3161 = arith.muli %scan3A_3150, %mul3A_3160 : i32
        %get3A_3162 = arith.constant 1 : i32
        %get3A_3163 = arith.index_cast %get3A_3162 : i32 to index
        %get3A_3164 = arith.index_cast %mul3A_3161 : i32 to index
        %get3A_3165 = tpu.vector_load %arg8[%get3A_3163, %get3A_3164] {strides = array<i32>} : memref<16x2048xf32, #tpu.memory_space<vmem>>, vector<1x16xf32>,
        %get3A_3166 = vector.shape_cast %get3A_3165 : vector<1x16xf32> to vector<16xf32>
        %add3A_3167 = arith.addf %add3A_3159, %get3A_3166 : vector<16xf32>
        %mul3A_3168 = arith.constant 16 : i32
        %mul3A_3169 = arith.muli %scan3A_3150, %mul3A_3168 : i32
        %get3A_3170 = arith.constant 2 : i32
        %get3A_3171 = arith.index_cast %get3A_3170 : i32 to index
        %get3A_3172 = arith.index_cast %mul3A_3169 : i32 to index
        %get3A_3173 = tpu.vector_load %arg8[%get3A_3171, %get3A_3172] {strides = array<i32>} : memref<16x2048xf32, #tpu.memory_space<vmem>>, vector<1x16xf32>,
        %get3A_3174 = vector.shape_cast %get3A_3173 : vector<1x16xf32> to vector<16xf32>
        %add3A_3175 = arith.addf %add3A_3167, %get3A_3174 : vector<16xf32>
        %mul3A_3176 = arith.constant 16 : i32
        %mul3A_3177 = arith.muli %scan3A_3150, %mul3A_3176 : i32
        %get3A_3178 = arith.constant 3 : i32
        %get3A_3179 = arith.index_cast %get3A_3178 : i32 to index
        %get3A_3180 = arith.index_cast %mul3A_3177 : i32 to index
        %get3A_3181 = tpu.vector_load %arg8[%get3A_3179, %get3A_3180] {strides = array<i32>} : memref<16x2048xf32, #tpu.memory_space<vmem>>, vector<1x16xf32>,
        %get3A_3182 = vector.shape_cast %get3A_3181 : vector<1x16xf32> to vector<16xf32>
        %add3A_3183 = arith.addf %add3A_3175, %get3A_3182 : vector<16xf32>
        %mul3A_3184 = arith.constant 16 : i32
        %mul3A_3185 = arith.muli %scan3A_3150, %mul3A_3184 : i32
        %get3A_3186 = arith.constant 4 : i32
        %get3A_3187 = arith.index_cast %get3A_3186 : i32 to index
        %get3A_3188 = arith.index_cast %mul3A_3185 : i32 to index
        %get3A_3189 = tpu.vector_load %arg8[%get3A_3187, %get3A_3188] {strides = array<i32>} : memref<16x2048xf32, #tpu.memory_space<vmem>>, vector<1x16xf32>,
        %get3A_3190 = vector.shape_cast %get3A_3189 : vector<1x16xf32> to vector<16xf32>
        %add3A_3191 = arith.addf %add3A_3183, %get3A_3190 : vector<16xf32>
        %mul3A_3192 = arith.constant 16 : i32
        %mul3A_3193 = arith.muli %scan3A_3150, %mul3A_3192 : i32
        %get3A_3194 = arith.constant 5 : i32
        %get3A_3195 = arith.index_cast %get3A_3194 : i32 to index
        %get3A_3196 = arith.index_cast %mul3A_3193 : i32 to index
        %get3A_3197 = tpu.vector_load %arg8[%get3A_3195, %get3A_3196] {strides = array<i32>} : memref<16x2048xf32, #tpu.memory_space<vmem>>, vector<1x16xf32>,
        %get3A_3198 = vector.shape_cast %get3A_3197 : vector<1x16xf32> to vector<16xf32>
        %add3A_3199 = arith.addf %add3A_3191, %get3A_3198 : vector<16xf32>
        %mul3A_3200 = arith.constant 16 : i32
        %mul3A_3201 = arith.muli %scan3A_3150, %mul3A_3200 : i32
        %get3A_3202 = arith.constant 6 : i32
        %get3A_3203 = arith.index_cast %get3A_3202 : i32 to index
        %get3A_3204 = arith.index_cast %mul3A_3201 : i32 to index
        %get3A_3205 = tpu.vector_load %arg8[%get3A_3203, %get3A_3204] {strides = array<i32>} : memref<16x2048xf32, #tpu.memory_space<vmem>>, vector<1x16xf32>,
        %get3A_3206 = vector.shape_cast %get3A_3205 : vector<1x16xf32> to vector<16xf32>
        %add3A_3207 = arith.addf %add3A_3199, %get3A_3206 : vector<16xf32>
        %mul3A_3208 = arith.constant 16 : i32
        %mul3A_3209 = arith.muli %scan3A_3150, %mul3A_3208 : i32
        %get3A_3210 = arith.constant 7 : i32
        %get3A_3211 = arith.index_cast %get3A_3210 : i32 to index
        %get3A_3212 = arith.index_cast %mul3A_3209 : i32 to index
        %get3A_3213 = tpu.vector_load %arg8[%get3A_3211, %get3A_3212] {strides = array<i32>} : memref<16x2048xf32, #tpu.memory_space<vmem>>, vector<1x16xf32>,
        %get3A_3214 = vector.shape_cast %get3A_3213 : vector<1x16xf32> to vector<16xf32>
        %add3A_3215 = arith.addf %add3A_3207, %get3A_3214 : vector<16xf32>
        %mul3A_3216 = arith.constant 16 : i32
        %mul3A_3217 = arith.muli %scan3A_3150, %mul3A_3216 : i32
        %get3A_3218 = arith.constant 8 : i32
        %get3A_3219 = arith.index_cast %get3A_3218 : i32 to index
        %get3A_3220 = arith.index_cast %mul3A_3217 : i32 to index
        %get3A_3221 = tpu.vector_load %arg8[%get3A_3219, %get3A_3220] {strides = array<i32>} : memref<16x2048xf32, #tpu.memory_space<vmem>>, vector<1x16xf32>,
        %get3A_3222 = vector.shape_cast %get3A_3221 : vector<1x16xf32> to vector<16xf32>
        %add3A_3223 = arith.addf %add3A_3215, %get3A_3222 : vector<16xf32>
        %mul3A_3224 = arith.constant 16 : i32
        %mul3A_3225 = arith.muli %scan3A_3150, %mul3A_3224 : i32
        %get3A_3226 = arith.constant 9 : i32
        %get3A_3227 = arith.index_cast %get3A_3226 : i32 to index
        %get3A_3228 = arith.index_cast %mul3A_3225 : i32 to index
        %get3A_3229 = tpu.vector_load %arg8[%get3A_3227, %get3A_3228] {strides = array<i32>} : memref<16x2048xf32, #tpu.memory_space<vmem>>, vector<1x16xf32>,
        %get3A_3230 = vector.shape_cast %get3A_3229 : vector<1x16xf32> to vector<16xf32>
        %add3A_3231 = arith.addf %add3A_3223, %get3A_3230 : vector<16xf32>
        %mul3A_3232 = arith.constant 16 : i32
        %mul3A_3233 = arith.muli %scan3A_3150, %mul3A_3232 : i32
        %get3A_3234 = arith.constant 10 : i32
        %get3A_3235 = arith.index_cast %get3A_3234 : i32 to index
        %get3A_3236 = arith.index_cast %mul3A_3233 : i32 to index
        %get3A_3237 = tpu.vector_load %arg8[%get3A_3235, %get3A_3236] {strides = array<i32>} : memref<16x2048xf32, #tpu.memory_space<vmem>>, vector<1x16xf32>,
        %get3A_3238 = vector.shape_cast %get3A_3237 : vector<1x16xf32> to vector<16xf32>
        %add3A_3239 = arith.addf %add3A_3231, %get3A_3238 : vector<16xf32>
        %mul3A_3240 = arith.constant 16 : i32
        %mul3A_3241 = arith.muli %scan3A_3150, %mul3A_3240 : i32
        %get3A_3242 = arith.constant 11 : i32
        %get3A_3243 = arith.index_cast %get3A_3242 : i32 to index
        %get3A_3244 = arith.index_cast %mul3A_3241 : i32 to index
        %get3A_3245 = tpu.vector_load %arg8[%get3A_3243, %get3A_3244] {strides = array<i32>} : memref<16x2048xf32, #tpu.memory_space<vmem>>, vector<1x16xf32>,
        %get3A_3246 = vector.shape_cast %get3A_3245 : vector<1x16xf32> to vector<16xf32>
        %add3A_3247 = arith.addf %add3A_3239, %get3A_3246 : vector<16xf32>
        %mul3A_3248 = arith.constant 16 : i32
        %mul3A_3249 = arith.muli %scan3A_3150, %mul3A_3248 : i32
        %get3A_3250 = arith.constant 12 : i32
        %get3A_3251 = arith.index_cast %get3A_3250 : i32 to index
        %get3A_3252 = arith.index_cast %mul3A_3249 : i32 to index
        %get3A_3253 = tpu.vector_load %arg8[%get3A_3251, %get3A_3252] {strides = array<i32>} : memref<16x2048xf32, #tpu.memory_space<vmem>>, vector<1x16xf32>,
        %get3A_3254 = vector.shape_cast %get3A_3253 : vector<1x16xf32> to vector<16xf32>
        %add3A_3255 = arith.addf %add3A_3247, %get3A_3254 : vector<16xf32>
        %mul3A_3256 = arith.constant 16 : i32
        %mul3A_3257 = arith.muli %scan3A_3150, %mul3A_3256 : i32
        %get3A_3258 = arith.constant 13 : i32
        %get3A_3259 = arith.index_cast %get3A_3258 : i32 to index
        %get3A_3260 = arith.index_cast %mul3A_3257 : i32 to index
        %get3A_3261 = tpu.vector_load %arg8[%get3A_3259, %get3A_3260] {strides = array<i32>} : memref<16x2048xf32, #tpu.memory_space<vmem>>, vector<1x16xf32>,
        %get3A_3262 = vector.shape_cast %get3A_3261 : vector<1x16xf32> to vector<16xf32>
        %add3A_3263 = arith.addf %add3A_3255, %get3A_3262 : vector<16xf32>
        %mul3A_3264 = arith.constant 16 : i32
        %mul3A_3265 = arith.muli %scan3A_3150, %mul3A_3264 : i32
        %get3A_3266 = arith.constant 14 : i32
        %get3A_3267 = arith.index_cast %get3A_3266 : i32 to index
        %get3A_3268 = arith.index_cast %mul3A_3265 : i32 to index
        %get3A_3269 = tpu.vector_load %arg8[%get3A_3267, %get3A_3268] {strides = array<i32>} : memref<16x2048xf32, #tpu.memory_space<vmem>>, vector<1x16xf32>,
        %get3A_3270 = vector.shape_cast %get3A_3269 : vector<1x16xf32> to vector<16xf32>
        %add3A_3271 = arith.addf %add3A_3263, %get3A_3270 : vector<16xf32>
        %mul3A_3272 = arith.constant 16 : i32
        %mul3A_3273 = arith.muli %scan3A_3150, %mul3A_3272 : i32
        %get3A_3274 = arith.constant 15 : i32
        %get3A_3275 = arith.index_cast %get3A_3274 : i32 to index
        %get3A_3276 = arith.index_cast %mul3A_3273 : i32 to index
        %get3A_3277 = tpu.vector_load %arg8[%get3A_3275, %get3A_3276] {strides = array<i32>} : memref<16x2048xf32, #tpu.memory_space<vmem>>, vector<1x16xf32>,
        %get3A_3278 = vector.shape_cast %get3A_3277 : vector<1x16xf32> to vector<16xf32>
        %add3A_3279 = arith.addf %add3A_3271, %get3A_3278 : vector<16xf32>
        scf.yield %add3A_3279 : vector<16xf32>
      }
      %scan3A_3121 = arith.constant 128 : i32
      %add3A_3122 = arith.constant 2 : i32
      %add3A_3123 = arith.addi %add3A_3109, %add3A_3122 : i32
      %lt3A = arith.constant 60 : i32
      %lt3A_3124 = arith.cmpi slt, %add3A_3123, %lt3A : i32
      %convert_element_type3A = arith.extui %lt3A_3124 : i1 to i32
      %cond3A = arith.constant 0 : i32
      %cond3A_3125 = arith.cmpi ne, %convert_element_type3A, %cond3A : i32
      scf.if %cond3A_3125 {
        %add3A_3150 = arith.constant 2 : i32
        %add3A_3151 = arith.addi %add3A_3109, %add3A_3150 : i32
        %mul3A_3152 = arith.constant 16 : i32
        %mul3A_3153 = arith.muli %add3A_3151, %mul3A_3152 : i32
        %add3A_3154 = arith.addi %add3A_3081, %mul3A_3153 : i32
        %dma_start3A_3155 = arith.constant 0 : i32
        %dma_start3A_3156 = tpu.memref_slice %arg3[%add3A_3154, %dma_start3A_3155] : memref<100000x2048xf32, #tpu.memory_space<hbm>> -> memref<16x2048xf32, #tpu.memory_space<hbm>>
        %dma_start3A_3157 = arith.constant 0 : i32
        %dma_start3A_3158 = tpu.memref_slice %arg3[%add3A_3154, %dma_start3A_3157] : memref<100000x2048xf32, #tpu.memory_space<hbm>> -> memref<16x2048xf32, #tpu.memory_space<hbm>>
        tpu.enqueue_dma source(%dma_start3A_3158 : memref<16x2048xf32, #tpu.memory_space<hbm>>) target(%arg8 : memref<16x2048xf32, #tpu.memory_space<vmem>>) target_semaphore(%arg12 : memref<!tpu.dma_semaphore, #tpu.memory_space<semaphore_mem>>)
      } else {
      }
      %mul3A_3126 = arith.constant 2 : i32
      %mul3A_3127 = arith.muli %mul3A_3126, %scan3A_3104 : i32
      %add3A_3128 = arith.constant 1 : i32
      %add3A_3129 = arith.addi %mul3A_3127, %add3A_3128 : i32
      %mul3A_3130 = arith.constant 16 : i32
      %mul3A_3131 = arith.muli %add3A_3129, %mul3A_3130 : i32
      %add3A_3132 = arith.addi %add3A_3081, %mul3A_3131 : i32
      %dma_wait3A_3133 = arith.constant 0 : i32
      %dma_wait3A_3134 = tpu.memref_slice %arg3[%add3A_3132, %dma_wait3A_3133] : memref<100000x2048xf32, #tpu.memory_space<hbm>> -> memref<16x2048xf32, #tpu.memory_space<hbm>>
      %dma_wait3A_3135 = arith.constant 0 : i32
      %dma_wait3A_3136 = tpu.memref_slice %arg3[%add3A_3132, %dma_wait3A_3135] : memref<100000x2048xf32, #tpu.memory_space<hbm>> -> memref<16x2048xf32, #tpu.memory_space<hbm>>
      tpu.wait_dma2 semaphore(%arg13 : memref<!tpu.dma_semaphore, #tpu.memory_space<semaphore_mem>>) src(%dma_wait3A_3136 : memref<16x2048xf32, #tpu.memory_space<hbm>>) dst(%arg9 : memref<16x2048xf32, #tpu.memory_space<vmem>>)
      %scan3A_3137 = arith.constant 0 : i32
      %scan3A_3138 = arith.constant 128 : i32
      %scan3A_3139 = arith.addi %scan3A_3137, %scan3A_3138 : i32
      %scan3A_3140 = arith.constant 1 : i32
      %scan3A_3141 = scf.for %scan3A_3150 = %scan3A_3137 to %scan3A_3139 step %scan3A_3140 iter_args(%scan3A_3151 = %scan3A_3120) -> (vector<16xf32>)  : i32 {
        %mul3A_3152 = arith.constant 16 : i32
        %mul3A_3153 = arith.muli %scan3A_3150, %mul3A_3152 : i32
        %get3A_3154 = arith.constant 0 : i32
        %get3A_3155 = arith.index_cast %get3A_3154 : i32 to index
        %get3A_3156 = arith.index_cast %mul3A_3153 : i32 to index
        %get3A_3157 = tpu.vector_load %arg9[%get3A_3155, %get3A_3156] {strides = array<i32>} : memref<16x2048xf32, #tpu.memory_space<vmem>>, vector<1x16xf32>,
        %get3A_3158 = vector.shape_cast %get3A_3157 : vector<1x16xf32> to vector<16xf32>
        %add3A_3159 = arith.addf %scan3A_3151, %get3A_3158 : vector<16xf32>
        %mul3A_3160 = arith.constant 16 : i32
        %mul3A_3161 = arith.muli %scan3A_3150, %mul3A_3160 : i32
        %get3A_3162 = arith.constant 1 : i32
        %get3A_3163 = arith.index_cast %get3A_3162 : i32 to index
        %get3A_3164 = arith.index_cast %mul3A_3161 : i32 to index
        %get3A_3165 = tpu.vector_load %arg9[%get3A_3163, %get3A_3164] {strides = array<i32>} : memref<16x2048xf32, #tpu.memory_space<vmem>>, vector<1x16xf32>,
        %get3A_3166 = vector.shape_cast %get3A_3165 : vector<1x16xf32> to vector<16xf32>
        %add3A_3167 = arith.addf %add3A_3159, %get3A_3166 : vector<16xf32>
        %mul3A_3168 = arith.constant 16 : i32
        %mul3A_3169 = arith.muli %scan3A_3150, %mul3A_3168 : i32
        %get3A_3170 = arith.constant 2 : i32
        %get3A_3171 = arith.index_cast %get3A_3170 : i32 to index
        %get3A_3172 = arith.index_cast %mul3A_3169 : i32 to index
        %get3A_3173 = tpu.vector_load %arg9[%get3A_3171, %get3A_3172] {strides = array<i32>} : memref<16x2048xf32, #tpu.memory_space<vmem>>, vector<1x16xf32>,
        %get3A_3174 = vector.shape_cast %get3A_3173 : vector<1x16xf32> to vector<16xf32>
        %add3A_3175 = arith.addf %add3A_3167, %get3A_3174 : vector<16xf32>
        %mul3A_3176 = arith.constant 16 : i32
        %mul3A_3177 = arith.muli %scan3A_3150, %mul3A_3176 : i32
        %get3A_3178 = arith.constant 3 : i32
        %get3A_3179 = arith.index_cast %get3A_3178 : i32 to index
        %get3A_3180 = arith.index_cast %mul3A_3177 : i32 to index
        %get3A_3181 = tpu.vector_load %arg9[%get3A_3179, %get3A_3180] {strides = array<i32>} : memref<16x2048xf32, #tpu.memory_space<vmem>>, vector<1x16xf32>,
        %get3A_3182 = vector.shape_cast %get3A_3181 : vector<1x16xf32> to vector<16xf32>
        %add3A_3183 = arith.addf %add3A_3175, %get3A_3182 : vector<16xf32>
        %mul3A_3184 = arith.constant 16 : i32
        %mul3A_3185 = arith.muli %scan3A_3150, %mul3A_3184 : i32
        %get3A_3186 = arith.constant 4 : i32
        %get3A_3187 = arith.index_cast %get3A_3186 : i32 to index
        %get3A_3188 = arith.index_cast %mul3A_3185 : i32 to index
        %get3A_3189 = tpu.vector_load %arg9[%get3A_3187, %get3A_3188] {strides = array<i32>} : memref<16x2048xf32, #tpu.memory_space<vmem>>, vector<1x16xf32>,
        %get3A_3190 = vector.shape_cast %get3A_3189 : vector<1x16xf32> to vector<16xf32>
        %add3A_3191 = arith.addf %add3A_3183, %get3A_3190 : vector<16xf32>
        %mul3A_3192 = arith.constant 16 : i32
        %mul3A_3193 = arith.muli %scan3A_3150, %mul3A_3192 : i32
        %get3A_3194 = arith.constant 5 : i32
        %get3A_3195 = arith.index_cast %get3A_3194 : i32 to index
        %get3A_3196 = arith.index_cast %mul3A_3193 : i32 to index
        %get3A_3197 = tpu.vector_load %arg9[%get3A_3195, %get3A_3196] {strides = array<i32>} : memref<16x2048xf32, #tpu.memory_space<vmem>>, vector<1x16xf32>,
        %get3A_3198 = vector.shape_cast %get3A_3197 : vector<1x16xf32> to vector<16xf32>
        %add3A_3199 = arith.addf %add3A_3191, %get3A_3198 : vector<16xf32>
        %mul3A_3200 = arith.constant 16 : i32
        %mul3A_3201 = arith.muli %scan3A_3150, %mul3A_3200 : i32
        %get3A_3202 = arith.constant 6 : i32
        %get3A_3203 = arith.index_cast %get3A_3202 : i32 to index
        %get3A_3204 = arith.index_cast %mul3A_3201 : i32 to index
        %get3A_3205 = tpu.vector_load %arg9[%get3A_3203, %get3A_3204] {strides = array<i32>} : memref<16x2048xf32, #tpu.memory_space<vmem>>, vector<1x16xf32>,
        %get3A_3206 = vector.shape_cast %get3A_3205 : vector<1x16xf32> to vector<16xf32>
        %add3A_3207 = arith.addf %add3A_3199, %get3A_3206 : vector<16xf32>
        %mul3A_3208 = arith.constant 16 : i32
        %mul3A_3209 = arith.muli %scan3A_3150, %mul3A_3208 : i32
        %get3A_3210 = arith.constant 7 : i32
        %get3A_3211 = arith.index_cast %get3A_3210 : i32 to index
        %get3A_3212 = arith.index_cast %mul3A_3209 : i32 to index
        %get3A_3213 = tpu.vector_load %arg9[%get3A_3211, %get3A_3212] {strides = array<i32>} : memref<16x2048xf32, #tpu.memory_space<vmem>>, vector<1x16xf32>,
        %get3A_3214 = vector.shape_cast %get3A_3213 : vector<1x16xf32> to vector<16xf32>
        %add3A_3215 = arith.addf %add3A_3207, %get3A_3214 : vector<16xf32>
        %mul3A_3216 = arith.constant 16 : i32
        %mul3A_3217 = arith.muli %scan3A_3150, %mul3A_3216 : i32
        %get3A_3218 = arith.constant 8 : i32
        %get3A_3219 = arith.index_cast %get3A_3218 : i32 to index
        %get3A_3220 = arith.index_cast %mul3A_3217 : i32 to index
        %get3A_3221 = tpu.vector_load %arg9[%get3A_3219, %get3A_3220] {strides = array<i32>} : memref<16x2048xf32, #tpu.memory_space<vmem>>, vector<1x16xf32>,
        %get3A_3222 = vector.shape_cast %get3A_3221 : vector<1x16xf32> to vector<16xf32>
        %add3A_3223 = arith.addf %add3A_3215, %get3A_3222 : vector<16xf32>
        %mul3A_3224 = arith.constant 16 : i32
        %mul3A_3225 = arith.muli %scan3A_3150, %mul3A_3224 : i32
        %get3A_3226 = arith.constant 9 : i32
        %get3A_3227 = arith.index_cast %get3A_3226 : i32 to index
        %get3A_3228 = arith.index_cast %mul3A_3225 : i32 to index
        %get3A_3229 = tpu.vector_load %arg9[%get3A_3227, %get3A_3228] {strides = array<i32>} : memref<16x2048xf32, #tpu.memory_space<vmem>>, vector<1x16xf32>,
        %get3A_3230 = vector.shape_cast %get3A_3229 : vector<1x16xf32> to vector<16xf32>
        %add3A_3231 = arith.addf %add3A_3223, %get3A_3230 : vector<16xf32>
        %mul3A_3232 = arith.constant 16 : i32
        %mul3A_3233 = arith.muli %scan3A_3150, %mul3A_3232 : i32
        %get3A_3234 = arith.constant 10 : i32
        %get3A_3235 = arith.index_cast %get3A_3234 : i32 to index
        %get3A_3236 = arith.index_cast %mul3A_3233 : i32 to index
        %get3A_3237 = tpu.vector_load %arg9[%get3A_3235, %get3A_3236] {strides = array<i32>} : memref<16x2048xf32, #tpu.memory_space<vmem>>, vector<1x16xf32>,
        %get3A_3238 = vector.shape_cast %get3A_3237 : vector<1x16xf32> to vector<16xf32>
        %add3A_3239 = arith.addf %add3A_3231, %get3A_3238 : vector<16xf32>
        %mul3A_3240 = arith.constant 16 : i32
        %mul3A_3241 = arith.muli %scan3A_3150, %mul3A_3240 : i32
        %get3A_3242 = arith.constant 11 : i32
        %get3A_3243 = arith.index_cast %get3A_3242 : i32 to index
        %get3A_3244 = arith.index_cast %mul3A_3241 : i32 to index
        %get3A_3245 = tpu.vector_load %arg9[%get3A_3243, %get3A_3244] {strides = array<i32>} : memref<16x2048xf32, #tpu.memory_space<vmem>>, vector<1x16xf32>,
        %get3A_3246 = vector.shape_cast %get3A_3245 : vector<1x16xf32> to vector<16xf32>
        %add3A_3247 = arith.addf %add3A_3239, %get3A_3246 : vector<16xf32>
        %mul3A_3248 = arith.constant 16 : i32
        %mul3A_3249 = arith.muli %scan3A_3150, %mul3A_3248 : i32
        %get3A_3250 = arith.constant 12 : i32
        %get3A_3251 = arith.index_cast %get3A_3250 : i32 to index
        %get3A_3252 = arith.index_cast %mul3A_3249 : i32 to index
        %get3A_3253 = tpu.vector_load %arg9[%get3A_3251, %get3A_3252] {strides = array<i32>} : memref<16x2048xf32, #tpu.memory_space<vmem>>, vector<1x16xf32>,
        %get3A_3254 = vector.shape_cast %get3A_3253 : vector<1x16xf32> to vector<16xf32>
        %add3A_3255 = arith.addf %add3A_3247, %get3A_3254 : vector<16xf32>
        %mul3A_3256 = arith.constant 16 : i32
        %mul3A_3257 = arith.muli %scan3A_3150, %mul3A_3256 : i32
        %get3A_3258 = arith.constant 13 : i32
        %get3A_3259 = arith.index_cast %get3A_3258 : i32 to index
        %get3A_3260 = arith.index_cast %mul3A_3257 : i32 to index
        %get3A_3261 = tpu.vector_load %arg9[%get3A_3259, %get3A_3260] {strides = array<i32>} : memref<16x2048xf32, #tpu.memory_space<vmem>>, vector<1x16xf32>,
        %get3A_3262 = vector.shape_cast %get3A_3261 : vector<1x16xf32> to vector<16xf32>
        %add3A_3263 = arith.addf %add3A_3255, %get3A_3262 : vector<16xf32>
        %mul3A_3264 = arith.constant 16 : i32
        %mul3A_3265 = arith.muli %scan3A_3150, %mul3A_3264 : i32
        %get3A_3266 = arith.constant 14 : i32
        %get3A_3267 = arith.index_cast %get3A_3266 : i32 to index
        %get3A_3268 = arith.index_cast %mul3A_3265 : i32 to index
        %get3A_3269 = tpu.vector_load %arg9[%get3A_3267, %get3A_3268] {strides = array<i32>} : memref<16x2048xf32, #tpu.memory_space<vmem>>, vector<1x16xf32>,
        %get3A_3270 = vector.shape_cast %get3A_3269 : vector<1x16xf32> to vector<16xf32>
        %add3A_3271 = arith.addf %add3A_3263, %get3A_3270 : vector<16xf32>
        %mul3A_3272 = arith.constant 16 : i32
        %mul3A_3273 = arith.muli %scan3A_3150, %mul3A_3272 : i32
        %get3A_3274 = arith.constant 15 : i32
        %get3A_3275 = arith.index_cast %get3A_3274 : i32 to index
        %get3A_3276 = arith.index_cast %mul3A_3273 : i32 to index
        %get3A_3277 = tpu.vector_load %arg9[%get3A_3275, %get3A_3276] {strides = array<i32>} : memref<16x2048xf32, #tpu.memory_space<vmem>>, vector<1x16xf32>,
        %get3A_3278 = vector.shape_cast %get3A_3277 : vector<1x16xf32> to vector<16xf32>
        %add3A_3279 = arith.addf %add3A_3271, %get3A_3278 : vector<16xf32>
        scf.yield %add3A_3279 : vector<16xf32>
      }
      %scan3A_3142 = arith.constant 128 : i32
      %add3A_3143 = arith.constant 2 : i32
      %add3A_3144 = arith.addi %add3A_3129, %add3A_3143 : i32
      %lt3A_3145 = arith.constant 60 : i32
      %lt3A_3146 = arith.cmpi slt, %add3A_3144, %lt3A_3145 : i32
      %convert_element_type3A_3147 = arith.extui %lt3A_3146 : i1 to i32
      %cond3A_3148 = arith.constant 0 : i32
      %cond3A_3149 = arith.cmpi ne, %convert_element_type3A_3147, %cond3A_3148 : i32
      scf.if %cond3A_3149 {
        %add3A_3150 = arith.constant 2 : i32
        %add3A_3151 = arith.addi %add3A_3129, %add3A_3150 : i32
        %mul3A_3152 = arith.constant 16 : i32
        %mul3A_3153 = arith.muli %add3A_3151, %mul3A_3152 : i32
        %add3A_3154 = arith.addi %add3A_3081, %mul3A_3153 : i32
        %dma_start3A_3155 = arith.constant 0 : i32
        %dma_start3A_3156 = tpu.memref_slice %arg3[%add3A_3154, %dma_start3A_3155] : memref<100000x2048xf32, #tpu.memory_space<hbm>> -> memref<16x2048xf32, #tpu.memory_space<hbm>>
        %dma_start3A_3157 = arith.constant 0 : i32
        %dma_start3A_3158 = tpu.memref_slice %arg3[%add3A_3154, %dma_start3A_3157] : memref<100000x2048xf32, #tpu.memory_space<hbm>> -> memref<16x2048xf32, #tpu.memory_space<hbm>>
        tpu.enqueue_dma source(%dma_start3A_3158 : memref<16x2048xf32, #tpu.memory_space<hbm>>) target(%arg9 : memref<16x2048xf32, #tpu.memory_space<vmem>>) target_semaphore(%arg13 : memref<!tpu.dma_semaphore, #tpu.memory_space<semaphore_mem>>)
      } else {
      }
      scf.yield %scan3A_3141 : vector<16xf32>
    }
    %scan3A_3099 = arith.constant 30 : i32
    %swap3A_3100 = arith.constant 0 : index
    %swap3A_3101 = tpu.vector_load %arg10[%swap3A_3100] {strides = array<i32>} : memref<16xf32, #tpu.memory_space<vmem>>, vector<16xf32>,
    %swap3A_3102 = vector.shape_cast %swap3A_3101 : vector<16xf32> to vector<16xf32>
    %swap3A_3103 = vector.shape_cast %scan3A_3098 : vector<16xf32> to vector<16xf32>
    tpu.vector_store %arg10[%swap3A_3100], %swap3A_3103 {strides = array<i32>} : memref<16xf32, #tpu.memory_space<vmem>>, vector<16xf32>,
    "tpu.region"() ({
      %run_scoped3A = tpu.sem_alloc : memref<!tpu.dma_semaphore, #tpu.memory_space<semaphore_mem>>
      %dma_start3A_3104 = arith.constant 0 : i32
      %dma_start3A_3105 = tpu.memref_slice %arg4[%add3A, %dma_start3A_3104] : memref<32x16xf32, #tpu.memory_space<hbm>> -> memref<1x16xf32, #tpu.memory_space<hbm>>
      %dma_start3A_3106 = tpu.memref_squeeze %dma_start3A_3105 : memref<1x16xf32, #tpu.memory_space<hbm>> -> memref<16xf32, #tpu.memory_space<hbm>>
      %dma_start3A_3107 = arith.constant 0 : i32
      %dma_start3A_3108 = tpu.memref_slice %arg4[%add3A, %dma_start3A_3107] : memref<32x16xf32, #tpu.memory_space<hbm>> -> memref<1x16xf32, #tpu.memory_space<hbm>>
      %dma_start3A_3109 = tpu.memref_squeeze %dma_start3A_3108 : memref<1x16xf32, #tpu.memory_space<hbm>> -> memref<16xf32, #tpu.memory_space<hbm>>
      tpu.enqueue_dma source(%arg10 : memref<16xf32, #tpu.memory_space<vmem>>) target(%dma_start3A_3109 : memref<16xf32, #tpu.memory_space<hbm>>) target_semaphore(%run_scoped3A : memref<!tpu.dma_semaphore, #tpu.memory_space<semaphore_mem>>)
      %dma_wait3A = arith.constant 0 : i32
      %dma_wait3A_3110 = tpu.memref_slice %arg4[%add3A, %dma_wait3A] : memref<32x16xf32, #tpu.memory_space<hbm>> -> memref<1x16xf32, #tpu.memory_space<hbm>>
      %dma_wait3A_3111 = tpu.memref_squeeze %dma_wait3A_3110 : memref<1x16xf32, #tpu.memory_space<hbm>> -> memref<16xf32, #tpu.memory_space<hbm>>
      %dma_wait3A_3112 = arith.constant 0 : i32
      %dma_wait3A_3113 = tpu.memref_slice %arg4[%add3A, %dma_wait3A_3112] : memref<32x16xf32, #tpu.memory_space<hbm>> -> memref<1x16xf32, #tpu.memory_space<hbm>>
      %dma_wait3A_3114 = tpu.memref_squeeze %dma_wait3A_3113 : memref<1x16xf32, #tpu.memory_space<hbm>> -> memref<16xf32, #tpu.memory_space<hbm>>
      tpu.wait_dma2 semaphore(%run_scoped3A : memref<!tpu.dma_semaphore, #tpu.memory_space<semaphore_mem>>) src(%arg10 : memref<16xf32, #tpu.memory_space<vmem>>) dst(%dma_wait3A_3114 : memref<16xf32, #tpu.memory_space<hbm>>)
      tpu.yield
    }) : () -> ()
    return
  }
}

module attributes {stable_mosaic.version = 14 : i64} {
  func.func @_tc_body(%arg0: i32, %arg1: memref<1x2048xi32, #tpu.memory_space<vmem>>, %arg2: memref<3464x2048xf32, #tpu.memory_space<vmem>>, %arg3: memref<1x1xf32, #tpu.memory_space<vmem>>, %arg4: memref<1x1xf32, #tpu.memory_space<vmem>>) attributes {dimension_semantics = [#tpu.dimension_semantics<arbitrary>], iteration_bounds = array<i64: 20>, scalar_prefetch = 0 : i64, scratch_operands = 0 : i64, tpu.core_type = #tpu.core_type<tc>, window_params = [{pipeline_mode = #tpu.pipeline_mode<synchronous>, transform_indices = @transform_0, window_bounds = array<i64: 1, 2048>}, {transform_indices = @transform_1, window_bounds = array<i64: 3464, 2048>}, {pipeline_mode = #tpu.pipeline_mode<synchronous>, transform_indices = @transform_2, window_bounds = array<i64: 1, 1>}, {pipeline_mode = #tpu.pipeline_mode<synchronous>, transform_indices = @transform_3, window_bounds = array<i64: 1, 1>}]} {
    %eq3A = arith.constant 0 : i32
    %eq3A_0 = arith.cmpi eq, %arg0, %eq3A : i32
    %convert_element_type3A = arith.extui %eq3A_0 : i1 to i32
    %cond3A = arith.constant 0 : i32
    %cond3A_1 = arith.cmpi ne, %convert_element_type3A, %cond3A : i32
    scf.if %cond3A_1 {
      %broadcast_in_dim3A_35 = arith.constant 0.000000e+00 : f32
      %broadcast_in_dim3A_36 = vector.broadcast %broadcast_in_dim3A_35 : f32 to vector<1x1xf32>
      %swap3A_37 = arith.constant 0 : index
      %swap3A_38 = arith.constant 0 : index
      %swap3A_39 = vector.load %arg3[%swap3A_37, %swap3A_38] : memref<1x1xf32, #tpu.memory_space<vmem>>, vector<1x1xf32>
      tpu.vector_store %arg3[%swap3A_37, %swap3A_38], %broadcast_in_dim3A_36 {strides = array<i32>} : memref<1x1xf32, #tpu.memory_space<vmem>>, vector<1x1xf32>,
      %broadcast_in_dim3A_40 = arith.constant 0.000000e+00 : f32
      %broadcast_in_dim3A_41 = vector.broadcast %broadcast_in_dim3A_40 : f32 to vector<1x1xf32>
      %swap3A_42 = arith.constant 0 : index
      %swap3A_43 = arith.constant 0 : index
      %swap3A_44 = vector.load %arg4[%swap3A_42, %swap3A_43] : memref<1x1xf32, #tpu.memory_space<vmem>>, vector<1x1xf32>
      tpu.vector_store %arg4[%swap3A_42, %swap3A_43], %broadcast_in_dim3A_41 {strides = array<i32>} : memref<1x1xf32, #tpu.memory_space<vmem>>, vector<1x1xf32>,
    } else {
    }
    %get3A = arith.constant 0 : index
    %get3A_2 = arith.constant 0 : index
    %get3A_3 = vector.load %arg2[%get3A, %get3A_2] : memref<3464x2048xf32, #tpu.memory_space<vmem>>, vector<3464x2048xf32>
    %mul3A = arith.constant 3464 : i32
    %mul3A_4 = arith.muli %arg0, %mul3A : i32
    %iota3A = tpu.iota {dimensions = array<i32: 0>} : vector<3464x1xi32>
    %add3A = vector.broadcast %mul3A_4 : i32 to vector<3464x1xi32>
    %add3A_5 = arith.addi %add3A, %iota3A : vector<3464x1xi32>
    %get3A_6 = arith.constant 0 : index
    %get3A_7 = arith.constant 0 : index
    %get3A_8 = vector.load %arg1[%get3A_6, %get3A_7] : memref<1x2048xi32, #tpu.memory_space<vmem>>, vector<1x2048xi32>
    %eq3A_9 = vector.broadcast %add3A_5 : vector<3464x1xi32> to vector<3464x2048xi32>
    %eq3A_10 = vector.broadcast %get3A_8 : vector<1x2048xi32> to vector<3464x2048xi32>
    %eq3A_11 = arith.cmpi eq, %eq3A_9, %eq3A_10 : vector<3464x2048xi32>
    %get3A_12 = arith.constant 0 : index
    %get3A_13 = arith.constant 0 : index
    %get3A_14 = vector.load %arg3[%get3A_12, %get3A_13] : memref<1x1xf32, #tpu.memory_space<vmem>>, vector<1x1xf32>
    %reduce_sum3A = vector.shape_cast %get3A_3 : vector<3464x2048xf32> to vector<1x3464x2048xf32>
    %reduce_sum3A_15 = arith.constant dense<0.000000e+00> : vector<1xf32>
    %reduce_sum3A_16 = vector.multi_reduction <add>, %reduce_sum3A, %reduce_sum3A_15 [1, 2] : vector<1x3464x2048xf32> to vector<1xf32>
    %reduce_sum3A_17 = vector.shape_cast %reduce_sum3A_16 : vector<1xf32> to vector<1x1x1xf32>
    %reduce_sum3A_18 = vector.extract %reduce_sum3A_17[0, 0, 0] : f32 from vector<1x1x1xf32>
    %reshape3A = vector.broadcast %reduce_sum3A_18 : f32 to vector<1x1xf32>
    %add3A_19 = arith.addf %get3A_14, %reshape3A : vector<1x1xf32>
    %swap3A = arith.constant 0 : index
    %swap3A_20 = arith.constant 0 : index
    %swap3A_21 = vector.load %arg3[%swap3A, %swap3A_20] : memref<1x1xf32, #tpu.memory_space<vmem>>, vector<1x1xf32>
    tpu.vector_store %arg3[%swap3A, %swap3A_20], %add3A_19 {strides = array<i32>} : memref<1x1xf32, #tpu.memory_space<vmem>>, vector<1x1xf32>,
    %get3A_22 = arith.constant 0 : index
    %get3A_23 = arith.constant 0 : index
    %get3A_24 = vector.load %arg4[%get3A_22, %get3A_23] : memref<1x1xf32, #tpu.memory_space<vmem>>, vector<1x1xf32>
    %jit3A = arith.constant 0.000000e+00 : f32
    %broadcast_in_dim3A = vector.broadcast %jit3A : f32 to vector<3464x2048xf32>
    %select_n3A = arith.select %eq3A_11, %get3A_3, %broadcast_in_dim3A : vector<3464x2048xi1>, vector<3464x2048xf32>
    %reduce_sum3A_25 = vector.shape_cast %select_n3A : vector<3464x2048xf32> to vector<1x3464x2048xf32>
    %reduce_sum3A_26 = arith.constant dense<0.000000e+00> : vector<1xf32>
    %reduce_sum3A_27 = vector.multi_reduction <add>, %reduce_sum3A_25, %reduce_sum3A_26 [1, 2] : vector<1x3464x2048xf32> to vector<1xf32>
    %reduce_sum3A_28 = vector.shape_cast %reduce_sum3A_27 : vector<1xf32> to vector<1x1x1xf32>
    %reduce_sum3A_29 = vector.extract %reduce_sum3A_28[0, 0, 0] : f32 from vector<1x1x1xf32>
    %reshape3A_30 = vector.broadcast %reduce_sum3A_29 : f32 to vector<1x1xf32>
    %add3A_31 = arith.addf %get3A_24, %reshape3A_30 : vector<1x1xf32>
    %swap3A_32 = arith.constant 0 : index
    %swap3A_33 = arith.constant 0 : index
    %swap3A_34 = vector.load %arg4[%swap3A_32, %swap3A_33] : memref<1x1xf32, #tpu.memory_space<vmem>>, vector<1x1xf32>
    tpu.vector_store %arg4[%swap3A_32, %swap3A_33], %add3A_31 {strides = array<i32>} : memref<1x1xf32, #tpu.memory_space<vmem>>, vector<1x1xf32>,
    return
  }
  func.func @transform_0(%arg0: i32) -> (i32, i32) {
    %c0_i32 = arith.constant 0 : i32
    %c0_i32_0 = arith.constant 0 : i32
    %c0_i32_1 = arith.constant 0 : i32
    return %c0_i32, %c0_i32_0 : i32, i32
  }
  func.func @transform_1(%arg0: i32) -> (i32, i32) {
    %c0_i32 = arith.constant 0 : i32
    %c0_i32_0 = arith.constant 0 : i32
    return %arg0, %c0_i32 : i32, i32
  }
  func.func @transform_2(%arg0: i32) -> (i32, i32) {
    %c0_i32 = arith.constant 0 : i32
    %c0_i32_0 = arith.constant 0 : i32
    %c0_i32_1 = arith.constant 0 : i32
    return %c0_i32, %c0_i32_0 : i32, i32
  }
  func.func @transform_3(%arg0: i32) -> (i32, i32) {
    %c0_i32 = arith.constant 0 : i32
    %c0_i32_0 = arith.constant 0 : i32
    %c0_i32_1 = arith.constant 0 : i32
    return %c0_i32, %c0_i32_0 : i32, i32
  }
}

</mosaic_0001>

<sc_bundles>
// kernel: kernel.4.cloned.1.call-start
scs
__scs_entry_jumppad:
0x0: {  	(pc) =	sbr.rel $0x88, $3  }
0x1: {  	(tag) =	ssettag $0x0;
	lr =	simm.s32 $0x1  }
0x2: {  	[smem:$0x3F9F] =	sst lr;
	_ =	strace $0xD0000000  }
0x3: {  	_ = 	snop  }
0x4: {  	_ = 	snop  }
0x5: {  	_ = 	snop  }
0x6: {  	_ = 	snop  }
0x7: {  	_ = 	snop  }
__scs_overlays_trampoline_lowered:
0x8: {  	[smem:$0x3FAE] =	sst s0  }
0x9: {  	[smem:$0x3FAF] =	sst s1  }
0xa: {  	[smem:$0x3FB0] =	sst s2  }
0xb: {  	[smem:$0x3FB1] =	sst s3  }
0xc: {  	[smem:$0x3FB2] =	sst s4  }
0xd: {  	[smem:$0x3FB3] =	sst s5  }
0xe: {  	[smem:$0x3FB4] =	sst s6  }
0xf: {  	[smem:$0x3FB5] =	sst s7  }
0x10: {  	[smem:$0x3FB6] =	sst s8  }
0x11: {  	[smem:$0x3FB7] =	sst s9;
	s0 =	simm.s32 @!p0 $0x0  }
0x12: {  	s1 =	sld [smem:$0x3F9D];
	s0 =	simm.s32 @p0 $0x1  }
0x13: {  	[smem:$0x3FB8] =	sst s0;
	s0 =	simm.s32 @!p1 $0x0  }
0x14: {  	s2 =	sld [smem:$0x3F9C];
	s0 =	simm.s32 @p1 $0x1  }
0x15: {  	[smem:$0x3FB9] =	sst s0;
	s0 =	simm.s32 @!p2 $0x0  }
0x16: {  	s3 =	sld [smem:$0x3FDB];
	s0 =	simm.s32 @p2 $0x1  }
0x17: {  	s4 =	simm.s32 $0x1BF5;
	[smem:$0x3FBB] =	sst s0  }
0x18: {  	s0 =	sld [smem:$0x3F9E];
	_ =	swait.ge [sflag:s4], $0x0  }
0x19: {  	s7 =	sld [smem:$0x3F9F]  }
0x1a: {  	s8 =	sadd.s32 $0xFFFFE003, lr  }
0x1b: {  	s9 =	sadd.s32 $0xFFFFFEF7, lr;
	s5 =	simm.s32 $0xFFFFFFFF;
	p2 =	slt.u32 s8, $0xFFFFF086  }
0x1c: {  	p1 =	slt.u32 s9, $0xF7A;
	s5 =	simm.s32 @!p2 $0x0  }
0x1d: {  	s5 =	simm.s32 @p1 $0x1;
	p0 =	seq.s32 s7, s2  }
0x1e: {  	s7 =	smul.u32 @!p0 $0xF7A, s2;
	p2 =	seq.s32 @!p0 s5, $0x0  }
0x1f: {  	s9 =	smul.u32 $0xF7A, s1;
	s8 =	simm.s32 @!p0 $0x1BF5;
	p2 =	por !p2, p0  }
0x20: {  	[sflag:s8] =	ssyncset.s32 @!p0 $0xFFFFF086;
	s6 =	sadd.s32 @!p0 s3, s7;
	s7 =	simm.s32 @!p0 $0x108  }
0x21: {  	s3 =	sadd.s32 s3, s9;
	s6 =	sadd.s32 @!p0 $0x88, s6;
	s7 =	simm.s32 @p2 $0x1082  }
0x22: {  	[simem:s7], [sflag:s8] =	dma.local @!p0 [hbm:s6], $0xF7A  }
0x23: {  	s9 =	sor.u32 $0xD0000000, s2;
	s6 =	simm.s32 $0x108;
	_ =	swait.ge @!p0 [sflag:s8], $0x0  }
0x24: {  	s3 =	sadd.s32 $0x88, s3;
	s6 =	simm.s32 @!p1 $0x1082;
	[sflag:s4] =	ssyncset.s32 $0xFFFFF086  }
0x25: {  	[simem:s6], [sflag:s4] =	dma.local [hbm:s3], $0xF7A  }
0x26: {  	[smem:$0x3F9F] =	sst s1;
	(tag) =	ssettag s2;
	_ =	strace s9  }
0x27: {  	s1 =	sld [smem:$0x3FAF]  }
0x28: {  	s2 =	sld [smem:$0x3FB0]  }
0x29: {  	s4 =	sld [smem:$0x3FB2]  }
0x2a: {  	p0 =	seq.s32 s5, $0x0;
	s5 =	sld [smem:$0x3FB3]  }
0x2b: {  	s6 =	sld [smem:$0x3FB4]  }
0x2c: {  	s7 =	sld [smem:$0x3FB5]  }
0x2d: {  	s3 =	simm.s32 $0x108;
	s8 =	sld [smem:$0x3FB6]  }
0x2e: {  	s3 =	simm.s32 @!p0 $0x1082;
	s9 =	sld [smem:$0x3FB7]  }
0x2f: {  	lr =	sadd.s32 s0, s3;
	s0 =	sld [smem:$0x3FAE]  }
0x30: {  	s3 =	sld [smem:$0x3FB1]  }
0x31: {  	[smem:$0x3FBA] =	sst s10  }
0x32: {  	s10 =	sld [smem:$0x3FB8];
	_ =	sdelay $0x3  }
0x33: {  	p0 =	seq.s32 s10, $0x1;
	s10 =	sld [smem:$0x3FBA];
	_ =	sdelay $0x3  }
0x34: {  	[smem:$0x3FBA] =	sst s10  }
0x35: {  	s10 =	sld [smem:$0x3FB9];
	_ =	sdelay $0x3  }
0x36: {  	p1 =	seq.s32 s10, $0x1;
	s10 =	sld [smem:$0x3FBA];
	_ =	sdelay $0x3  }
0x37: {  	[smem:$0x3FBA] =	sst s10  }
0x38: {  	s10 =	sld [smem:$0x3FBB]  }
0x39: {  	_ = 	snop;
	(pc) =	sbr.ind lr, $3  }
0x3a: {  	_ = 	snop  }
0x3b: {  	_ = 	snop  }
0x3c: {  	p2 =	seq.s32 s10, $0x1;
	s10 =	sld [smem:$0x3FBA]  }
0x3d: {  	_ =	shalt  }
0x3e: {  	_ =	shalt  }
0x3f: {  	_ =	shalt  }
0x40: {  	_ =	shalt  }
0x41: {  	_ =	shalt  }
0x42: {  	_ =	shalt  }
0x43: {  	_ =	shalt  }
0x44: {  	_ =	shalt  }
0x45: {  	_ =	shalt  }
0x46: {  	_ =	shalt  }
0x47: {  	_ =	shalt  }
0x48: {  	_ =	shalt  }
0x49: {  	_ =	shalt  }
0x4a: {  	_ =	shalt  }
0x4b: {  	_ =	shalt  }
0x4c: {  	_ =	shalt  }
0x4d: {  	_ =	shalt  }
0x4e: {  	_ =	shalt  }
0x4f: {  	_ =	shalt  }
0x50: {  	_ =	shalt  }
0x51: {  	_ =	shalt  }
0x52: {  	_ =	shalt  }
0x53: {  	_ =	shalt  }
0x54: {  	_ =	shalt  }
0x55: {  	_ =	shalt  }
0x56: {  	_ =	shalt  }
0x57: {  	_ =	shalt  }
0x58: {  	_ =	shalt  }
0x59: {  	_ =	shalt  }
0x5a: {  	_ =	shalt  }
0x5b: {  	_ =	shalt  }
0x5c: {  	_ =	shalt  }
0x5d: {  	_ =	shalt  }
0x5e: {  	_ =	shalt  }
0x5f: {  	_ =	shalt  }
0x60: {  	_ =	shalt  }
0x61: {  	_ =	shalt  }
0x62: {  	_ =	shalt  }
0x63: {  	_ =	shalt  }
0x64: {  	_ =	shalt  }
0x65: {  	_ =	shalt  }
0x66: {  	_ =	shalt  }
0x67: {  	_ =	shalt  }
0x68: {  	_ =	shalt  }
0x69: {  	_ =	shalt  }
0x6a: {  	_ =	shalt  }
0x6b: {  	_ =	shalt  }
0x6c: {  	_ =	shalt  }
0x6d: {  	_ =	shalt  }
0x6e: {  	_ =	shalt  }
0x6f: {  	_ =	shalt  }
0x70: {  	_ =	shalt  }
0x71: {  	_ =	shalt  }
0x72: {  	_ =	shalt  }
0x73: {  	_ =	shalt  }
0x74: {  	_ =	shalt  }
0x75: {  	_ =	shalt  }
0x76: {  	_ =	shalt  }
0x77: {  	_ =	shalt  }
0x78: {  	_ =	shalt  }
0x79: {  	_ =	shalt  }
0x7a: {  	_ =	shalt  }
0x7b: {  	_ =	shalt  }
0x7c: {  	_ =	shalt  }
0x7d: {  	_ =	shalt  }
0x7e: {  	_ =	shalt  }
0x7f: {  	_ =	shalt  }
0x80: {  	_ =	shalt  }
0x81: {  	_ =	shalt  }
0x82: {  	_ =	shalt  }
0x83: {  	_ =	shalt  }
0x84: {  	_ =	shalt  }
0x85: {  	_ =	shalt  }
0x86: {  	_ =	shalt  }
0x87: {  	_ =	shalt  }
.Lfunc_end0:
.L_simem_size_0:
called_computation_lowered:
.L_overlay_start_0:
0x88: {  	s2 =	sld [smem:$0x3FD9]  }
0x89: {  	s3 =	sld [smem:$0x3FFE];
	_ =	sdelay $0x1  }
0x8a: {  	s1 =	srdreg.scid  }
0x8b: {  	s0 =	sand.u32 $0x1, s1  }
0x8c: {  	s17 =	sshll.u32 s0, $0xA;
	s2 =	sadd.s32 s3, s2  }
0x8d: {  	s2 =	sadd.s32 s2, s17  }
0x8e: {  	[smem:$0x3FC6] =	sst s2  }
0x8f: {  	_ = 	snop  }
0x90: {  	s2 =	sld [smem:$0x3FC9]  }
0x91: {  	s18 =	sld [smem:$0x3FC8];
	(tm) =	ssettm $0x1  }
0x92: {  	s4 =	sld [smem:$0x3FFB];
	_ =	sdelay $0x3  }
0x93: {  	_ =	strace s4  }
0x94: {  	s4 =	sld [smem:$0x3FFC];
	_ =	sdelay $0x3  }
0x95: {  	_ =	strace s4  }
0x96: {  	s4 =	sld [smem:$0x3FFD];
	_ =	sdelay $0x3  }
0x97: {  	_ =	strace s4  }
0x98: {  	_ =	strace $0x8FFFFFFF  }
0x99: {  	s19 =	sld [smem:$0x3FDB];
	_ =	sdelay $0x1  }
0x9a: {  	s5 =	simm.s32 $_scs_section_size  }
0x9b: {  	s6 =	simm.s32 $_size__tile_overlayer_lowered;
	s7 =	simm.s32 $_tile_overlayer_lowered  }
0x9c: {  	s22 =	simm.s32 $0x1BFF;
	s21 =	sshll.u32 s7, $0x1;
	s4 =	sadd.s32 s5, s19  }
0x9d: {  	s8 =	simm.s32 $0x0;
	s20 =	sshll.u32 s6, $0x1;
	s6 =	sadd.s32 s21, s4  }
0x9e: {  	[timem:s8], [sflag:s22] =	dma.local [hbm:s6], s20  }
0x9f: {  	_ =	swait.ge [sflag:s22], s20  }
0xa0: {  	s5 =	ssub.s32 $0x0, s20;
	[sflag:s22] =	ssyncset.done $0x0  }
0xa1: {  	[sflag:s22] =	ssyncadd.s32 s5;
	_ =	sdelay $0x1  }
0xa2: {  	s23 =	simm.s32 $0x1B8B  }
0xa3: {  	_ =	swait.ge [sflag:s23], $0x1  }
0xa4: {  	[sflag:s23] =	ssyncset.done $0x0  }
0xa5: {  	s25 =	simm.s32 $0x1B8E;
	s24 =	sld [smem:$0x3FFE];
	[sflag:s23] =	ssyncadd.s32 $0xFFFFFFFF  }
0xa6: {  	s26 =	simm.s32 $execute0_lowered;
	[smem:$0x3FD2] =	sst s25  }
0xa7: {  	s6 =	sshll.u32 s26, $0x1;
	_ =	strace $0x80000046;
	[dreg:$0x1] =	wrdreg $0xFFFFFFFF  }
0xa8: {  	s28 =	simm.s32 $_size_execute0_lowered;
	s4 =	sadd.s32 s4, s6;
	[dreg:$0x0] =	wrdreg $0x0  }
0xa9: {  	s6 =	sshll.u32 s28, $0x1;
	[dreg:$0x2] =	wrdreg s4  }
0xaa: {  	[dreg:$0x3] =	wrdreg s6  }
0xab: {  	[dreg:$0x4] =	wrdreg $0xC0  }
0xac: {  	_ =	task [dreg:s8], $0x5FFFF  }
0xad: {  	[dreg:$0x1] =	wrdreg $0xFFFFFFFF  }
0xae: {  	[dreg:$0x0] =	wrdreg $0x60  }
0xaf: {  	[dreg:$0x2] =	wrdreg s18  }
0xb0: {  	[dreg:$0x3] =	wrdreg s2  }
0xb1: {  	[dreg:$0x4] =	wrdreg s24  }
0xb2: {  	[dreg:$0x5] =	wrdreg $0x9  }
0xb3: {  	_ =	task.clear_ibuf [dreg:s8], $0x6FFFF;
	_ =	strace $0x90000046  }
0xb4: {  	s29 =	simm.s32 $0x9;
	_ =	strace $0x80000048  }
0xb5: {  	_ =	swait.ge [sflag:s29], $0x1  }
0xb6: {  	[sflag:s29] =	ssyncadd.s32 $0xFFFFFFFF  }
0xb7: {  	_ =	strace $0x90000048  }
0xb8: {  	_ =	sfence  }
0xb9: {  	s30 =	sld [smem:$0x0];
	_ =	sdelay $0x2  }
0xba: {  	s31 =	sshll.u32 s1, $0xD;
	s1 =	sshrl.u32 s1, $0x2  }
0xbb: {  	s3 =	sand.u32 $0x4000, s31;
	s1 =	sadd.s32 s1, s30  }
0xbc: {  	s0 =	sor.u32 s3, s0;
	s1 =	sshll.u32 s1, $0x11  }
0xbd: {  	s0 =	sor.u32 s1, s0  }
0xbe: {  	s0 =	sadd.s32 $0x8F2B, s0  }
0xbf: {  	[sflag:s0] =	ssyncadd.remote.s32 $0x1  }
0xc0: {  	_ =	sfence.sel $0xFFFF  }
0xc1: {  	[dreg:$0x0] =	wrdreg $0xFFFFFFFF;
	(pc) =	sbr.abs _section_cstart, $3  }
0xc2: {  	[dreg:$0x1] =	wrdreg $0xFFFFFFFF  }
0xc3: {  	_ =	task.clear_ibuf [dreg:s8], $0x2FFFF;
	_ =	strace $0x9FFFFFFF  }
0xc4: {  	(tm) =	ssettm $0x7FFFFFFF  }
0xc5: {  	_ =	shalt  }
tec
execute0_lowered:
.L_overlay_start_1:
0x0: {  	(tag) =	ssettag $0x1  }
0x1: {  	s0 =	rddreg [dreg:$0x0]  }
0x2: {  	s1 =	rddreg [dreg:$0x1]  }
0x3: {  	s2 =	rddreg [dreg:$0x2]  }
0x4: {  	s3 =	srdreg.scid;
	s9 =	stileid.u32;
	s16 =	simm.s32 $0x3  }
0x5: {  	s17 =	simm.s32 $0x80;
	s18 =	simm.s32 $0x1;
	s19 =	simm.s32 $0x2  }
0x6: {  	s22 =	simm.s32 $0x8100;
	s4 =	sand.u32 $0x1, s3;
	s3 =	simm.s32 $0x0  }
0x7: {  	s7 =	sshll.u32 s9, $0x1;
	s26 =	sshll.u32 s9, $0xA;
	s5 =	ssub.s32 $0x2, s4  }
0x8: {  	[smem:$0x7FF] =	sst s3;
	s24 =	sor.u32 s4, s7;
	s4 =	sshll.u32 s4, $0x6  }
0x9: {  	s6 =	sshrl.u32 s5, $0x1;
	_ =	strace $0x80000047;
	s7 =	sshll.u32 s24, $0x3  }
0xa: {  	s8 =	smul.u32 $0x1E0000, s24;
	s25 =	sshll.u32 s24, $0x4;
	s12 =	sor.u32 s4, s26  }
0xb: {  	s5 =	ssub.s32 s5, s6;
	s0 =	sadd.s32 s0, s7;
	s6 =	smul.u32 $0x3C000, s24  }
0xc: {  	s2 =	sadd.s32 s2, s25;
	s29 =	sor.u32 $0x10, s12;
	s14 =	sor.u32 $0x20, s12  }
0xd: {  	s15 =	sor.u32 $0x30, s12;
	[dreg:$0x4] =	wrdreg s0;
	s28 =	sshrl.u32 s8, $0x3  }
.Ltmp0:
0xe: {  	[dreg:$0x5] =	wrdreg s2;
	s2 =	sadd.s32 $0x200, s2;
	(pc) =	sbr.rel .LBB2_1-.Ltmp0, $4  }
0xf: {  	s31 =	smax.u32 s5, $0x1;
	[dreg:$0x6] =	wrdreg s2;
	s30 =	sadd.s32 s1, s6  }
0x10: {  	s0 =	sadd.s32 s1, s28;
	[dreg:$0x9] =	wrdreg s31;
	s6 =	sadd.s32 $0x10EA000, s30  }
0x11: {  	s2 =	simm.s32 $0x0;
	s0 =	sadd.s32 $0x10EB000, s0;
	[dreg:$0x7] =	wrdreg s6  }
0x12: {  	v5 =	vlaneseq.u32;
	s9 =	sadd.s32 $0x10EC000, s30;
	s10 =	sadd.s32 $0x10ED000, s30;
	[dreg:$0x8] =	wrdreg s0  }
.LBB2_8:
0x13: {  	[tilespmem:$0x10100] =	vst v1;
	s0 =	rddreg [dreg:$0x5];
	s2 =	simm.s32 $0x10100  }
0x14: {  	[hbm4b:s0+s3] =	stream.linear.scatter [tilespmem:s2], [sflag:$0x3], $0x80, $0x38;
	[tilespmem:$0x10200] =	vst v63  }
0x15: {  	_ =	swait.ge [sflag:s16], $0x80  }
0x16: {  	s30 =	rddreg [dreg:$0xa]  }
0x17: {  	s31 =	rddreg [dreg:$0x9];
	s2 =	sadd.s32 $0x1, s30  }
0x18: {  	p0 =	sne.s32 s2, s31  }
.Ltmp1:
0x19: {  	_ = 	snop;
	(pc) =	sbr.rel @!p0 .LBB2_9-.Ltmp1, $3  }
0x1a: {  	_ =	sdelay $0x1  }
0x1b: {  	[sflag:s16] =	ssyncset.done $0x0  }
0x1c: {  	[sflag:s16] =	ssyncadd.s32 $0xFFFFFF80  }
.LBB2_1:
0x1d: {  	[dreg:$0xa] =	wrdreg s2  }
0x1e: {  	s0 =	rddreg [dreg:$0x4]  }
0x1f: {  	[tilespmem:s3], [sflag:$0x3] =	stream.linear.gather [hbm4b:s0+s3], $0x40, $0x38;
	[tilespmem:$0x10200] =	vst v63  }
0x20: {  	_ =	swait.ge [sflag:s16], $0x40  }
0x21: {  	[sflag:s16] =	ssyncset.done $0x0  }
0x22: {  	[sflag:s16] =	ssyncadd.s32 $0xFFFFFFC0  }
0x23: {  	v15 =	vld [tilespmem:$0x0];
	_ =	sdelay $0x4  }
0x24: {  	(v2sf) =	vpush v15, $0x0;
	_ =	sdelay $0xe  }
0x25: {  	s0 =	spop (v2sf)  }
0x26: {  	p0 =	sgt.s32 s0, $0x10EA0  }
0x27: {  	[dreg:$0xb] =	wrdreg s0;
	s0 =	simm.s32 @!p0 $0x10EA0  }
0x28: {  	s5 =	sshll.u32 s0, $0xB;
	s0 =	sshll.u32 s0, $0x7  }
0x29: {  	s2 =	sand.u32 $0xFFFFC000, s5;
	s0 =	sand.u32 $0x380, s0  }
0x2a: {  	s0 =	sor.u32 s2, s0  }
0x2b: {  	s0 =	sor.u32 s12, s0  }
0x2c: {  	s0 =	sshrl.u32 s0, $0x3  }
0x2d: {  	s0 =	sadd.s32 s1, s0  }
0x2e: {  	[tilespmem:s17], [sflag:$0x3] =	stream.linear.gather [hbm4b:s0+s3], $0x10, $0x38;
	[tilespmem:$0x10200] =	vst v63  }
0x2f: {  	_ =	swait.ge [sflag:s16], $0x10  }
0x30: {  	(v2sf) =	vpush v15, $0x1;
	_ =	sdelay $0xe  }
0x31: {  	s0 =	spop (v2sf)  }
0x32: {  	p0 =	sgt.s32 s0, $0x10EA0  }
0x33: {  	[dreg:$0xc] =	wrdreg s0;
	s0 =	simm.s32 @!p0 $0x10EA0  }
0x34: {  	s6 =	sshll.u32 s0, $0xB;
	s0 =	sshll.u32 s0, $0x7  }
0x35: {  	s2 =	sand.u32 $0xFFFFC000, s6;
	s0 =	sand.u32 $0x380, s0  }
0x36: {  	s0 =	sor.u32 s2, s0  }
0x37: {  	s0 =	sor.u32 s12, s0  }
0x38: {  	[sflag:s16] =	ssyncset.done $0x0;
	s0 =	sshrl.u32 s0, $0x3  }
0x39: {  	[sflag:s16] =	ssyncadd.s32 $0xFFFFFFF0;
	s0 =	sadd.s32 s1, s0  }
0x3a: {  	v2 =	vld [tilespmem:$0x80];
	[tilespmem:s17], [sflag:$0x3] =	stream.linear.gather [hbm4b:s0+s3], $0x10, $0x38  }
0x3b: {  	_ =	swait.ge [sflag:s16], $0x10  }
0x3c: {  	(v2sf) =	vpush v15, $0x2;
	_ =	sdelay $0xe  }
0x3d: {  	s0 =	spop (v2sf)  }
0x3e: {  	[sflag:s16] =	ssyncset.done $0x0;
	p0 =	sgt.s32 s0, $0x10EA0  }
0x3f: {  	[sflag:s16] =	ssyncadd.s32 $0xFFFFFFF0;
	[dreg:$0xd] =	wrdreg s0;
	s0 =	simm.s32 @!p0 $0x10EA0  }
0x40: {  	v0 =	vld [tilespmem:$0x80];
	s7 =	sshll.u32 s0, $0xB;
	s0 =	sshll.u32 s0, $0x7  }
0x41: {  	s2 =	sand.u32 $0xFFFFC000, s7;
	s0 =	sand.u32 $0x380, s0  }
0x42: {  	s0 =	sor.u32 s2, s0  }
0x43: {  	s0 =	sor.u32 s12, s0  }
0x44: {  	s0 =	sshrl.u32 s0, $0x3  }
0x45: {  	[tilespmem:$0x1FFE0] =	vst v0;
	s0 =	sadd.s32 s1, s0  }
0x46: {  	[tilespmem:s17], [sflag:$0x3] =	stream.linear.gather [hbm4b:s0+s3], $0x10, $0x38;
	[tilespmem:$0x10200] =	vst v63  }
0x47: {  	_ =	swait.ge [sflag:s16], $0x10  }
0x48: {  	(v2sf) =	vpush v15, $0x3;
	_ =	sdelay $0xe  }
0x49: {  	s0 =	spop (v2sf)  }
0x4a: {  	[sflag:s16] =	ssyncset.done $0x0;
	p0 =	sgt.s32 s0, $0x10EA0  }
0x4b: {  	[sflag:s16] =	ssyncadd.s32 $0xFFFFFFF0;
	[dreg:$0xe] =	wrdreg s0;
	s0 =	simm.s32 @!p0 $0x10EA0  }
0x4c: {  	v0 =	vld [tilespmem:$0x80];
	s8 =	sshll.u32 s0, $0xB;
	s0 =	sshll.u32 s0, $0x7  }
0x4d: {  	s2 =	sand.u32 $0xFFFFC000, s8;
	s0 =	sand.u32 $0x380, s0  }
0x4e: {  	s0 =	sor.u32 s2, s0  }
0x4f: {  	s0 =	sor.u32 s12, s0  }
0x50: {  	s0 =	sshrl.u32 s0, $0x3  }
0x51: {  	[tilespmem:$0x1FFF0] =	vst v0;
	s0 =	sadd.s32 s1, s0  }
0x52: {  	[tilespmem:s17], [sflag:$0x3] =	stream.linear.gather [hbm4b:s0+s3], $0x10, $0x38;
	[tilespmem:$0x10200] =	vst v63  }
0x53: {  	_ =	swait.ge [sflag:s16], $0x10  }
0x54: {  	(v2sf) =	vpush v15, $0x4;
	_ =	sdelay $0xe  }
0x55: {  	s0 =	spop (v2sf)  }
0x56: {  	p0 =	sgt.s32 s0, $0x10EA0  }
0x57: {  	[dreg:$0xf] =	wrdreg s0;
	s0 =	simm.s32 @!p0 $0x10EA0  }
0x58: {  	s11 =	sshll.u32 s0, $0xB;
	s0 =	sshll.u32 s0, $0x7  }
0x59: {  	s2 =	sand.u32 $0xFFFFC000, s11;
	s0 =	sand.u32 $0x380, s0  }
0x5a: {  	s0 =	sor.u32 s2, s0  }
0x5b: {  	s0 =	sor.u32 s12, s0  }
0x5c: {  	[sflag:s16] =	ssyncset.done $0x0;
	s0 =	sshrl.u32 s0, $0x3  }
0x5d: {  	[sflag:s16] =	ssyncadd.s32 $0xFFFFFFF0;
	s0 =	sadd.s32 s1, s0  }
0x5e: {  	v4 =	vld [tilespmem:$0x80];
	[tilespmem:s17], [sflag:$0x3] =	stream.linear.gather [hbm4b:s0+s3], $0x10, $0x38  }
0x5f: {  	_ =	swait.ge [sflag:s16], $0x10  }
0x60: {  	(v2sf) =	vpush v15, $0x5;
	_ =	sdelay $0xe  }
0x61: {  	s0 =	spop (v2sf)  }
0x62: {  	p0 =	sgt.s32 s0, $0x10EA0  }
0x63: {  	[dreg:$0x10] =	wrdreg s0;
	s0 =	simm.s32 @!p0 $0x10EA0  }
0x64: {  	s13 =	sshll.u32 s0, $0xB;
	s0 =	sshll.u32 s0, $0x7  }
0x65: {  	s2 =	sand.u32 $0xFFFFC000, s13;
	s0 =	sand.u32 $0x380, s0  }
0x66: {  	s0 =	sor.u32 s2, s0  }
0x67: {  	s0 =	sor.u32 s12, s0  }
0x68: {  	[sflag:s16] =	ssyncset.done $0x0;
	s0 =	sshrl.u32 s0, $0x3  }
0x69: {  	[sflag:s16] =	ssyncadd.s32 $0xFFFFFFF0;
	s0 =	sadd.s32 s1, s0  }
0x6a: {  	v3 =	vld [tilespmem:$0x80];
	[tilespmem:s17], [sflag:$0x3] =	stream.linear.gather [hbm4b:s0+s3], $0x10, $0x38  }
0x6b: {  	_ =	swait.ge [sflag:s16], $0x10  }
0x6c: {  	(v2sf) =	vpush v15, $0x6;
	_ =	sdelay $0xe  }
0x6d: {  	s0 =	spop (v2sf)  }
0x6e: {  	p0 =	sgt.s32 s0, $0x10EA0  }
0x6f: {  	[dreg:$0x11] =	wrdreg s0;
	s0 =	simm.s32 @!p0 $0x10EA0  }
0x70: {  	s20 =	sshll.u32 s0, $0xB;
	s0 =	sshll.u32 s0, $0x7  }
0x71: {  	s2 =	sand.u32 $0xFFFFC000, s20;
	s0 =	sand.u32 $0x380, s0  }
0x72: {  	s0 =	sor.u32 s2, s0  }
0x73: {  	s0 =	sor.u32 s12, s0  }
0x74: {  	[sflag:s16] =	ssyncset.done $0x0;
	s0 =	sshrl.u32 s0, $0x3  }
0x75: {  	[sflag:s16] =	ssyncadd.s32 $0xFFFFFFF0;
	s0 =	sadd.s32 s1, s0  }
0x76: {  	v6 =	vld [tilespmem:$0x80];
	[tilespmem:s17], [sflag:$0x3] =	stream.linear.gather [hbm4b:s0+s3], $0x10, $0x38  }
0x77: {  	_ =	swait.ge [sflag:s16], $0x10  }
0x78: {  	(v2sf) =	vpush v15, $0x7;
	_ =	sdelay $0xe  }
0x79: {  	s0 =	spop (v2sf)  }
0x7a: {  	p0 =	sgt.s32 s0, $0x10EA0  }
0x7b: {  	[dreg:$0x12] =	wrdreg s0;
	s0 =	simm.s32 @!p0 $0x10EA0  }
0x7c: {  	s21 =	sshll.u32 s0, $0xB;
	s0 =	sshll.u32 s0, $0x7  }
0x7d: {  	s2 =	sand.u32 $0xFFFFC000, s21;
	s0 =	sand.u32 $0x380, s0  }
0x7e: {  	s0 =	sor.u32 s2, s0  }
0x7f: {  	s0 =	sor.u32 s12, s0  }
0x80: {  	[sflag:s16] =	ssyncset.done $0x0;
	s0 =	sshrl.u32 s0, $0x3  }
0x81: {  	[sflag:s16] =	ssyncadd.s32 $0xFFFFFFF0;
	s0 =	sadd.s32 s1, s0  }
0x82: {  	v7 =	vld [tilespmem:$0x80];
	[tilespmem:s17], [sflag:$0x3] =	stream.linear.gather [hbm4b:s0+s3], $0x10, $0x38  }
0x83: {  	_ =	swait.ge [sflag:s16], $0x10  }
0x84: {  	(v2sf) =	vpush v15, $0x8;
	_ =	sdelay $0xe  }
0x85: {  	s0 =	spop (v2sf)  }
0x86: {  	p0 =	sgt.s32 s0, $0x10EA0  }
0x87: {  	[dreg:$0x13] =	wrdreg s0;
	s0 =	simm.s32 @!p0 $0x10EA0  }
0x88: {  	s23 =	sshll.u32 s0, $0xB;
	s0 =	sshll.u32 s0, $0x7  }
0x89: {  	s2 =	sand.u32 $0xFFFFC000, s23;
	s0 =	sand.u32 $0x380, s0  }
0x8a: {  	s0 =	sor.u32 s2, s0  }
0x8b: {  	s0 =	sor.u32 s12, s0  }
0x8c: {  	[sflag:s16] =	ssyncset.done $0x0;
	s0 =	sshrl.u32 s0, $0x3  }
0x8d: {  	[sflag:s16] =	ssyncadd.s32 $0xFFFFFFF0;
	s0 =	sadd.s32 s1, s0  }
0x8e: {  	v8 =	vld [tilespmem:$0x80];
	[tilespmem:s17], [sflag:$0x3] =	stream.linear.gather [hbm4b:s0+s3], $0x10, $0x38  }
0x8f: {  	_ =	swait.ge [sflag:s16], $0x10  }
0x90: {  	(v2sf) =	vpush v15, $0x9;
	_ =	sdelay $0xe  }
0x91: {  	s0 =	spop (v2sf)  }
0x92: {  	p0 =	sgt.s32 s0, $0x10EA0  }
0x93: {  	[dreg:$0x14] =	wrdreg s0;
	s0 =	simm.s32 @!p0 $0x10EA0  }
0x94: {  	s24 =	sshll.u32 s0, $0xB;
	s0 =	sshll.u32 s0, $0x7  }
0x95: {  	s2 =	sand.u32 $0xFFFFC000, s24;
	s0 =	sand.u32 $0x380, s0  }
0x96: {  	s0 =	sor.u32 s2, s0  }
0x97: {  	s0 =	sor.u32 s12, s0  }
0x98: {  	[sflag:s16] =	ssyncset.done $0x0;
	s0 =	sshrl.u32 s0, $0x3  }
0x99: {  	[sflag:s16] =	ssyncadd.s32 $0xFFFFFFF0;
	s0 =	sadd.s32 s1, s0  }
0x9a: {  	v9 =	vld [tilespmem:$0x80];
	[tilespmem:s17], [sflag:$0x3] =	stream.linear.gather [hbm4b:s0+s3], $0x10, $0x38  }
0x9b: {  	_ =	swait.ge [sflag:s16], $0x10  }
0x9c: {  	(v2sf) =	vpush v15, $0xA;
	_ =	sdelay $0xe  }
0x9d: {  	s0 =	spop (v2sf)  }
0x9e: {  	p0 =	sgt.s32 s0, $0x10EA0  }
0x9f: {  	[dreg:$0x15] =	wrdreg s0;
	s0 =	simm.s32 @!p0 $0x10EA0  }
0xa0: {  	s25 =	sshll.u32 s0, $0xB;
	s0 =	sshll.u32 s0, $0x7  }
0xa1: {  	s2 =	sand.u32 $0xFFFFC000, s25;
	s0 =	sand.u32 $0x380, s0  }
0xa2: {  	s0 =	sor.u32 s2, s0  }
0xa3: {  	s0 =	sor.u32 s12, s0  }
0xa4: {  	[sflag:s16] =	ssyncset.done $0x0;
	s0 =	sshrl.u32 s0, $0x3  }
0xa5: {  	[sflag:s16] =	ssyncadd.s32 $0xFFFFFFF0;
	s0 =	sadd.s32 s1, s0  }
0xa6: {  	v10 =	vld [tilespmem:$0x80];
	[tilespmem:s17], [sflag:$0x3] =	stream.linear.gather [hbm4b:s0+s3], $0x10, $0x38  }
0xa7: {  	_ =	swait.ge [sflag:s16], $0x10  }
0xa8: {  	(v2sf) =	vpush v15, $0xB;
	_ =	sdelay $0xe  }
0xa9: {  	s0 =	spop (v2sf)  }
0xaa: {  	p0 =	sgt.s32 s0, $0x10EA0  }
0xab: {  	[dreg:$0x16] =	wrdreg s0;
	s0 =	simm.s32 @!p0 $0x10EA0  }
0xac: {  	s26 =	sshll.u32 s0, $0xB;
	s0 =	sshll.u32 s0, $0x7  }
0xad: {  	s2 =	sand.u32 $0xFFFFC000, s26;
	s0 =	sand.u32 $0x380, s0  }
0xae: {  	s0 =	sor.u32 s2, s0  }
0xaf: {  	s0 =	sor.u32 s12, s0  }
0xb0: {  	[sflag:s16] =	ssyncset.done $0x0;
	s0 =	sshrl.u32 s0, $0x3  }
0xb1: {  	[sflag:s16] =	ssyncadd.s32 $0xFFFFFFF0;
	s0 =	sadd.s32 s1, s0  }
0xb2: {  	v11 =	vld [tilespmem:$0x80];
	[tilespmem:s17], [sflag:$0x3] =	stream.linear.gather [hbm4b:s0+s3], $0x10, $0x38  }
0xb3: {  	_ =	swait.ge [sflag:s16], $0x10  }
0xb4: {  	(v2sf) =	vpush v15, $0xC;
	_ =	sdelay $0xe  }
0xb5: {  	s0 =	spop (v2sf)  }
0xb6: {  	p0 =	sgt.s32 s0, $0x10EA0  }
0xb7: {  	[dreg:$0x17] =	wrdreg s0;
	s0 =	simm.s32 @!p0 $0x10EA0  }
0xb8: {  	s28 =	sshll.u32 s0, $0xB;
	s0 =	sshll.u32 s0, $0x7  }
0xb9: {  	s2 =	sand.u32 $0xFFFFC000, s28;
	s0 =	sand.u32 $0x380, s0  }
0xba: {  	s0 =	sor.u32 s2, s0  }
0xbb: {  	s0 =	sor.u32 s12, s0  }
0xbc: {  	[sflag:s16] =	ssyncset.done $0x0;
	s0 =	sshrl.u32 s0, $0x3  }
0xbd: {  	[sflag:s16] =	ssyncadd.s32 $0xFFFFFFF0;
	s0 =	sadd.s32 s1, s0  }
0xbe: {  	v12 =	vld [tilespmem:$0x80];
	[tilespmem:s17], [sflag:$0x3] =	stream.linear.gather [hbm4b:s0+s3], $0x10, $0x38  }
0xbf: {  	_ =	swait.ge [sflag:s16], $0x10  }
0xc0: {  	(v2sf) =	vpush v15, $0xD;
	_ =	sdelay $0xe  }
0xc1: {  	s0 =	spop (v2sf)  }
0xc2: {  	p0 =	sgt.s32 s0, $0x10EA0  }
0xc3: {  	[dreg:$0x18] =	wrdreg s0;
	s0 =	simm.s32 @!p0 $0x10EA0  }
0xc4: {  	s30 =	sshll.u32 s0, $0xB;
	s0 =	sshll.u32 s0, $0x7  }
0xc5: {  	s2 =	sand.u32 $0xFFFFC000, s30;
	s0 =	sand.u32 $0x380, s0  }
0xc6: {  	s0 =	sor.u32 s2, s0  }
0xc7: {  	s0 =	sor.u32 s12, s0  }
0xc8: {  	[sflag:s16] =	ssyncset.done $0x0;
	s0 =	sshrl.u32 s0, $0x3  }
0xc9: {  	[sflag:s16] =	ssyncadd.s32 $0xFFFFFFF0;
	s0 =	sadd.s32 s1, s0  }
0xca: {  	v13 =	vld [tilespmem:$0x80];
	[tilespmem:s17], [sflag:$0x3] =	stream.linear.gather [hbm4b:s0+s3], $0x10, $0x38  }
0xcb: {  	_ =	swait.ge [sflag:s16], $0x10  }
0xcc: {  	(v2sf) =	vpush v15, $0xE;
	_ =	sdelay $0xe  }
0xcd: {  	s0 =	spop (v2sf)  }
0xce: {  	p0 =	sgt.s32 s0, $0x10EA0  }
0xcf: {  	[dreg:$0x19] =	wrdreg s0;
	s0 =	simm.s32 @!p0 $0x10EA0  }
0xd0: {  	s31 =	sshll.u32 s0, $0xB;
	s0 =	sshll.u32 s0, $0x7  }
0xd1: {  	s2 =	sand.u32 $0xFFFFC000, s31;
	s0 =	sand.u32 $0x380, s0  }
0xd2: {  	s0 =	sor.u32 s2, s0  }
0xd3: {  	s0 =	sor.u32 s12, s0  }
0xd4: {  	[sflag:s16] =	ssyncset.done $0x0;
	s0 =	sshrl.u32 s0, $0x3  }
0xd5: {  	[sflag:s16] =	ssyncadd.s32 $0xFFFFFFF0;
	s0 =	sadd.s32 s1, s0  }
0xd6: {  	v14 =	vld [tilespmem:$0x80];
	[tilespmem:s17], [sflag:$0x3] =	stream.linear.gather [hbm4b:s0+s3], $0x10, $0x38  }
0xd7: {  	_ =	swait.ge [sflag:s16], $0x10  }
0xd8: {  	(v2sf) =	vpush v15, $0xF;
	_ =	sdelay $0xe  }
0xd9: {  	s0 =	spop (v2sf)  }
0xda: {  	p0 =	sgt.s32 s0, $0x10EA0  }
0xdb: {  	[dreg:$0x1a] =	wrdreg s0;
	s0 =	simm.s32 @!p0 $0x10EA0  }
0xdc: {  	s4 =	sshll.u32 s0, $0xB;
	s0 =	sshll.u32 s0, $0x7  }
0xdd: {  	s2 =	sand.u32 $0xFFFFC000, s4;
	s0 =	sand.u32 $0x380, s0  }
0xde: {  	s0 =	sor.u32 s2, s0  }
0xdf: {  	s0 =	sor.u32 s12, s0  }
0xe0: {  	[sflag:s16] =	ssyncset.done $0x0;
	s0 =	sshrl.u32 s0, $0x3  }
0xe1: {  	[sflag:s16] =	ssyncadd.s32 $0xFFFFFFF0;
	s0 =	sadd.s32 s1, s0  }
0xe2: {  	v15 =	vld [tilespmem:$0x80];
	[tilespmem:s17], [sflag:$0x3] =	stream.linear.gather [hbm4b:s0+s3], $0x10, $0x38  }
0xe3: {  	_ =	swait.ge [sflag:s16], $0x10  }
0xe4: {  	[sflag:s16] =	ssyncset.done $0x0  }
0xe5: {  	[sflag:s16] =	ssyncadd.s32 $0xFFFFFFF0  }
0xe6: {  	v31 =	vld [tilespmem:$0x10];
	_ =	sdelay $0x4  }
0xe7: {  	(v2sf) =	vpush v31, $0x0;
	_ =	sdelay $0xe  }
0xe8: {  	s0 =	spop (v2sf)  }
0xe9: {  	p0 =	sgt.s32 s0, $0x10EA0  }
0xea: {  	[dreg:$0x1b] =	wrdreg s0;
	s0 =	simm.s32 @!p0 $0x10EA0  }
0xeb: {  	s5 =	sshll.u32 s0, $0xB;
	s0 =	sshll.u32 s0, $0x7  }
0xec: {  	s2 =	sand.u32 $0xFFFFC000, s5;
	s0 =	sand.u32 $0x380, s0  }
0xed: {  	s0 =	sor.u32 s2, s0  }
0xee: {  	s0 =	sor.u32 s29, s0  }
0xef: {  	s0 =	sshrl.u32 s0, $0x3  }
0xf0: {  	s0 =	sadd.s32 s1, s0  }
0xf1: {  	v16 =	vld [tilespmem:$0x80];
	[tilespmem:s17], [sflag:$0x3] =	stream.linear.gather [hbm4b:s0+s3], $0x10, $0x38  }
0xf2: {  	_ =	swait.ge [sflag:s16], $0x10  }
0xf3: {  	(v2sf) =	vpush v31, $0x1;
	_ =	sdelay $0xe  }
0xf4: {  	s0 =	spop (v2sf)  }
0xf5: {  	p0 =	sgt.s32 s0, $0x10EA0  }
0xf6: {  	[dreg:$0x1c] =	wrdreg s0;
	s0 =	simm.s32 @!p0 $0x10EA0  }
0xf7: {  	s6 =	sshll.u32 s0, $0xB;
	s0 =	sshll.u32 s0, $0x7  }
0xf8: {  	s2 =	sand.u32 $0xFFFFC000, s6;
	s0 =	sand.u32 $0x380, s0  }
0xf9: {  	s0 =	sor.u32 s2, s0  }
0xfa: {  	s0 =	sor.u32 s29, s0  }
0xfb: {  	[sflag:s16] =	ssyncset.done $0x0;
	s0 =	sshrl.u32 s0, $0x3  }
0xfc: {  	[sflag:s16] =	ssyncadd.s32 $0xFFFFFFF0;
	s0 =	sadd.s32 s1, s0  }
0xfd: {  	v17 =	vld [tilespmem:$0x80];
	[tilespmem:s17], [sflag:$0x3] =	stream.linear.gather [hbm4b:s0+s3], $0x10, $0x38  }
0xfe: {  	_ =	swait.ge [sflag:s16], $0x10  }
0xff: {  	(v2sf) =	vpush v31, $0x2;
	_ =	sdelay $0xe  }
0x100: {  	s0 =	spop (v2sf)  }
0x101: {  	p0 =	sgt.s32 s0, $0x10EA0  }
0x102: {  	[dreg:$0x1d] =	wrdreg s0;
	s0 =	simm.s32 @!p0 $0x10EA0  }
0x103: {  	s7 =	sshll.u32 s0, $0xB;
	s0 =	sshll.u32 s0, $0x7  }
0x104: {  	s2 =	sand.u32 $0xFFFFC000, s7;
	s0 =	sand.u32 $0x380, s0  }
0x105: {  	s0 =	sor.u32 s2, s0  }
0x106: {  	s0 =	sor.u32 s29, s0  }
0x107: {  	[sflag:s16] =	ssyncset.done $0x0;
	s0 =	sshrl.u32 s0, $0x3  }
0x108: {  	[sflag:s16] =	ssyncadd.s32 $0xFFFFFFF0;
	s0 =	sadd.s32 s1, s0  }
0x109: {  	v18 =	vld [tilespmem:$0x80];
	[tilespmem:s17], [sflag:$0x3] =	stream.linear.gather [hbm4b:s0+s3], $0x10, $0x38  }
0x10a: {  	_ =	swait.ge [sflag:s16], $0x10  }
0x10b: {  	(v2sf) =	vpush v31, $0x3;
	_ =	sdelay $0xe  }
0x10c: {  	s0 =	spop (v2sf)  }
0x10d: {  	p0 =	sgt.s32 s0, $0x10EA0  }
0x10e: {  	[dreg:$0x1e] =	wrdreg s0;
	s0 =	simm.s32 @!p0 $0x10EA0  }
0x10f: {  	s8 =	sshll.u32 s0, $0xB;
	s0 =	sshll.u32 s0, $0x7  }
0x110: {  	s2 =	sand.u32 $0xFFFFC000, s8;
	s0 =	sand.u32 $0x380, s0  }
0x111: {  	s0 =	sor.u32 s2, s0  }
0x112: {  	s0 =	sor.u32 s29, s0  }
0x113: {  	[sflag:s16] =	ssyncset.done $0x0;
	s0 =	sshrl.u32 s0, $0x3  }
0x114: {  	[sflag:s16] =	ssyncadd.s32 $0xFFFFFFF0;
	s0 =	sadd.s32 s1, s0  }
0x115: {  	v19 =	vld [tilespmem:$0x80];
	[tilespmem:s17], [sflag:$0x3] =	stream.linear.gather [hbm4b:s0+s3], $0x10, $0x38  }
0x116: {  	_ =	swait.ge [sflag:s16], $0x10  }
0x117: {  	(v2sf) =	vpush v31, $0x4;
	_ =	sdelay $0xe  }
0x118: {  	s0 =	spop (v2sf)  }
0x119: {  	p0 =	sgt.s32 s0, $0x10EA0  }
0x11a: {  	[dreg:$0x1f] =	wrdreg s0;
	s0 =	simm.s32 @!p0 $0x10EA0  }
0x11b: {  	s11 =	sshll.u32 s0, $0xB;
	s0 =	sshll.u32 s0, $0x7  }
0x11c: {  	s2 =	sand.u32 $0xFFFFC000, s11;
	s0 =	sand.u32 $0x380, s0  }
0x11d: {  	s0 =	sor.u32 s2, s0  }
0x11e: {  	s0 =	sor.u32 s29, s0  }
0x11f: {  	[sflag:s16] =	ssyncset.done $0x0;
	s0 =	sshrl.u32 s0, $0x3  }
0x120: {  	[sflag:s16] =	ssyncadd.s32 $0xFFFFFFF0;
	s0 =	sadd.s32 s1, s0  }
0x121: {  	v20 =	vld [tilespmem:$0x80];
	[tilespmem:s17], [sflag:$0x3] =	stream.linear.gather [hbm4b:s0+s3], $0x10, $0x38  }
0x122: {  	_ =	swait.ge [sflag:s16], $0x10  }
0x123: {  	(v2sf) =	vpush v31, $0x5;
	_ =	sdelay $0xe  }
0x124: {  	s0 =	spop (v2sf)  }
0x125: {  	p0 =	sgt.s32 s0, $0x10EA0  }
0x126: {  	[smem:$0x7E4] =	sst s0;
	s0 =	simm.s32 @!p0 $0x10EA0  }
0x127: {  	s13 =	sshll.u32 s0, $0xB;
	s0 =	sshll.u32 s0, $0x7  }
0x128: {  	s2 =	sand.u32 $0xFFFFC000, s13;
	s0 =	sand.u32 $0x380, s0  }
0x129: {  	s0 =	sor.u32 s2, s0  }
0x12a: {  	s0 =	sor.u32 s29, s0  }
0x12b: {  	[sflag:s16] =	ssyncset.done $0x0;
	s0 =	sshrl.u32 s0, $0x3  }
0x12c: {  	[sflag:s16] =	ssyncadd.s32 $0xFFFFFFF0;
	s0 =	sadd.s32 s1, s0  }
0x12d: {  	v21 =	vld [tilespmem:$0x80];
	[tilespmem:s17], [sflag:$0x3] =	stream.linear.gather [hbm4b:s0+s3], $0x10, $0x38  }
0x12e: {  	_ =	swait.ge [sflag:s16], $0x10  }
0x12f: {  	(v2sf) =	vpush v31, $0x6;
	_ =	sdelay $0xe  }
0x130: {  	s0 =	spop (v2sf)  }
0x131: {  	p0 =	sgt.s32 s0, $0x10EA0  }
0x132: {  	[smem:$0x7E5] =	sst s0;
	s0 =	simm.s32 @!p0 $0x10EA0  }
0x133: {  	s20 =	sshll.u32 s0, $0xB;
	s0 =	sshll.u32 s0, $0x7  }
0x134: {  	s2 =	sand.u32 $0xFFFFC000, s20;
	s0 =	sand.u32 $0x380, s0  }
0x135: {  	s0 =	sor.u32 s2, s0  }
0x136: {  	s0 =	sor.u32 s29, s0  }
0x137: {  	[sflag:s16] =	ssyncset.done $0x0;
	s0 =	sshrl.u32 s0, $0x3  }
0x138: {  	[sflag:s16] =	ssyncadd.s32 $0xFFFFFFF0;
	s0 =	sadd.s32 s1, s0  }
0x139: {  	v22 =	vld [tilespmem:$0x80];
	[tilespmem:s17], [sflag:$0x3] =	stream.linear.gather [hbm4b:s0+s3], $0x10, $0x38  }
0x13a: {  	_ =	swait.ge [sflag:s16], $0x10  }
0x13b: {  	(v2sf) =	vpush v31, $0x7;
	_ =	sdelay $0xe  }
0x13c: {  	s0 =	spop (v2sf)  }
0x13d: {  	p0 =	sgt.s32 s0, $0x10EA0  }
0x13e: {  	[smem:$0x7E6] =	sst s0;
	s0 =	simm.s32 @!p0 $0x10EA0  }
0x13f: {  	s21 =	sshll.u32 s0, $0xB;
	s0 =	sshll.u32 s0, $0x7  }
0x140: {  	s2 =	sand.u32 $0xFFFFC000, s21;
	s0 =	sand.u32 $0x380, s0  }
0x141: {  	s0 =	sor.u32 s2, s0  }
0x142: {  	s0 =	sor.u32 s29, s0  }
0x143: {  	[sflag:s16] =	ssyncset.done $0x0;
	s0 =	sshrl.u32 s0, $0x3  }
0x144: {  	[sflag:s16] =	ssyncadd.s32 $0xFFFFFFF0;
	s0 =	sadd.s32 s1, s0  }
0x145: {  	v23 =	vld [tilespmem:$0x80];
	[tilespmem:s17], [sflag:$0x3] =	stream.linear.gather [hbm4b:s0+s3], $0x10, $0x38  }
0x146: {  	_ =	swait.ge [sflag:s16], $0x10  }
0x147: {  	(v2sf) =	vpush v31, $0x8;
	_ =	sdelay $0xe  }
0x148: {  	s0 =	spop (v2sf)  }
0x149: {  	p0 =	sgt.s32 s0, $0x10EA0  }
0x14a: {  	[smem:$0x7E7] =	sst s0;
	s0 =	simm.s32 @!p0 $0x10EA0  }
0x14b: {  	s23 =	sshll.u32 s0, $0xB;
	s0 =	sshll.u32 s0, $0x7  }
0x14c: {  	s2 =	sand.u32 $0xFFFFC000, s23;
	s0 =	sand.u32 $0x380, s0  }
0x14d: {  	s0 =	sor.u32 s2, s0  }
0x14e: {  	s0 =	sor.u32 s29, s0  }
0x14f: {  	[sflag:s16] =	ssyncset.done $0x0;
	s0 =	sshrl.u32 s0, $0x3  }
0x150: {  	[sflag:s16] =	ssyncadd.s32 $0xFFFFFFF0;
	s0 =	sadd.s32 s1, s0  }
0x151: {  	v24 =	vld [tilespmem:$0x80];
	[tilespmem:s17], [sflag:$0x3] =	stream.linear.gather [hbm4b:s0+s3], $0x10, $0x38  }
0x152: {  	_ =	swait.ge [sflag:s16], $0x10  }
0x153: {  	(v2sf) =	vpush v31, $0x9;
	_ =	sdelay $0xe  }
0x154: {  	s0 =	spop (v2sf)  }
0x155: {  	p0 =	sgt.s32 s0, $0x10EA0  }
0x156: {  	[smem:$0x7E8] =	sst s0;
	s0 =	simm.s32 @!p0 $0x10EA0  }
0x157: {  	s24 =	sshll.u32 s0, $0xB;
	s0 =	sshll.u32 s0, $0x7  }
0x158: {  	s2 =	sand.u32 $0xFFFFC000, s24;
	s0 =	sand.u32 $0x380, s0  }
0x159: {  	s0 =	sor.u32 s2, s0  }
0x15a: {  	s0 =	sor.u32 s29, s0  }
0x15b: {  	[sflag:s16] =	ssyncset.done $0x0;
	s0 =	sshrl.u32 s0, $0x3  }
0x15c: {  	[sflag:s16] =	ssyncadd.s32 $0xFFFFFFF0;
	s0 =	sadd.s32 s1, s0  }
0x15d: {  	v25 =	vld [tilespmem:$0x80];
	[tilespmem:s17], [sflag:$0x3] =	stream.linear.gather [hbm4b:s0+s3], $0x10, $0x38  }
0x15e: {  	_ =	swait.ge [sflag:s16], $0x10  }
0x15f: {  	(v2sf) =	vpush v31, $0xA;
	_ =	sdelay $0xe  }
0x160: {  	s0 =	spop (v2sf)  }
0x161: {  	p0 =	sgt.s32 s0, $0x10EA0  }
0x162: {  	[smem:$0x7E9] =	sst s0;
	s0 =	simm.s32 @!p0 $0x10EA0  }
0x163: {  	s25 =	sshll.u32 s0, $0xB;
	s0 =	sshll.u32 s0, $0x7  }
0x164: {  	s2 =	sand.u32 $0xFFFFC000, s25;
	s0 =	sand.u32 $0x380, s0  }
0x165: {  	s0 =	sor.u32 s2, s0  }
0x166: {  	s0 =	sor.u32 s29, s0  }
0x167: {  	[sflag:s16] =	ssyncset.done $0x0;
	s0 =	sshrl.u32 s0, $0x3  }
0x168: {  	[sflag:s16] =	ssyncadd.s32 $0xFFFFFFF0;
	s0 =	sadd.s32 s1, s0  }
0x169: {  	v26 =	vld [tilespmem:$0x80];
	[tilespmem:s17], [sflag:$0x3] =	stream.linear.gather [hbm4b:s0+s3], $0x10, $0x38  }
0x16a: {  	_ =	swait.ge [sflag:s16], $0x10  }
0x16b: {  	(v2sf) =	vpush v31, $0xB;
	_ =	sdelay $0xe  }
0x16c: {  	s0 =	spop (v2sf)  }
0x16d: {  	p0 =	sgt.s32 s0, $0x10EA0  }
0x16e: {  	[smem:$0x7EA] =	sst s0;
	s0 =	simm.s32 @!p0 $0x10EA0  }
0x16f: {  	s26 =	sshll.u32 s0, $0xB;
	s0 =	sshll.u32 s0, $0x7  }
0x170: {  	s2 =	sand.u32 $0xFFFFC000, s26;
	s0 =	sand.u32 $0x380, s0  }
0x171: {  	s0 =	sor.u32 s2, s0  }
0x172: {  	s0 =	sor.u32 s29, s0  }
0x173: {  	[sflag:s16] =	ssyncset.done $0x0;
	s0 =	sshrl.u32 s0, $0x3  }
0x174: {  	[sflag:s16] =	ssyncadd.s32 $0xFFFFFFF0;
	s0 =	sadd.s32 s1, s0  }
0x175: {  	v27 =	vld [tilespmem:$0x80];
	[tilespmem:s17], [sflag:$0x3] =	stream.linear.gather [hbm4b:s0+s3], $0x10, $0x38  }
0x176: {  	_ =	swait.ge [sflag:s16], $0x10  }
0x177: {  	(v2sf) =	vpush v31, $0xC;
	_ =	sdelay $0xe  }
0x178: {  	s0 =	spop (v2sf)  }
0x179: {  	p0 =	sgt.s32 s0, $0x10EA0  }
0x17a: {  	[smem:$0x7EB] =	sst s0;
	s0 =	simm.s32 @!p0 $0x10EA0  }
0x17b: {  	s28 =	sshll.u32 s0, $0xB;
	s0 =	sshll.u32 s0, $0x7  }
0x17c: {  	s2 =	sand.u32 $0xFFFFC000, s28;
	s0 =	sand.u32 $0x380, s0  }
0x17d: {  	s0 =	sor.u32 s2, s0  }
0x17e: {  	s0 =	sor.u32 s29, s0  }
0x17f: {  	[sflag:s16] =	ssyncset.done $0x0;
	s0 =	sshrl.u32 s0, $0x3  }
0x180: {  	[sflag:s16] =	ssyncadd.s32 $0xFFFFFFF0;
	s0 =	sadd.s32 s1, s0  }
0x181: {  	v28 =	vld [tilespmem:$0x80];
	[tilespmem:s17], [sflag:$0x3] =	stream.linear.gather [hbm4b:s0+s3], $0x10, $0x38  }
0x182: {  	_ =	swait.ge [sflag:s16], $0x10  }
0x183: {  	(v2sf) =	vpush v31, $0xD;
	_ =	sdelay $0xe  }
0x184: {  	s0 =	spop (v2sf)  }
0x185: {  	p0 =	sgt.s32 s0, $0x10EA0  }
0x186: {  	[smem:$0x7EC] =	sst s0;
	s0 =	simm.s32 @!p0 $0x10EA0  }
0x187: {  	s30 =	sshll.u32 s0, $0xB;
	s0 =	sshll.u32 s0, $0x7  }
0x188: {  	s2 =	sand.u32 $0xFFFFC000, s30;
	s0 =	sand.u32 $0x380, s0  }
0x189: {  	s0 =	sor.u32 s2, s0  }
0x18a: {  	s0 =	sor.u32 s29, s0  }
0x18b: {  	[sflag:s16] =	ssyncset.done $0x0;
	s0 =	sshrl.u32 s0, $0x3  }
0x18c: {  	[sflag:s16] =	ssyncadd.s32 $0xFFFFFFF0;
	s0 =	sadd.s32 s1, s0  }
0x18d: {  	v29 =	vld [tilespmem:$0x80];
	[tilespmem:s17], [sflag:$0x3] =	stream.linear.gather [hbm4b:s0+s3], $0x10, $0x38  }
0x18e: {  	_ =	swait.ge [sflag:s16], $0x10  }
0x18f: {  	(v2sf) =	vpush v31, $0xE;
	_ =	sdelay $0xe  }
0x190: {  	s0 =	spop (v2sf)  }
0x191: {  	p0 =	sgt.s32 s0, $0x10EA0  }
0x192: {  	[smem:$0x7ED] =	sst s0;
	s0 =	simm.s32 @!p0 $0x10EA0  }
0x193: {  	s31 =	sshll.u32 s0, $0xB;
	s0 =	sshll.u32 s0, $0x7  }
0x194: {  	s2 =	sand.u32 $0xFFFFC000, s31;
	s0 =	sand.u32 $0x380, s0  }
0x195: {  	s0 =	sor.u32 s2, s0  }
0x196: {  	s0 =	sor.u32 s29, s0  }
0x197: {  	[sflag:s16] =	ssyncset.done $0x0;
	s0 =	sshrl.u32 s0, $0x3  }
0x198: {  	[sflag:s16] =	ssyncadd.s32 $0xFFFFFFF0;
	s0 =	sadd.s32 s1, s0  }
0x199: {  	v30 =	vld [tilespmem:$0x80];
	[tilespmem:s17], [sflag:$0x3] =	stream.linear.gather [hbm4b:s0+s3], $0x10, $0x38  }
0x19a: {  	_ =	swait.ge [sflag:s16], $0x10  }
0x19b: {  	(v2sf) =	vpush v31, $0xF;
	_ =	sdelay $0xe  }
0x19c: {  	s0 =	spop (v2sf)  }
0x19d: {  	p0 =	sgt.s32 s0, $0x10EA0  }
0x19e: {  	[smem:$0x7EE] =	sst s0;
	s0 =	simm.s32 @!p0 $0x10EA0  }
0x19f: {  	s4 =	sshll.u32 s0, $0xB;
	s0 =	sshll.u32 s0, $0x7  }
0x1a0: {  	s2 =	sand.u32 $0xFFFFC000, s4;
	s0 =	sand.u32 $0x380, s0  }
0x1a1: {  	s0 =	sor.u32 s2, s0  }
0x1a2: {  	s0 =	sor.u32 s29, s0  }
0x1a3: {  	[sflag:s16] =	ssyncset.done $0x0;
	s0 =	sshrl.u32 s0, $0x3  }
0x1a4: {  	[sflag:s16] =	ssyncadd.s32 $0xFFFFFFF0;
	s0 =	sadd.s32 s1, s0  }
0x1a5: {  	v31 =	vld [tilespmem:$0x80];
	[tilespmem:s17], [sflag:$0x3] =	stream.linear.gather [hbm4b:s0+s3], $0x10, $0x38  }
0x1a6: {  	_ =	swait.ge [sflag:s16], $0x10  }
0x1a7: {  	[sflag:s16] =	ssyncset.done $0x0  }
0x1a8: {  	[sflag:s16] =	ssyncadd.s32 $0xFFFFFFF0  }
0x1a9: {  	v47 =	vld [tilespmem:$0x20];
	_ =	sdelay $0x4  }
0x1aa: {  	(v2sf) =	vpush v47, $0x0;
	_ =	sdelay $0xe  }
0x1ab: {  	s0 =	spop (v2sf)  }
0x1ac: {  	p0 =	sgt.s32 s0, $0x10EA0  }
0x1ad: {  	[smem:$0x7EF] =	sst s0;
	s0 =	simm.s32 @!p0 $0x10EA0  }
0x1ae: {  	s5 =	sshll.u32 s0, $0xB;
	s0 =	sshll.u32 s0, $0x7  }
0x1af: {  	s2 =	sand.u32 $0xFFFFC000, s5;
	s0 =	sand.u32 $0x380, s0  }
0x1b0: {  	s0 =	sor.u32 s2, s0  }
0x1b1: {  	s0 =	sor.u32 s14, s0  }
0x1b2: {  	s0 =	sshrl.u32 s0, $0x3  }
0x1b3: {  	s0 =	sadd.s32 s1, s0  }
0x1b4: {  	v32 =	vld [tilespmem:$0x80];
	[tilespmem:s17], [sflag:$0x3] =	stream.linear.gather [hbm4b:s0+s3], $0x10, $0x38  }
0x1b5: {  	_ =	swait.ge [sflag:s16], $0x10  }
0x1b6: {  	(v2sf) =	vpush v47, $0x1;
	_ =	sdelay $0xe  }
0x1b7: {  	s0 =	spop (v2sf)  }
0x1b8: {  	p0 =	sgt.s32 s0, $0x10EA0  }
0x1b9: {  	[smem:$0x7F0] =	sst s0;
	s0 =	simm.s32 @!p0 $0x10EA0  }
0x1ba: {  	s6 =	sshll.u32 s0, $0xB;
	s0 =	sshll.u32 s0, $0x7  }
0x1bb: {  	s2 =	sand.u32 $0xFFFFC000, s6;
	s0 =	sand.u32 $0x380, s0  }
0x1bc: {  	s0 =	sor.u32 s2, s0  }
0x1bd: {  	s0 =	sor.u32 s14, s0  }
0x1be: {  	[sflag:s16] =	ssyncset.done $0x0;
	s0 =	sshrl.u32 s0, $0x3  }
0x1bf: {  	[sflag:s16] =	ssyncadd.s32 $0xFFFFFFF0;
	s0 =	sadd.s32 s1, s0  }
0x1c0: {  	v33 =	vld [tilespmem:$0x80];
	[tilespmem:s17], [sflag:$0x3] =	stream.linear.gather [hbm4b:s0+s3], $0x10, $0x38  }
0x1c1: {  	_ =	swait.ge [sflag:s16], $0x10  }
0x1c2: {  	(v2sf) =	vpush v47, $0x2;
	_ =	sdelay $0xe  }
0x1c3: {  	s0 =	spop (v2sf)  }
0x1c4: {  	p0 =	sgt.s32 s0, $0x10EA0  }
0x1c5: {  	[smem:$0x7F1] =	sst s0;
	s0 =	simm.s32 @!p0 $0x10EA0  }
0x1c6: {  	s7 =	sshll.u32 s0, $0xB;
	s0 =	sshll.u32 s0, $0x7  }
0x1c7: {  	s2 =	sand.u32 $0xFFFFC000, s7;
	s0 =	sand.u32 $0x380, s0  }
0x1c8: {  	s0 =	sor.u32 s2, s0  }
0x1c9: {  	s0 =	sor.u32 s14, s0  }
0x1ca: {  	[sflag:s16] =	ssyncset.done $0x0;
	s0 =	sshrl.u32 s0, $0x3  }
0x1cb: {  	[sflag:s16] =	ssyncadd.s32 $0xFFFFFFF0;
	s0 =	sadd.s32 s1, s0  }
0x1cc: {  	v34 =	vld [tilespmem:$0x80];
	[tilespmem:s17], [sflag:$0x3] =	stream.linear.gather [hbm4b:s0+s3], $0x10, $0x38  }
0x1cd: {  	_ =	swait.ge [sflag:s16], $0x10  }
0x1ce: {  	(v2sf) =	vpush v47, $0x3;
	_ =	sdelay $0xe  }
0x1cf: {  	s0 =	spop (v2sf)  }
0x1d0: {  	p0 =	sgt.s32 s0, $0x10EA0  }
0x1d1: {  	[smem:$0x7F2] =	sst s0;
	s0 =	simm.s32 @!p0 $0x10EA0  }
0x1d2: {  	s8 =	sshll.u32 s0, $0xB;
	s0 =	sshll.u32 s0, $0x7  }
0x1d3: {  	s2 =	sand.u32 $0xFFFFC000, s8;
	s0 =	sand.u32 $0x380, s0  }
0x1d4: {  	s0 =	sor.u32 s2, s0  }
0x1d5: {  	s0 =	sor.u32 s14, s0  }
0x1d6: {  	[sflag:s16] =	ssyncset.done $0x0;
	s0 =	sshrl.u32 s0, $0x3  }
0x1d7: {  	[sflag:s16] =	ssyncadd.s32 $0xFFFFFFF0;
	s0 =	sadd.s32 s1, s0  }
0x1d8: {  	v35 =	vld [tilespmem:$0x80];
	[tilespmem:s17], [sflag:$0x3] =	stream.linear.gather [hbm4b:s0+s3], $0x10, $0x38  }
0x1d9: {  	_ =	swait.ge [sflag:s16], $0x10  }
0x1da: {  	(v2sf) =	vpush v47, $0x4;
	_ =	sdelay $0xe  }
0x1db: {  	s0 =	spop (v2sf)  }
0x1dc: {  	p0 =	sgt.s32 s0, $0x10EA0  }
0x1dd: {  	[smem:$0x7F3] =	sst s0;
	s0 =	simm.s32 @!p0 $0x10EA0  }
0x1de: {  	s11 =	sshll.u32 s0, $0xB;
	s0 =	sshll.u32 s0, $0x7  }
0x1df: {  	s2 =	sand.u32 $0xFFFFC000, s11;
	s0 =	sand.u32 $0x380, s0  }
0x1e0: {  	s0 =	sor.u32 s2, s0  }
0x1e1: {  	s0 =	sor.u32 s14, s0  }
0x1e2: {  	[sflag:s16] =	ssyncset.done $0x0;
	s0 =	sshrl.u32 s0, $0x3  }
0x1e3: {  	[sflag:s16] =	ssyncadd.s32 $0xFFFFFFF0;
	s0 =	sadd.s32 s1, s0  }
0x1e4: {  	v36 =	vld [tilespmem:$0x80];
	[tilespmem:s17], [sflag:$0x3] =	stream.linear.gather [hbm4b:s0+s3], $0x10, $0x38  }
0x1e5: {  	_ =	swait.ge [sflag:s16], $0x10  }
0x1e6: {  	(v2sf) =	vpush v47, $0x5;
	_ =	sdelay $0xe  }
0x1e7: {  	s0 =	spop (v2sf)  }
0x1e8: {  	p0 =	sgt.s32 s0, $0x10EA0  }
0x1e9: {  	[smem:$0x7F4] =	sst s0;
	s0 =	simm.s32 @!p0 $0x10EA0  }
0x1ea: {  	s13 =	sshll.u32 s0, $0xB;
	s0 =	sshll.u32 s0, $0x7  }
0x1eb: {  	s2 =	sand.u32 $0xFFFFC000, s13;
	s0 =	sand.u32 $0x380, s0  }
0x1ec: {  	s0 =	sor.u32 s2, s0  }
0x1ed: {  	s0 =	sor.u32 s14, s0  }
0x1ee: {  	[sflag:s16] =	ssyncset.done $0x0;
	s0 =	sshrl.u32 s0, $0x3  }
0x1ef: {  	[sflag:s16] =	ssyncadd.s32 $0xFFFFFFF0;
	s0 =	sadd.s32 s1, s0  }
0x1f0: {  	v37 =	vld [tilespmem:$0x80];
	[tilespmem:s17], [sflag:$0x3] =	stream.linear.gather [hbm4b:s0+s3], $0x10, $0x38  }
0x1f1: {  	_ =	swait.ge [sflag:s16], $0x10  }
0x1f2: {  	(v2sf) =	vpush v47, $0x6;
	_ =	sdelay $0xe  }
0x1f3: {  	s0 =	spop (v2sf)  }
0x1f4: {  	p0 =	sgt.s32 s0, $0x10EA0  }
0x1f5: {  	[smem:$0x7F5] =	sst s0;
	s0 =	simm.s32 @!p0 $0x10EA0  }
0x1f6: {  	s20 =	sshll.u32 s0, $0xB;
	s0 =	sshll.u32 s0, $0x7  }
0x1f7: {  	s2 =	sand.u32 $0xFFFFC000, s20;
	s0 =	sand.u32 $0x380, s0  }
0x1f8: {  	s0 =	sor.u32 s2, s0  }
0x1f9: {  	s0 =	sor.u32 s14, s0  }
0x1fa: {  	[sflag:s16] =	ssyncset.done $0x0;
	s0 =	sshrl.u32 s0, $0x3  }
0x1fb: {  	[sflag:s16] =	ssyncadd.s32 $0xFFFFFFF0;
	s0 =	sadd.s32 s1, s0  }
0x1fc: {  	v38 =	vld [tilespmem:$0x80];
	[tilespmem:s17], [sflag:$0x3] =	stream.linear.gather [hbm4b:s0+s3], $0x10, $0x38  }
0x1fd: {  	_ =	swait.ge [sflag:s16], $0x10  }
0x1fe: {  	(v2sf) =	vpush v47, $0x7;
	_ =	sdelay $0xe  }
0x1ff: {  	s0 =	spop (v2sf)  }
0x200: {  	p0 =	sgt.s32 s0, $0x10EA0  }
0x201: {  	[smem:$0x7F6] =	sst s0;
	s0 =	simm.s32 @!p0 $0x10EA0  }
0x202: {  	s21 =	sshll.u32 s0, $0xB;
	s0 =	sshll.u32 s0, $0x7  }
0x203: {  	s2 =	sand.u32 $0xFFFFC000, s21;
	s0 =	sand.u32 $0x380, s0  }
0x204: {  	s0 =	sor.u32 s2, s0  }
0x205: {  	s0 =	sor.u32 s14, s0  }
0x206: {  	[sflag:s16] =	ssyncset.done $0x0;
	s0 =	sshrl.u32 s0, $0x3  }
0x207: {  	[sflag:s16] =	ssyncadd.s32 $0xFFFFFFF0;
	s0 =	sadd.s32 s1, s0  }
0x208: {  	v39 =	vld [tilespmem:$0x80];
	[tilespmem:s17], [sflag:$0x3] =	stream.linear.gather [hbm4b:s0+s3], $0x10, $0x38  }
0x209: {  	_ =	swait.ge [sflag:s16], $0x10  }
0x20a: {  	(v2sf) =	vpush v47, $0x8;
	_ =	sdelay $0xe  }
0x20b: {  	s0 =	spop (v2sf)  }
0x20c: {  	p0 =	sgt.s32 s0, $0x10EA0  }
0x20d: {  	[smem:$0x7F7] =	sst s0;
	s0 =	simm.s32 @!p0 $0x10EA0  }
0x20e: {  	s23 =	sshll.u32 s0, $0xB;
	s0 =	sshll.u32 s0, $0x7  }
0x20f: {  	s2 =	sand.u32 $0xFFFFC000, s23;
	s0 =	sand.u32 $0x380, s0  }
0x210: {  	s0 =	sor.u32 s2, s0  }
0x211: {  	s0 =	sor.u32 s14, s0  }
0x212: {  	[sflag:s16] =	ssyncset.done $0x0;
	s0 =	sshrl.u32 s0, $0x3  }
0x213: {  	[sflag:s16] =	ssyncadd.s32 $0xFFFFFFF0;
	s0 =	sadd.s32 s1, s0  }
0x214: {  	v40 =	vld [tilespmem:$0x80];
	[tilespmem:s17], [sflag:$0x3] =	stream.linear.gather [hbm4b:s0+s3], $0x10, $0x38  }
0x215: {  	_ =	swait.ge [sflag:s16], $0x10  }
0x216: {  	(v2sf) =	vpush v47, $0x9;
	_ =	sdelay $0xe  }
0x217: {  	s0 =	spop (v2sf)  }
0x218: {  	p0 =	sgt.s32 s0, $0x10EA0  }
0x219: {  	[smem:$0x7F8] =	sst s0;
	s0 =	simm.s32 @!p0 $0x10EA0  }
0x21a: {  	s24 =	sshll.u32 s0, $0xB;
	s0 =	sshll.u32 s0, $0x7  }
0x21b: {  	s2 =	sand.u32 $0xFFFFC000, s24;
	s0 =	sand.u32 $0x380, s0  }
0x21c: {  	s0 =	sor.u32 s2, s0  }
0x21d: {  	s0 =	sor.u32 s14, s0  }
0x21e: {  	[sflag:s16] =	ssyncset.done $0x0;
	s0 =	sshrl.u32 s0, $0x3  }
0x21f: {  	[sflag:s16] =	ssyncadd.s32 $0xFFFFFFF0;
	s0 =	sadd.s32 s1, s0  }
0x220: {  	v41 =	vld [tilespmem:$0x80];
	[tilespmem:s17], [sflag:$0x3] =	stream.linear.gather [hbm4b:s0+s3], $0x10, $0x38  }
0x221: {  	_ =	swait.ge [sflag:s16], $0x10  }
0x222: {  	(v2sf) =	vpush v47, $0xA;
	_ =	sdelay $0xe  }
0x223: {  	s0 =	spop (v2sf)  }
0x224: {  	p0 =	sgt.s32 s0, $0x10EA0  }
0x225: {  	[smem:$0x7F9] =	sst s0;
	s0 =	simm.s32 @!p0 $0x10EA0  }
0x226: {  	s25 =	sshll.u32 s0, $0xB;
	s0 =	sshll.u32 s0, $0x7  }
0x227: {  	s2 =	sand.u32 $0xFFFFC000, s25;
	s0 =	sand.u32 $0x380, s0  }
0x228: {  	s0 =	sor.u32 s2, s0  }
0x229: {  	s0 =	sor.u32 s14, s0  }
0x22a: {  	[sflag:s16] =	ssyncset.done $0x0;
	s0 =	sshrl.u32 s0, $0x3  }
0x22b: {  	[sflag:s16] =	ssyncadd.s32 $0xFFFFFFF0;
	s0 =	sadd.s32 s1, s0  }
0x22c: {  	v42 =	vld [tilespmem:$0x80];
	[tilespmem:s17], [sflag:$0x3] =	stream.linear.gather [hbm4b:s0+s3], $0x10, $0x38  }
0x22d: {  	_ =	swait.ge [sflag:s16], $0x10  }
0x22e: {  	(v2sf) =	vpush v47, $0xB;
	_ =	sdelay $0xe  }
0x22f: {  	s0 =	spop (v2sf)  }
0x230: {  	p0 =	sgt.s32 s0, $0x10EA0  }
0x231: {  	[smem:$0x7FA] =	sst s0;
	s0 =	simm.s32 @!p0 $0x10EA0  }
0x232: {  	s26 =	sshll.u32 s0, $0xB;
	s0 =	sshll.u32 s0, $0x7  }
0x233: {  	s2 =	sand.u32 $0xFFFFC000, s26;
	s0 =	sand.u32 $0x380, s0  }
0x234: {  	s0 =	sor.u32 s2, s0  }
0x235: {  	s0 =	sor.u32 s14, s0  }
0x236: {  	[sflag:s16] =	ssyncset.done $0x0;
	s0 =	sshrl.u32 s0, $0x3  }
0x237: {  	[sflag:s16] =	ssyncadd.s32 $0xFFFFFFF0;
	s0 =	sadd.s32 s1, s0  }
0x238: {  	v43 =	vld [tilespmem:$0x80];
	[tilespmem:s17], [sflag:$0x3] =	stream.linear.gather [hbm4b:s0+s3], $0x10, $0x38  }
0x239: {  	_ =	swait.ge [sflag:s16], $0x10  }
0x23a: {  	(v2sf) =	vpush v47, $0xC;
	_ =	sdelay $0xe  }
0x23b: {  	s0 =	spop (v2sf)  }
0x23c: {  	p0 =	sgt.s32 s0, $0x10EA0  }
0x23d: {  	[smem:$0x7FB] =	sst s0;
	s0 =	simm.s32 @!p0 $0x10EA0  }
0x23e: {  	s28 =	sshll.u32 s0, $0xB;
	s0 =	sshll.u32 s0, $0x7  }
0x23f: {  	s2 =	sand.u32 $0xFFFFC000, s28;
	s0 =	sand.u32 $0x380, s0  }
0x240: {  	s0 =	sor.u32 s2, s0  }
0x241: {  	s0 =	sor.u32 s14, s0  }
0x242: {  	[sflag:s16] =	ssyncset.done $0x0;
	s0 =	sshrl.u32 s0, $0x3  }
0x243: {  	[sflag:s16] =	ssyncadd.s32 $0xFFFFFFF0;
	s0 =	sadd.s32 s1, s0  }
0x244: {  	v44 =	vld [tilespmem:$0x80];
	[tilespmem:s17], [sflag:$0x3] =	stream.linear.gather [hbm4b:s0+s3], $0x10, $0x38  }
0x245: {  	_ =	swait.ge [sflag:s16], $0x10  }
0x246: {  	(v2sf) =	vpush v47, $0xD;
	_ =	sdelay $0xe  }
0x247: {  	s0 =	spop (v2sf)  }
0x248: {  	p0 =	sgt.s32 s0, $0x10EA0  }
0x249: {  	[smem:$0x7FC] =	sst s0;
	s0 =	simm.s32 @!p0 $0x10EA0  }
0x24a: {  	s30 =	sshll.u32 s0, $0xB;
	s0 =	sshll.u32 s0, $0x7  }
0x24b: {  	s2 =	sand.u32 $0xFFFFC000, s30;
	s0 =	sand.u32 $0x380, s0  }
0x24c: {  	s0 =	sor.u32 s2, s0  }
0x24d: {  	s0 =	sor.u32 s14, s0  }
0x24e: {  	[sflag:s16] =	ssyncset.done $0x0;
	s0 =	sshrl.u32 s0, $0x3  }
0x24f: {  	[sflag:s16] =	ssyncadd.s32 $0xFFFFFFF0;
	s0 =	sadd.s32 s1, s0  }
0x250: {  	v45 =	vld [tilespmem:$0x80];
	[tilespmem:s17], [sflag:$0x3] =	stream.linear.gather [hbm4b:s0+s3], $0x10, $0x38  }
0x251: {  	_ =	swait.ge [sflag:s16], $0x10  }
0x252: {  	(v2sf) =	vpush v47, $0xE;
	_ =	sdelay $0xe  }
0x253: {  	s0 =	spop (v2sf)  }
0x254: {  	p0 =	sgt.s32 s0, $0x10EA0  }
0x255: {  	[smem:$0x7FD] =	sst s0;
	s0 =	simm.s32 @!p0 $0x10EA0  }
0x256: {  	s31 =	sshll.u32 s0, $0xB;
	s0 =	sshll.u32 s0, $0x7  }
0x257: {  	s2 =	sand.u32 $0xFFFFC000, s31;
	s0 =	sand.u32 $0x380, s0  }
0x258: {  	s0 =	sor.u32 s2, s0  }
0x259: {  	s0 =	sor.u32 s14, s0  }
0x25a: {  	[sflag:s16] =	ssyncset.done $0x0;
	s0 =	sshrl.u32 s0, $0x3  }
0x25b: {  	[sflag:s16] =	ssyncadd.s32 $0xFFFFFFF0;
	s0 =	sadd.s32 s1, s0  }
0x25c: {  	v46 =	vld [tilespmem:$0x80];
	[tilespmem:s17], [sflag:$0x3] =	stream.linear.gather [hbm4b:s0+s3], $0x10, $0x38  }
0x25d: {  	_ =	swait.ge [sflag:s16], $0x10  }
0x25e: {  	(v2sf) =	vpush v47, $0xF;
	_ =	sdelay $0xe  }
0x25f: {  	s28 =	spop (v2sf)  }
0x260: {  	p0 =	sgt.s32 s28, $0x10EA0;
	s0 =	smov.u32 s28  }
0x261: {  	s0 =	simm.s32 @!p0 $0x10EA0  }
0x262: {  	s4 =	sshll.u32 s0, $0xB;
	s0 =	sshll.u32 s0, $0x7  }
0x263: {  	s2 =	sand.u32 $0xFFFFC000, s4;
	s0 =	sand.u32 $0x380, s0  }
0x264: {  	s0 =	sor.u32 s2, s0  }
0x265: {  	s0 =	sor.u32 s14, s0  }
0x266: {  	[sflag:s16] =	ssyncset.done $0x0;
	s0 =	sshrl.u32 s0, $0x3  }
0x267: {  	[sflag:s16] =	ssyncadd.s32 $0xFFFFFFF0;
	s0 =	sadd.s32 s1, s0  }
0x268: {  	v47 =	vld [tilespmem:$0x80];
	[tilespmem:s17], [sflag:$0x3] =	stream.linear.gather [hbm4b:s0+s3], $0x10, $0x38  }
0x269: {  	_ =	swait.ge [sflag:s16], $0x10  }
0x26a: {  	[sflag:s16] =	ssyncset.done $0x0  }
0x26b: {  	[sflag:s16] =	ssyncadd.s32 $0xFFFFFFF0  }
0x26c: {  	v63 =	vld [tilespmem:$0x30];
	_ =	sdelay $0x4  }
0x26d: {  	(v2sf) =	vpush v63, $0x0;
	_ =	sdelay $0xe  }
0x26e: {  	s26 =	spop (v2sf)  }
0x26f: {  	p0 =	sgt.s32 s26, $0x10EA0;
	s0 =	smov.u32 s26  }
0x270: {  	s0 =	simm.s32 @!p0 $0x10EA0  }
0x271: {  	s5 =	sshll.u32 s0, $0xB;
	s0 =	sshll.u32 s0, $0x7  }
0x272: {  	s2 =	sand.u32 $0xFFFFC000, s5;
	s0 =	sand.u32 $0x380, s0  }
0x273: {  	s0 =	sor.u32 s2, s0  }
0x274: {  	s0 =	sor.u32 s15, s0  }
0x275: {  	s0 =	sshrl.u32 s0, $0x3  }
0x276: {  	s0 =	sadd.s32 s1, s0  }
0x277: {  	v48 =	vld [tilespmem:$0x80];
	[tilespmem:s17], [sflag:$0x3] =	stream.linear.gather [hbm4b:s0+s3], $0x10, $0x38  }
0x278: {  	_ =	swait.ge [sflag:s16], $0x10  }
0x279: {  	(v2sf) =	vpush v63, $0x1;
	_ =	sdelay $0xe  }
0x27a: {  	s25 =	spop (v2sf)  }
0x27b: {  	p0 =	sgt.s32 s25, $0x10EA0;
	s0 =	smov.u32 s25  }
0x27c: {  	s0 =	simm.s32 @!p0 $0x10EA0  }
0x27d: {  	s6 =	sshll.u32 s0, $0xB;
	s0 =	sshll.u32 s0, $0x7  }
0x27e: {  	s2 =	sand.u32 $0xFFFFC000, s6;
	s0 =	sand.u32 $0x380, s0  }
0x27f: {  	s0 =	sor.u32 s2, s0  }
0x280: {  	s0 =	sor.u32 s15, s0  }
0x281: {  	[sflag:s16] =	ssyncset.done $0x0;
	s0 =	sshrl.u32 s0, $0x3  }
0x282: {  	[sflag:s16] =	ssyncadd.s32 $0xFFFFFFF0;
	s0 =	sadd.s32 s1, s0  }
0x283: {  	v49 =	vld [tilespmem:$0x80];
	[tilespmem:s17], [sflag:$0x3] =	stream.linear.gather [hbm4b:s0+s3], $0x10, $0x38  }
0x284: {  	_ =	swait.ge [sflag:s16], $0x10  }
0x285: {  	(v2sf) =	vpush v63, $0x2;
	_ =	sdelay $0xe  }
0x286: {  	s24 =	spop (v2sf)  }
0x287: {  	p0 =	sgt.s32 s24, $0x10EA0;
	s0 =	smov.u32 s24  }
0x288: {  	s0 =	simm.s32 @!p0 $0x10EA0  }
0x289: {  	s7 =	sshll.u32 s0, $0xB;
	s0 =	sshll.u32 s0, $0x7  }
0x28a: {  	s2 =	sand.u32 $0xFFFFC000, s7;
	s0 =	sand.u32 $0x380, s0  }
0x28b: {  	s0 =	sor.u32 s2, s0  }
0x28c: {  	s0 =	sor.u32 s15, s0  }
0x28d: {  	[sflag:s16] =	ssyncset.done $0x0;
	s0 =	sshrl.u32 s0, $0x3  }
0x28e: {  	[sflag:s16] =	ssyncadd.s32 $0xFFFFFFF0;
	s0 =	sadd.s32 s1, s0  }
0x28f: {  	v50 =	vld [tilespmem:$0x80];
	[tilespmem:s17], [sflag:$0x3] =	stream.linear.gather [hbm4b:s0+s3], $0x10, $0x38  }
0x290: {  	_ =	swait.ge [sflag:s16], $0x10  }
0x291: {  	(v2sf) =	vpush v63, $0x3;
	_ =	sdelay $0xe  }
0x292: {  	s23 =	spop (v2sf)  }
0x293: {  	p0 =	sgt.s32 s23, $0x10EA0;
	s0 =	smov.u32 s23  }
0x294: {  	s0 =	simm.s32 @!p0 $0x10EA0  }
0x295: {  	s8 =	sshll.u32 s0, $0xB;
	s0 =	sshll.u32 s0, $0x7  }
0x296: {  	s2 =	sand.u32 $0xFFFFC000, s8;
	s0 =	sand.u32 $0x380, s0  }
0x297: {  	s0 =	sor.u32 s2, s0  }
0x298: {  	s0 =	sor.u32 s15, s0  }
0x299: {  	[sflag:s16] =	ssyncset.done $0x0;
	s0 =	sshrl.u32 s0, $0x3  }
0x29a: {  	[sflag:s16] =	ssyncadd.s32 $0xFFFFFFF0;
	s0 =	sadd.s32 s1, s0  }
0x29b: {  	v51 =	vld [tilespmem:$0x80];
	[tilespmem:s17], [sflag:$0x3] =	stream.linear.gather [hbm4b:s0+s3], $0x10, $0x38  }
0x29c: {  	_ =	swait.ge [sflag:s16], $0x10  }
0x29d: {  	(v2sf) =	vpush v63, $0x4;
	_ =	sdelay $0xe  }
0x29e: {  	s21 =	spop (v2sf)  }
0x29f: {  	p0 =	sgt.s32 s21, $0x10EA0;
	s0 =	smov.u32 s21  }
0x2a0: {  	s0 =	simm.s32 @!p0 $0x10EA0  }
0x2a1: {  	s11 =	sshll.u32 s0, $0xB;
	s0 =	sshll.u32 s0, $0x7  }
0x2a2: {  	s2 =	sand.u32 $0xFFFFC000, s11;
	s0 =	sand.u32 $0x380, s0  }
0x2a3: {  	s0 =	sor.u32 s2, s0  }
0x2a4: {  	s0 =	sor.u32 s15, s0  }
0x2a5: {  	[sflag:s16] =	ssyncset.done $0x0;
	s0 =	sshrl.u32 s0, $0x3  }
0x2a6: {  	[sflag:s16] =	ssyncadd.s32 $0xFFFFFFF0;
	s0 =	sadd.s32 s1, s0  }
0x2a7: {  	v52 =	vld [tilespmem:$0x80];
	[tilespmem:s17], [sflag:$0x3] =	stream.linear.gather [hbm4b:s0+s3], $0x10, $0x38  }
0x2a8: {  	_ =	swait.ge [sflag:s16], $0x10  }
0x2a9: {  	(v2sf) =	vpush v63, $0x5;
	_ =	sdelay $0xe  }
0x2aa: {  	s20 =	spop (v2sf)  }
0x2ab: {  	p0 =	sgt.s32 s20, $0x10EA0;
	s0 =	smov.u32 s20  }
0x2ac: {  	s0 =	simm.s32 @!p0 $0x10EA0  }
0x2ad: {  	s13 =	sshll.u32 s0, $0xB;
	s0 =	sshll.u32 s0, $0x7  }
0x2ae: {  	s2 =	sand.u32 $0xFFFFC000, s13;
	s0 =	sand.u32 $0x380, s0  }
0x2af: {  	s0 =	sor.u32 s2, s0  }
0x2b0: {  	s0 =	sor.u32 s15, s0  }
0x2b1: {  	[sflag:s16] =	ssyncset.done $0x0;
	s0 =	sshrl.u32 s0, $0x3  }
0x2b2: {  	[sflag:s16] =	ssyncadd.s32 $0xFFFFFFF0;
	s0 =	sadd.s32 s1, s0  }
0x2b3: {  	v53 =	vld [tilespmem:$0x80];
	[tilespmem:s17], [sflag:$0x3] =	stream.linear.gather [hbm4b:s0+s3], $0x10, $0x38  }
0x2b4: {  	_ =	swait.ge [sflag:s16], $0x10  }
0x2b5: {  	(v2sf) =	vpush v63, $0x6;
	_ =	sdelay $0xe  }
0x2b6: {  	s11 =	spop (v2sf)  }
0x2b7: {  	p0 =	sgt.s32 s11, $0x10EA0;
	s0 =	smov.u32 s11  }
0x2b8: {  	s0 =	simm.s32 @!p0 $0x10EA0  }
0x2b9: {  	s30 =	sshll.u32 s0, $0xB;
	s0 =	sshll.u32 s0, $0x7  }
0x2ba: {  	s2 =	sand.u32 $0xFFFFC000, s30;
	s0 =	sand.u32 $0x380, s0  }
0x2bb: {  	s0 =	sor.u32 s2, s0  }
0x2bc: {  	s0 =	sor.u32 s15, s0  }
0x2bd: {  	[sflag:s16] =	ssyncset.done $0x0;
	s0 =	sshrl.u32 s0, $0x3  }
0x2be: {  	[sflag:s16] =	ssyncadd.s32 $0xFFFFFFF0;
	s0 =	sadd.s32 s1, s0  }
0x2bf: {  	v54 =	vld [tilespmem:$0x80];
	[tilespmem:s17], [sflag:$0x3] =	stream.linear.gather [hbm4b:s0+s3], $0x10, $0x38  }
0x2c0: {  	_ =	swait.ge [sflag:s16], $0x10  }
0x2c1: {  	(v2sf) =	vpush v63, $0x7;
	_ =	sdelay $0xe  }
0x2c2: {  	s8 =	spop (v2sf)  }
0x2c3: {  	p0 =	sgt.s32 s8, $0x10EA0;
	s0 =	smov.u32 s8  }
0x2c4: {  	s0 =	simm.s32 @!p0 $0x10EA0  }
0x2c5: {  	s31 =	sshll.u32 s0, $0xB;
	s0 =	sshll.u32 s0, $0x7  }
0x2c6: {  	s2 =	sand.u32 $0xFFFFC000, s31;
	s0 =	sand.u32 $0x380, s0  }
0x2c7: {  	s0 =	sor.u32 s2, s0  }
0x2c8: {  	s0 =	sor.u32 s15, s0  }
0x2c9: {  	[sflag:s16] =	ssyncset.done $0x0;
	s0 =	sshrl.u32 s0, $0x3  }
0x2ca: {  	[sflag:s16] =	ssyncadd.s32 $0xFFFFFFF0;
	s0 =	sadd.s32 s1, s0  }
0x2cb: {  	v55 =	vld [tilespmem:$0x80];
	[tilespmem:s17], [sflag:$0x3] =	stream.linear.gather [hbm4b:s0+s3], $0x10, $0x38  }
0x2cc: {  	_ =	swait.ge [sflag:s16], $0x10  }
0x2cd: {  	(v2sf) =	vpush v63, $0x8;
	_ =	sdelay $0xe  }
0x2ce: {  	s7 =	spop (v2sf)  }
0x2cf: {  	p0 =	sgt.s32 s7, $0x10EA0;
	s0 =	smov.u32 s7  }
0x2d0: {  	s0 =	simm.s32 @!p0 $0x10EA0  }
0x2d1: {  	s4 =	sshll.u32 s0, $0xB;
	s0 =	sshll.u32 s0, $0x7  }
0x2d2: {  	s2 =	sand.u32 $0xFFFFC000, s4;
	s0 =	sand.u32 $0x380, s0  }
0x2d3: {  	s0 =	sor.u32 s2, s0  }
0x2d4: {  	s0 =	sor.u32 s15, s0  }
0x2d5: {  	[sflag:s16] =	ssyncset.done $0x0;
	s0 =	sshrl.u32 s0, $0x3  }
0x2d6: {  	[sflag:s16] =	ssyncadd.s32 $0xFFFFFFF0;
	s0 =	sadd.s32 s1, s0  }
0x2d7: {  	v56 =	vld [tilespmem:$0x80];
	[tilespmem:s17], [sflag:$0x3] =	stream.linear.gather [hbm4b:s0+s3], $0x10, $0x38  }
0x2d8: {  	_ =	swait.ge [sflag:s16], $0x10  }
0x2d9: {  	(v2sf) =	vpush v63, $0x9;
	_ =	sdelay $0xe  }
0x2da: {  	s6 =	spop (v2sf)  }
0x2db: {  	p0 =	sgt.s32 s6, $0x10EA0;
	s0 =	smov.u32 s6  }
0x2dc: {  	s0 =	simm.s32 @!p0 $0x10EA0  }
0x2dd: {  	s5 =	sshll.u32 s0, $0xB;
	s0 =	sshll.u32 s0, $0x7  }
0x2de: {  	s2 =	sand.u32 $0xFFFFC000, s5;
	s0 =	sand.u32 $0x380, s0  }
0x2df: {  	s0 =	sor.u32 s2, s0  }
0x2e0: {  	s0 =	sor.u32 s15, s0  }
0x2e1: {  	[sflag:s16] =	ssyncset.done $0x0;
	s0 =	sshrl.u32 s0, $0x3  }
0x2e2: {  	[sflag:s16] =	ssyncadd.s32 $0xFFFFFFF0;
	s0 =	sadd.s32 s1, s0  }
0x2e3: {  	v57 =	vld [tilespmem:$0x80];
	[tilespmem:s17], [sflag:$0x3] =	stream.linear.gather [hbm4b:s0+s3], $0x10, $0x38  }
0x2e4: {  	_ =	swait.ge [sflag:s16], $0x10  }
0x2e5: {  	(v2sf) =	vpush v63, $0xA;
	_ =	sdelay $0xe  }
0x2e6: {  	s5 =	spop (v2sf)  }
0x2e7: {  	p0 =	sgt.s32 s5, $0x10EA0;
	s0 =	smov.u32 s5  }
0x2e8: {  	s0 =	simm.s32 @!p0 $0x10EA0  }
0x2e9: {  	s13 =	sshll.u32 s0, $0xB;
	s0 =	sshll.u32 s0, $0x7  }
0x2ea: {  	s2 =	sand.u32 $0xFFFFC000, s13;
	s0 =	sand.u32 $0x380, s0  }
0x2eb: {  	s0 =	sor.u32 s2, s0  }
0x2ec: {  	s0 =	sor.u32 s15, s0  }
0x2ed: {  	[sflag:s16] =	ssyncset.done $0x0;
	s0 =	sshrl.u32 s0, $0x3  }
0x2ee: {  	[sflag:s16] =	ssyncadd.s32 $0xFFFFFFF0;
	s0 =	sadd.s32 s1, s0  }
0x2ef: {  	v58 =	vld [tilespmem:$0x80];
	[tilespmem:s17], [sflag:$0x3] =	stream.linear.gather [hbm4b:s0+s3], $0x10, $0x38  }
0x2f0: {  	_ =	swait.ge [sflag:s16], $0x10  }
0x2f1: {  	(v2sf) =	vpush v63, $0xB;
	_ =	sdelay $0xe  }
0x2f2: {  	s4 =	spop (v2sf)  }
0x2f3: {  	p0 =	sgt.s32 s4, $0x10EA0;
	s0 =	smov.u32 s4  }
0x2f4: {  	s0 =	simm.s32 @!p0 $0x10EA0  }
0x2f5: {  	s30 =	sshll.u32 s0, $0xB;
	s0 =	sshll.u32 s0, $0x7  }
0x2f6: {  	s2 =	sand.u32 $0xFFFFC000, s30;
	s0 =	sand.u32 $0x380, s0  }
0x2f7: {  	s0 =	sor.u32 s2, s0  }
0x2f8: {  	s0 =	sor.u32 s15, s0  }
0x2f9: {  	[sflag:s16] =	ssyncset.done $0x0;
	s0 =	sshrl.u32 s0, $0x3  }
0x2fa: {  	[sflag:s16] =	ssyncadd.s32 $0xFFFFFFF0;
	s0 =	sadd.s32 s1, s0  }
0x2fb: {  	v59 =	vld [tilespmem:$0x80];
	[tilespmem:s17], [sflag:$0x3] =	stream.linear.gather [hbm4b:s0+s3], $0x10, $0x38  }
0x2fc: {  	_ =	swait.ge [sflag:s16], $0x10  }
0x2fd: {  	(v2sf) =	vpush v63, $0xC;
	_ =	sdelay $0xe  }
0x2fe: {  	s2 =	spop (v2sf)  }
0x2ff: {  	p0 =	sgt.s32 s2, $0x10EA0;
	s0 =	smov.u32 s2  }
0x300: {  	s0 =	simm.s32 @!p0 $0x10EA0  }
0x301: {  	s13 =	sshll.u32 s0, $0xB;
	s0 =	sshll.u32 s0, $0x7  }
0x302: {  	s13 =	sand.u32 $0xFFFFC000, s13;
	s0 =	sand.u32 $0x380, s0  }
0x303: {  	s0 =	sor.u32 s13, s0  }
0x304: {  	s0 =	sor.u32 s15, s0  }
0x305: {  	[sflag:s16] =	ssyncset.done $0x0;
	s0 =	sshrl.u32 s0, $0x3  }
0x306: {  	[sflag:s16] =	ssyncadd.s32 $0xFFFFFFF0;
	s0 =	sadd.s32 s1, s0  }
0x307: {  	v60 =	vld [tilespmem:$0x80];
	[tilespmem:s17], [sflag:$0x3] =	stream.linear.gather [hbm4b:s0+s3], $0x10, $0x38  }
0x308: {  	_ =	swait.ge [sflag:s16], $0x10  }
0x309: {  	(v2sf) =	vpush v63, $0xD;
	_ =	sdelay $0xe  }
0x30a: {  	s0 =	spop (v2sf)  }
0x30b: {  	p0 =	sgt.s32 s0, $0x10EA0;
	s13 =	smov.u32 s0  }
0x30c: {  	s13 =	simm.s32 @!p0 $0x10EA0  }
0x30d: {  	s31 =	sshll.u32 s13, $0xB;
	s13 =	sshll.u32 s13, $0x7  }
0x30e: {  	s31 =	sand.u32 $0xFFFFC000, s31;
	s13 =	sand.u32 $0x380, s13  }
0x30f: {  	s13 =	sor.u32 s31, s13  }
0x310: {  	s13 =	sor.u32 s15, s13  }
0x311: {  	[sflag:s16] =	ssyncset.done $0x0;
	s13 =	sshrl.u32 s13, $0x3  }
0x312: {  	[sflag:s16] =	ssyncadd.s32 $0xFFFFFFF0;
	s13 =	sadd.s32 s1, s13  }
0x313: {  	v61 =	vld [tilespmem:$0x80];
	[tilespmem:s17], [sflag:$0x3] =	stream.linear.gather [hbm4b:s13+s3], $0x10, $0x38  }
0x314: {  	_ =	swait.ge [sflag:s16], $0x10  }
0x315: {  	(v2sf) =	vpush v63, $0xE;
	_ =	sdelay $0xe  }
0x316: {  	s13 =	spop (v2sf)  }
0x317: {  	p0 =	sgt.s32 s13, $0x10EA0;
	s31 =	smov.u32 s13  }
0x318: {  	s31 =	simm.s32 @!p0 $0x10EA0  }
0x319: {  	s30 =	sshll.u32 s31, $0xB;
	s31 =	sshll.u32 s31, $0x7  }
0x31a: {  	s30 =	sand.u32 $0xFFFFC000, s30;
	s31 =	sand.u32 $0x380, s31  }
0x31b: {  	s30 =	sor.u32 s30, s31  }
0x31c: {  	s30 =	sor.u32 s15, s30  }
0x31d: {  	[sflag:s16] =	ssyncset.done $0x0;
	s30 =	sshrl.u32 s30, $0x3  }
0x31e: {  	[sflag:s16] =	ssyncadd.s32 $0xFFFFFFF0;
	s30 =	sadd.s32 s1, s30  }
0x31f: {  	v62 =	vld [tilespmem:$0x80];
	[tilespmem:s17], [sflag:$0x3] =	stream.linear.gather [hbm4b:s30+s3], $0x10, $0x38  }
0x320: {  	_ =	swait.ge [sflag:s16], $0x10  }
0x321: {  	(v2sf) =	vpush v63, $0xF;
	_ =	sdelay $0xe  }
0x322: {  	s30 =	spop (v2sf)  }
0x323: {  	p1 =	sgt.s32 s30, $0x10EA0  }
0x324: {  	p0 =	sgt.s32 s30, $0x10E9F;
	s30 =	simm.s32 @!p1 $0x10EA0  }
0x325: {  	s31 =	sshll.u32 s30, $0xB;
	s30 =	sshll.u32 s30, $0x7  }
0x326: {  	s31 =	sand.u32 $0xFFFFC000, s31;
	s30 =	sand.u32 $0x380, s30  }
0x327: {  	[sflag:s16] =	ssyncset.done $0x0;
	s30 =	sor.u32 s31, s30  }
0x328: {  	[sflag:s16] =	ssyncadd.s32 $0xFFFFFFF0;
	s31 =	rddreg [dreg:$0xb];
	s30 =	sor.u32 s15, s30  }
0x329: {  	p1 =	slt.s32 s31, $0x10EA0;
	s31 =	rddreg [dreg:$0xc];
	s30 =	sshrl.u32 s30, $0x3  }
0x32a: {  	p2 =	sgt.s32 s31, $0x10E9F;
	s31 =	simm.s32 $0x1;
	s30 =	sadd.s32 s1, s30  }
0x32b: {  	v63 =	vld [tilespmem:$0x80];
	[tilespmem:s17], [sflag:$0x3] =	stream.linear.gather [hbm4b:s30+s3], $0x10, $0x38  }
0x32c: {  	s31 =	simm.s32 @!p2 $0xFFFFFFFF;
	s30 =	simm.s32 $0xFFFFFFFF  }
0x32d: {  	v1 =	vmov s31;
	s31 =	rddreg [dreg:$0xd];
	s30 =	simm.s32 @!p1 $0x0  }
0x32e: {  	p1 =	sgt.s32 s31, $0x10E9F;
	v0 =	vmov s30;
	s30 =	simm.s32 $0x2  }
0x32f: {  	s31 =	rddreg [dreg:$0xe];
	s30 =	simm.s32 @!p1 $0xFFFFFFFF  }
0x330: {  	vm0 =	veq.s32 v0, v5;
	p1 =	sgt.s32 s31, $0x10E9F;
	v0 =	vmov s30;
	s30 =	simm.s32 $0x3  }
0x331: {  	s31 =	rddreg [dreg:$0xf];
	s30 =	simm.s32 @!p1 $0xFFFFFFFF  }
0x332: {  	vm14 =	veq.s32 v0, v5;
	p1 =	sgt.s32 s31, $0x10E9F;
	v0 =	vmov s30;
	s30 =	simm.s32 $0x4  }
0x333: {  	s31 =	rddreg [dreg:$0x10];
	s30 =	simm.s32 @!p1 $0xFFFFFFFF  }
0x334: {  	vm15 =	veq.s32 v0, v5;
	p1 =	sgt.s32 s31, $0x10E9F;
	v0 =	vmov s30;
	s30 =	simm.s32 $0x5  }
0x335: {  	s31 =	rddreg [dreg:$0x11];
	s30 =	simm.s32 @!p1 $0xFFFFFFFF  }
0x336: {  	vm4 =	veq.s32 v0, v5;
	p1 =	sgt.s32 s31, $0x10E9F;
	v0 =	vmov s30;
	s30 =	simm.s32 $0x6  }
0x337: {  	s31 =	rddreg [dreg:$0x12];
	s30 =	simm.s32 @!p1 $0xFFFFFFFF  }
0x338: {  	vm5 =	veq.s32 v0, v5;
	p1 =	sgt.s32 s31, $0x10E9F;
	v0 =	vmov s30;
	s30 =	simm.s32 $0x7  }
0x339: {  	s31 =	rddreg [dreg:$0x13];
	s30 =	simm.s32 @!p1 $0xFFFFFFFF  }
0x33a: {  	vm6 =	veq.s32 v0, v5;
	p1 =	sgt.s32 s31, $0x10E9F;
	v0 =	vmov s30;
	s30 =	simm.s32 $0x8  }
0x33b: {  	s31 =	rddreg [dreg:$0x14];
	s30 =	simm.s32 @!p1 $0xFFFFFFFF  }
0x33c: {  	vm7 =	veq.s32 v0, v5;
	p1 =	sgt.s32 s31, $0x10E9F;
	v0 =	vmov s30;
	s30 =	simm.s32 $0x9  }
0x33d: {  	v2 =	vadd.f32 $0.0e+00, v2;
	s31 =	rddreg [dreg:$0x15];
	s30 =	simm.s32 @!p1 $0xFFFFFFFF  }
0x33e: {  	vm8 =	veq.s32 v0, v5;
	p1 =	sgt.s32 s31, $0x10E9F;
	v0 =	vmov s30;
	s30 =	simm.s32 $0xA  }
0x33f: {  	vm1 =	veq.s32 v1, v5;
	v1 =	vnsel vm0, $0x0, v2;
	v2 =	vld [tilespmem:$0x1FFE0];
	s31 =	rddreg [dreg:$0x16];
	s30 =	simm.s32 @!p1 $0xFFFFFFFF  }
0x340: {  	vm9 =	veq.s32 v0, v5;
	p1 =	sgt.s32 s31, $0x10E9F;
	v0 =	vmov s30;
	s30 =	simm.s32 $0xB  }
0x341: {  	s31 =	rddreg [dreg:$0x17];
	s30 =	simm.s32 @!p1 $0xFFFFFFFF  }
0x342: {  	vm10 =	veq.s32 v0, v5;
	p1 =	sgt.s32 s31, $0x10E9F;
	v0 =	vmov s30;
	s30 =	simm.s32 $0xC  }
0x343: {  	s31 =	rddreg [dreg:$0x18];
	s30 =	simm.s32 @!p1 $0xFFFFFFFF  }
0x344: {  	v2 =	vnsel vm1, $0x0, v2;
	vm11 =	veq.s32 v0, v5;
	p1 =	sgt.s32 s31, $0x10E9F;
	v0 =	vmov s30;
	s30 =	simm.s32 $0xD  }
0x345: {  	v1 =	vadd.f32 v2, v1;
	v2 =	vld [tilespmem:$0x1FFF0];
	s31 =	rddreg [dreg:$0x19];
	s30 =	simm.s32 @!p1 $0xFFFFFFFF  }
0x346: {  	vm12 =	veq.s32 v0, v5;
	p1 =	sgt.s32 s31, $0x10E9F;
	v0 =	vmov s30;
	s30 =	simm.s32 $0xE  }
0x347: {  	s31 =	rddreg [dreg:$0x1a];
	s30 =	simm.s32 @!p1 $0xFFFFFFFF  }
0x348: {  	vm13 =	veq.s32 v0, v5;
	p1 =	sgt.s32 s31, $0x10E9F;
	v0 =	vmov s30;
	s30 =	simm.s32 $0xF  }
0x349: {  	s31 =	rddreg [dreg:$0x1b];
	s30 =	simm.s32 @!p1 $0xFFFFFFFF  }
0x34a: {  	v2 =	vnsel vm14, $0x0, v2;
	vm14 =	veq.s32 v0, v5;
	p1 =	slt.s32 s31, $0x10EA0;
	v0 =	vmov s30;
	s30 =	simm.s32 $0xFFFFFFFF  }
0x34b: {  	v1 =	vadd.f32 v2, v1;
	s31 =	rddreg [dreg:$0x1c];
	s30 =	simm.s32 @!p1 $0x0  }
0x34c: {  	v2 =	vnsel vm15, $0x0, v4;
	vm15 =	veq.s32 v0, v5;
	p1 =	sgt.s32 s31, $0x10E9F;
	v0 =	vmov s30;
	s30 =	simm.s32 $0x1  }
0x34d: {  	v1 =	vadd.f32 v2, v1;
	s31 =	rddreg [dreg:$0x1d];
	s30 =	simm.s32 @!p1 $0xFFFFFFFF  }
0x34e: {  	v2 =	vnsel vm4, $0x0, v3;
	vm4 =	veq.s32 v0, v5;
	p1 =	sgt.s32 s31, $0x10E9F;
	v0 =	vmov s30;
	s30 =	simm.s32 $0x2  }
0x34f: {  	v1 =	vadd.f32 v2, v1;
	s31 =	rddreg [dreg:$0x1e];
	s30 =	simm.s32 @!p1 $0xFFFFFFFF  }
0x350: {  	v2 =	vnsel vm5, $0x0, v6;
	vm5 =	veq.s32 v0, v5;
	p1 =	sgt.s32 s31, $0x10E9F;
	s31 =	rddreg [dreg:$0x1f];
	v0 =	vmov s30;
	s30 =	simm.s32 $0x3  }
0x351: {  	s30 =	simm.s32 @!p1 $0xFFFFFFFF;
	p1 =	sgt.s32 s31, $0x10E9F;
	s31 =	sld [smem:$0x7E4]  }
0x352: {  	v1 =	vadd.f32 v2, v1  }
0x353: {  	v2 =	vnsel vm6, $0x0, v7;
	vm6 =	veq.s32 v0, v5;
	v0 =	vmov s30;
	s30 =	simm.s32 $0x4  }
0x354: {  	v1 =	vadd.f32 v2, v1;
	s30 =	simm.s32 @!p1 $0xFFFFFFFF;
	p1 =	sgt.s32 s31, $0x10E9F;
	s31 =	sld [smem:$0x7E5]  }
0x355: {  	v2 =	vnsel vm7, $0x0, v8  }
0x356: {  	v1 =	vadd.f32 v2, v1;
	vm7 =	veq.s32 v0, v5;
	v0 =	vmov s30;
	s30 =	simm.s32 $0x5  }
0x357: {  	v2 =	vnsel vm8, $0x0, v9;
	s30 =	simm.s32 @!p1 $0xFFFFFFFF;
	p1 =	sgt.s32 s31, $0x10E9F;
	s31 =	sld [smem:$0x7E6]  }
0x358: {  	v1 =	vadd.f32 v2, v1  }
0x359: {  	v2 =	vnsel vm9, $0x0, v10;
	vm8 =	veq.s32 v0, v5;
	v0 =	vmov s30;
	s30 =	simm.s32 $0x6  }
0x35a: {  	v1 =	vadd.f32 v2, v1;
	s30 =	simm.s32 @!p1 $0xFFFFFFFF;
	p1 =	sgt.s32 s31, $0x10E9F;
	s31 =	sld [smem:$0x7E7]  }
0x35b: {  	v2 =	vnsel vm10, $0x0, v11  }
0x35c: {  	v1 =	vadd.f32 v2, v1;
	vm9 =	veq.s32 v0, v5;
	v0 =	vmov s30;
	s30 =	simm.s32 $0x7  }
0x35d: {  	v2 =	vnsel vm11, $0x0, v12;
	s30 =	simm.s32 @!p1 $0xFFFFFFFF;
	p1 =	sgt.s32 s31, $0x10E9F;
	s31 =	sld [smem:$0x7E8]  }
0x35e: {  	v1 =	vadd.f32 v2, v1  }
0x35f: {  	v2 =	vnsel vm12, $0x0, v13;
	vm10 =	veq.s32 v0, v5;
	v0 =	vmov s30;
	s30 =	simm.s32 $0x8  }
0x360: {  	v1 =	vadd.f32 v2, v1;
	s30 =	simm.s32 @!p1 $0xFFFFFFFF;
	p1 =	sgt.s32 s31, $0x10E9F;
	s31 =	sld [smem:$0x7E9]  }
0x361: {  	v2 =	vnsel vm13, $0x0, v14  }
0x362: {  	v1 =	vadd.f32 v2, v1;
	vm11 =	veq.s32 v0, v5;
	v0 =	vmov s30;
	s30 =	simm.s32 $0x9  }
0x363: {  	v2 =	vnsel vm14, $0x0, v15;
	s30 =	simm.s32 @!p1 $0xFFFFFFFF;
	p1 =	sgt.s32 s31, $0x10E9F;
	s31 =	sld [smem:$0x7EA]  }
0x364: {  	v1 =	vadd.f32 v2, v1  }
0x365: {  	v2 =	vnsel vm15, $0x0, v16;
	vm12 =	veq.s32 v0, v5;
	v0 =	vmov s30;
	s30 =	simm.s32 $0xA  }
0x366: {  	v1 =	vadd.f32 v2, v1;
	s30 =	simm.s32 @!p1 $0xFFFFFFFF;
	p1 =	sgt.s32 s31, $0x10E9F;
	s31 =	sld [smem:$0x7EB]  }
0x367: {  	v2 =	vnsel vm4, $0x0, v17  }
0x368: {  	v1 =	vadd.f32 v2, v1;
	vm13 =	veq.s32 v0, v5;
	v0 =	vmov s30;
	s30 =	simm.s32 $0xB  }
0x369: {  	v2 =	vnsel vm5, $0x0, v18;
	s30 =	simm.s32 @!p1 $0xFFFFFFFF;
	p1 =	sgt.s32 s31, $0x10E9F;
	s31 =	sld [smem:$0x7EC]  }
0x36a: {  	v1 =	vadd.f32 v2, v1  }
0x36b: {  	v2 =	vnsel vm6, $0x0, v19;
	vm14 =	veq.s32 v0, v5;
	v0 =	vmov s30;
	s30 =	simm.s32 $0xC  }
0x36c: {  	v1 =	vadd.f32 v2, v1;
	s30 =	simm.s32 @!p1 $0xFFFFFFFF;
	p1 =	sgt.s32 s31, $0x10E9F;
	s31 =	sld [smem:$0x7ED]  }
0x36d: {  	v2 =	vnsel vm7, $0x0, v20  }
0x36e: {  	v1 =	vadd.f32 v2, v1;
	vm15 =	veq.s32 v0, v5;
	v0 =	vmov s30;
	s30 =	simm.s32 $0xD  }
0x36f: {  	v2 =	vnsel vm8, $0x0, v21;
	s30 =	simm.s32 @!p1 $0xFFFFFFFF;
	p1 =	sgt.s32 s31, $0x10E9F;
	s31 =	sld [smem:$0x7EE]  }
0x370: {  	v1 =	vadd.f32 v2, v1  }
0x371: {  	v2 =	vnsel vm9, $0x0, v22;
	vm4 =	veq.s32 v0, v5;
	v0 =	vmov s30;
	s30 =	simm.s32 $0xE  }
0x372: {  	v1 =	vadd.f32 v2, v1;
	s30 =	simm.s32 @!p1 $0xFFFFFFFF;
	p1 =	sgt.s32 s31, $0x10E9F;
	s31 =	sld [smem:$0x7EF]  }
0x373: {  	v2 =	vnsel vm10, $0x0, v23  }
0x374: {  	v1 =	vadd.f32 v2, v1;
	vm5 =	veq.s32 v0, v5;
	v0 =	vmov s30;
	s30 =	simm.s32 $0xF  }
0x375: {  	v2 =	vnsel vm11, $0x0, v24;
	s30 =	simm.s32 @!p1 $0xFFFFFFFF;
	p1 =	slt.s32 s31, $0x10EA0;
	s31 =	sld [smem:$0x7F0]  }
0x376: {  	v1 =	vadd.f32 v2, v1  }
0x377: {  	v2 =	vnsel vm12, $0x0, v25;
	vm6 =	veq.s32 v0, v5;
	v0 =	vmov s30;
	s30 =	simm.s32 $0xFFFFFFFF  }
0x378: {  	v1 =	vadd.f32 v2, v1;
	s30 =	simm.s32 @!p1 $0x0;
	p1 =	sgt.s32 s31, $0x10E9F;
	s31 =	sld [smem:$0x7F1]  }
0x379: {  	v2 =	vnsel vm13, $0x0, v26  }
0x37a: {  	v1 =	vadd.f32 v2, v1;
	vm7 =	veq.s32 v0, v5;
	v0 =	vmov s30;
	s30 =	simm.s32 $0x1  }
0x37b: {  	v2 =	vnsel vm14, $0x0, v27;
	s30 =	simm.s32 @!p1 $0xFFFFFFFF;
	p1 =	sgt.s32 s31, $0x10E9F;
	s31 =	sld [smem:$0x7F2]  }
0x37c: {  	v1 =	vadd.f32 v2, v1  }
0x37d: {  	v2 =	vnsel vm15, $0x0, v28;
	vm8 =	veq.s32 v0, v5;
	v0 =	vmov s30;
	s30 =	simm.s32 $0x2  }
0x37e: {  	v1 =	vadd.f32 v2, v1;
	s30 =	simm.s32 @!p1 $0xFFFFFFFF;
	p1 =	sgt.s32 s31, $0x10E9F;
	s31 =	sld [smem:$0x7F3]  }
0x37f: {  	v2 =	vnsel vm4, $0x0, v29  }
0x380: {  	v1 =	vadd.f32 v2, v1;
	vm9 =	veq.s32 v0, v5;
	v0 =	vmov s30;
	s30 =	simm.s32 $0x3  }
0x381: {  	v2 =	vnsel vm5, $0x0, v30;
	s30 =	simm.s32 @!p1 $0xFFFFFFFF;
	p1 =	sgt.s32 s31, $0x10E9F;
	s31 =	sld [smem:$0x7F4]  }
0x382: {  	v1 =	vadd.f32 v2, v1  }
0x383: {  	v2 =	vnsel vm6, $0x0, v31;
	vm10 =	veq.s32 v0, v5;
	v0 =	vmov s30;
	s30 =	simm.s32 $0x4  }
0x384: {  	v1 =	vadd.f32 v2, v1;
	s30 =	simm.s32 @!p1 $0xFFFFFFFF;
	p1 =	sgt.s32 s31, $0x10E9F;
	s31 =	sld [smem:$0x7F5]  }
0x385: {  	v2 =	vnsel vm7, $0x0, v32  }
0x386: {  	v1 =	vadd.f32 v2, v1;
	vm11 =	veq.s32 v0, v5;
	v0 =	vmov s30;
	s30 =	simm.s32 $0x5  }
0x387: {  	v2 =	vnsel vm8, $0x0, v33;
	s30 =	simm.s32 @!p1 $0xFFFFFFFF;
	p1 =	sgt.s32 s31, $0x10E9F;
	s31 =	sld [smem:$0x7F6]  }
0x388: {  	v1 =	vadd.f32 v2, v1  }
0x389: {  	v2 =	vnsel vm9, $0x0, v34;
	vm12 =	veq.s32 v0, v5;
	v0 =	vmov s30;
	s30 =	simm.s32 $0x6  }
0x38a: {  	v1 =	vadd.f32 v2, v1;
	s30 =	simm.s32 @!p1 $0xFFFFFFFF;
	p1 =	sgt.s32 s31, $0x10E9F;
	s31 =	sld [smem:$0x7F7]  }
0x38b: {  	v2 =	vnsel vm10, $0x0, v35  }
0x38c: {  	v1 =	vadd.f32 v2, v1;
	vm13 =	veq.s32 v0, v5;
	v0 =	vmov s30;
	s30 =	simm.s32 $0x7  }
0x38d: {  	v2 =	vnsel vm11, $0x0, v36;
	s30 =	simm.s32 @!p1 $0xFFFFFFFF;
	p1 =	sgt.s32 s31, $0x10E9F;
	s31 =	sld [smem:$0x7F8]  }
0x38e: {  	v1 =	vadd.f32 v2, v1  }
0x38f: {  	v2 =	vnsel vm12, $0x0, v37;
	vm14 =	veq.s32 v0, v5;
	v0 =	vmov s30;
	s30 =	simm.s32 $0x8  }
0x390: {  	v1 =	vadd.f32 v2, v1;
	s30 =	simm.s32 @!p1 $0xFFFFFFFF;
	p1 =	sgt.s32 s31, $0x10E9F;
	s31 =	sld [smem:$0x7F9]  }
0x391: {  	v2 =	vnsel vm13, $0x0, v38  }
0x392: {  	v1 =	vadd.f32 v2, v1;
	vm15 =	veq.s32 v0, v5;
	v0 =	vmov s30;
	s30 =	simm.s32 $0x9  }
0x393: {  	v2 =	vnsel vm14, $0x0, v39;
	s30 =	simm.s32 @!p1 $0xFFFFFFFF;
	p1 =	sgt.s32 s31, $0x10E9F;
	s31 =	sld [smem:$0x7FA]  }
0x394: {  	v1 =	vadd.f32 v2, v1  }
0x395: {  	v2 =	vnsel vm15, $0x0, v40;
	vm4 =	veq.s32 v0, v5;
	v0 =	vmov s30;
	s30 =	simm.s32 $0xA  }
0x396: {  	v1 =	vadd.f32 v2, v1;
	s30 =	simm.s32 @!p1 $0xFFFFFFFF;
	p1 =	sgt.s32 s31, $0x10E9F;
	s31 =	sld [smem:$0x7FB]  }
0x397: {  	v2 =	vnsel vm4, $0x0, v41  }
0x398: {  	v1 =	vadd.f32 v2, v1;
	vm5 =	veq.s32 v0, v5;
	v0 =	vmov s30;
	s30 =	simm.s32 $0xB  }
0x399: {  	v2 =	vnsel vm5, $0x0, v42;
	s30 =	simm.s32 @!p1 $0xFFFFFFFF;
	p1 =	sgt.s32 s31, $0x10E9F;
	s31 =	sld [smem:$0x7FC]  }
0x39a: {  	v1 =	vadd.f32 v2, v1;
	vm6 =	veq.s32 v0, v5  }
0x39b: {  	v2 =	vnsel vm6, $0x0, v43;
	v0 =	vmov s30;
	s30 =	simm.s32 $0xC  }
0x39c: {  	v1 =	vadd.f32 v2, v1;
	vm7 =	veq.s32 v0, v5;
	s30 =	simm.s32 @!p1 $0xFFFFFFFF;
	p1 =	sgt.s32 s31, $0x10E9F;
	s31 =	sld [smem:$0x7FD]  }
0x39d: {  	v2 =	vnsel vm7, $0x0, v44;
	v0 =	vmov s30;
	s30 =	simm.s32 $0xD  }
0x39e: {  	v1 =	vadd.f32 v2, v1;
	vm8 =	veq.s32 v0, v5;
	s30 =	simm.s32 @!p1 $0xFFFFFFFF  }
0x39f: {  	v2 =	vnsel vm8, $0x0, v45;
	v0 =	vmov s30;
	s30 =	simm.s32 $0xE;
	p1 =	sgt.s32 s31, $0x10E9F  }
0x3a0: {  	v1 =	vadd.f32 v2, v1;
	vm9 =	veq.s32 v0, v5;
	s30 =	simm.s32 @!p1 $0xFFFFFFFF  }
0x3a1: {  	v2 =	vnsel vm9, $0x0, v46;
	p1 =	sgt.s32 s28, $0x10E9F;
	s28 =	simm.s32 $0xF;
	v0 =	vmov s30  }
0x3a2: {  	v1 =	vadd.f32 v2, v1;
	s28 =	simm.s32 @!p1 $0xFFFFFFFF;
	vm10 =	veq.s32 v0, v5  }
0x3a3: {  	p1 =	slt.s32 s26, $0x10EA0;
	s26 =	simm.s32 $0xFFFFFFFF;
	v0 =	vmov s28;
	v2 =	vnsel vm10, $0x0, v47  }
0x3a4: {  	s26 =	simm.s32 @!p1 $0x0;
	vm11 =	veq.s32 v0, v5;
	v1 =	vadd.f32 v2, v1  }
0x3a5: {  	p1 =	sgt.s32 s25, $0x10E9F;
	s25 =	simm.s32 $0x1;
	v0 =	vmov s26;
	v2 =	vnsel vm11, $0x0, v48  }
0x3a6: {  	s25 =	simm.s32 @!p1 $0xFFFFFFFF;
	vm12 =	veq.s32 v0, v5;
	v1 =	vadd.f32 v2, v1  }
0x3a7: {  	p1 =	sgt.s32 s24, $0x10E9F;
	s24 =	simm.s32 $0x2;
	v0 =	vmov s25;
	v2 =	vnsel vm12, $0x0, v49  }
0x3a8: {  	s24 =	simm.s32 @!p1 $0xFFFFFFFF;
	vm13 =	veq.s32 v0, v5;
	v1 =	vadd.f32 v2, v1  }
0x3a9: {  	p1 =	sgt.s32 s23, $0x10E9F;
	s23 =	simm.s32 $0x3;
	v0 =	vmov s24;
	v2 =	vnsel vm13, $0x0, v50  }
0x3aa: {  	s23 =	simm.s32 @!p1 $0xFFFFFFFF;
	vm14 =	veq.s32 v0, v5;
	v1 =	vadd.f32 v2, v1  }
0x3ab: {  	p1 =	sgt.s32 s21, $0x10E9F;
	s21 =	simm.s32 $0x4;
	v0 =	vmov s23;
	v2 =	vnsel vm14, $0x0, v51  }
0x3ac: {  	s21 =	simm.s32 @!p1 $0xFFFFFFFF;
	vm15 =	veq.s32 v0, v5;
	v1 =	vadd.f32 v2, v1  }
0x3ad: {  	p1 =	sgt.s32 s20, $0x10E9F;
	s20 =	simm.s32 $0x5;
	v0 =	vmov s21;
	v2 =	vnsel vm15, $0x0, v52  }
0x3ae: {  	s20 =	simm.s32 @!p1 $0xFFFFFFFF;
	vm4 =	veq.s32 v0, v5;
	v1 =	vadd.f32 v2, v1  }
0x3af: {  	p1 =	sgt.s32 s11, $0x10E9F;
	s11 =	simm.s32 $0x6;
	v0 =	vmov s20;
	v2 =	vnsel vm4, $0x0, v53  }
0x3b0: {  	s11 =	simm.s32 @!p1 $0xFFFFFFFF;
	vm5 =	veq.s32 v0, v5;
	v1 =	vadd.f32 v2, v1  }
0x3b1: {  	p1 =	sgt.s32 s8, $0x10E9F;
	s8 =	simm.s32 $0x7;
	v0 =	vmov s11;
	v2 =	vnsel vm5, $0x0, v54  }
0x3b2: {  	s8 =	simm.s32 @!p1 $0xFFFFFFFF;
	vm6 =	veq.s32 v0, v5;
	v1 =	vadd.f32 v2, v1  }
0x3b3: {  	p1 =	sgt.s32 s7, $0x10E9F;
	s7 =	simm.s32 $0x8;
	v0 =	vmov s8;
	v2 =	vnsel vm6, $0x0, v55  }
0x3b4: {  	s7 =	simm.s32 @!p1 $0xFFFFFFFF;
	vm7 =	veq.s32 v0, v5;
	v1 =	vadd.f32 v2, v1  }
0x3b5: {  	p1 =	sgt.s32 s6, $0x10E9F;
	s6 =	simm.s32 $0x9;
	v0 =	vmov s7;
	v2 =	vnsel vm7, $0x0, v56  }
0x3b6: {  	s6 =	simm.s32 @!p1 $0xFFFFFFFF;
	vm8 =	veq.s32 v0, v5;
	v1 =	vadd.f32 v2, v1  }
0x3b7: {  	p1 =	sgt.s32 s5, $0x10E9F;
	s5 =	simm.s32 $0xA;
	v0 =	vmov s6;
	v2 =	vnsel vm8, $0x0, v57  }
0x3b8: {  	s5 =	simm.s32 @!p1 $0xFFFFFFFF;
	vm9 =	veq.s32 v0, v5;
	v1 =	vadd.f32 v2, v1  }
0x3b9: {  	p1 =	sgt.s32 s4, $0x10E9F;
	s4 =	simm.s32 $0xB;
	v0 =	vmov s5;
	v2 =	vnsel vm9, $0x0, v58  }
0x3ba: {  	s4 =	simm.s32 @!p1 $0xFFFFFFFF;
	vm10 =	veq.s32 v0, v5;
	v1 =	vadd.f32 v2, v1  }
0x3bb: {  	p1 =	sgt.s32 s2, $0x10E9F;
	s2 =	simm.s32 $0xC;
	v0 =	vmov s4;
	v2 =	vnsel vm10, $0x0, v59  }
0x3bc: {  	s2 =	simm.s32 @!p1 $0xFFFFFFFF;
	vm11 =	veq.s32 v0, v5;
	v1 =	vadd.f32 v2, v1  }
0x3bd: {  	_ =	swait.ge [sflag:s16], $0x10;
	p1 =	sgt.s32 s0, $0x10E9F;
	s0 =	simm.s32 $0xD;
	v0 =	vmov s2;
	v2 =	vnsel vm11, $0x0, v60  }
0x3be: {  	[sflag:s16] =	ssyncset.done $0x0;
	s0 =	simm.s32 @!p1 $0xFFFFFFFF;
	vm12 =	veq.s32 v0, v5;
	v1 =	vadd.f32 v2, v1  }
0x3bf: {  	[sflag:s16] =	ssyncadd.s32 $0xFFFFFFF0;
	p1 =	sgt.s32 s13, $0x10E9F;
	v0 =	vmov s0;
	s0 =	simm.s32 $0xE;
	v2 =	vnsel vm12, $0x0, v61  }
0x3c0: {  	vm13 =	veq.s32 v0, v5;
	s0 =	simm.s32 @!p1 $0xFFFFFFFF;
	v0 =	vld [tilespmem:$0x80];
	v1 =	vadd.f32 v2, v1  }
0x3c1: {  	v3 =	vmov s0;
	s0 =	simm.s32 $0xF;
	v2 =	vnsel vm13, $0x0, v62  }
0x3c2: {  	vm14 =	veq.s32 v3, v5;
	s0 =	simm.s32 @!p0 $0xFFFFFFFF;
	v1 =	vadd.f32 v2, v1  }
0x3c3: {  	v3 =	vmov s0;
	v2 =	vnsel vm14, $0x0, v63  }
0x3c4: {  	vm15 =	veq.s32 v3, v5;
	v1 =	vadd.f32 v2, v1  }
0x3c5: {  	v0 =	vnsel vm15, $0x0, v0  }
0x3c6: {  	v0 =	vadd.f32 v0, v1;
	_ =	sdelay $0x1  }
0x3c7: {  	s26 =	simm.s32 $0x10180;
	s25 =	rddreg [dreg:$0x6];
	[tilespmem:$0x10180] =	vst v0  }
0x3c8: {  	[hbm4b:s25+s3] =	stream.linear.scatter [tilespmem:s26], [sflag:$0x3], $0x80, $0x38;
	[tilespmem:$0x10200] =	vst v63  }
0x3c9: {  	_ =	swait.ge [sflag:s16], $0x80  }
0x3ca: {  	[sflag:s16] =	ssyncset.done $0x0  }
0x3cb: {  	s30 =	simm.s32 $0x100;
	s28 =	rddreg [dreg:$0x7];
	[sflag:s16] =	ssyncadd.s32 $0xFFFFFF80  }
0x3cc: {  	[tilespmem:s30], [sflag:$0x1] =	stream.linear.gather [hbm4b:s28+s3], $0x8000, $0x38;
	[tilespmem:$0x10200] =	vst v63  }
0x3cd: {  	s0 =	simm.s32 $0x0;
	s31 =	rddreg [dreg:$0x8]  }
0x3ce: {  	v1 =	vimm.f32 $0.0e+00;
	[tilespmem:s22], [sflag:$0x2] =	stream.linear.gather [hbm4b:s31+s3], $0x8000, $0x38;
	[tilespmem:$0x10200] =	vst v63  }
.LBB2_2:
0x3cf: {  	_ =	swait.ge [sflag:s18], $0x8000;
	s2 =	simm.s32 $0x0  }
0x3d0: {  	[sflag:s18] =	ssyncset.done $0x0;
	s4 =	sand.u32 $0x70, s2;
	s5 =	sand.u32 $0x3C00, s2  }
0x3d1: {  	[sflag:s18] =	ssyncadd.s32 $0xFFFF8000;
	s6 =	sor.u32 s4, s5  }
0x3d2: {  	v0 =	vld [tilespmem:s6+$0x100];
	_ =	sdelay $0x1  }
0x3d3: {  	v2 =	vld [tilespmem:s6+$0x180];
	_ =	sdelay $0x1  }
0x3d4: {  	v3 =	vld [tilespmem:s6+$0x200]  }
0x3d5: {  	v0 =	vadd.f32 v0, v1  }
0x3d6: {  	v1 =	vld [tilespmem:s6+$0x280]  }
0x3d7: {  	v0 =	vadd.f32 v2, v0  }
0x3d8: {  	v2 =	vld [tilespmem:s6+$0x300]  }
0x3d9: {  	v0 =	vadd.f32 v3, v0  }
0x3da: {  	s30 =	sand.u32 $0x7, s2;
	v3 =	vld [tilespmem:s6+$0x380]  }
0x3db: {  	s4 =	sshll.u32 s30, $0x4;
	v0 =	vadd.f32 v1, v0  }
0x3dc: {  	s4 =	sadd.s32 $0x0, s4;
	v1 =	vld [tilespmem:s6+$0x400]  }
0x3dd: {  	s4 =	sor.u32 $0x380, s4;
	v0 =	vadd.f32 v2, v0  }
0x3de: {  	v2 =	vld [tilespmem:s4+$0x100]  }
0x3df: {  	v0 =	vadd.f32 v3, v0  }
0x3e0: {  	v3 =	vld [tilespmem:s6+$0x4100]  }
0x3e1: {  	v0 =	vadd.f32 v1, v0  }
0x3e2: {  	v1 =	vld [tilespmem:s6+$0x4180]  }
0x3e3: {  	v0 =	vadd.f32 v2, v0  }
0x3e4: {  	v2 =	vld [tilespmem:s6+$0x4200]  }
0x3e5: {  	v0 =	vadd.f32 v3, v0  }
0x3e6: {  	v3 =	vld [tilespmem:s6+$0x4280]  }
0x3e7: {  	v0 =	vadd.f32 v1, v0  }
0x3e8: {  	v4 =	vld [tilespmem:s6+$0x4300]  }
0x3e9: {  	v0 =	vadd.f32 v2, v0  }
0x3ea: {  	v1 =	vld [tilespmem:s6+$0x4380]  }
0x3eb: {  	v0 =	vadd.f32 v3, v0  }
0x3ec: {  	v2 =	vld [tilespmem:s6+$0x4400]  }
0x3ed: {  	s31 =	simm.s32 $0x10;
	s4 =	simm.s32 $0x80;
	v4 =	vadd.f32 v4, v0  }
0x3ee: {  	s7 =	sand.u32 $0x70, s31;
	s5 =	simm.s32 $0x20;
	s8 =	sand.u32 $0x3C00, s4;
	v3 =	vld [tilespmem:s6+$0x4480]  }
.LBB2_3:
0x3ef: {  	p0 =	sne.s32 s5, $0x7F0;
	s6 =	sor.u32 s7, s8;
	v0 =	vadd.f32 v1, v4  }
0x3f0: {  	v1 =	vld [tilespmem:s6+$0x100]  }
0x3f1: {  	v0 =	vadd.f32 v2, v0  }
0x3f2: {  	v2 =	vld [tilespmem:s6+$0x180]  }
0x3f3: {  	v0 =	vadd.f32 v3, v0  }
0x3f4: {  	v3 =	vld [tilespmem:s6+$0x200]  }
0x3f5: {  	v0 =	vadd.f32 v1, v0  }
0x3f6: {  	v1 =	vld [tilespmem:s6+$0x280]  }
0x3f7: {  	v0 =	vadd.f32 v2, v0  }
0x3f8: {  	v2 =	vld [tilespmem:s6+$0x300]  }
0x3f9: {  	s2 =	sadd.s32 $0x1, s2;
	v0 =	vadd.f32 v3, v0  }
0x3fa: {  	s7 =	sand.u32 $0x7, s2;
	v3 =	vld [tilespmem:s6+$0x380]  }
0x3fb: {  	s7 =	sshll.u32 s7, $0x4;
	v0 =	vadd.f32 v1, v0  }
0x3fc: {  	s7 =	sadd.s32 s7, s4;
	v1 =	vld [tilespmem:s6+$0x400]  }
0x3fd: {  	s7 =	sor.u32 $0x380, s7;
	v0 =	vadd.f32 v2, v0  }
0x3fe: {  	v2 =	vld [tilespmem:s7+$0x100]  }
0x3ff: {  	v0 =	vadd.f32 v3, v0  }
0x400: {  	v3 =	vld [tilespmem:s6+$0x4100]  }
0x401: {  	v0 =	vadd.f32 v1, v0  }
0x402: {  	v1 =	vld [tilespmem:s6+$0x4180]  }
0x403: {  	v0 =	vadd.f32 v2, v0  }
0x404: {  	v2 =	vld [tilespmem:s6+$0x4200]  }
0x405: {  	v0 =	vadd.f32 v3, v0  }
0x406: {  	v3 =	vld [tilespmem:s6+$0x4280]  }
0x407: {  	v0 =	vadd.f32 v1, v0  }
0x408: {  	v4 =	vld [tilespmem:s6+$0x4300]  }
0x409: {  	v0 =	vadd.f32 v2, v0  }
.Ltmp2:
0x40a: {  	v1 =	vld [tilespmem:s6+$0x4380];
	(pc) =	sbr.rel @p0 .LBB2_3-.Ltmp2, $4  }
0x40b: {  	v0 =	vadd.f32 v3, v0  }
0x40c: {  	v2 =	vld [tilespmem:s6+$0x4400]  }
0x40d: {  	s4 =	sadd.s32 $0x80, s4;
	v4 =	vadd.f32 v4, v0  }
0x40e: {  	s8 =	sand.u32 $0x3C00, s4;
	s7 =	sand.u32 $0x70, s5;
	s5 =	sadd.s32 $0x10, s5;
	v3 =	vld [tilespmem:s6+$0x4480]  }
0x40f: {  	s5 =	sor.u32 s7, s8;
	v0 =	vadd.f32 v1, v4  }
0x410: {  	v1 =	vld [tilespmem:s5+$0x100]  }
0x411: {  	v0 =	vadd.f32 v2, v0  }
0x412: {  	v2 =	vld [tilespmem:s5+$0x180]  }
0x413: {  	v0 =	vadd.f32 v3, v0  }
0x414: {  	v3 =	vld [tilespmem:s5+$0x200]  }
0x415: {  	v0 =	vadd.f32 v1, v0  }
0x416: {  	v1 =	vld [tilespmem:s5+$0x280]  }
0x417: {  	v0 =	vadd.f32 v2, v0  }
0x418: {  	v2 =	vld [tilespmem:s5+$0x300]  }
0x419: {  	s2 =	sadd.s32 $0x1, s2;
	v0 =	vadd.f32 v3, v0  }
0x41a: {  	s2 =	sand.u32 $0x7, s2;
	v3 =	vld [tilespmem:s5+$0x380]  }
0x41b: {  	s2 =	sshll.u32 s2, $0x4;
	v0 =	vadd.f32 v1, v0  }
0x41c: {  	s2 =	sadd.s32 s2, s4;
	v1 =	vld [tilespmem:s5+$0x400]  }
0x41d: {  	s2 =	sor.u32 $0x380, s2;
	v0 =	vadd.f32 v2, v0  }
0x41e: {  	v2 =	vld [tilespmem:s2+$0x100]  }
0x41f: {  	v0 =	vadd.f32 v3, v0  }
0x420: {  	v3 =	vld [tilespmem:s5+$0x4100]  }
0x421: {  	v0 =	vadd.f32 v1, v0  }
0x422: {  	v1 =	vld [tilespmem:s5+$0x4180]  }
0x423: {  	v0 =	vadd.f32 v2, v0  }
0x424: {  	v2 =	vld [tilespmem:s5+$0x4200]  }
0x425: {  	v0 =	vadd.f32 v3, v0  }
0x426: {  	v3 =	vld [tilespmem:s5+$0x4280]  }
0x427: {  	v0 =	vadd.f32 v1, v0  }
0x428: {  	v1 =	vld [tilespmem:s5+$0x4300]  }
0x429: {  	v4 =	vld [tilespmem:s5+$0x4400];
	v0 =	vadd.f32 v2, v0  }
0x42a: {  	p0 =	seq.s32 s0, $0x1D;
	s2 =	sshll.u32 s0, $0xD;
	v2 =	vld [tilespmem:s5+$0x4380]  }
0x42b: {  	s6 =	simm.s32 @!p0 $0x100;
	s4 =	sadd.s32 @!p0 s2, s9;
	v0 =	vadd.f32 v3, v0;
	v3 =	vld [tilespmem:s5+$0x4480];
	s5 =	simm.s32 @!p0 $0x0  }
0x42c: {  	[tilespmem:s6], [sflag:$0x1] =	stream.linear.gather @!p0 [hbm4b:s4+s5], $0x8000, $0x38;
	[tilespmem:$0x10200] =	vst v63  }
0x42d: {  	s4 =	simm.s32 $0x0;
	v0 =	vadd.f32 v1, v0;
	_ =	swait.ge [sflag:s19], $0x8000  }
0x42e: {  	s25 =	sand.u32 $0x70, s4;
	s26 =	sand.u32 $0x3C00, s4;
	[sflag:s19] =	ssyncset.done $0x0  }
0x42f: {  	s28 =	sor.u32 s25, s26;
	v0 =	vadd.f32 v2, v0;
	[sflag:s19] =	ssyncadd.s32 $0xFFFF8000  }
0x430: {  	v1 =	vld [tilespmem:s28+$0x8100]  }
0x431: {  	v0 =	vadd.f32 v4, v0  }
0x432: {  	v2 =	vld [tilespmem:s28+$0x8180]  }
0x433: {  	v0 =	vadd.f32 v3, v0  }
0x434: {  	v3 =	vld [tilespmem:s28+$0x8200]  }
0x435: {  	v0 =	vadd.f32 v1, v0  }
0x436: {  	v1 =	vld [tilespmem:s28+$0x8280]  }
0x437: {  	v0 =	vadd.f32 v2, v0  }
0x438: {  	v2 =	vld [tilespmem:s28+$0x8300]  }
0x439: {  	v0 =	vadd.f32 v3, v0  }
0x43a: {  	s30 =	sand.u32 $0x7, s4;
	v3 =	vld [tilespmem:s28+$0x8380]  }
0x43b: {  	s5 =	sshll.u32 s30, $0x4;
	v0 =	vadd.f32 v1, v0  }
0x43c: {  	s5 =	sadd.s32 $0x0, s5;
	v1 =	vld [tilespmem:s28+$0x8400]  }
0x43d: {  	s5 =	sor.u32 $0x380, s5;
	v0 =	vadd.f32 v2, v0  }
0x43e: {  	v2 =	vld [tilespmem:s5+$0x8100]  }
0x43f: {  	v0 =	vadd.f32 v3, v0  }
0x440: {  	v3 =	vld [tilespmem:s28+$0xC100]  }
0x441: {  	v0 =	vadd.f32 v1, v0  }
0x442: {  	v1 =	vld [tilespmem:s28+$0xC180]  }
0x443: {  	v0 =	vadd.f32 v2, v0  }
0x444: {  	v2 =	vld [tilespmem:s28+$0xC200]  }
0x445: {  	v0 =	vadd.f32 v3, v0  }
0x446: {  	v3 =	vld [tilespmem:s28+$0xC280]  }
0x447: {  	v0 =	vadd.f32 v1, v0  }
0x448: {  	v4 =	vld [tilespmem:s28+$0xC300]  }
0x449: {  	v0 =	vadd.f32 v2, v0  }
0x44a: {  	v1 =	vld [tilespmem:s28+$0xC380]  }
0x44b: {  	v0 =	vadd.f32 v3, v0  }
0x44c: {  	v2 =	vld [tilespmem:s28+$0xC400]  }
0x44d: {  	s31 =	simm.s32 $0x10;
	s5 =	simm.s32 $0x80;
	v4 =	vadd.f32 v4, v0  }
0x44e: {  	s8 =	sand.u32 $0x70, s31;
	s6 =	simm.s32 $0x20;
	s11 =	sand.u32 $0x3C00, s5;
	v3 =	vld [tilespmem:s28+$0xC480]  }
.LBB2_5:
0x44f: {  	p1 =	sne.s32 s6, $0x7F0;
	s7 =	sor.u32 s8, s11;
	v0 =	vadd.f32 v1, v4  }
0x450: {  	v1 =	vld [tilespmem:s7+$0x8100]  }
0x451: {  	v0 =	vadd.f32 v2, v0  }
0x452: {  	v2 =	vld [tilespmem:s7+$0x8180]  }
0x453: {  	v0 =	vadd.f32 v3, v0  }
0x454: {  	v3 =	vld [tilespmem:s7+$0x8200]  }
0x455: {  	v0 =	vadd.f32 v1, v0  }
0x456: {  	v1 =	vld [tilespmem:s7+$0x8280]  }
0x457: {  	v0 =	vadd.f32 v2, v0  }
0x458: {  	v2 =	vld [tilespmem:s7+$0x8300]  }
0x459: {  	s4 =	sadd.s32 $0x1, s4;
	v0 =	vadd.f32 v3, v0  }
0x45a: {  	s8 =	sand.u32 $0x7, s4;
	v3 =	vld [tilespmem:s7+$0x8380]  }
0x45b: {  	s8 =	sshll.u32 s8, $0x4;
	v0 =	vadd.f32 v1, v0  }
0x45c: {  	s8 =	sadd.s32 s8, s5;
	v1 =	vld [tilespmem:s7+$0x8400]  }
0x45d: {  	s8 =	sor.u32 $0x380, s8;
	v0 =	vadd.f32 v2, v0  }
0x45e: {  	v2 =	vld [tilespmem:s8+$0x8100]  }
0x45f: {  	v0 =	vadd.f32 v3, v0  }
0x460: {  	v3 =	vld [tilespmem:s7+$0xC100]  }
0x461: {  	v0 =	vadd.f32 v1, v0  }
0x462: {  	v1 =	vld [tilespmem:s7+$0xC180]  }
0x463: {  	v0 =	vadd.f32 v2, v0  }
0x464: {  	v2 =	vld [tilespmem:s7+$0xC200]  }
0x465: {  	v0 =	vadd.f32 v3, v0  }
0x466: {  	v3 =	vld [tilespmem:s7+$0xC280]  }
0x467: {  	v0 =	vadd.f32 v1, v0  }
0x468: {  	v4 =	vld [tilespmem:s7+$0xC300]  }
0x469: {  	v0 =	vadd.f32 v2, v0  }
.Ltmp3:
0x46a: {  	v1 =	vld [tilespmem:s7+$0xC380];
	(pc) =	sbr.rel @p1 .LBB2_5-.Ltmp3, $4  }
0x46b: {  	v0 =	vadd.f32 v3, v0  }
0x46c: {  	v2 =	vld [tilespmem:s7+$0xC400]  }
0x46d: {  	s5 =	sadd.s32 $0x80, s5;
	v4 =	vadd.f32 v4, v0  }
0x46e: {  	s11 =	sand.u32 $0x3C00, s5;
	s8 =	sand.u32 $0x70, s6;
	s6 =	sadd.s32 $0x10, s6;
	v3 =	vld [tilespmem:s7+$0xC480]  }
0x46f: {  	s6 =	sor.u32 s8, s11;
	v0 =	vadd.f32 v1, v4  }
0x470: {  	v1 =	vld [tilespmem:s6+$0x8100]  }
0x471: {  	v0 =	vadd.f32 v2, v0  }
0x472: {  	v2 =	vld [tilespmem:s6+$0x8180]  }
0x473: {  	v0 =	vadd.f32 v3, v0  }
0x474: {  	v3 =	vld [tilespmem:s6+$0x8200]  }
0x475: {  	v0 =	vadd.f32 v1, v0  }
0x476: {  	v1 =	vld [tilespmem:s6+$0x8280]  }
0x477: {  	v0 =	vadd.f32 v2, v0  }
0x478: {  	v2 =	vld [tilespmem:s6+$0x8300]  }
0x479: {  	s4 =	sadd.s32 $0x1, s4;
	v0 =	vadd.f32 v3, v0  }
0x47a: {  	s4 =	sand.u32 $0x7, s4;
	v3 =	vld [tilespmem:s6+$0x8380]  }
0x47b: {  	s4 =	sshll.u32 s4, $0x4;
	v0 =	vadd.f32 v1, v0  }
0x47c: {  	s4 =	sadd.s32 s4, s5;
	v1 =	vld [tilespmem:s6+$0x8400]  }
0x47d: {  	s4 =	sor.u32 $0x380, s4;
	v0 =	vadd.f32 v2, v0  }
0x47e: {  	v2 =	vld [tilespmem:s4+$0x8100]  }
0x47f: {  	v0 =	vadd.f32 v3, v0  }
0x480: {  	v3 =	vld [tilespmem:s6+$0xC100]  }
0x481: {  	v0 =	vadd.f32 v1, v0  }
0x482: {  	v1 =	vld [tilespmem:s6+$0xC180]  }
0x483: {  	v0 =	vadd.f32 v2, v0  }
0x484: {  	v2 =	vld [tilespmem:s6+$0xC200]  }
0x485: {  	v0 =	vadd.f32 v3, v0  }
0x486: {  	v3 =	vld [tilespmem:s6+$0xC280]  }
0x487: {  	v0 =	vadd.f32 v1, v0  }
0x488: {  	v1 =	vld [tilespmem:s6+$0xC300]  }
0x489: {  	v0 =	vadd.f32 v2, v0  }
0x48a: {  	v2 =	vld [tilespmem:s6+$0xC380]  }
0x48b: {  	v0 =	vadd.f32 v3, v0  }
0x48c: {  	v3 =	vld [tilespmem:s6+$0xC400]  }
0x48d: {  	v0 =	vadd.f32 v1, v0  }
0x48e: {  	v1 =	vld [tilespmem:s6+$0xC480]  }
0x48f: {  	v0 =	vadd.f32 v2, v0  }
.Ltmp4:
0x490: {  	_ = 	snop;
	(pc) =	sbr.rel @p0 .LBB2_8-.Ltmp4, $2  }
0x491: {  	v0 =	vadd.f32 v3, v0;
	_ =	sdelay $0x1  }
0x492: {  	v1 =	vadd.f32 v1, v0;
	_ =	sdelay $0x1  }
.Ltmp5:
0x493: {  	(pc) =	sbr.rel .LBB2_2-.Ltmp5, $3  }
0x494: {  	_ =	sdelay $0x1  }
0x495: {  	s2 =	sadd.s32 s2, s10;
	s0 =	sadd.s32 $0x1, s0  }
0x496: {  	[tilespmem:s22], [sflag:$0x2] =	stream.linear.gather [hbm4b:s2+s3], $0x8000, $0x38;
	[tilespmem:$0x10200] =	vst v63  }
.LBB2_9:
0x497: {  	_ =	sfence.sel $0x180000  }
0x498: {  	[bflag:$0x0] =	sbarrier.arrive $0xFFFF  }
0x499: {  	_ =	strace $0x90000047  }
0x49a: {  	s0 =	stileid.u32;
	[bflag:$0x2] =	sbarrier.arrive $0xFFFF  }
0x49b: {  	p0 =	sne.s32 s0, $0x0;
	s0 =	rddreg [dreg:$0x3]  }
0x49c: {  	s0 =	sadd.s32 @!p0 $0x100000, s0  }
0x49d: {  	[sflag:s0] =	ssyncadd.tile.s32 @!p0 $0x1;
	_ =	shalt  }
.Lfunc_end2:
_tile_overlayer_lowered:
.L_overlay_start_2:
0x49e: {  	(tag) =	ssettag $0x2  }
0x49f: {  	s0 =	rddreg [dreg:$0x0];
	s2 =	stileid.u32  }
0x4a0: {  	s1 =	rddreg [dreg:$0x1];
	p0 =	sne.s32 s2, $0x0  }
0x4a1: {  	s3 =	rddreg [dreg:$0x2];
	[bflag:$0x3] =	sbarrier.arrive $0xFFFF;
	s2 =	simm.s32 @!p0 $0x1C03  }
0x4a2: {  	[timem:s3], [sflag:s2] =	dma.local @!p0 [hbm:s0], s1  }
0x4a3: {  	s0 =	simm.s32 @!p0 $0x3  }
0x4a4: {  	_ =	swait.ge @!p0 [sflag:s0], s1  }
0x4a5: {  	s1 =	ssub.s32 @!p0 $0x0, s1;
	[sflag:s0] =	ssyncset.done @!p0 $0x0  }
0x4a6: {  	[sflag:s0] =	ssyncadd.s32 @!p0 s1  }
0x4a7: {  	[bflag:$0x3] =	sbarrier.arrive $0xFFFF  }
0x4a8: {  	_ =	shalt  }

</sc_bundles>
